<compile_context>
chip_gen: v7x
topology: tpu7x:2x2x1
jax: 0.10.2.dev20260603
libtpu: 0.0.44.dev20260713+nightly
codegen_flags: <defaults>
</compile_context>

<pallas_src>
import jax
import jax.numpy as jnp
from jax import lax
from jax.experimental import pallas as pl
from jax.experimental.pallas import tpu as pltpu
from jax.experimental.pallas import tpu_sc as plsc

_BATCH = 16384
_DIM = 64
_NC = 2
_NS = 16
_NW = _NC * _NS
_HPW = _BATCH // _NW
_L = 16
_GROUPS = _HPW // _L
_SW = 128
_META = 528
_NBUF = 6


def _extract(v, sel, lane):
    mask = lane == jnp.full((_L,), 1, jnp.int32) * sel
    return lax.reduce_sum(jnp.where(mask, v, jnp.zeros((_L,), v.dtype)), axes=(0,))


def _chunk_extract(ref, j, lane):
    base = j // _L * _L
    return _extract(ref[pl.ds(base, _L)], j - base, lane)


def _stripe_body(rm_u_hbm, uniq_u_hbm, starts_u_hbm, b_u_hbm,
                 rm_i_hbm, uniq_i_hbm, starts_i_hbm, b_i_hbm,
                 tab_u_hbm, tab_i_hbm,
                 inter_u_hbm, inter_i_hbm,
                 rm_v, uniq_v, starts_v, b_v, buf, res_v, fsem, wsem):
    wid = lax.axis_index("s") * _NC + lax.axis_index("c")
    base = wid * _HPW
    lane = lax.iota(jnp.int32, _L)

    passes = [(rm_u_hbm, uniq_u_hbm, starts_u_hbm, b_u_hbm, tab_u_hbm,
               inter_u_hbm),
              (rm_i_hbm, uniq_i_hbm, starts_i_hbm, b_i_hbm, tab_i_hbm,
               inter_i_hbm)]
    for rm_hbm, uniq_hbm, starts_hbm, b_hbm, tab_hbm, inter_hbm in passes:
        pltpu.sync_copy(rm_hbm.at[wid], rm_v)
        pltpu.sync_copy(uniq_hbm.at[wid], uniq_v)
        pltpu.sync_copy(starts_hbm.at[wid], starts_v)
        pltpu.sync_copy(b_hbm.at[wid], b_v)

        nuniq = _chunk_extract(starts_v, 513, lane)

        def fetch(k, par):
            s = _chunk_extract(uniq_v, k, lane)
            off = pl.multiple_of(s * _SW, _SW)
            pltpu.async_copy(tab_hbm.at[:, pl.ds(off, _SW)], buf.at[par], fsem)

        for q in range(_NBUF):
            fetch(q, q)

        def outer(k, carry):
            pltpu.make_async_copy(
                tab_hbm.at[:, pl.ds(0, _SW)], buf.at[0], fsem).wait()
            par = k % _NBUF
            lo = _chunk_extract(starts_v, k, lane)
            hi = _chunk_extract(starts_v, k + 1, lane)

            def hit(j, c2):
                rm_j = _chunk_extract(rm_v, j, lane)
                for c in range(_DIM // _L):
                    g = plsc.load_gather(
                        buf, [jnp.full((_L,), 1, jnp.int32) * par,
                              c * _L + lane,
                              jnp.full((_L,), 1, jnp.int32) * rm_j])
                    res_v[j, pl.ds(c * _L, _L)] = g
                b_j = _chunk_extract(b_v, j, lane)
                pltpu.async_copy(res_v.at[j], inter_hbm.at[b_j], wsem)
                return c2

            lax.fori_loop(lo, hi, hit, 0)
            fetch(k + _NBUF, par)
            return carry

        lax.fori_loop(0, nuniq, outer, 0)

        for q in range(_NBUF):
            pltpu.make_async_copy(
                tab_hbm.at[:, pl.ds(0, _SW)], buf.at[0], fsem).wait()

        def drain(j, carry):
            pltpu.make_async_copy(res_v.at[0], inter_hbm.at[0], wsem).wait()
            return carry

        lax.fori_loop(0, _HPW, drain, 0)


def _dot_body(inter_u_hbm, inter_i_hbm, out_hbm, rows, out_v, sem):
    wid = lax.axis_index("s") * _NC + lax.axis_index("c")
    base = wid * _HPW

    lane = lax.iota(jnp.int32, _L)
    perms = [lane ^ k for k in (1, 2, 4, 8)]
    gd = lax.GatherDimensionNumbers(
        offset_dims=(), collapsed_slice_dims=(0,), start_index_map=(0,))

    def shuffle(x, p):
        return lax.gather(x, p[:, None], gd, slice_sizes=(1,),
                          mode=lax.GatherScatterMode.PROMISE_IN_BOUNDS)

    def fire(r, carry):
        pltpu.async_copy(inter_u_hbm.at[base + r], rows.at[r, pl.ds(0, _DIM)], sem)
        pltpu.async_copy(inter_i_hbm.at[base + r], rows.at[r, pl.ds(_DIM, _DIM)], sem)
        return carry

    lax.fori_loop(0, _HPW, fire, 0)

    def drain(j, carry):
        pltpu.make_async_copy(
            inter_u_hbm.at[0], rows.at[j, pl.ds(0, _DIM)], sem).wait()
        pltpu.make_async_copy(
            inter_i_hbm.at[0], rows.at[j, pl.ds(_DIM, _DIM)], sem).wait()
        return carry

    lax.fori_loop(0, _HPW, drain, 0)

    def group_body(g, carry):
        res = jnp.zeros((_L,), jnp.float32)
        for j in range(_L):
            r = g * _L + j
            acc = rows[r, 0:_L] * rows[r, _DIM:_DIM + _L]
            for c in range(1, _DIM // _L):
                acc = acc + (rows[r, pl.ds(c * _L, _L)] *
                             rows[r, pl.ds(_DIM + c * _L, _L)])
            for p in perms:
                acc = acc + shuffle(acc, p)
            res = jnp.where(lane == j, acc, res)
        out_v[pl.ds(g * _L, _L)] = res
        return carry

    lax.fori_loop(0, _GROUPS, group_body, 0)

    pltpu.sync_copy(out_v, out_hbm.at[pl.ds(base, _HPW)])


@jax.jit
def _run(rm_u, uniq_u, starts_u, b_u, rm_i, uniq_i, starts_i, b_i,
         tab_u_t, tab_i_t):
    mesh = plsc.VectorSubcoreMesh(core_axis_name="c", subcore_axis_name="s")
    cp = pltpu.CompilerParams(needs_layout_passes=False)
    k1 = pl.kernel(
        _stripe_body,
        mesh=mesh,
        compiler_params=cp,
        out_type=(jax.ShapeDtypeStruct((_BATCH, _DIM), jnp.float32),
                  jax.ShapeDtypeStruct((_BATCH, _DIM), jnp.float32)),
        scratch_types=[
            pltpu.VMEM((_HPW,), jnp.int32),
            pltpu.VMEM((_META,), jnp.int32),
            pltpu.VMEM((_META,), jnp.int32),
            pltpu.VMEM((_HPW,), jnp.int32),
            pltpu.VMEM((_NBUF, _DIM, _SW), jnp.float32),
            pltpu.VMEM((_HPW, _DIM), jnp.float32),
            pltpu.SemaphoreType.DMA,
            pltpu.SemaphoreType.DMA,
        ],
    )
    inter_u, inter_i = k1(rm_u, uniq_u, starts_u, b_u,
                          rm_i, uniq_i, starts_i, b_i,
                          tab_u_t, tab_i_t)
    k2 = pl.kernel(
        _dot_body,
        mesh=mesh,
        compiler_params=cp,
        out_type=jax.ShapeDtypeStruct((_BATCH,), jnp.float32),
        scratch_types=[
            pltpu.VMEM((_HPW, 2 * _DIM), jnp.float32),
            pltpu.VMEM((_HPW,), jnp.float32),
            pltpu.SemaphoreType.DMA,
        ],
    )
    return k2(inter_u, inter_i)


def _prep(idx2):
    iota2 = jnp.broadcast_to(jnp.arange(_BATCH, dtype=jnp.int32)[None],
                             (2, _BATCH))
    idx_s, order = lax.sort((idx2, iota2), dimension=-1, num_keys=1)
    s2 = (idx_s >> 7).reshape(2, _NW, _HPW)
    rm2 = (idx_s & (_SW - 1)).reshape(2, _NW, _HPW)
    isnew = jnp.concatenate(
        [jnp.ones((2, _NW, 1), jnp.int32),
         (s2[:, :, 1:] != s2[:, :, :-1]).astype(jnp.int32)], axis=2)
    slot = jnp.cumsum(isnew, axis=2) - 1
    ks = jnp.arange(_HPW + 1, dtype=jnp.int32)
    starts = jax.vmap(jax.vmap(
        lambda sl: jnp.searchsorted(sl, ks).astype(jnp.int32)))(slot)
    nuniq = slot[:, :, -1:] + 1
    starts2 = jnp.concatenate(
        [starts[:, :, :_HPW + 1], nuniq,
         jnp.zeros((2, _NW, _META - _HPW - 2), jnp.int32)], axis=2)
    uqpos = jnp.minimum(
        jnp.concatenate([starts, jnp.full((2, _NW, _META - _HPW - 1), _HPW,
                                          jnp.int32)], axis=2)[:, :, :_META],
        _HPW - 1)
    uniq2 = jnp.take_along_axis(s2, uqpos, axis=2)
    b2 = order.reshape(2, _NW, _HPW)
    return rm2, uniq2, starts2, b2


def kernel(inputs, user_table, item_table):
    rm2, uniq2, starts2, b2 = _prep(inputs.T)
    return _run(rm2[0], uniq2[0], starts2[0], b2[0],
                rm2[1], uniq2[1], starts2[1], b2[1],
                user_table.T, item_table.T)

# --- scband reference (transcript-rebuilt; emitter-appended) ---
"""Pipeline reference for scband-recommender-model-24386824306752 (READ-ONLY COPY).

The authoritative reference and input builder live on the scoring server;
editing this copy changes nothing except your own understanding.
"""

import jax, jax.numpy as jnp
import numpy as np

NUM_USERS = 1000000
NUM_ITEMS = 1000000
EMBED_DIM = 64
BATCH = 16384


def setup_inputs(seed: int = 0) -> dict:
    key = jax.random.key(seed)
    k1, k2, k3 = jax.random.split(key, 3)
    inputs = jax.random.randint(k1, (BATCH, 2), 0, min(NUM_USERS, NUM_ITEMS), dtype=jnp.int64 if jax.config.jax_enable_x64 else jnp.int32)
    inputs = inputs.astype(jnp.int32)
    user_table = jax.random.normal(k2, (NUM_USERS, EMBED_DIM), dtype=jnp.float32) * 0.05
    item_table = jax.random.normal(k3, (NUM_ITEMS, EMBED_DIM), dtype=jnp.float32) * 0.05
    return {"inputs": inputs, "user_table": user_table, "item_table": item_table}


def reference(inputs, user_table, item_table):
    # user_vector = user_embedding(inputs[:, 0])
    user_vector = jnp.take(user_table, inputs[:, 0], axis=0)
    # item_vector = item_embedding(inputs[:, 1])
    item_vector = jnp.take(item_table, inputs[:, 1], axis=0)
    # dot product per row
    return jnp.sum(user_vector * item_vector, axis=1)

if __name__ == "__main__":
    import jax
    _d = setup_inputs()
    print(jax.jit(kernel)(*tuple(_d.values())))

</pallas_src>

<mosaic_0001>
#map = affine_map<(d0, d1) -> (0, 0)>
module attributes {stable_mosaic.version = 14 : i64} {
  func.func @_stripe_body(%arg0: i32, %arg1: i32, %arg2: memref<32x512xi32, #tpu.memory_space<hbm>>, %arg3: memref<32x528xi32, #tpu.memory_space<hbm>>, %arg4: memref<32x528xi32, #tpu.memory_space<hbm>>, %arg5: memref<32x512xi32, #tpu.memory_space<hbm>>, %arg6: memref<32x512xi32, #tpu.memory_space<hbm>>, %arg7: memref<32x528xi32, #tpu.memory_space<hbm>>, %arg8: memref<32x528xi32, #tpu.memory_space<hbm>>, %arg9: memref<32x512xi32, #tpu.memory_space<hbm>>, %arg10: memref<64x1000000xf32, #tpu.memory_space<hbm>>, %arg11: memref<64x1000000xf32, #tpu.memory_space<hbm>>, %arg12: memref<16384x64xf32, #tpu.memory_space<hbm>>, %arg13: memref<16384x64xf32, #tpu.memory_space<hbm>>, %arg14: memref<512xi32, #tpu.memory_space<vmem>>, %arg15: memref<528xi32, #tpu.memory_space<vmem>>, %arg16: memref<528xi32, #tpu.memory_space<vmem>>, %arg17: memref<512xi32, #tpu.memory_space<vmem>>, %arg18: memref<6x64x128xf32, #tpu.memory_space<vmem>>, %arg19: memref<512x64xf32, #tpu.memory_space<vmem>>, %arg20: memref<!tpu.dma_semaphore, #tpu.memory_space<semaphore_mem>>, %arg21: memref<!tpu.dma_semaphore, #tpu.memory_space<semaphore_mem>>) attributes {dimension_semantics = [#tpu.dimension_semantics<core_parallel>, #tpu.dimension_semantics<subcore_parallel>], iteration_bounds = array<i64: 2, 16>, scalar_prefetch = 0 : i64, scratch_operands = 8 : i64, tpu.core_type = #tpu.core_type<sc_vector_subcore>, window_params = [{transform_indices = #map}, {transform_indices = #map}, {transform_indices = #map}, {transform_indices = #map}, {transform_indices = #map}, {transform_indices = #map}, {transform_indices = #map}, {transform_indices = #map}, {transform_indices = #map}, {transform_indices = #map}, {transform_indices = #map}, {transform_indices = #map}]} {
    %mul3A = arith.constant 2 : i32
    %mul3A_0 = arith.muli %arg1, %mul3A : i32
    %add3A = arith.addi %mul3A_0, %arg0 : i32
    %mul3A_1 = arith.constant 512 : i32
    %mul3A_2 = arith.muli %add3A, %mul3A_1 : i32
    %iota3A = tpu.iota {dimensions = array<i32: 0>} : vector<16xi32>
    "tpu.region"() ({
      %run_scoped3A = tpu.sem_alloc : memref<!tpu.dma_semaphore, #tpu.memory_space<semaphore_mem>>
      %dma_start3A_607 = arith.constant 0 : i32
      %dma_start3A_608 = tpu.memref_slice %arg2[%add3A, %dma_start3A_607] : memref<32x512xi32, #tpu.memory_space<hbm>> -> memref<1x512xi32, #tpu.memory_space<hbm>>
      %dma_start3A_609 = tpu.memref_squeeze %dma_start3A_608 : memref<1x512xi32, #tpu.memory_space<hbm>> -> memref<512xi32, #tpu.memory_space<hbm>>
      %dma_start3A_610 = arith.constant 0 : i32
      %dma_start3A_611 = tpu.memref_slice %arg2[%add3A, %dma_start3A_610] : memref<32x512xi32, #tpu.memory_space<hbm>> -> memref<1x512xi32, #tpu.memory_space<hbm>>
      %dma_start3A_612 = tpu.memref_squeeze %dma_start3A_611 : memref<1x512xi32, #tpu.memory_space<hbm>> -> memref<512xi32, #tpu.memory_space<hbm>>
      tpu.enqueue_dma source(%dma_start3A_612 : memref<512xi32, #tpu.memory_space<hbm>>) target(%arg14 : memref<512xi32, #tpu.memory_space<vmem>>) target_semaphore(%run_scoped3A : memref<!tpu.dma_semaphore, #tpu.memory_space<semaphore_mem>>)
      %dma_wait3A_613 = arith.constant 0 : i32
      %dma_wait3A_614 = tpu.memref_slice %arg2[%add3A, %dma_wait3A_613] : memref<32x512xi32, #tpu.memory_space<hbm>> -> memref<1x512xi32, #tpu.memory_space<hbm>>
      %dma_wait3A_615 = tpu.memref_squeeze %dma_wait3A_614 : memref<1x512xi32, #tpu.memory_space<hbm>> -> memref<512xi32, #tpu.memory_space<hbm>>
      %dma_wait3A_616 = arith.constant 0 : i32
      %dma_wait3A_617 = tpu.memref_slice %arg2[%add3A, %dma_wait3A_616] : memref<32x512xi32, #tpu.memory_space<hbm>> -> memref<1x512xi32, #tpu.memory_space<hbm>>
      %dma_wait3A_618 = tpu.memref_squeeze %dma_wait3A_617 : memref<1x512xi32, #tpu.memory_space<hbm>> -> memref<512xi32, #tpu.memory_space<hbm>>
      tpu.wait_dma2 semaphore(%run_scoped3A : memref<!tpu.dma_semaphore, #tpu.memory_space<semaphore_mem>>) src(%dma_wait3A_618 : memref<512xi32, #tpu.memory_space<hbm>>) dst(%arg14 : memref<512xi32, #tpu.memory_space<vmem>>)
      tpu.yield
    }) : () -> ()
    "tpu.region"() ({
      %run_scoped3A = tpu.sem_alloc : memref<!tpu.dma_semaphore, #tpu.memory_space<semaphore_mem>>
      %dma_start3A_607 = arith.constant 0 : i32
      %dma_start3A_608 = tpu.memref_slice %arg3[%add3A, %dma_start3A_607] : memref<32x528xi32, #tpu.memory_space<hbm>> -> memref<1x528xi32, #tpu.memory_space<hbm>>
      %dma_start3A_609 = tpu.memref_squeeze %dma_start3A_608 : memref<1x528xi32, #tpu.memory_space<hbm>> -> memref<528xi32, #tpu.memory_space<hbm>>
      %dma_start3A_610 = arith.constant 0 : i32
      %dma_start3A_611 = tpu.memref_slice %arg3[%add3A, %dma_start3A_610] : memref<32x528xi32, #tpu.memory_space<hbm>> -> memref<1x528xi32, #tpu.memory_space<hbm>>
      %dma_start3A_612 = tpu.memref_squeeze %dma_start3A_611 : memref<1x528xi32, #tpu.memory_space<hbm>> -> memref<528xi32, #tpu.memory_space<hbm>>
      tpu.enqueue_dma source(%dma_start3A_612 : memref<528xi32, #tpu.memory_space<hbm>>) target(%arg15 : memref<528xi32, #tpu.memory_space<vmem>>) target_semaphore(%run_scoped3A : memref<!tpu.dma_semaphore, #tpu.memory_space<semaphore_mem>>)
      %dma_wait3A_613 = arith.constant 0 : i32
      %dma_wait3A_614 = tpu.memref_slice %arg3[%add3A, %dma_wait3A_613] : memref<32x528xi32, #tpu.memory_space<hbm>> -> memref<1x528xi32, #tpu.memory_space<hbm>>
      %dma_wait3A_615 = tpu.memref_squeeze %dma_wait3A_614 : memref<1x528xi32, #tpu.memory_space<hbm>> -> memref<528xi32, #tpu.memory_space<hbm>>
      %dma_wait3A_616 = arith.constant 0 : i32
      %dma_wait3A_617 = tpu.memref_slice %arg3[%add3A, %dma_wait3A_616] : memref<32x528xi32, #tpu.memory_space<hbm>> -> memref<1x528xi32, #tpu.memory_space<hbm>>
      %dma_wait3A_618 = tpu.memref_squeeze %dma_wait3A_617 : memref<1x528xi32, #tpu.memory_space<hbm>> -> memref<528xi32, #tpu.memory_space<hbm>>
      tpu.wait_dma2 semaphore(%run_scoped3A : memref<!tpu.dma_semaphore, #tpu.memory_space<semaphore_mem>>) src(%dma_wait3A_618 : memref<528xi32, #tpu.memory_space<hbm>>) dst(%arg15 : memref<528xi32, #tpu.memory_space<vmem>>)
      tpu.yield
    }) : () -> ()
    "tpu.region"() ({
      %run_scoped3A = tpu.sem_alloc : memref<!tpu.dma_semaphore, #tpu.memory_space<semaphore_mem>>
      %dma_start3A_607 = arith.constant 0 : i32
      %dma_start3A_608 = tpu.memref_slice %arg4[%add3A, %dma_start3A_607] : memref<32x528xi32, #tpu.memory_space<hbm>> -> memref<1x528xi32, #tpu.memory_space<hbm>>
      %dma_start3A_609 = tpu.memref_squeeze %dma_start3A_608 : memref<1x528xi32, #tpu.memory_space<hbm>> -> memref<528xi32, #tpu.memory_space<hbm>>
      %dma_start3A_610 = arith.constant 0 : i32
      %dma_start3A_611 = tpu.memref_slice %arg4[%add3A, %dma_start3A_610] : memref<32x528xi32, #tpu.memory_space<hbm>> -> memref<1x528xi32, #tpu.memory_space<hbm>>
      %dma_start3A_612 = tpu.memref_squeeze %dma_start3A_611 : memref<1x528xi32, #tpu.memory_space<hbm>> -> memref<528xi32, #tpu.memory_space<hbm>>
      tpu.enqueue_dma source(%dma_start3A_612 : memref<528xi32, #tpu.memory_space<hbm>>) target(%arg16 : memref<528xi32, #tpu.memory_space<vmem>>) target_semaphore(%run_scoped3A : memref<!tpu.dma_semaphore, #tpu.memory_space<semaphore_mem>>)
      %dma_wait3A_613 = arith.constant 0 : i32
      %dma_wait3A_614 = tpu.memref_slice %arg4[%add3A, %dma_wait3A_613] : memref<32x528xi32, #tpu.memory_space<hbm>> -> memref<1x528xi32, #tpu.memory_space<hbm>>
      %dma_wait3A_615 = tpu.memref_squeeze %dma_wait3A_614 : memref<1x528xi32, #tpu.memory_space<hbm>> -> memref<528xi32, #tpu.memory_space<hbm>>
      %dma_wait3A_616 = arith.constant 0 : i32
      %dma_wait3A_617 = tpu.memref_slice %arg4[%add3A, %dma_wait3A_616] : memref<32x528xi32, #tpu.memory_space<hbm>> -> memref<1x528xi32, #tpu.memory_space<hbm>>
      %dma_wait3A_618 = tpu.memref_squeeze %dma_wait3A_617 : memref<1x528xi32, #tpu.memory_space<hbm>> -> memref<528xi32, #tpu.memory_space<hbm>>
      tpu.wait_dma2 semaphore(%run_scoped3A : memref<!tpu.dma_semaphore, #tpu.memory_space<semaphore_mem>>) src(%dma_wait3A_618 : memref<528xi32, #tpu.memory_space<hbm>>) dst(%arg16 : memref<528xi32, #tpu.memory_space<vmem>>)
      tpu.yield
    }) : () -> ()
    "tpu.region"() ({
      %run_scoped3A = tpu.sem_alloc : memref<!tpu.dma_semaphore, #tpu.memory_space<semaphore_mem>>
      %dma_start3A_607 = arith.constant 0 : i32
      %dma_start3A_608 = tpu.memref_slice %arg5[%add3A, %dma_start3A_607] : memref<32x512xi32, #tpu.memory_space<hbm>> -> memref<1x512xi32, #tpu.memory_space<hbm>>
      %dma_start3A_609 = tpu.memref_squeeze %dma_start3A_608 : memref<1x512xi32, #tpu.memory_space<hbm>> -> memref<512xi32, #tpu.memory_space<hbm>>
      %dma_start3A_610 = arith.constant 0 : i32
      %dma_start3A_611 = tpu.memref_slice %arg5[%add3A, %dma_start3A_610] : memref<32x512xi32, #tpu.memory_space<hbm>> -> memref<1x512xi32, #tpu.memory_space<hbm>>
      %dma_start3A_612 = tpu.memref_squeeze %dma_start3A_611 : memref<1x512xi32, #tpu.memory_space<hbm>> -> memref<512xi32, #tpu.memory_space<hbm>>
      tpu.enqueue_dma source(%dma_start3A_612 : memref<512xi32, #tpu.memory_space<hbm>>) target(%arg17 : memref<512xi32, #tpu.memory_space<vmem>>) target_semaphore(%run_scoped3A : memref<!tpu.dma_semaphore, #tpu.memory_space<semaphore_mem>>)
      %dma_wait3A_613 = arith.constant 0 : i32
      %dma_wait3A_614 = tpu.memref_slice %arg5[%add3A, %dma_wait3A_613] : memref<32x512xi32, #tpu.memory_space<hbm>> -> memref<1x512xi32, #tpu.memory_space<hbm>>
      %dma_wait3A_615 = tpu.memref_squeeze %dma_wait3A_614 : memref<1x512xi32, #tpu.memory_space<hbm>> -> memref<512xi32, #tpu.memory_space<hbm>>
      %dma_wait3A_616 = arith.constant 0 : i32
      %dma_wait3A_617 = tpu.memref_slice %arg5[%add3A, %dma_wait3A_616] : memref<32x512xi32, #tpu.memory_space<hbm>> -> memref<1x512xi32, #tpu.memory_space<hbm>>
      %dma_wait3A_618 = tpu.memref_squeeze %dma_wait3A_617 : memref<1x512xi32, #tpu.memory_space<hbm>> -> memref<512xi32, #tpu.memory_space<hbm>>
      tpu.wait_dma2 semaphore(%run_scoped3A : memref<!tpu.dma_semaphore, #tpu.memory_space<semaphore_mem>>) src(%dma_wait3A_618 : memref<512xi32, #tpu.memory_space<hbm>>) dst(%arg17 : memref<512xi32, #tpu.memory_space<vmem>>)
      tpu.yield
    }) : () -> ()
    %get3A = arith.constant 512 : index
    %get3A_3 = tpu.vector_load %arg16[%get3A] {strides = array<i32>} : memref<528xi32, #tpu.memory_space<vmem>>, vector<16xi32>,
    %broadcast_in_dim3A = arith.constant 1 : i32
    %broadcast_in_dim3A_4 = vector.broadcast %broadcast_in_dim3A : i32 to vector<16xi32>
    %mul3A_5 = arith.constant 1 : i32
    %mul3A_6 = vector.broadcast %mul3A_5 : i32 to vector<16xi32>
    %mul3A_7 = arith.muli %broadcast_in_dim3A_4, %mul3A_6 : vector<16xi32>
    %eq3A = arith.cmpi eq, %iota3A, %mul3A_7 : vector<16xi32>
    %broadcast_in_dim3A_8 = arith.constant 0 : i32
    %broadcast_in_dim3A_9 = vector.broadcast %broadcast_in_dim3A_8 : i32 to vector<16xi32>
    %select_n3A = arith.select %eq3A, %get3A_3, %broadcast_in_dim3A_9 : vector<16xi1>, vector<16xi32>
    %reduce_sum3A = arith.constant true
    %reduce_sum3A_10 = vector.broadcast %reduce_sum3A : i1 to vector<16xi1>
    %reduce_sum3A_11 = tpu.scan <sum>, %select_n3A masked %reduce_sum3A_10 : vector<16xi32>, vector<16xi1> -> vector<16xi32>
    %reduce_sum3A_12 = vector.extract %reduce_sum3A_11[15] : i32 from vector<16xi32>
    %get3A_13 = arith.constant 0 : index
    %get3A_14 = tpu.vector_load %arg15[%get3A_13] {strides = array<i32>} : memref<528xi32, #tpu.memory_space<vmem>>, vector<16xi32>,
    %broadcast_in_dim3A_15 = arith.constant 1 : i32
    %broadcast_in_dim3A_16 = vector.broadcast %broadcast_in_dim3A_15 : i32 to vector<16xi32>
    %mul3A_17 = arith.constant 0 : i32
    %mul3A_18 = vector.broadcast %mul3A_17 : i32 to vector<16xi32>
    %mul3A_19 = arith.muli %broadcast_in_dim3A_16, %mul3A_18 : vector<16xi32>
    %eq3A_20 = arith.cmpi eq, %iota3A, %mul3A_19 : vector<16xi32>
    %broadcast_in_dim3A_21 = arith.constant 0 : i32
    %broadcast_in_dim3A_22 = vector.broadcast %broadcast_in_dim3A_21 : i32 to vector<16xi32>
    %select_n3A_23 = arith.select %eq3A_20, %get3A_14, %broadcast_in_dim3A_22 : vector<16xi1>, vector<16xi32>
    %reduce_sum3A_24 = arith.constant true
    %reduce_sum3A_25 = vector.broadcast %reduce_sum3A_24 : i1 to vector<16xi1>
    %reduce_sum3A_26 = tpu.scan <sum>, %select_n3A_23 masked %reduce_sum3A_25 : vector<16xi32>, vector<16xi1> -> vector<16xi32>
    %reduce_sum3A_27 = vector.extract %reduce_sum3A_26[15] : i32 from vector<16xi32>
    %mul3A_28 = arith.constant 128 : i32
    %mul3A_29 = arith.muli %reduce_sum3A_27, %mul3A_28 : i32
    %multiple_of3A = tpu.assume_multiple %mul3A_29, 128 : i32
    %dma_start3A = arith.constant 0 : i32
    %dma_start3A_30 = arith.constant 0 : i32
    %dma_start3A_31 = arith.constant 0 : i32
    %dma_start3A_32 = tpu.memref_slice %arg18[%dma_start3A, %dma_start3A_30, %dma_start3A_31] : memref<6x64x128xf32, #tpu.memory_space<vmem>> -> memref<1x64x128xf32, #tpu.memory_space<vmem>>
    %dma_start3A_33 = tpu.memref_squeeze %dma_start3A_32 : memref<1x64x128xf32, #tpu.memory_space<vmem>> -> memref<64x128xf32, #tpu.memory_space<vmem>>
    %dma_start3A_34 = arith.constant 0 : i32
    %dma_start3A_35 = tpu.memref_slice %arg10[%dma_start3A_34, %multiple_of3A] : memref<64x1000000xf32, #tpu.memory_space<hbm>> -> memref<64x128xf32, #tpu.memory_space<hbm>>
    %dma_start3A_36 = arith.constant 0 : i32
    %dma_start3A_37 = arith.constant 0 : i32
    %dma_start3A_38 = tpu.memref_slice %arg18[%dma_start3A, %dma_start3A_36, %dma_start3A_37] : memref<6x64x128xf32, #tpu.memory_space<vmem>> -> memref<1x64x128xf32, #tpu.memory_space<vmem>>
    %dma_start3A_39 = tpu.memref_squeeze %dma_start3A_38 : memref<1x64x128xf32, #tpu.memory_space<vmem>> -> memref<64x128xf32, #tpu.memory_space<vmem>>
    %dma_start3A_40 = arith.constant 0 : i32
    %dma_start3A_41 = tpu.memref_slice %arg10[%dma_start3A_40, %multiple_of3A] : memref<64x1000000xf32, #tpu.memory_space<hbm>> -> memref<64x128xf32, #tpu.memory_space<hbm>>
    tpu.enqueue_dma source(%dma_start3A_41 : memref<64x128xf32, #tpu.memory_space<hbm>>) target(%dma_start3A_39 : memref<64x128xf32, #tpu.memory_space<vmem>>) target_semaphore(%arg20 : memref<!tpu.dma_semaphore, #tpu.memory_space<semaphore_mem>>)
    %get3A_42 = arith.constant 0 : index
    %get3A_43 = tpu.vector_load %arg15[%get3A_42] {strides = array<i32>} : memref<528xi32, #tpu.memory_space<vmem>>, vector<16xi32>,
    %broadcast_in_dim3A_44 = arith.constant 1 : i32
    %broadcast_in_dim3A_45 = vector.broadcast %broadcast_in_dim3A_44 : i32 to vector<16xi32>
    %mul3A_46 = arith.constant 1 : i32
    %mul3A_47 = vector.broadcast %mul3A_46 : i32 to vector<16xi32>
    %mul3A_48 = arith.muli %broadcast_in_dim3A_45, %mul3A_47 : vector<16xi32>
    %eq3A_49 = arith.cmpi eq, %iota3A, %mul3A_48 : vector<16xi32>
    %broadcast_in_dim3A_50 = arith.constant 0 : i32
    %broadcast_in_dim3A_51 = vector.broadcast %broadcast_in_dim3A_50 : i32 to vector<16xi32>
    %select_n3A_52 = arith.select %eq3A_49, %get3A_43, %broadcast_in_dim3A_51 : vector<16xi1>, vector<16xi32>
    %reduce_sum3A_53 = arith.constant true
    %reduce_sum3A_54 = vector.broadcast %reduce_sum3A_53 : i1 to vector<16xi1>
    %reduce_sum3A_55 = tpu.scan <sum>, %select_n3A_52 masked %reduce_sum3A_54 : vector<16xi32>, vector<16xi1> -> vector<16xi32>
    %reduce_sum3A_56 = vector.extract %reduce_sum3A_55[15] : i32 from vector<16xi32>
    %mul3A_57 = arith.constant 128 : i32
    %mul3A_58 = arith.muli %reduce_sum3A_56, %mul3A_57 : i32
    %multiple_of3A_59 = tpu.assume_multiple %mul3A_58, 128 : i32
    %dma_start3A_60 = arith.constant 1 : i32
    %dma_start3A_61 = arith.constant 0 : i32
    %dma_start3A_62 = arith.constant 0 : i32
    %dma_start3A_63 = tpu.memref_slice %arg18[%dma_start3A_60, %dma_start3A_61, %dma_start3A_62] : memref<6x64x128xf32, #tpu.memory_space<vmem>> -> memref<1x64x128xf32, #tpu.memory_space<vmem>>
    %dma_start3A_64 = tpu.memref_squeeze %dma_start3A_63 : memref<1x64x128xf32, #tpu.memory_space<vmem>> -> memref<64x128xf32, #tpu.memory_space<vmem>>
    %dma_start3A_65 = arith.constant 0 : i32
    %dma_start3A_66 = tpu.memref_slice %arg10[%dma_start3A_65, %multiple_of3A_59] : memref<64x1000000xf32, #tpu.memory_space<hbm>> -> memref<64x128xf32, #tpu.memory_space<hbm>>
    %dma_start3A_67 = arith.constant 0 : i32
    %dma_start3A_68 = arith.constant 0 : i32
    %dma_start3A_69 = tpu.memref_slice %arg18[%dma_start3A_60, %dma_start3A_67, %dma_start3A_68] : memref<6x64x128xf32, #tpu.memory_space<vmem>> -> memref<1x64x128xf32, #tpu.memory_space<vmem>>
    %dma_start3A_70 = tpu.memref_squeeze %dma_start3A_69 : memref<1x64x128xf32, #tpu.memory_space<vmem>> -> memref<64x128xf32, #tpu.memory_space<vmem>>
    %dma_start3A_71 = arith.constant 0 : i32
    %dma_start3A_72 = tpu.memref_slice %arg10[%dma_start3A_71, %multiple_of3A_59] : memref<64x1000000xf32, #tpu.memory_space<hbm>> -> memref<64x128xf32, #tpu.memory_space<hbm>>
    tpu.enqueue_dma source(%dma_start3A_72 : memref<64x128xf32, #tpu.memory_space<hbm>>) target(%dma_start3A_70 : memref<64x128xf32, #tpu.memory_space<vmem>>) target_semaphore(%arg20 : memref<!tpu.dma_semaphore, #tpu.memory_space<semaphore_mem>>)
    %get3A_73 = arith.constant 0 : index
    %get3A_74 = tpu.vector_load %arg15[%get3A_73] {strides = array<i32>} : memref<528xi32, #tpu.memory_space<vmem>>, vector<16xi32>,
    %broadcast_in_dim3A_75 = arith.constant 1 : i32
    %broadcast_in_dim3A_76 = vector.broadcast %broadcast_in_dim3A_75 : i32 to vector<16xi32>
    %mul3A_77 = arith.constant 2 : i32
    %mul3A_78 = vector.broadcast %mul3A_77 : i32 to vector<16xi32>
    %mul3A_79 = arith.muli %broadcast_in_dim3A_76, %mul3A_78 : vector<16xi32>
    %eq3A_80 = arith.cmpi eq, %iota3A, %mul3A_79 : vector<16xi32>
    %broadcast_in_dim3A_81 = arith.constant 0 : i32
    %broadcast_in_dim3A_82 = vector.broadcast %broadcast_in_dim3A_81 : i32 to vector<16xi32>
    %select_n3A_83 = arith.select %eq3A_80, %get3A_74, %broadcast_in_dim3A_82 : vector<16xi1>, vector<16xi32>
    %reduce_sum3A_84 = arith.constant true
    %reduce_sum3A_85 = vector.broadcast %reduce_sum3A_84 : i1 to vector<16xi1>
    %reduce_sum3A_86 = tpu.scan <sum>, %select_n3A_83 masked %reduce_sum3A_85 : vector<16xi32>, vector<16xi1> -> vector<16xi32>
    %reduce_sum3A_87 = vector.extract %reduce_sum3A_86[15] : i32 from vector<16xi32>
    %mul3A_88 = arith.constant 128 : i32
    %mul3A_89 = arith.muli %reduce_sum3A_87, %mul3A_88 : i32
    %multiple_of3A_90 = tpu.assume_multiple %mul3A_89, 128 : i32
    %dma_start3A_91 = arith.constant 2 : i32
    %dma_start3A_92 = arith.constant 0 : i32
    %dma_start3A_93 = arith.constant 0 : i32
    %dma_start3A_94 = tpu.memref_slice %arg18[%dma_start3A_91, %dma_start3A_92, %dma_start3A_93] : memref<6x64x128xf32, #tpu.memory_space<vmem>> -> memref<1x64x128xf32, #tpu.memory_space<vmem>>
    %dma_start3A_95 = tpu.memref_squeeze %dma_start3A_94 : memref<1x64x128xf32, #tpu.memory_space<vmem>> -> memref<64x128xf32, #tpu.memory_space<vmem>>
    %dma_start3A_96 = arith.constant 0 : i32
    %dma_start3A_97 = tpu.memref_slice %arg10[%dma_start3A_96, %multiple_of3A_90] : memref<64x1000000xf32, #tpu.memory_space<hbm>> -> memref<64x128xf32, #tpu.memory_space<hbm>>
    %dma_start3A_98 = arith.constant 0 : i32
    %dma_start3A_99 = arith.constant 0 : i32
    %dma_start3A_100 = tpu.memref_slice %arg18[%dma_start3A_91, %dma_start3A_98, %dma_start3A_99] : memref<6x64x128xf32, #tpu.memory_space<vmem>> -> memref<1x64x128xf32, #tpu.memory_space<vmem>>
    %dma_start3A_101 = tpu.memref_squeeze %dma_start3A_100 : memref<1x64x128xf32, #tpu.memory_space<vmem>> -> memref<64x128xf32, #tpu.memory_space<vmem>>
    %dma_start3A_102 = arith.constant 0 : i32
    %dma_start3A_103 = tpu.memref_slice %arg10[%dma_start3A_102, %multiple_of3A_90] : memref<64x1000000xf32, #tpu.memory_space<hbm>> -> memref<64x128xf32, #tpu.memory_space<hbm>>
    tpu.enqueue_dma source(%dma_start3A_103 : memref<64x128xf32, #tpu.memory_space<hbm>>) target(%dma_start3A_101 : memref<64x128xf32, #tpu.memory_space<vmem>>) target_semaphore(%arg20 : memref<!tpu.dma_semaphore, #tpu.memory_space<semaphore_mem>>)
    %get3A_104 = arith.constant 0 : index
    %get3A_105 = tpu.vector_load %arg15[%get3A_104] {strides = array<i32>} : memref<528xi32, #tpu.memory_space<vmem>>, vector<16xi32>,
    %broadcast_in_dim3A_106 = arith.constant 1 : i32
    %broadcast_in_dim3A_107 = vector.broadcast %broadcast_in_dim3A_106 : i32 to vector<16xi32>
    %mul3A_108 = arith.constant 3 : i32
    %mul3A_109 = vector.broadcast %mul3A_108 : i32 to vector<16xi32>
    %mul3A_110 = arith.muli %broadcast_in_dim3A_107, %mul3A_109 : vector<16xi32>
    %eq3A_111 = arith.cmpi eq, %iota3A, %mul3A_110 : vector<16xi32>
    %broadcast_in_dim3A_112 = arith.constant 0 : i32
    %broadcast_in_dim3A_113 = vector.broadcast %broadcast_in_dim3A_112 : i32 to vector<16xi32>
    %select_n3A_114 = arith.select %eq3A_111, %get3A_105, %broadcast_in_dim3A_113 : vector<16xi1>, vector<16xi32>
    %reduce_sum3A_115 = arith.constant true
    %reduce_sum3A_116 = vector.broadcast %reduce_sum3A_115 : i1 to vector<16xi1>
    %reduce_sum3A_117 = tpu.scan <sum>, %select_n3A_114 masked %reduce_sum3A_116 : vector<16xi32>, vector<16xi1> -> vector<16xi32>
    %reduce_sum3A_118 = vector.extract %reduce_sum3A_117[15] : i32 from vector<16xi32>
    %mul3A_119 = arith.constant 128 : i32
    %mul3A_120 = arith.muli %reduce_sum3A_118, %mul3A_119 : i32
    %multiple_of3A_121 = tpu.assume_multiple %mul3A_120, 128 : i32
    %dma_start3A_122 = arith.constant 3 : i32
    %dma_start3A_123 = arith.constant 0 : i32
    %dma_start3A_124 = arith.constant 0 : i32
    %dma_start3A_125 = tpu.memref_slice %arg18[%dma_start3A_122, %dma_start3A_123, %dma_start3A_124] : memref<6x64x128xf32, #tpu.memory_space<vmem>> -> memref<1x64x128xf32, #tpu.memory_space<vmem>>
    %dma_start3A_126 = tpu.memref_squeeze %dma_start3A_125 : memref<1x64x128xf32, #tpu.memory_space<vmem>> -> memref<64x128xf32, #tpu.memory_space<vmem>>
    %dma_start3A_127 = arith.constant 0 : i32
    %dma_start3A_128 = tpu.memref_slice %arg10[%dma_start3A_127, %multiple_of3A_121] : memref<64x1000000xf32, #tpu.memory_space<hbm>> -> memref<64x128xf32, #tpu.memory_space<hbm>>
    %dma_start3A_129 = arith.constant 0 : i32
    %dma_start3A_130 = arith.constant 0 : i32
    %dma_start3A_131 = tpu.memref_slice %arg18[%dma_start3A_122, %dma_start3A_129, %dma_start3A_130] : memref<6x64x128xf32, #tpu.memory_space<vmem>> -> memref<1x64x128xf32, #tpu.memory_space<vmem>>
    %dma_start3A_132 = tpu.memref_squeeze %dma_start3A_131 : memref<1x64x128xf32, #tpu.memory_space<vmem>> -> memref<64x128xf32, #tpu.memory_space<vmem>>
    %dma_start3A_133 = arith.constant 0 : i32
    %dma_start3A_134 = tpu.memref_slice %arg10[%dma_start3A_133, %multiple_of3A_121] : memref<64x1000000xf32, #tpu.memory_space<hbm>> -> memref<64x128xf32, #tpu.memory_space<hbm>>
    tpu.enqueue_dma source(%dma_start3A_134 : memref<64x128xf32, #tpu.memory_space<hbm>>) target(%dma_start3A_132 : memref<64x128xf32, #tpu.memory_space<vmem>>) target_semaphore(%arg20 : memref<!tpu.dma_semaphore, #tpu.memory_space<semaphore_mem>>)
    %get3A_135 = arith.constant 0 : index
    %get3A_136 = tpu.vector_load %arg15[%get3A_135] {strides = array<i32>} : memref<528xi32, #tpu.memory_space<vmem>>, vector<16xi32>,
    %broadcast_in_dim3A_137 = arith.constant 1 : i32
    %broadcast_in_dim3A_138 = vector.broadcast %broadcast_in_dim3A_137 : i32 to vector<16xi32>
    %mul3A_139 = arith.constant 4 : i32
    %mul3A_140 = vector.broadcast %mul3A_139 : i32 to vector<16xi32>
    %mul3A_141 = arith.muli %broadcast_in_dim3A_138, %mul3A_140 : vector<16xi32>
    %eq3A_142 = arith.cmpi eq, %iota3A, %mul3A_141 : vector<16xi32>
    %broadcast_in_dim3A_143 = arith.constant 0 : i32
    %broadcast_in_dim3A_144 = vector.broadcast %broadcast_in_dim3A_143 : i32 to vector<16xi32>
    %select_n3A_145 = arith.select %eq3A_142, %get3A_136, %broadcast_in_dim3A_144 : vector<16xi1>, vector<16xi32>
    %reduce_sum3A_146 = arith.constant true
    %reduce_sum3A_147 = vector.broadcast %reduce_sum3A_146 : i1 to vector<16xi1>
    %reduce_sum3A_148 = tpu.scan <sum>, %select_n3A_145 masked %reduce_sum3A_147 : vector<16xi32>, vector<16xi1> -> vector<16xi32>
    %reduce_sum3A_149 = vector.extract %reduce_sum3A_148[15] : i32 from vector<16xi32>
    %mul3A_150 = arith.constant 128 : i32
    %mul3A_151 = arith.muli %reduce_sum3A_149, %mul3A_150 : i32
    %multiple_of3A_152 = tpu.assume_multiple %mul3A_151, 128 : i32
    %dma_start3A_153 = arith.constant 4 : i32
    %dma_start3A_154 = arith.constant 0 : i32
    %dma_start3A_155 = arith.constant 0 : i32
    %dma_start3A_156 = tpu.memref_slice %arg18[%dma_start3A_153, %dma_start3A_154, %dma_start3A_155] : memref<6x64x128xf32, #tpu.memory_space<vmem>> -> memref<1x64x128xf32, #tpu.memory_space<vmem>>
    %dma_start3A_157 = tpu.memref_squeeze %dma_start3A_156 : memref<1x64x128xf32, #tpu.memory_space<vmem>> -> memref<64x128xf32, #tpu.memory_space<vmem>>
    %dma_start3A_158 = arith.constant 0 : i32
    %dma_start3A_159 = tpu.memref_slice %arg10[%dma_start3A_158, %multiple_of3A_152] : memref<64x1000000xf32, #tpu.memory_space<hbm>> -> memref<64x128xf32, #tpu.memory_space<hbm>>
    %dma_start3A_160 = arith.constant 0 : i32
    %dma_start3A_161 = arith.constant 0 : i32
    %dma_start3A_162 = tpu.memref_slice %arg18[%dma_start3A_153, %dma_start3A_160, %dma_start3A_161] : memref<6x64x128xf32, #tpu.memory_space<vmem>> -> memref<1x64x128xf32, #tpu.memory_space<vmem>>
    %dma_start3A_163 = tpu.memref_squeeze %dma_start3A_162 : memref<1x64x128xf32, #tpu.memory_space<vmem>> -> memref<64x128xf32, #tpu.memory_space<vmem>>
    %dma_start3A_164 = arith.constant 0 : i32
    %dma_start3A_165 = tpu.memref_slice %arg10[%dma_start3A_164, %multiple_of3A_152] : memref<64x1000000xf32, #tpu.memory_space<hbm>> -> memref<64x128xf32, #tpu.memory_space<hbm>>
    tpu.enqueue_dma source(%dma_start3A_165 : memref<64x128xf32, #tpu.memory_space<hbm>>) target(%dma_start3A_163 : memref<64x128xf32, #tpu.memory_space<vmem>>) target_semaphore(%arg20 : memref<!tpu.dma_semaphore, #tpu.memory_space<semaphore_mem>>)
    %get3A_166 = arith.constant 0 : index
    %get3A_167 = tpu.vector_load %arg15[%get3A_166] {strides = array<i32>} : memref<528xi32, #tpu.memory_space<vmem>>, vector<16xi32>,
    %broadcast_in_dim3A_168 = arith.constant 1 : i32
    %broadcast_in_dim3A_169 = vector.broadcast %broadcast_in_dim3A_168 : i32 to vector<16xi32>
    %mul3A_170 = arith.constant 5 : i32
    %mul3A_171 = vector.broadcast %mul3A_170 : i32 to vector<16xi32>
    %mul3A_172 = arith.muli %broadcast_in_dim3A_169, %mul3A_171 : vector<16xi32>
    %eq3A_173 = arith.cmpi eq, %iota3A, %mul3A_172 : vector<16xi32>
    %broadcast_in_dim3A_174 = arith.constant 0 : i32
    %broadcast_in_dim3A_175 = vector.broadcast %broadcast_in_dim3A_174 : i32 to vector<16xi32>
    %select_n3A_176 = arith.select %eq3A_173, %get3A_167, %broadcast_in_dim3A_175 : vector<16xi1>, vector<16xi32>
    %reduce_sum3A_177 = arith.constant true
    %reduce_sum3A_178 = vector.broadcast %reduce_sum3A_177 : i1 to vector<16xi1>
    %reduce_sum3A_179 = tpu.scan <sum>, %select_n3A_176 masked %reduce_sum3A_178 : vector<16xi32>, vector<16xi1> -> vector<16xi32>
    %reduce_sum3A_180 = vector.extract %reduce_sum3A_179[15] : i32 from vector<16xi32>
    %mul3A_181 = arith.constant 128 : i32
    %mul3A_182 = arith.muli %reduce_sum3A_180, %mul3A_181 : i32
    %multiple_of3A_183 = tpu.assume_multiple %mul3A_182, 128 : i32
    %dma_start3A_184 = arith.constant 5 : i32
    %dma_start3A_185 = arith.constant 0 : i32
    %dma_start3A_186 = arith.constant 0 : i32
    %dma_start3A_187 = tpu.memref_slice %arg18[%dma_start3A_184, %dma_start3A_185, %dma_start3A_186] : memref<6x64x128xf32, #tpu.memory_space<vmem>> -> memref<1x64x128xf32, #tpu.memory_space<vmem>>
    %dma_start3A_188 = tpu.memref_squeeze %dma_start3A_187 : memref<1x64x128xf32, #tpu.memory_space<vmem>> -> memref<64x128xf32, #tpu.memory_space<vmem>>
    %dma_start3A_189 = arith.constant 0 : i32
    %dma_start3A_190 = tpu.memref_slice %arg10[%dma_start3A_189, %multiple_of3A_183] : memref<64x1000000xf32, #tpu.memory_space<hbm>> -> memref<64x128xf32, #tpu.memory_space<hbm>>
    %dma_start3A_191 = arith.constant 0 : i32
    %dma_start3A_192 = arith.constant 0 : i32
    %dma_start3A_193 = tpu.memref_slice %arg18[%dma_start3A_184, %dma_start3A_191, %dma_start3A_192] : memref<6x64x128xf32, #tpu.memory_space<vmem>> -> memref<1x64x128xf32, #tpu.memory_space<vmem>>
    %dma_start3A_194 = tpu.memref_squeeze %dma_start3A_193 : memref<1x64x128xf32, #tpu.memory_space<vmem>> -> memref<64x128xf32, #tpu.memory_space<vmem>>
    %dma_start3A_195 = arith.constant 0 : i32
    %dma_start3A_196 = tpu.memref_slice %arg10[%dma_start3A_195, %multiple_of3A_183] : memref<64x1000000xf32, #tpu.memory_space<hbm>> -> memref<64x128xf32, #tpu.memory_space<hbm>>
    tpu.enqueue_dma source(%dma_start3A_196 : memref<64x128xf32, #tpu.memory_space<hbm>>) target(%dma_start3A_194 : memref<64x128xf32, #tpu.memory_space<vmem>>) target_semaphore(%arg20 : memref<!tpu.dma_semaphore, #tpu.memory_space<semaphore_mem>>)
    %while3A = arith.constant 0 : i32
    %while3A_197 = arith.constant 0 : i32
    %while3A_198 = arith.subi %reduce_sum3A_12, %while3A_197 : i32
    %while3A_199 = arith.addi %while3A_197, %while3A_198 : i32
    %while3A_200 = arith.constant 1 : i32
    %while3A_201 = arith.divsi %while3A_198, %while3A_200 : i32
    %while3A_202 = arith.muli %while3A_201, %while3A_200 : i32
    %while3A_203 = arith.addi %while3A_197, %while3A_202 : i32
    %while3A_204 = arith.constant 1 : i32
    scf.for %while3A_607 = %while3A_197 to %while3A_203 step %while3A_204  : i32 {
      %dma_wait3A_608 = arith.constant 0 : i32
      %dma_wait3A_609 = arith.constant 0 : i32
      %dma_wait3A_610 = arith.constant 0 : i32
      %dma_wait3A_611 = tpu.memref_slice %arg18[%dma_wait3A_608, %dma_wait3A_609, %dma_wait3A_610] : memref<6x64x128xf32, #tpu.memory_space<vmem>> -> memref<1x64x128xf32, #tpu.memory_space<vmem>>
      %dma_wait3A_612 = tpu.memref_squeeze %dma_wait3A_611 : memref<1x64x128xf32, #tpu.memory_space<vmem>> -> memref<64x128xf32, #tpu.memory_space<vmem>>
      %dma_wait3A_613 = arith.constant 0 : i32
      %dma_wait3A_614 = arith.constant 0 : i32
      %dma_wait3A_615 = tpu.memref_slice %arg10[%dma_wait3A_613, %dma_wait3A_614] : memref<64x1000000xf32, #tpu.memory_space<hbm>> -> memref<64x128xf32, #tpu.memory_space<hbm>>
      %dma_wait3A_616 = arith.constant 0 : i32
      %dma_wait3A_617 = arith.constant 0 : i32
      %dma_wait3A_618 = tpu.memref_slice %arg18[%dma_wait3A_608, %dma_wait3A_616, %dma_wait3A_617] : memref<6x64x128xf32, #tpu.memory_space<vmem>> -> memref<1x64x128xf32, #tpu.memory_space<vmem>>
      %dma_wait3A_619 = tpu.memref_squeeze %dma_wait3A_618 : memref<1x64x128xf32, #tpu.memory_space<vmem>> -> memref<64x128xf32, #tpu.memory_space<vmem>>
      %dma_wait3A_620 = arith.constant 0 : i32
      %dma_wait3A_621 = arith.constant 0 : i32
      %dma_wait3A_622 = tpu.memref_slice %arg10[%dma_wait3A_620, %dma_wait3A_621] : memref<64x1000000xf32, #tpu.memory_space<hbm>> -> memref<64x128xf32, #tpu.memory_space<hbm>>
      tpu.wait_dma2 semaphore(%arg20 : memref<!tpu.dma_semaphore, #tpu.memory_space<semaphore_mem>>) src(%dma_wait3A_622 : memref<64x128xf32, #tpu.memory_space<hbm>>) dst(%dma_wait3A_619 : memref<64x128xf32, #tpu.memory_space<vmem>>)
      %jit3A = arith.constant 6 : i32
      %eq3A_623 = arith.constant 0 : i32
      %eq3A_624 = arith.cmpi eq, %jit3A, %eq3A_623 : i32
      %jit3A_625 = arith.constant 1 : i32
      %select_n3A_626 = arith.select %eq3A_624, %jit3A_625, %jit3A : i32
      %rem3A = arith.remsi %while3A_607, %select_n3A_626 : i32
      %ne3A = arith.constant 0 : i32
      %ne3A_627 = arith.cmpi ne, %rem3A, %ne3A : i32
      %lt3A = arith.constant 0 : i32
      %lt3A_628 = arith.cmpi slt, %rem3A, %lt3A : i32
      %lt3A_629 = arith.constant 0 : i32
      %lt3A_630 = arith.cmpi slt, %select_n3A_626, %lt3A_629 : i32
      %ne3A_631 = arith.xori %lt3A_628, %lt3A_630 : i1
      %and3A = arith.andi %ne3A_631, %ne3A_627 : i1
      %add3A_632 = arith.addi %rem3A, %select_n3A_626 : i32
      %select_n3A_633 = arith.select %and3A, %add3A_632, %rem3A : i32
      %jit3A_634 = arith.constant 16 : i32
      %div3A = arith.divsi %while3A_607, %jit3A_634 : i32
      %sign3A = arith.constant 0 : i32
      %sign3A_635 = arith.cmpi sgt, %while3A_607, %sign3A : i32
      %sign3A_636 = arith.extui %sign3A_635 : i1 to i32
      %sign3A_637 = arith.constant 0 : i32
      %sign3A_638 = arith.cmpi slt, %while3A_607, %sign3A_637 : i32
      %sign3A_639 = arith.extui %sign3A_638 : i1 to i32
      %sign3A_640 = arith.subi %sign3A_636, %sign3A_639 : i32
      %sign3A_641 = arith.constant 0 : i32
      %sign3A_642 = arith.cmpi sgt, %jit3A_634, %sign3A_641 : i32
      %sign3A_643 = arith.extui %sign3A_642 : i1 to i32
      %sign3A_644 = arith.constant 0 : i32
      %sign3A_645 = arith.cmpi slt, %jit3A_634, %sign3A_644 : i32
      %sign3A_646 = arith.extui %sign3A_645 : i1 to i32
      %sign3A_647 = arith.subi %sign3A_643, %sign3A_646 : i32
      %ne3A_648 = arith.cmpi ne, %sign3A_640, %sign3A_647 : i32
      %rem3A_649 = arith.remsi %while3A_607, %jit3A_634 : i32
      %ne3A_650 = arith.constant 0 : i32
      %ne3A_651 = arith.cmpi ne, %rem3A_649, %ne3A_650 : i32
      %and3A_652 = arith.andi %ne3A_648, %ne3A_651 : i1
      %sub3A = arith.constant 1 : i32
      %sub3A_653 = arith.subi %div3A, %sub3A : i32
      %select_n3A_654 = arith.select %and3A_652, %sub3A_653, %div3A : i32
      %mul3A_655 = arith.constant 16 : i32
      %mul3A_656 = arith.muli %select_n3A_654, %mul3A_655 : i32
      %get3A_657 = arith.index_cast %mul3A_656 : i32 to index
      %get3A_658 = tpu.vector_load %arg16[%get3A_657] {strides = array<i32>} : memref<528xi32, #tpu.memory_space<vmem>>, vector<16xi32>,
      %sub3A_659 = arith.subi %while3A_607, %mul3A_656 : i32
      %broadcast_in_dim3A_660 = arith.constant 1 : i32
      %broadcast_in_dim3A_661 = vector.broadcast %broadcast_in_dim3A_660 : i32 to vector<16xi32>
      %mul3A_662 = vector.broadcast %sub3A_659 : i32 to vector<16xi32>
      %mul3A_663 = arith.muli %broadcast_in_dim3A_661, %mul3A_662 : vector<16xi32>
      %eq3A_664 = arith.cmpi eq, %iota3A, %mul3A_663 : vector<16xi32>
      %broadcast_in_dim3A_665 = arith.constant 0 : i32
      %broadcast_in_dim3A_666 = vector.broadcast %broadcast_in_dim3A_665 : i32 to vector<16xi32>
      %select_n3A_667 = arith.select %eq3A_664, %get3A_658, %broadcast_in_dim3A_666 : vector<16xi1>, vector<16xi32>
      %reduce_sum3A_668 = arith.constant true
      %reduce_sum3A_669 = vector.broadcast %reduce_sum3A_668 : i1 to vector<16xi1>
      %reduce_sum3A_670 = tpu.scan <sum>, %select_n3A_667 masked %reduce_sum3A_669 : vector<16xi32>, vector<16xi1> -> vector<16xi32>
      %reduce_sum3A_671 = vector.extract %reduce_sum3A_670[15] : i32 from vector<16xi32>
      %add3A_672 = arith.constant 1 : i32
      %add3A_673 = arith.addi %while3A_607, %add3A_672 : i32
      %jit3A_674 = arith.constant 16 : i32
      %div3A_675 = arith.divsi %add3A_673, %jit3A_674 : i32
      %sign3A_676 = arith.constant 0 : i32
      %sign3A_677 = arith.cmpi sgt, %add3A_673, %sign3A_676 : i32
      %sign3A_678 = arith.extui %sign3A_677 : i1 to i32
      %sign3A_679 = arith.constant 0 : i32
      %sign3A_680 = arith.cmpi slt, %add3A_673, %sign3A_679 : i32
      %sign3A_681 = arith.extui %sign3A_680 : i1 to i32
      %sign3A_682 = arith.subi %sign3A_678, %sign3A_681 : i32
      %sign3A_683 = arith.constant 0 : i32
      %sign3A_684 = arith.cmpi sgt, %jit3A_674, %sign3A_683 : i32
      %sign3A_685 = arith.extui %sign3A_684 : i1 to i32
      %sign3A_686 = arith.constant 0 : i32
      %sign3A_687 = arith.cmpi slt, %jit3A_674, %sign3A_686 : i32
      %sign3A_688 = arith.extui %sign3A_687 : i1 to i32
      %sign3A_689 = arith.subi %sign3A_685, %sign3A_688 : i32
      %ne3A_690 = arith.cmpi ne, %sign3A_682, %sign3A_689 : i32
      %rem3A_691 = arith.remsi %add3A_673, %jit3A_674 : i32
      %ne3A_692 = arith.constant 0 : i32
      %ne3A_693 = arith.cmpi ne, %rem3A_691, %ne3A_692 : i32
      %and3A_694 = arith.andi %ne3A_690, %ne3A_693 : i1
      %sub3A_695 = arith.constant 1 : i32
      %sub3A_696 = arith.subi %div3A_675, %sub3A_695 : i32
      %select_n3A_697 = arith.select %and3A_694, %sub3A_696, %div3A_675 : i32
      %mul3A_698 = arith.constant 16 : i32
      %mul3A_699 = arith.muli %select_n3A_697, %mul3A_698 : i32
      %get3A_700 = arith.index_cast %mul3A_699 : i32 to index
      %get3A_701 = tpu.vector_load %arg16[%get3A_700] {strides = array<i32>} : memref<528xi32, #tpu.memory_space<vmem>>, vector<16xi32>,
      %sub3A_702 = arith.subi %add3A_673, %mul3A_699 : i32
      %broadcast_in_dim3A_703 = arith.constant 1 : i32
      %broadcast_in_dim3A_704 = vector.broadcast %broadcast_in_dim3A_703 : i32 to vector<16xi32>
      %mul3A_705 = vector.broadcast %sub3A_702 : i32 to vector<16xi32>
      %mul3A_706 = arith.muli %broadcast_in_dim3A_704, %mul3A_705 : vector<16xi32>
      %eq3A_707 = arith.cmpi eq, %iota3A, %mul3A_706 : vector<16xi32>
      %broadcast_in_dim3A_708 = arith.constant 0 : i32
      %broadcast_in_dim3A_709 = vector.broadcast %broadcast_in_dim3A_708 : i32 to vector<16xi32>
      %select_n3A_710 = arith.select %eq3A_707, %get3A_701, %broadcast_in_dim3A_709 : vector<16xi1>, vector<16xi32>
      %reduce_sum3A_711 = arith.constant true
      %reduce_sum3A_712 = vector.broadcast %reduce_sum3A_711 : i1 to vector<16xi1>
      %reduce_sum3A_713 = tpu.scan <sum>, %select_n3A_710 masked %reduce_sum3A_712 : vector<16xi32>, vector<16xi1> -> vector<16xi32>
      %reduce_sum3A_714 = vector.extract %reduce_sum3A_713[15] : i32 from vector<16xi32>
      %while3A_715 = arith.constant 0 : i32
      %while3A_716 = arith.subi %reduce_sum3A_714, %reduce_sum3A_671 : i32
      %while3A_717 = arith.addi %reduce_sum3A_671, %while3A_716 : i32
      %while3A_718 = arith.constant 1 : i32
      %while3A_719 = arith.divsi %while3A_716, %while3A_718 : i32
      %while3A_720 = arith.muli %while3A_719, %while3A_718 : i32
      %while3A_721 = arith.addi %reduce_sum3A_671, %while3A_720 : i32
      %while3A_722 = arith.constant 1 : i32
      scf.for %while3A_782 = %reduce_sum3A_671 to %while3A_721 step %while3A_722  : i32 {
        %jit3A_783 = arith.constant 16 : i32
        %div3A_784 = arith.divsi %while3A_782, %jit3A_783 : i32
        %sign3A_785 = arith.constant 0 : i32
        %sign3A_786 = arith.cmpi sgt, %while3A_782, %sign3A_785 : i32
        %sign3A_787 = arith.extui %sign3A_786 : i1 to i32
        %sign3A_788 = arith.constant 0 : i32
        %sign3A_789 = arith.cmpi slt, %while3A_782, %sign3A_788 : i32
        %sign3A_790 = arith.extui %sign3A_789 : i1 to i32
        %sign3A_791 = arith.subi %sign3A_787, %sign3A_790 : i32
        %sign3A_792 = arith.constant 0 : i32
        %sign3A_793 = arith.cmpi sgt, %jit3A_783, %sign3A_792 : i32
        %sign3A_794 = arith.extui %sign3A_793 : i1 to i32
        %sign3A_795 = arith.constant 0 : i32
        %sign3A_796 = arith.cmpi slt, %jit3A_783, %sign3A_795 : i32
        %sign3A_797 = arith.extui %sign3A_796 : i1 to i32
        %sign3A_798 = arith.subi %sign3A_794, %sign3A_797 : i32
        %ne3A_799 = arith.cmpi ne, %sign3A_791, %sign3A_798 : i32
        %rem3A_800 = arith.remsi %while3A_782, %jit3A_783 : i32
        %ne3A_801 = arith.constant 0 : i32
        %ne3A_802 = arith.cmpi ne, %rem3A_800, %ne3A_801 : i32
        %and3A_803 = arith.andi %ne3A_799, %ne3A_802 : i1
        %sub3A_804 = arith.constant 1 : i32
        %sub3A_805 = arith.subi %div3A_784, %sub3A_804 : i32
        %select_n3A_806 = arith.select %and3A_803, %sub3A_805, %div3A_784 : i32
        %mul3A_807 = arith.constant 16 : i32
        %mul3A_808 = arith.muli %select_n3A_806, %mul3A_807 : i32
        %get3A_809 = arith.index_cast %mul3A_808 : i32 to index
        %get3A_810 = tpu.vector_load %arg14[%get3A_809] {strides = array<i32>} : memref<512xi32, #tpu.memory_space<vmem>>, vector<16xi32>,
        %sub3A_811 = arith.subi %while3A_782, %mul3A_808 : i32
        %broadcast_in_dim3A_812 = arith.constant 1 : i32
        %broadcast_in_dim3A_813 = vector.broadcast %broadcast_in_dim3A_812 : i32 to vector<16xi32>
        %mul3A_814 = vector.broadcast %sub3A_811 : i32 to vector<16xi32>
        %mul3A_815 = arith.muli %broadcast_in_dim3A_813, %mul3A_814 : vector<16xi32>
        %eq3A_816 = arith.cmpi eq, %iota3A, %mul3A_815 : vector<16xi32>
        %broadcast_in_dim3A_817 = arith.constant 0 : i32
        %broadcast_in_dim3A_818 = vector.broadcast %broadcast_in_dim3A_817 : i32 to vector<16xi32>
        %select_n3A_819 = arith.select %eq3A_816, %get3A_810, %broadcast_in_dim3A_818 : vector<16xi1>, vector<16xi32>
        %reduce_sum3A_820 = arith.constant true
        %reduce_sum3A_821 = vector.broadcast %reduce_sum3A_820 : i1 to vector<16xi1>
        %reduce_sum3A_822 = tpu.scan <sum>, %select_n3A_819 masked %reduce_sum3A_821 : vector<16xi32>, vector<16xi1> -> vector<16xi32>
        %reduce_sum3A_823 = vector.extract %reduce_sum3A_822[15] : i32 from vector<16xi32>
        %broadcast_in_dim3A_824 = arith.constant 1 : i32
        %broadcast_in_dim3A_825 = vector.broadcast %broadcast_in_dim3A_824 : i32 to vector<16xi32>
        %mul3A_826 = vector.broadcast %select_n3A_633 : i32 to vector<16xi32>
        %mul3A_827 = arith.muli %broadcast_in_dim3A_825, %mul3A_826 : vector<16xi32>
        %add3A_828 = arith.constant 0 : i32
        %add3A_829 = vector.broadcast %add3A_828 : i32 to vector<16xi32>
        %add3A_830 = arith.addi %add3A_829, %iota3A : vector<16xi32>
        %broadcast_in_dim3A_831 = arith.constant 1 : i32
        %broadcast_in_dim3A_832 = vector.broadcast %broadcast_in_dim3A_831 : i32 to vector<16xi32>
        %mul3A_833 = vector.broadcast %reduce_sum3A_823 : i32 to vector<16xi32>
        %mul3A_834 = arith.muli %broadcast_in_dim3A_832, %mul3A_833 : vector<16xi32>
        %gather3A = tpu.vector_load_idx %arg18[%mul3A_827, %add3A_830, %mul3A_834] : memref<6x64x128xf32, #tpu.memory_space<vmem>>[vector<16xi32>, vector<16xi32>, vector<16xi32>], vector<16xf32>,
        %swap3A = arith.index_cast %while3A_782 : i32 to index
        %swap3A_835 = arith.constant 0 : index
        %swap3A_836 = tpu.vector_load %arg19[%swap3A, %swap3A_835] {strides = array<i32>} : memref<512x64xf32, #tpu.memory_space<vmem>>, vector<16xf32>,
        tpu.vector_store %arg19[%swap3A, %swap3A_835], %gather3A {strides = array<i32>} : memref<512x64xf32, #tpu.memory_space<vmem>>, vector<16xf32>,
        %broadcast_in_dim3A_837 = arith.constant 1 : i32
        %broadcast_in_dim3A_838 = vector.broadcast %broadcast_in_dim3A_837 : i32 to vector<16xi32>
        %mul3A_839 = vector.broadcast %select_n3A_633 : i32 to vector<16xi32>
        %mul3A_840 = arith.muli %broadcast_in_dim3A_838, %mul3A_839 : vector<16xi32>
        %add3A_841 = arith.constant 16 : i32
        %add3A_842 = vector.broadcast %add3A_841 : i32 to vector<16xi32>
        %add3A_843 = arith.addi %add3A_842, %iota3A : vector<16xi32>
        %broadcast_in_dim3A_844 = arith.constant 1 : i32
        %broadcast_in_dim3A_845 = vector.broadcast %broadcast_in_dim3A_844 : i32 to vector<16xi32>
        %mul3A_846 = vector.broadcast %reduce_sum3A_823 : i32 to vector<16xi32>
        %mul3A_847 = arith.muli %broadcast_in_dim3A_845, %mul3A_846 : vector<16xi32>
        %gather3A_848 = tpu.vector_load_idx %arg18[%mul3A_840, %add3A_843, %mul3A_847] : memref<6x64x128xf32, #tpu.memory_space<vmem>>[vector<16xi32>, vector<16xi32>, vector<16xi32>], vector<16xf32>,
        %swap3A_849 = arith.index_cast %while3A_782 : i32 to index
        %swap3A_850 = arith.constant 16 : index
        %swap3A_851 = tpu.vector_load %arg19[%swap3A_849, %swap3A_850] {strides = array<i32>} : memref<512x64xf32, #tpu.memory_space<vmem>>, vector<16xf32>,
        tpu.vector_store %arg19[%swap3A_849, %swap3A_850], %gather3A_848 {strides = array<i32>} : memref<512x64xf32, #tpu.memory_space<vmem>>, vector<16xf32>,
        %broadcast_in_dim3A_852 = arith.constant 1 : i32
        %broadcast_in_dim3A_853 = vector.broadcast %broadcast_in_dim3A_852 : i32 to vector<16xi32>
        %mul3A_854 = vector.broadcast %select_n3A_633 : i32 to vector<16xi32>
        %mul3A_855 = arith.muli %broadcast_in_dim3A_853, %mul3A_854 : vector<16xi32>
        %add3A_856 = arith.constant 32 : i32
        %add3A_857 = vector.broadcast %add3A_856 : i32 to vector<16xi32>
        %add3A_858 = arith.addi %add3A_857, %iota3A : vector<16xi32>
        %broadcast_in_dim3A_859 = arith.constant 1 : i32
        %broadcast_in_dim3A_860 = vector.broadcast %broadcast_in_dim3A_859 : i32 to vector<16xi32>
        %mul3A_861 = vector.broadcast %reduce_sum3A_823 : i32 to vector<16xi32>
        %mul3A_862 = arith.muli %broadcast_in_dim3A_860, %mul3A_861 : vector<16xi32>
        %gather3A_863 = tpu.vector_load_idx %arg18[%mul3A_855, %add3A_858, %mul3A_862] : memref<6x64x128xf32, #tpu.memory_space<vmem>>[vector<16xi32>, vector<16xi32>, vector<16xi32>], vector<16xf32>,
        %swap3A_864 = arith.index_cast %while3A_782 : i32 to index
        %swap3A_865 = arith.constant 32 : index
        %swap3A_866 = tpu.vector_load %arg19[%swap3A_864, %swap3A_865] {strides = array<i32>} : memref<512x64xf32, #tpu.memory_space<vmem>>, vector<16xf32>,
        tpu.vector_store %arg19[%swap3A_864, %swap3A_865], %gather3A_863 {strides = array<i32>} : memref<512x64xf32, #tpu.memory_space<vmem>>, vector<16xf32>,
        %broadcast_in_dim3A_867 = arith.constant 1 : i32
        %broadcast_in_dim3A_868 = vector.broadcast %broadcast_in_dim3A_867 : i32 to vector<16xi32>
        %mul3A_869 = vector.broadcast %select_n3A_633 : i32 to vector<16xi32>
        %mul3A_870 = arith.muli %broadcast_in_dim3A_868, %mul3A_869 : vector<16xi32>
        %add3A_871 = arith.constant 48 : i32
        %add3A_872 = vector.broadcast %add3A_871 : i32 to vector<16xi32>
        %add3A_873 = arith.addi %add3A_872, %iota3A : vector<16xi32>
        %broadcast_in_dim3A_874 = arith.constant 1 : i32
        %broadcast_in_dim3A_875 = vector.broadcast %broadcast_in_dim3A_874 : i32 to vector<16xi32>
        %mul3A_876 = vector.broadcast %reduce_sum3A_823 : i32 to vector<16xi32>
        %mul3A_877 = arith.muli %broadcast_in_dim3A_875, %mul3A_876 : vector<16xi32>
        %gather3A_878 = tpu.vector_load_idx %arg18[%mul3A_870, %add3A_873, %mul3A_877] : memref<6x64x128xf32, #tpu.memory_space<vmem>>[vector<16xi32>, vector<16xi32>, vector<16xi32>], vector<16xf32>,
        %swap3A_879 = arith.index_cast %while3A_782 : i32 to index
        %swap3A_880 = arith.constant 48 : index
        %swap3A_881 = tpu.vector_load %arg19[%swap3A_879, %swap3A_880] {strides = array<i32>} : memref<512x64xf32, #tpu.memory_space<vmem>>, vector<16xf32>,
        tpu.vector_store %arg19[%swap3A_879, %swap3A_880], %gather3A_878 {strides = array<i32>} : memref<512x64xf32, #tpu.memory_space<vmem>>, vector<16xf32>,
        %jit3A_882 = arith.constant 16 : i32
        %div3A_883 = arith.divsi %while3A_782, %jit3A_882 : i32
        %sign3A_884 = arith.constant 0 : i32
        %sign3A_885 = arith.cmpi sgt, %while3A_782, %sign3A_884 : i32
        %sign3A_886 = arith.extui %sign3A_885 : i1 to i32
        %sign3A_887 = arith.constant 0 : i32
        %sign3A_888 = arith.cmpi slt, %while3A_782, %sign3A_887 : i32
        %sign3A_889 = arith.extui %sign3A_888 : i1 to i32
        %sign3A_890 = arith.subi %sign3A_886, %sign3A_889 : i32
        %sign3A_891 = arith.constant 0 : i32
        %sign3A_892 = arith.cmpi sgt, %jit3A_882, %sign3A_891 : i32
        %sign3A_893 = arith.extui %sign3A_892 : i1 to i32
        %sign3A_894 = arith.constant 0 : i32
        %sign3A_895 = arith.cmpi slt, %jit3A_882, %sign3A_894 : i32
        %sign3A_896 = arith.extui %sign3A_895 : i1 to i32
        %sign3A_897 = arith.subi %sign3A_893, %sign3A_896 : i32
        %ne3A_898 = arith.cmpi ne, %sign3A_890, %sign3A_897 : i32
        %rem3A_899 = arith.remsi %while3A_782, %jit3A_882 : i32
        %ne3A_900 = arith.constant 0 : i32
        %ne3A_901 = arith.cmpi ne, %rem3A_899, %ne3A_900 : i32
        %and3A_902 = arith.andi %ne3A_898, %ne3A_901 : i1
        %sub3A_903 = arith.constant 1 : i32
        %sub3A_904 = arith.subi %div3A_883, %sub3A_903 : i32
        %select_n3A_905 = arith.select %and3A_902, %sub3A_904, %div3A_883 : i32
        %mul3A_906 = arith.constant 16 : i32
        %mul3A_907 = arith.muli %select_n3A_905, %mul3A_906 : i32
        %get3A_908 = arith.index_cast %mul3A_907 : i32 to index
        %get3A_909 = tpu.vector_load %arg17[%get3A_908] {strides = array<i32>} : memref<512xi32, #tpu.memory_space<vmem>>, vector<16xi32>,
        %sub3A_910 = arith.subi %while3A_782, %mul3A_907 : i32
        %broadcast_in_dim3A_911 = arith.constant 1 : i32
        %broadcast_in_dim3A_912 = vector.broadcast %broadcast_in_dim3A_911 : i32 to vector<16xi32>
        %mul3A_913 = vector.broadcast %sub3A_910 : i32 to vector<16xi32>
        %mul3A_914 = arith.muli %broadcast_in_dim3A_912, %mul3A_913 : vector<16xi32>
        %eq3A_915 = arith.cmpi eq, %iota3A, %mul3A_914 : vector<16xi32>
        %broadcast_in_dim3A_916 = arith.constant 0 : i32
        %broadcast_in_dim3A_917 = vector.broadcast %broadcast_in_dim3A_916 : i32 to vector<16xi32>
        %select_n3A_918 = arith.select %eq3A_915, %get3A_909, %broadcast_in_dim3A_917 : vector<16xi1>, vector<16xi32>
        %reduce_sum3A_919 = arith.constant true
        %reduce_sum3A_920 = vector.broadcast %reduce_sum3A_919 : i1 to vector<16xi1>
        %reduce_sum3A_921 = tpu.scan <sum>, %select_n3A_918 masked %reduce_sum3A_920 : vector<16xi32>, vector<16xi1> -> vector<16xi32>
        %reduce_sum3A_922 = vector.extract %reduce_sum3A_921[15] : i32 from vector<16xi32>
        %dma_start3A_923 = arith.constant 0 : i32
        %dma_start3A_924 = tpu.memref_slice %arg19[%while3A_782, %dma_start3A_923] : memref<512x64xf32, #tpu.memory_space<vmem>> -> memref<1x64xf32, #tpu.memory_space<vmem>>
        %dma_start3A_925 = tpu.memref_squeeze %dma_start3A_924 : memref<1x64xf32, #tpu.memory_space<vmem>> -> memref<64xf32, #tpu.memory_space<vmem>>
        %dma_start3A_926 = arith.constant 0 : i32
        %dma_start3A_927 = tpu.memref_slice %arg12[%reduce_sum3A_922, %dma_start3A_926] : memref<16384x64xf32, #tpu.memory_space<hbm>> -> memref<1x64xf32, #tpu.memory_space<hbm>>
        %dma_start3A_928 = tpu.memref_squeeze %dma_start3A_927 : memref<1x64xf32, #tpu.memory_space<hbm>> -> memref<64xf32, #tpu.memory_space<hbm>>
        %dma_start3A_929 = arith.constant 0 : i32
        %dma_start3A_930 = tpu.memref_slice %arg12[%reduce_sum3A_922, %dma_start3A_929] : memref<16384x64xf32, #tpu.memory_space<hbm>> -> memref<1x64xf32, #tpu.memory_space<hbm>>
        %dma_start3A_931 = tpu.memref_squeeze %dma_start3A_930 : memref<1x64xf32, #tpu.memory_space<hbm>> -> memref<64xf32, #tpu.memory_space<hbm>>
        %dma_start3A_932 = arith.constant 0 : i32
        %dma_start3A_933 = tpu.memref_slice %arg19[%while3A_782, %dma_start3A_932] : memref<512x64xf32, #tpu.memory_space<vmem>> -> memref<1x64xf32, #tpu.memory_space<vmem>>
        %dma_start3A_934 = tpu.memref_squeeze %dma_start3A_933 : memref<1x64xf32, #tpu.memory_space<vmem>> -> memref<64xf32, #tpu.memory_space<vmem>>
        tpu.enqueue_dma source(%dma_start3A_934 : memref<64xf32, #tpu.memory_space<vmem>>) target(%dma_start3A_931 : memref<64xf32, #tpu.memory_space<hbm>>) target_semaphore(%arg21 : memref<!tpu.dma_semaphore, #tpu.memory_space<semaphore_mem>>)
      }
      %while3A_723 = arith.constant 1 : i32
      scf.for %while3A_782 = %while3A_721 to %while3A_717 step %while3A_723  : i32 {
        %jit3A_783 = arith.constant 16 : i32
        %div3A_784 = arith.divsi %while3A_782, %jit3A_783 : i32
        %sign3A_785 = arith.constant 0 : i32
        %sign3A_786 = arith.cmpi sgt, %while3A_782, %sign3A_785 : i32
        %sign3A_787 = arith.extui %sign3A_786 : i1 to i32
        %sign3A_788 = arith.constant 0 : i32
        %sign3A_789 = arith.cmpi slt, %while3A_782, %sign3A_788 : i32
        %sign3A_790 = arith.extui %sign3A_789 : i1 to i32
        %sign3A_791 = arith.subi %sign3A_787, %sign3A_790 : i32
        %sign3A_792 = arith.constant 0 : i32
        %sign3A_793 = arith.cmpi sgt, %jit3A_783, %sign3A_792 : i32
        %sign3A_794 = arith.extui %sign3A_793 : i1 to i32
        %sign3A_795 = arith.constant 0 : i32
        %sign3A_796 = arith.cmpi slt, %jit3A_783, %sign3A_795 : i32
        %sign3A_797 = arith.extui %sign3A_796 : i1 to i32
        %sign3A_798 = arith.subi %sign3A_794, %sign3A_797 : i32
        %ne3A_799 = arith.cmpi ne, %sign3A_791, %sign3A_798 : i32
        %rem3A_800 = arith.remsi %while3A_782, %jit3A_783 : i32
        %ne3A_801 = arith.constant 0 : i32
        %ne3A_802 = arith.cmpi ne, %rem3A_800, %ne3A_801 : i32
        %and3A_803 = arith.andi %ne3A_799, %ne3A_802 : i1
        %sub3A_804 = arith.constant 1 : i32
        %sub3A_805 = arith.subi %div3A_784, %sub3A_804 : i32
        %select_n3A_806 = arith.select %and3A_803, %sub3A_805, %div3A_784 : i32
        %mul3A_807 = arith.constant 16 : i32
        %mul3A_808 = arith.muli %select_n3A_806, %mul3A_807 : i32
        %get3A_809 = arith.index_cast %mul3A_808 : i32 to index
        %get3A_810 = tpu.vector_load %arg14[%get3A_809] {strides = array<i32>} : memref<512xi32, #tpu.memory_space<vmem>>, vector<16xi32>,
        %sub3A_811 = arith.subi %while3A_782, %mul3A_808 : i32
        %broadcast_in_dim3A_812 = arith.constant 1 : i32
        %broadcast_in_dim3A_813 = vector.broadcast %broadcast_in_dim3A_812 : i32 to vector<16xi32>
        %mul3A_814 = vector.broadcast %sub3A_811 : i32 to vector<16xi32>
        %mul3A_815 = arith.muli %broadcast_in_dim3A_813, %mul3A_814 : vector<16xi32>
        %eq3A_816 = arith.cmpi eq, %iota3A, %mul3A_815 : vector<16xi32>
        %broadcast_in_dim3A_817 = arith.constant 0 : i32
        %broadcast_in_dim3A_818 = vector.broadcast %broadcast_in_dim3A_817 : i32 to vector<16xi32>
        %select_n3A_819 = arith.select %eq3A_816, %get3A_810, %broadcast_in_dim3A_818 : vector<16xi1>, vector<16xi32>
        %reduce_sum3A_820 = arith.constant true
        %reduce_sum3A_821 = vector.broadcast %reduce_sum3A_820 : i1 to vector<16xi1>
        %reduce_sum3A_822 = tpu.scan <sum>, %select_n3A_819 masked %reduce_sum3A_821 : vector<16xi32>, vector<16xi1> -> vector<16xi32>
        %reduce_sum3A_823 = vector.extract %reduce_sum3A_822[15] : i32 from vector<16xi32>
        %broadcast_in_dim3A_824 = arith.constant 1 : i32
        %broadcast_in_dim3A_825 = vector.broadcast %broadcast_in_dim3A_824 : i32 to vector<16xi32>
        %mul3A_826 = vector.broadcast %select_n3A_633 : i32 to vector<16xi32>
        %mul3A_827 = arith.muli %broadcast_in_dim3A_825, %mul3A_826 : vector<16xi32>
        %add3A_828 = arith.constant 0 : i32
        %add3A_829 = vector.broadcast %add3A_828 : i32 to vector<16xi32>
        %add3A_830 = arith.addi %add3A_829, %iota3A : vector<16xi32>
        %broadcast_in_dim3A_831 = arith.constant 1 : i32
        %broadcast_in_dim3A_832 = vector.broadcast %broadcast_in_dim3A_831 : i32 to vector<16xi32>
        %mul3A_833 = vector.broadcast %reduce_sum3A_823 : i32 to vector<16xi32>
        %mul3A_834 = arith.muli %broadcast_in_dim3A_832, %mul3A_833 : vector<16xi32>
        %gather3A = tpu.vector_load_idx %arg18[%mul3A_827, %add3A_830, %mul3A_834] : memref<6x64x128xf32, #tpu.memory_space<vmem>>[vector<16xi32>, vector<16xi32>, vector<16xi32>], vector<16xf32>,
        %swap3A = arith.index_cast %while3A_782 : i32 to index
        %swap3A_835 = arith.constant 0 : index
        %swap3A_836 = tpu.vector_load %arg19[%swap3A, %swap3A_835] {strides = array<i32>} : memref<512x64xf32, #tpu.memory_space<vmem>>, vector<16xf32>,
        tpu.vector_store %arg19[%swap3A, %swap3A_835], %gather3A {strides = array<i32>} : memref<512x64xf32, #tpu.memory_space<vmem>>, vector<16xf32>,
        %broadcast_in_dim3A_837 = arith.constant 1 : i32
        %broadcast_in_dim3A_838 = vector.broadcast %broadcast_in_dim3A_837 : i32 to vector<16xi32>
        %mul3A_839 = vector.broadcast %select_n3A_633 : i32 to vector<16xi32>
        %mul3A_840 = arith.muli %broadcast_in_dim3A_838, %mul3A_839 : vector<16xi32>
        %add3A_841 = arith.constant 16 : i32
        %add3A_842 = vector.broadcast %add3A_841 : i32 to vector<16xi32>
        %add3A_843 = arith.addi %add3A_842, %iota3A : vector<16xi32>
        %broadcast_in_dim3A_844 = arith.constant 1 : i32
        %broadcast_in_dim3A_845 = vector.broadcast %broadcast_in_dim3A_844 : i32 to vector<16xi32>
        %mul3A_846 = vector.broadcast %reduce_sum3A_823 : i32 to vector<16xi32>
        %mul3A_847 = arith.muli %broadcast_in_dim3A_845, %mul3A_846 : vector<16xi32>
        %gather3A_848 = tpu.vector_load_idx %arg18[%mul3A_840, %add3A_843, %mul3A_847] : memref<6x64x128xf32, #tpu.memory_space<vmem>>[vector<16xi32>, vector<16xi32>, vector<16xi32>], vector<16xf32>,
        %swap3A_849 = arith.index_cast %while3A_782 : i32 to index
        %swap3A_850 = arith.constant 16 : index
        %swap3A_851 = tpu.vector_load %arg19[%swap3A_849, %swap3A_850] {strides = array<i32>} : memref<512x64xf32, #tpu.memory_space<vmem>>, vector<16xf32>,
        tpu.vector_store %arg19[%swap3A_849, %swap3A_850], %gather3A_848 {strides = array<i32>} : memref<512x64xf32, #tpu.memory_space<vmem>>, vector<16xf32>,
        %broadcast_in_dim3A_852 = arith.constant 1 : i32
        %broadcast_in_dim3A_853 = vector.broadcast %broadcast_in_dim3A_852 : i32 to vector<16xi32>
        %mul3A_854 = vector.broadcast %select_n3A_633 : i32 to vector<16xi32>
        %mul3A_855 = arith.muli %broadcast_in_dim3A_853, %mul3A_854 : vector<16xi32>
        %add3A_856 = arith.constant 32 : i32
        %add3A_857 = vector.broadcast %add3A_856 : i32 to vector<16xi32>
        %add3A_858 = arith.addi %add3A_857, %iota3A : vector<16xi32>
        %broadcast_in_dim3A_859 = arith.constant 1 : i32
        %broadcast_in_dim3A_860 = vector.broadcast %broadcast_in_dim3A_859 : i32 to vector<16xi32>
        %mul3A_861 = vector.broadcast %reduce_sum3A_823 : i32 to vector<16xi32>
        %mul3A_862 = arith.muli %broadcast_in_dim3A_860, %mul3A_861 : vector<16xi32>
        %gather3A_863 = tpu.vector_load_idx %arg18[%mul3A_855, %add3A_858, %mul3A_862] : memref<6x64x128xf32, #tpu.memory_space<vmem>>[vector<16xi32>, vector<16xi32>, vector<16xi32>], vector<16xf32>,
        %swap3A_864 = arith.index_cast %while3A_782 : i32 to index
        %swap3A_865 = arith.constant 32 : index
        %swap3A_866 = tpu.vector_load %arg19[%swap3A_864, %swap3A_865] {strides = array<i32>} : memref<512x64xf32, #tpu.memory_space<vmem>>, vector<16xf32>,
        tpu.vector_store %arg19[%swap3A_864, %swap3A_865], %gather3A_863 {strides = array<i32>} : memref<512x64xf32, #tpu.memory_space<vmem>>, vector<16xf32>,
        %broadcast_in_dim3A_867 = arith.constant 1 : i32
        %broadcast_in_dim3A_868 = vector.broadcast %broadcast_in_dim3A_867 : i32 to vector<16xi32>
        %mul3A_869 = vector.broadcast %select_n3A_633 : i32 to vector<16xi32>
        %mul3A_870 = arith.muli %broadcast_in_dim3A_868, %mul3A_869 : vector<16xi32>
        %add3A_871 = arith.constant 48 : i32
        %add3A_872 = vector.broadcast %add3A_871 : i32 to vector<16xi32>
        %add3A_873 = arith.addi %add3A_872, %iota3A : vector<16xi32>
        %broadcast_in_dim3A_874 = arith.constant 1 : i32
        %broadcast_in_dim3A_875 = vector.broadcast %broadcast_in_dim3A_874 : i32 to vector<16xi32>
        %mul3A_876 = vector.broadcast %reduce_sum3A_823 : i32 to vector<16xi32>
        %mul3A_877 = arith.muli %broadcast_in_dim3A_875, %mul3A_876 : vector<16xi32>
        %gather3A_878 = tpu.vector_load_idx %arg18[%mul3A_870, %add3A_873, %mul3A_877] : memref<6x64x128xf32, #tpu.memory_space<vmem>>[vector<16xi32>, vector<16xi32>, vector<16xi32>], vector<16xf32>,
        %swap3A_879 = arith.index_cast %while3A_782 : i32 to index
        %swap3A_880 = arith.constant 48 : index
        %swap3A_881 = tpu.vector_load %arg19[%swap3A_879, %swap3A_880] {strides = array<i32>} : memref<512x64xf32, #tpu.memory_space<vmem>>, vector<16xf32>,
        tpu.vector_store %arg19[%swap3A_879, %swap3A_880], %gather3A_878 {strides = array<i32>} : memref<512x64xf32, #tpu.memory_space<vmem>>, vector<16xf32>,
        %jit3A_882 = arith.constant 16 : i32
        %div3A_883 = arith.divsi %while3A_782, %jit3A_882 : i32
        %sign3A_884 = arith.constant 0 : i32
        %sign3A_885 = arith.cmpi sgt, %while3A_782, %sign3A_884 : i32
        %sign3A_886 = arith.extui %sign3A_885 : i1 to i32
        %sign3A_887 = arith.constant 0 : i32
        %sign3A_888 = arith.cmpi slt, %while3A_782, %sign3A_887 : i32
        %sign3A_889 = arith.extui %sign3A_888 : i1 to i32
        %sign3A_890 = arith.subi %sign3A_886, %sign3A_889 : i32
        %sign3A_891 = arith.constant 0 : i32
        %sign3A_892 = arith.cmpi sgt, %jit3A_882, %sign3A_891 : i32
        %sign3A_893 = arith.extui %sign3A_892 : i1 to i32
        %sign3A_894 = arith.constant 0 : i32
        %sign3A_895 = arith.cmpi slt, %jit3A_882, %sign3A_894 : i32
        %sign3A_896 = arith.extui %sign3A_895 : i1 to i32
        %sign3A_897 = arith.subi %sign3A_893, %sign3A_896 : i32
        %ne3A_898 = arith.cmpi ne, %sign3A_890, %sign3A_897 : i32
        %rem3A_899 = arith.remsi %while3A_782, %jit3A_882 : i32
        %ne3A_900 = arith.constant 0 : i32
        %ne3A_901 = arith.cmpi ne, %rem3A_899, %ne3A_900 : i32
        %and3A_902 = arith.andi %ne3A_898, %ne3A_901 : i1
        %sub3A_903 = arith.constant 1 : i32
        %sub3A_904 = arith.subi %div3A_883, %sub3A_903 : i32
        %select_n3A_905 = arith.select %and3A_902, %sub3A_904, %div3A_883 : i32
        %mul3A_906 = arith.constant 16 : i32
        %mul3A_907 = arith.muli %select_n3A_905, %mul3A_906 : i32
        %get3A_908 = arith.index_cast %mul3A_907 : i32 to index
        %get3A_909 = tpu.vector_load %arg17[%get3A_908] {strides = array<i32>} : memref<512xi32, #tpu.memory_space<vmem>>, vector<16xi32>,
        %sub3A_910 = arith.subi %while3A_782, %mul3A_907 : i32
        %broadcast_in_dim3A_911 = arith.constant 1 : i32
        %broadcast_in_dim3A_912 = vector.broadcast %broadcast_in_dim3A_911 : i32 to vector<16xi32>
        %mul3A_913 = vector.broadcast %sub3A_910 : i32 to vector<16xi32>
        %mul3A_914 = arith.muli %broadcast_in_dim3A_912, %mul3A_913 : vector<16xi32>
        %eq3A_915 = arith.cmpi eq, %iota3A, %mul3A_914 : vector<16xi32>
        %broadcast_in_dim3A_916 = arith.constant 0 : i32
        %broadcast_in_dim3A_917 = vector.broadcast %broadcast_in_dim3A_916 : i32 to vector<16xi32>
        %select_n3A_918 = arith.select %eq3A_915, %get3A_909, %broadcast_in_dim3A_917 : vector<16xi1>, vector<16xi32>
        %reduce_sum3A_919 = arith.constant true
        %reduce_sum3A_920 = vector.broadcast %reduce_sum3A_919 : i1 to vector<16xi1>
        %reduce_sum3A_921 = tpu.scan <sum>, %select_n3A_918 masked %reduce_sum3A_920 : vector<16xi32>, vector<16xi1> -> vector<16xi32>
        %reduce_sum3A_922 = vector.extract %reduce_sum3A_921[15] : i32 from vector<16xi32>
        %dma_start3A_923 = arith.constant 0 : i32
        %dma_start3A_924 = tpu.memref_slice %arg19[%while3A_782, %dma_start3A_923] : memref<512x64xf32, #tpu.memory_space<vmem>> -> memref<1x64xf32, #tpu.memory_space<vmem>>
        %dma_start3A_925 = tpu.memref_squeeze %dma_start3A_924 : memref<1x64xf32, #tpu.memory_space<vmem>> -> memref<64xf32, #tpu.memory_space<vmem>>
        %dma_start3A_926 = arith.constant 0 : i32
        %dma_start3A_927 = tpu.memref_slice %arg12[%reduce_sum3A_922, %dma_start3A_926] : memref<16384x64xf32, #tpu.memory_space<hbm>> -> memref<1x64xf32, #tpu.memory_space<hbm>>
        %dma_start3A_928 = tpu.memref_squeeze %dma_start3A_927 : memref<1x64xf32, #tpu.memory_space<hbm>> -> memref<64xf32, #tpu.memory_space<hbm>>
        %dma_start3A_929 = arith.constant 0 : i32
        %dma_start3A_930 = tpu.memref_slice %arg12[%reduce_sum3A_922, %dma_start3A_929] : memref<16384x64xf32, #tpu.memory_space<hbm>> -> memref<1x64xf32, #tpu.memory_space<hbm>>
        %dma_start3A_931 = tpu.memref_squeeze %dma_start3A_930 : memref<1x64xf32, #tpu.memory_space<hbm>> -> memref<64xf32, #tpu.memory_space<hbm>>
        %dma_start3A_932 = arith.constant 0 : i32
        %dma_start3A_933 = tpu.memref_slice %arg19[%while3A_782, %dma_start3A_932] : memref<512x64xf32, #tpu.memory_space<vmem>> -> memref<1x64xf32, #tpu.memory_space<vmem>>
        %dma_start3A_934 = tpu.memref_squeeze %dma_start3A_933 : memref<1x64xf32, #tpu.memory_space<vmem>> -> memref<64xf32, #tpu.memory_space<vmem>>
        tpu.enqueue_dma source(%dma_start3A_934 : memref<64xf32, #tpu.memory_space<vmem>>) target(%dma_start3A_931 : memref<64xf32, #tpu.memory_space<hbm>>) target_semaphore(%arg21 : memref<!tpu.dma_semaphore, #tpu.memory_space<semaphore_mem>>)
      }
      %add3A_724 = arith.constant 6 : i32
      %add3A_725 = arith.addi %while3A_607, %add3A_724 : i32
      %jit3A_726 = arith.constant 16 : i32
      %div3A_727 = arith.divsi %add3A_725, %jit3A_726 : i32
      %sign3A_728 = arith.constant 0 : i32
      %sign3A_729 = arith.cmpi sgt, %add3A_725, %sign3A_728 : i32
      %sign3A_730 = arith.extui %sign3A_729 : i1 to i32
      %sign3A_731 = arith.constant 0 : i32
      %sign3A_732 = arith.cmpi slt, %add3A_725, %sign3A_731 : i32
      %sign3A_733 = arith.extui %sign3A_732 : i1 to i32
      %sign3A_734 = arith.subi %sign3A_730, %sign3A_733 : i32
      %sign3A_735 = arith.constant 0 : i32
      %sign3A_736 = arith.cmpi sgt, %jit3A_726, %sign3A_735 : i32
      %sign3A_737 = arith.extui %sign3A_736 : i1 to i32
      %sign3A_738 = arith.constant 0 : i32
      %sign3A_739 = arith.cmpi slt, %jit3A_726, %sign3A_738 : i32
      %sign3A_740 = arith.extui %sign3A_739 : i1 to i32
      %sign3A_741 = arith.subi %sign3A_737, %sign3A_740 : i32
      %ne3A_742 = arith.cmpi ne, %sign3A_734, %sign3A_741 : i32
      %rem3A_743 = arith.remsi %add3A_725, %jit3A_726 : i32
      %ne3A_744 = arith.constant 0 : i32
      %ne3A_745 = arith.cmpi ne, %rem3A_743, %ne3A_744 : i32
      %and3A_746 = arith.andi %ne3A_742, %ne3A_745 : i1
      %sub3A_747 = arith.constant 1 : i32
      %sub3A_748 = arith.subi %div3A_727, %sub3A_747 : i32
      %select_n3A_749 = arith.select %and3A_746, %sub3A_748, %div3A_727 : i32
      %mul3A_750 = arith.constant 16 : i32
      %mul3A_751 = arith.muli %select_n3A_749, %mul3A_750 : i32
      %get3A_752 = arith.index_cast %mul3A_751 : i32 to index
      %get3A_753 = tpu.vector_load %arg15[%get3A_752] {strides = array<i32>} : memref<528xi32, #tpu.memory_space<vmem>>, vector<16xi32>,
      %sub3A_754 = arith.subi %add3A_725, %mul3A_751 : i32
      %broadcast_in_dim3A_755 = arith.constant 1 : i32
      %broadcast_in_dim3A_756 = vector.broadcast %broadcast_in_dim3A_755 : i32 to vector<16xi32>
      %mul3A_757 = vector.broadcast %sub3A_754 : i32 to vector<16xi32>
      %mul3A_758 = arith.muli %broadcast_in_dim3A_756, %mul3A_757 : vector<16xi32>
      %eq3A_759 = arith.cmpi eq, %iota3A, %mul3A_758 : vector<16xi32>
      %broadcast_in_dim3A_760 = arith.constant 0 : i32
      %broadcast_in_dim3A_761 = vector.broadcast %broadcast_in_dim3A_760 : i32 to vector<16xi32>
      %select_n3A_762 = arith.select %eq3A_759, %get3A_753, %broadcast_in_dim3A_761 : vector<16xi1>, vector<16xi32>
      %reduce_sum3A_763 = arith.constant true
      %reduce_sum3A_764 = vector.broadcast %reduce_sum3A_763 : i1 to vector<16xi1>
      %reduce_sum3A_765 = tpu.scan <sum>, %select_n3A_762 masked %reduce_sum3A_764 : vector<16xi32>, vector<16xi1> -> vector<16xi32>
      %reduce_sum3A_766 = vector.extract %reduce_sum3A_765[15] : i32 from vector<16xi32>
      %mul3A_767 = arith.constant 128 : i32
      %mul3A_768 = arith.muli %reduce_sum3A_766, %mul3A_767 : i32
      %multiple_of3A_769 = tpu.assume_multiple %mul3A_768, 128 : i32
      %dma_start3A_770 = arith.constant 0 : i32
      %dma_start3A_771 = arith.constant 0 : i32
      %dma_start3A_772 = tpu.memref_slice %arg18[%select_n3A_633, %dma_start3A_770, %dma_start3A_771] : memref<6x64x128xf32, #tpu.memory_space<vmem>> -> memref<1x64x128xf32, #tpu.memory_space<vmem>>
      %dma_start3A_773 = tpu.memref_squeeze %dma_start3A_772 : memref<1x64x128xf32, #tpu.memory_space<vmem>> -> memref<64x128xf32, #tpu.memory_space<vmem>>
      %dma_start3A_774 = arith.constant 0 : i32
      %dma_start3A_775 = tpu.memref_slice %arg10[%dma_start3A_774, %multiple_of3A_769] : memref<64x1000000xf32, #tpu.memory_space<hbm>> -> memref<64x128xf32, #tpu.memory_space<hbm>>
      %dma_start3A_776 = arith.constant 0 : i32
      %dma_start3A_777 = arith.constant 0 : i32
      %dma_start3A_778 = tpu.memref_slice %arg18[%select_n3A_633, %dma_start3A_776, %dma_start3A_777] : memref<6x64x128xf32, #tpu.memory_space<vmem>> -> memref<1x64x128xf32, #tpu.memory_space<vmem>>
      %dma_start3A_779 = tpu.memref_squeeze %dma_start3A_778 : memref<1x64x128xf32, #tpu.memory_space<vmem>> -> memref<64x128xf32, #tpu.memory_space<vmem>>
      %dma_start3A_780 = arith.constant 0 : i32
      %dma_start3A_781 = tpu.memref_slice %arg10[%dma_start3A_780, %multiple_of3A_769] : memref<64x1000000xf32, #tpu.memory_space<hbm>> -> memref<64x128xf32, #tpu.memory_space<hbm>>
      tpu.enqueue_dma source(%dma_start3A_781 : memref<64x128xf32, #tpu.memory_space<hbm>>) target(%dma_start3A_779 : memref<64x128xf32, #tpu.memory_space<vmem>>) target_semaphore(%arg20 : memref<!tpu.dma_semaphore, #tpu.memory_space<semaphore_mem>>)
    }
    %while3A_205 = arith.constant 1 : i32
    scf.for %while3A_607 = %while3A_203 to %while3A_199 step %while3A_205  : i32 {
      %dma_wait3A_608 = arith.constant 0 : i32
      %dma_wait3A_609 = arith.constant 0 : i32
      %dma_wait3A_610 = arith.constant 0 : i32
      %dma_wait3A_611 = tpu.memref_slice %arg18[%dma_wait3A_608, %dma_wait3A_609, %dma_wait3A_610] : memref<6x64x128xf32, #tpu.memory_space<vmem>> -> memref<1x64x128xf32, #tpu.memory_space<vmem>>
      %dma_wait3A_612 = tpu.memref_squeeze %dma_wait3A_611 : memref<1x64x128xf32, #tpu.memory_space<vmem>> -> memref<64x128xf32, #tpu.memory_space<vmem>>
      %dma_wait3A_613 = arith.constant 0 : i32
      %dma_wait3A_614 = arith.constant 0 : i32
      %dma_wait3A_615 = tpu.memref_slice %arg10[%dma_wait3A_613, %dma_wait3A_614] : memref<64x1000000xf32, #tpu.memory_space<hbm>> -> memref<64x128xf32, #tpu.memory_space<hbm>>
      %dma_wait3A_616 = arith.constant 0 : i32
      %dma_wait3A_617 = arith.constant 0 : i32
      %dma_wait3A_618 = tpu.memref_slice %arg18[%dma_wait3A_608, %dma_wait3A_616, %dma_wait3A_617] : memref<6x64x128xf32, #tpu.memory_space<vmem>> -> memref<1x64x128xf32, #tpu.memory_space<vmem>>
      %dma_wait3A_619 = tpu.memref_squeeze %dma_wait3A_618 : memref<1x64x128xf32, #tpu.memory_space<vmem>> -> memref<64x128xf32, #tpu.memory_space<vmem>>
      %dma_wait3A_620 = arith.constant 0 : i32
      %dma_wait3A_621 = arith.constant 0 : i32
      %dma_wait3A_622 = tpu.memref_slice %arg10[%dma_wait3A_620, %dma_wait3A_621] : memref<64x1000000xf32, #tpu.memory_space<hbm>> -> memref<64x128xf32, #tpu.memory_space<hbm>>
      tpu.wait_dma2 semaphore(%arg20 : memref<!tpu.dma_semaphore, #tpu.memory_space<semaphore_mem>>) src(%dma_wait3A_622 : memref<64x128xf32, #tpu.memory_space<hbm>>) dst(%dma_wait3A_619 : memref<64x128xf32, #tpu.memory_space<vmem>>)
      %jit3A = arith.constant 6 : i32
      %eq3A_623 = arith.constant 0 : i32
      %eq3A_624 = arith.cmpi eq, %jit3A, %eq3A_623 : i32
      %jit3A_625 = arith.constant 1 : i32
      %select_n3A_626 = arith.select %eq3A_624, %jit3A_625, %jit3A : i32
      %rem3A = arith.remsi %while3A_607, %select_n3A_626 : i32
      %ne3A = arith.constant 0 : i32
      %ne3A_627 = arith.cmpi ne, %rem3A, %ne3A : i32
      %lt3A = arith.constant 0 : i32
      %lt3A_628 = arith.cmpi slt, %rem3A, %lt3A : i32
      %lt3A_629 = arith.constant 0 : i32
      %lt3A_630 = arith.cmpi slt, %select_n3A_626, %lt3A_629 : i32
      %ne3A_631 = arith.xori %lt3A_628, %lt3A_630 : i1
      %and3A = arith.andi %ne3A_631, %ne3A_627 : i1
      %add3A_632 = arith.addi %rem3A, %select_n3A_626 : i32
      %select_n3A_633 = arith.select %and3A, %add3A_632, %rem3A : i32
      %jit3A_634 = arith.constant 16 : i32
      %div3A = arith.divsi %while3A_607, %jit3A_634 : i32
      %sign3A = arith.constant 0 : i32
      %sign3A_635 = arith.cmpi sgt, %while3A_607, %sign3A : i32
      %sign3A_636 = arith.extui %sign3A_635 : i1 to i32
      %sign3A_637 = arith.constant 0 : i32
      %sign3A_638 = arith.cmpi slt, %while3A_607, %sign3A_637 : i32
      %sign3A_639 = arith.extui %sign3A_638 : i1 to i32
      %sign3A_640 = arith.subi %sign3A_636, %sign3A_639 : i32
      %sign3A_641 = arith.constant 0 : i32
      %sign3A_642 = arith.cmpi sgt, %jit3A_634, %sign3A_641 : i32
      %sign3A_643 = arith.extui %sign3A_642 : i1 to i32
      %sign3A_644 = arith.constant 0 : i32
      %sign3A_645 = arith.cmpi slt, %jit3A_634, %sign3A_644 : i32
      %sign3A_646 = arith.extui %sign3A_645 : i1 to i32
      %sign3A_647 = arith.subi %sign3A_643, %sign3A_646 : i32
      %ne3A_648 = arith.cmpi ne, %sign3A_640, %sign3A_647 : i32
      %rem3A_649 = arith.remsi %while3A_607, %jit3A_634 : i32
      %ne3A_650 = arith.constant 0 : i32
      %ne3A_651 = arith.cmpi ne, %rem3A_649, %ne3A_650 : i32
      %and3A_652 = arith.andi %ne3A_648, %ne3A_651 : i1
      %sub3A = arith.constant 1 : i32
      %sub3A_653 = arith.subi %div3A, %sub3A : i32
      %select_n3A_654 = arith.select %and3A_652, %sub3A_653, %div3A : i32
      %mul3A_655 = arith.constant 16 : i32
      %mul3A_656 = arith.muli %select_n3A_654, %mul3A_655 : i32
      %get3A_657 = arith.index_cast %mul3A_656 : i32 to index
      %get3A_658 = tpu.vector_load %arg16[%get3A_657] {strides = array<i32>} : memref<528xi32, #tpu.memory_space<vmem>>, vector<16xi32>,
      %sub3A_659 = arith.subi %while3A_607, %mul3A_656 : i32
      %broadcast_in_dim3A_660 = arith.constant 1 : i32
      %broadcast_in_dim3A_661 = vector.broadcast %broadcast_in_dim3A_660 : i32 to vector<16xi32>
      %mul3A_662 = vector.broadcast %sub3A_659 : i32 to vector<16xi32>
      %mul3A_663 = arith.muli %broadcast_in_dim3A_661, %mul3A_662 : vector<16xi32>
      %eq3A_664 = arith.cmpi eq, %iota3A, %mul3A_663 : vector<16xi32>
      %broadcast_in_dim3A_665 = arith.constant 0 : i32
      %broadcast_in_dim3A_666 = vector.broadcast %broadcast_in_dim3A_665 : i32 to vector<16xi32>
      %select_n3A_667 = arith.select %eq3A_664, %get3A_658, %broadcast_in_dim3A_666 : vector<16xi1>, vector<16xi32>
      %reduce_sum3A_668 = arith.constant true
      %reduce_sum3A_669 = vector.broadcast %reduce_sum3A_668 : i1 to vector<16xi1>
      %reduce_sum3A_670 = tpu.scan <sum>, %select_n3A_667 masked %reduce_sum3A_669 : vector<16xi32>, vector<16xi1> -> vector<16xi32>
      %reduce_sum3A_671 = vector.extract %reduce_sum3A_670[15] : i32 from vector<16xi32>
      %add3A_672 = arith.constant 1 : i32
      %add3A_673 = arith.addi %while3A_607, %add3A_672 : i32
      %jit3A_674 = arith.constant 16 : i32
      %div3A_675 = arith.divsi %add3A_673, %jit3A_674 : i32
      %sign3A_676 = arith.constant 0 : i32
      %sign3A_677 = arith.cmpi sgt, %add3A_673, %sign3A_676 : i32
      %sign3A_678 = arith.extui %sign3A_677 : i1 to i32
      %sign3A_679 = arith.constant 0 : i32
      %sign3A_680 = arith.cmpi slt, %add3A_673, %sign3A_679 : i32
      %sign3A_681 = arith.extui %sign3A_680 : i1 to i32
      %sign3A_682 = arith.subi %sign3A_678, %sign3A_681 : i32
      %sign3A_683 = arith.constant 0 : i32
      %sign3A_684 = arith.cmpi sgt, %jit3A_674, %sign3A_683 : i32
      %sign3A_685 = arith.extui %sign3A_684 : i1 to i32
      %sign3A_686 = arith.constant 0 : i32
      %sign3A_687 = arith.cmpi slt, %jit3A_674, %sign3A_686 : i32
      %sign3A_688 = arith.extui %sign3A_687 : i1 to i32
      %sign3A_689 = arith.subi %sign3A_685, %sign3A_688 : i32
      %ne3A_690 = arith.cmpi ne, %sign3A_682, %sign3A_689 : i32
      %rem3A_691 = arith.remsi %add3A_673, %jit3A_674 : i32
      %ne3A_692 = arith.constant 0 : i32
      %ne3A_693 = arith.cmpi ne, %rem3A_691, %ne3A_692 : i32
      %and3A_694 = arith.andi %ne3A_690, %ne3A_693 : i1
      %sub3A_695 = arith.constant 1 : i32
      %sub3A_696 = arith.subi %div3A_675, %sub3A_695 : i32
      %select_n3A_697 = arith.select %and3A_694, %sub3A_696, %div3A_675 : i32
      %mul3A_698 = arith.constant 16 : i32
      %mul3A_699 = arith.muli %select_n3A_697, %mul3A_698 : i32
      %get3A_700 = arith.index_cast %mul3A_699 : i32 to index
      %get3A_701 = tpu.vector_load %arg16[%get3A_700] {strides = array<i32>} : memref<528xi32, #tpu.memory_space<vmem>>, vector<16xi32>,
      %sub3A_702 = arith.subi %add3A_673, %mul3A_699 : i32
      %broadcast_in_dim3A_703 = arith.constant 1 : i32
      %broadcast_in_dim3A_704 = vector.broadcast %broadcast_in_dim3A_703 : i32 to vector<16xi32>
      %mul3A_705 = vector.broadcast %sub3A_702 : i32 to vector<16xi32>
      %mul3A_706 = arith.muli %broadcast_in_dim3A_704, %mul3A_705 : vector<16xi32>
      %eq3A_707 = arith.cmpi eq, %iota3A, %mul3A_706 : vector<16xi32>
      %broadcast_in_dim3A_708 = arith.constant 0 : i32
      %broadcast_in_dim3A_709 = vector.broadcast %broadcast_in_dim3A_708 : i32 to vector<16xi32>
      %select_n3A_710 = arith.select %eq3A_707, %get3A_701, %broadcast_in_dim3A_709 : vector<16xi1>, vector<16xi32>
      %reduce_sum3A_711 = arith.constant true
      %reduce_sum3A_712 = vector.broadcast %reduce_sum3A_711 : i1 to vector<16xi1>
      %reduce_sum3A_713 = tpu.scan <sum>, %select_n3A_710 masked %reduce_sum3A_712 : vector<16xi32>, vector<16xi1> -> vector<16xi32>
      %reduce_sum3A_714 = vector.extract %reduce_sum3A_713[15] : i32 from vector<16xi32>
      %while3A_715 = arith.constant 0 : i32
      %while3A_716 = arith.subi %reduce_sum3A_714, %reduce_sum3A_671 : i32
      %while3A_717 = arith.addi %reduce_sum3A_671, %while3A_716 : i32
      %while3A_718 = arith.constant 1 : i32
      %while3A_719 = arith.divsi %while3A_716, %while3A_718 : i32
      %while3A_720 = arith.muli %while3A_719, %while3A_718 : i32
      %while3A_721 = arith.addi %reduce_sum3A_671, %while3A_720 : i32
      %while3A_722 = arith.constant 1 : i32
      scf.for %while3A_782 = %reduce_sum3A_671 to %while3A_721 step %while3A_722  : i32 {
        %jit3A_783 = arith.constant 16 : i32
        %div3A_784 = arith.divsi %while3A_782, %jit3A_783 : i32
        %sign3A_785 = arith.constant 0 : i32
        %sign3A_786 = arith.cmpi sgt, %while3A_782, %sign3A_785 : i32
        %sign3A_787 = arith.extui %sign3A_786 : i1 to i32
        %sign3A_788 = arith.constant 0 : i32
        %sign3A_789 = arith.cmpi slt, %while3A_782, %sign3A_788 : i32
        %sign3A_790 = arith.extui %sign3A_789 : i1 to i32
        %sign3A_791 = arith.subi %sign3A_787, %sign3A_790 : i32
        %sign3A_792 = arith.constant 0 : i32
        %sign3A_793 = arith.cmpi sgt, %jit3A_783, %sign3A_792 : i32
        %sign3A_794 = arith.extui %sign3A_793 : i1 to i32
        %sign3A_795 = arith.constant 0 : i32
        %sign3A_796 = arith.cmpi slt, %jit3A_783, %sign3A_795 : i32
        %sign3A_797 = arith.extui %sign3A_796 : i1 to i32
        %sign3A_798 = arith.subi %sign3A_794, %sign3A_797 : i32
        %ne3A_799 = arith.cmpi ne, %sign3A_791, %sign3A_798 : i32
        %rem3A_800 = arith.remsi %while3A_782, %jit3A_783 : i32
        %ne3A_801 = arith.constant 0 : i32
        %ne3A_802 = arith.cmpi ne, %rem3A_800, %ne3A_801 : i32
        %and3A_803 = arith.andi %ne3A_799, %ne3A_802 : i1
        %sub3A_804 = arith.constant 1 : i32
        %sub3A_805 = arith.subi %div3A_784, %sub3A_804 : i32
        %select_n3A_806 = arith.select %and3A_803, %sub3A_805, %div3A_784 : i32
        %mul3A_807 = arith.constant 16 : i32
        %mul3A_808 = arith.muli %select_n3A_806, %mul3A_807 : i32
        %get3A_809 = arith.index_cast %mul3A_808 : i32 to index
        %get3A_810 = tpu.vector_load %arg14[%get3A_809] {strides = array<i32>} : memref<512xi32, #tpu.memory_space<vmem>>, vector<16xi32>,
        %sub3A_811 = arith.subi %while3A_782, %mul3A_808 : i32
        %broadcast_in_dim3A_812 = arith.constant 1 : i32
        %broadcast_in_dim3A_813 = vector.broadcast %broadcast_in_dim3A_812 : i32 to vector<16xi32>
        %mul3A_814 = vector.broadcast %sub3A_811 : i32 to vector<16xi32>
        %mul3A_815 = arith.muli %broadcast_in_dim3A_813, %mul3A_814 : vector<16xi32>
        %eq3A_816 = arith.cmpi eq, %iota3A, %mul3A_815 : vector<16xi32>
        %broadcast_in_dim3A_817 = arith.constant 0 : i32
        %broadcast_in_dim3A_818 = vector.broadcast %broadcast_in_dim3A_817 : i32 to vector<16xi32>
        %select_n3A_819 = arith.select %eq3A_816, %get3A_810, %broadcast_in_dim3A_818 : vector<16xi1>, vector<16xi32>
        %reduce_sum3A_820 = arith.constant true
        %reduce_sum3A_821 = vector.broadcast %reduce_sum3A_820 : i1 to vector<16xi1>
        %reduce_sum3A_822 = tpu.scan <sum>, %select_n3A_819 masked %reduce_sum3A_821 : vector<16xi32>, vector<16xi1> -> vector<16xi32>
        %reduce_sum3A_823 = vector.extract %reduce_sum3A_822[15] : i32 from vector<16xi32>
        %broadcast_in_dim3A_824 = arith.constant 1 : i32
        %broadcast_in_dim3A_825 = vector.broadcast %broadcast_in_dim3A_824 : i32 to vector<16xi32>
        %mul3A_826 = vector.broadcast %select_n3A_633 : i32 to vector<16xi32>
        %mul3A_827 = arith.muli %broadcast_in_dim3A_825, %mul3A_826 : vector<16xi32>
        %add3A_828 = arith.constant 0 : i32
        %add3A_829 = vector.broadcast %add3A_828 : i32 to vector<16xi32>
        %add3A_830 = arith.addi %add3A_829, %iota3A : vector<16xi32>
        %broadcast_in_dim3A_831 = arith.constant 1 : i32
        %broadcast_in_dim3A_832 = vector.broadcast %broadcast_in_dim3A_831 : i32 to vector<16xi32>
        %mul3A_833 = vector.broadcast %reduce_sum3A_823 : i32 to vector<16xi32>
        %mul3A_834 = arith.muli %broadcast_in_dim3A_832, %mul3A_833 : vector<16xi32>
        %gather3A = tpu.vector_load_idx %arg18[%mul3A_827, %add3A_830, %mul3A_834] : memref<6x64x128xf32, #tpu.memory_space<vmem>>[vector<16xi32>, vector<16xi32>, vector<16xi32>], vector<16xf32>,
        %swap3A = arith.index_cast %while3A_782 : i32 to index
        %swap3A_835 = arith.constant 0 : index
        %swap3A_836 = tpu.vector_load %arg19[%swap3A, %swap3A_835] {strides = array<i32>} : memref<512x64xf32, #tpu.memory_space<vmem>>, vector<16xf32>,
        tpu.vector_store %arg19[%swap3A, %swap3A_835], %gather3A {strides = array<i32>} : memref<512x64xf32, #tpu.memory_space<vmem>>, vector<16xf32>,
        %broadcast_in_dim3A_837 = arith.constant 1 : i32
        %broadcast_in_dim3A_838 = vector.broadcast %broadcast_in_dim3A_837 : i32 to vector<16xi32>
        %mul3A_839 = vector.broadcast %select_n3A_633 : i32 to vector<16xi32>
        %mul3A_840 = arith.muli %broadcast_in_dim3A_838, %mul3A_839 : vector<16xi32>
        %add3A_841 = arith.constant 16 : i32
        %add3A_842 = vector.broadcast %add3A_841 : i32 to vector<16xi32>
        %add3A_843 = arith.addi %add3A_842, %iota3A : vector<16xi32>
        %broadcast_in_dim3A_844 = arith.constant 1 : i32
        %broadcast_in_dim3A_845 = vector.broadcast %broadcast_in_dim3A_844 : i32 to vector<16xi32>
        %mul3A_846 = vector.broadcast %reduce_sum3A_823 : i32 to vector<16xi32>
        %mul3A_847 = arith.muli %broadcast_in_dim3A_845, %mul3A_846 : vector<16xi32>
        %gather3A_848 = tpu.vector_load_idx %arg18[%mul3A_840, %add3A_843, %mul3A_847] : memref<6x64x128xf32, #tpu.memory_space<vmem>>[vector<16xi32>, vector<16xi32>, vector<16xi32>], vector<16xf32>,
        %swap3A_849 = arith.index_cast %while3A_782 : i32 to index
        %swap3A_850 = arith.constant 16 : index
        %swap3A_851 = tpu.vector_load %arg19[%swap3A_849, %swap3A_850] {strides = array<i32>} : memref<512x64xf32, #tpu.memory_space<vmem>>, vector<16xf32>,
        tpu.vector_store %arg19[%swap3A_849, %swap3A_850], %gather3A_848 {strides = array<i32>} : memref<512x64xf32, #tpu.memory_space<vmem>>, vector<16xf32>,
        %broadcast_in_dim3A_852 = arith.constant 1 : i32
        %broadcast_in_dim3A_853 = vector.broadcast %broadcast_in_dim3A_852 : i32 to vector<16xi32>
        %mul3A_854 = vector.broadcast %select_n3A_633 : i32 to vector<16xi32>
        %mul3A_855 = arith.muli %broadcast_in_dim3A_853, %mul3A_854 : vector<16xi32>
        %add3A_856 = arith.constant 32 : i32
        %add3A_857 = vector.broadcast %add3A_856 : i32 to vector<16xi32>
        %add3A_858 = arith.addi %add3A_857, %iota3A : vector<16xi32>
        %broadcast_in_dim3A_859 = arith.constant 1 : i32
        %broadcast_in_dim3A_860 = vector.broadcast %broadcast_in_dim3A_859 : i32 to vector<16xi32>
        %mul3A_861 = vector.broadcast %reduce_sum3A_823 : i32 to vector<16xi32>
        %mul3A_862 = arith.muli %broadcast_in_dim3A_860, %mul3A_861 : vector<16xi32>
        %gather3A_863 = tpu.vector_load_idx %arg18[%mul3A_855, %add3A_858, %mul3A_862] : memref<6x64x128xf32, #tpu.memory_space<vmem>>[vector<16xi32>, vector<16xi32>, vector<16xi32>], vector<16xf32>,
        %swap3A_864 = arith.index_cast %while3A_782 : i32 to index
        %swap3A_865 = arith.constant 32 : index
        %swap3A_866 = tpu.vector_load %arg19[%swap3A_864, %swap3A_865] {strides = array<i32>} : memref<512x64xf32, #tpu.memory_space<vmem>>, vector<16xf32>,
        tpu.vector_store %arg19[%swap3A_864, %swap3A_865], %gather3A_863 {strides = array<i32>} : memref<512x64xf32, #tpu.memory_space<vmem>>, vector<16xf32>,
        %broadcast_in_dim3A_867 = arith.constant 1 : i32
        %broadcast_in_dim3A_868 = vector.broadcast %broadcast_in_dim3A_867 : i32 to vector<16xi32>
        %mul3A_869 = vector.broadcast %select_n3A_633 : i32 to vector<16xi32>
        %mul3A_870 = arith.muli %broadcast_in_dim3A_868, %mul3A_869 : vector<16xi32>
        %add3A_871 = arith.constant 48 : i32
        %add3A_872 = vector.broadcast %add3A_871 : i32 to vector<16xi32>
        %add3A_873 = arith.addi %add3A_872, %iota3A : vector<16xi32>
        %broadcast_in_dim3A_874 = arith.constant 1 : i32
        %broadcast_in_dim3A_875 = vector.broadcast %broadcast_in_dim3A_874 : i32 to vector<16xi32>
        %mul3A_876 = vector.broadcast %reduce_sum3A_823 : i32 to vector<16xi32>
        %mul3A_877 = arith.muli %broadcast_in_dim3A_875, %mul3A_876 : vector<16xi32>
        %gather3A_878 = tpu.vector_load_idx %arg18[%mul3A_870, %add3A_873, %mul3A_877] : memref<6x64x128xf32, #tpu.memory_space<vmem>>[vector<16xi32>, vector<16xi32>, vector<16xi32>], vector<16xf32>,
        %swap3A_879 = arith.index_cast %while3A_782 : i32 to index
        %swap3A_880 = arith.constant 48 : index
        %swap3A_881 = tpu.vector_load %arg19[%swap3A_879, %swap3A_880] {strides = array<i32>} : memref<512x64xf32, #tpu.memory_space<vmem>>, vector<16xf32>,
        tpu.vector_store %arg19[%swap3A_879, %swap3A_880], %gather3A_878 {strides = array<i32>} : memref<512x64xf32, #tpu.memory_space<vmem>>, vector<16xf32>,
        %jit3A_882 = arith.constant 16 : i32
        %div3A_883 = arith.divsi %while3A_782, %jit3A_882 : i32
        %sign3A_884 = arith.constant 0 : i32
        %sign3A_885 = arith.cmpi sgt, %while3A_782, %sign3A_884 : i32
        %sign3A_886 = arith.extui %sign3A_885 : i1 to i32
        %sign3A_887 = arith.constant 0 : i32
        %sign3A_888 = arith.cmpi slt, %while3A_782, %sign3A_887 : i32
        %sign3A_889 = arith.extui %sign3A_888 : i1 to i32
        %sign3A_890 = arith.subi %sign3A_886, %sign3A_889 : i32
        %sign3A_891 = arith.constant 0 : i32
        %sign3A_892 = arith.cmpi sgt, %jit3A_882, %sign3A_891 : i32
        %sign3A_893 = arith.extui %sign3A_892 : i1 to i32
        %sign3A_894 = arith.constant 0 : i32
        %sign3A_895 = arith.cmpi slt, %jit3A_882, %sign3A_894 : i32
        %sign3A_896 = arith.extui %sign3A_895 : i1 to i32
        %sign3A_897 = arith.subi %sign3A_893, %sign3A_896 : i32
        %ne3A_898 = arith.cmpi ne, %sign3A_890, %sign3A_897 : i32
        %rem3A_899 = arith.remsi %while3A_782, %jit3A_882 : i32
        %ne3A_900 = arith.constant 0 : i32
        %ne3A_901 = arith.cmpi ne, %rem3A_899, %ne3A_900 : i32
        %and3A_902 = arith.andi %ne3A_898, %ne3A_901 : i1
        %sub3A_903 = arith.constant 1 : i32
        %sub3A_904 = arith.subi %div3A_883, %sub3A_903 : i32
        %select_n3A_905 = arith.select %and3A_902, %sub3A_904, %div3A_883 : i32
        %mul3A_906 = arith.constant 16 : i32
        %mul3A_907 = arith.muli %select_n3A_905, %mul3A_906 : i32
        %get3A_908 = arith.index_cast %mul3A_907 : i32 to index
        %get3A_909 = tpu.vector_load %arg17[%get3A_908] {strides = array<i32>} : memref<512xi32, #tpu.memory_space<vmem>>, vector<16xi32>,
        %sub3A_910 = arith.subi %while3A_782, %mul3A_907 : i32
        %broadcast_in_dim3A_911 = arith.constant 1 : i32
        %broadcast_in_dim3A_912 = vector.broadcast %broadcast_in_dim3A_911 : i32 to vector<16xi32>
        %mul3A_913 = vector.broadcast %sub3A_910 : i32 to vector<16xi32>
        %mul3A_914 = arith.muli %broadcast_in_dim3A_912, %mul3A_913 : vector<16xi32>
        %eq3A_915 = arith.cmpi eq, %iota3A, %mul3A_914 : vector<16xi32>
        %broadcast_in_dim3A_916 = arith.constant 0 : i32
        %broadcast_in_dim3A_917 = vector.broadcast %broadcast_in_dim3A_916 : i32 to vector<16xi32>
        %select_n3A_918 = arith.select %eq3A_915, %get3A_909, %broadcast_in_dim3A_917 : vector<16xi1>, vector<16xi32>
        %reduce_sum3A_919 = arith.constant true
        %reduce_sum3A_920 = vector.broadcast %reduce_sum3A_919 : i1 to vector<16xi1>
        %reduce_sum3A_921 = tpu.scan <sum>, %select_n3A_918 masked %reduce_sum3A_920 : vector<16xi32>, vector<16xi1> -> vector<16xi32>
        %reduce_sum3A_922 = vector.extract %reduce_sum3A_921[15] : i32 from vector<16xi32>
        %dma_start3A_923 = arith.constant 0 : i32
        %dma_start3A_924 = tpu.memref_slice %arg19[%while3A_782, %dma_start3A_923] : memref<512x64xf32, #tpu.memory_space<vmem>> -> memref<1x64xf32, #tpu.memory_space<vmem>>
        %dma_start3A_925 = tpu.memref_squeeze %dma_start3A_924 : memref<1x64xf32, #tpu.memory_space<vmem>> -> memref<64xf32, #tpu.memory_space<vmem>>
        %dma_start3A_926 = arith.constant 0 : i32
        %dma_start3A_927 = tpu.memref_slice %arg12[%reduce_sum3A_922, %dma_start3A_926] : memref<16384x64xf32, #tpu.memory_space<hbm>> -> memref<1x64xf32, #tpu.memory_space<hbm>>
        %dma_start3A_928 = tpu.memref_squeeze %dma_start3A_927 : memref<1x64xf32, #tpu.memory_space<hbm>> -> memref<64xf32, #tpu.memory_space<hbm>>
        %dma_start3A_929 = arith.constant 0 : i32
        %dma_start3A_930 = tpu.memref_slice %arg12[%reduce_sum3A_922, %dma_start3A_929] : memref<16384x64xf32, #tpu.memory_space<hbm>> -> memref<1x64xf32, #tpu.memory_space<hbm>>
        %dma_start3A_931 = tpu.memref_squeeze %dma_start3A_930 : memref<1x64xf32, #tpu.memory_space<hbm>> -> memref<64xf32, #tpu.memory_space<hbm>>
        %dma_start3A_932 = arith.constant 0 : i32
        %dma_start3A_933 = tpu.memref_slice %arg19[%while3A_782, %dma_start3A_932] : memref<512x64xf32, #tpu.memory_space<vmem>> -> memref<1x64xf32, #tpu.memory_space<vmem>>
        %dma_start3A_934 = tpu.memref_squeeze %dma_start3A_933 : memref<1x64xf32, #tpu.memory_space<vmem>> -> memref<64xf32, #tpu.memory_space<vmem>>
        tpu.enqueue_dma source(%dma_start3A_934 : memref<64xf32, #tpu.memory_space<vmem>>) target(%dma_start3A_931 : memref<64xf32, #tpu.memory_space<hbm>>) target_semaphore(%arg21 : memref<!tpu.dma_semaphore, #tpu.memory_space<semaphore_mem>>)
      }
      %while3A_723 = arith.constant 1 : i32
      scf.for %while3A_782 = %while3A_721 to %while3A_717 step %while3A_723  : i32 {
        %jit3A_783 = arith.constant 16 : i32
        %div3A_784 = arith.divsi %while3A_782, %jit3A_783 : i32
        %sign3A_785 = arith.constant 0 : i32
        %sign3A_786 = arith.cmpi sgt, %while3A_782, %sign3A_785 : i32
        %sign3A_787 = arith.extui %sign3A_786 : i1 to i32
        %sign3A_788 = arith.constant 0 : i32
        %sign3A_789 = arith.cmpi slt, %while3A_782, %sign3A_788 : i32
        %sign3A_790 = arith.extui %sign3A_789 : i1 to i32
        %sign3A_791 = arith.subi %sign3A_787, %sign3A_790 : i32
        %sign3A_792 = arith.constant 0 : i32
        %sign3A_793 = arith.cmpi sgt, %jit3A_783, %sign3A_792 : i32
        %sign3A_794 = arith.extui %sign3A_793 : i1 to i32
        %sign3A_795 = arith.constant 0 : i32
        %sign3A_796 = arith.cmpi slt, %jit3A_783, %sign3A_795 : i32
        %sign3A_797 = arith.extui %sign3A_796 : i1 to i32
        %sign3A_798 = arith.subi %sign3A_794, %sign3A_797 : i32
        %ne3A_799 = arith.cmpi ne, %sign3A_791, %sign3A_798 : i32
        %rem3A_800 = arith.remsi %while3A_782, %jit3A_783 : i32
        %ne3A_801 = arith.constant 0 : i32
        %ne3A_802 = arith.cmpi ne, %rem3A_800, %ne3A_801 : i32
        %and3A_803 = arith.andi %ne3A_799, %ne3A_802 : i1
        %sub3A_804 = arith.constant 1 : i32
        %sub3A_805 = arith.subi %div3A_784, %sub3A_804 : i32
        %select_n3A_806 = arith.select %and3A_803, %sub3A_805, %div3A_784 : i32
        %mul3A_807 = arith.constant 16 : i32
        %mul3A_808 = arith.muli %select_n3A_806, %mul3A_807 : i32
        %get3A_809 = arith.index_cast %mul3A_808 : i32 to index
        %get3A_810 = tpu.vector_load %arg14[%get3A_809] {strides = array<i32>} : memref<512xi32, #tpu.memory_space<vmem>>, vector<16xi32>,
        %sub3A_811 = arith.subi %while3A_782, %mul3A_808 : i32
        %broadcast_in_dim3A_812 = arith.constant 1 : i32
        %broadcast_in_dim3A_813 = vector.broadcast %broadcast_in_dim3A_812 : i32 to vector<16xi32>
        %mul3A_814 = vector.broadcast %sub3A_811 : i32 to vector<16xi32>
        %mul3A_815 = arith.muli %broadcast_in_dim3A_813, %mul3A_814 : vector<16xi32>
        %eq3A_816 = arith.cmpi eq, %iota3A, %mul3A_815 : vector<16xi32>
        %broadcast_in_dim3A_817 = arith.constant 0 : i32
        %broadcast_in_dim3A_818 = vector.broadcast %broadcast_in_dim3A_817 : i32 to vector<16xi32>
        %select_n3A_819 = arith.select %eq3A_816, %get3A_810, %broadcast_in_dim3A_818 : vector<16xi1>, vector<16xi32>
        %reduce_sum3A_820 = arith.constant true
        %reduce_sum3A_821 = vector.broadcast %reduce_sum3A_820 : i1 to vector<16xi1>
        %reduce_sum3A_822 = tpu.scan <sum>, %select_n3A_819 masked %reduce_sum3A_821 : vector<16xi32>, vector<16xi1> -> vector<16xi32>
        %reduce_sum3A_823 = vector.extract %reduce_sum3A_822[15] : i32 from vector<16xi32>
        %broadcast_in_dim3A_824 = arith.constant 1 : i32
        %broadcast_in_dim3A_825 = vector.broadcast %broadcast_in_dim3A_824 : i32 to vector<16xi32>
        %mul3A_826 = vector.broadcast %select_n3A_633 : i32 to vector<16xi32>
        %mul3A_827 = arith.muli %broadcast_in_dim3A_825, %mul3A_826 : vector<16xi32>
        %add3A_828 = arith.constant 0 : i32
        %add3A_829 = vector.broadcast %add3A_828 : i32 to vector<16xi32>
        %add3A_830 = arith.addi %add3A_829, %iota3A : vector<16xi32>
        %broadcast_in_dim3A_831 = arith.constant 1 : i32
        %broadcast_in_dim3A_832 = vector.broadcast %broadcast_in_dim3A_831 : i32 to vector<16xi32>
        %mul3A_833 = vector.broadcast %reduce_sum3A_823 : i32 to vector<16xi32>
        %mul3A_834 = arith.muli %broadcast_in_dim3A_832, %mul3A_833 : vector<16xi32>
        %gather3A = tpu.vector_load_idx %arg18[%mul3A_827, %add3A_830, %mul3A_834] : memref<6x64x128xf32, #tpu.memory_space<vmem>>[vector<16xi32>, vector<16xi32>, vector<16xi32>], vector<16xf32>,
        %swap3A = arith.index_cast %while3A_782 : i32 to index
        %swap3A_835 = arith.constant 0 : index
        %swap3A_836 = tpu.vector_load %arg19[%swap3A, %swap3A_835] {strides = array<i32>} : memref<512x64xf32, #tpu.memory_space<vmem>>, vector<16xf32>,
        tpu.vector_store %arg19[%swap3A, %swap3A_835], %gather3A {strides = array<i32>} : memref<512x64xf32, #tpu.memory_space<vmem>>, vector<16xf32>,
        %broadcast_in_dim3A_837 = arith.constant 1 : i32
        %broadcast_in_dim3A_838 = vector.broadcast %broadcast_in_dim3A_837 : i32 to vector<16xi32>
        %mul3A_839 = vector.broadcast %select_n3A_633 : i32 to vector<16xi32>
        %mul3A_840 = arith.muli %broadcast_in_dim3A_838, %mul3A_839 : vector<16xi32>
        %add3A_841 = arith.constant 16 : i32
        %add3A_842 = vector.broadcast %add3A_841 : i32 to vector<16xi32>
        %add3A_843 = arith.addi %add3A_842, %iota3A : vector<16xi32>
        %broadcast_in_dim3A_844 = arith.constant 1 : i32
        %broadcast_in_dim3A_845 = vector.broadcast %broadcast_in_dim3A_844 : i32 to vector<16xi32>
        %mul3A_846 = vector.broadcast %reduce_sum3A_823 : i32 to vector<16xi32>
        %mul3A_847 = arith.muli %broadcast_in_dim3A_845, %mul3A_846 : vector<16xi32>
        %gather3A_848 = tpu.vector_load_idx %arg18[%mul3A_840, %add3A_843, %mul3A_847] : memref<6x64x128xf32, #tpu.memory_space<vmem>>[vector<16xi32>, vector<16xi32>, vector<16xi32>], vector<16xf32>,
        %swap3A_849 = arith.index_cast %while3A_782 : i32 to index
        %swap3A_850 = arith.constant 16 : index
        %swap3A_851 = tpu.vector_load %arg19[%swap3A_849, %swap3A_850] {strides = array<i32>} : memref<512x64xf32, #tpu.memory_space<vmem>>, vector<16xf32>,
        tpu.vector_store %arg19[%swap3A_849, %swap3A_850], %gather3A_848 {strides = array<i32>} : memref<512x64xf32, #tpu.memory_space<vmem>>, vector<16xf32>,
        %broadcast_in_dim3A_852 = arith.constant 1 : i32
        %broadcast_in_dim3A_853 = vector.broadcast %broadcast_in_dim3A_852 : i32 to vector<16xi32>
        %mul3A_854 = vector.broadcast %select_n3A_633 : i32 to vector<16xi32>
        %mul3A_855 = arith.muli %broadcast_in_dim3A_853, %mul3A_854 : vector<16xi32>
        %add3A_856 = arith.constant 32 : i32
        %add3A_857 = vector.broadcast %add3A_856 : i32 to vector<16xi32>
        %add3A_858 = arith.addi %add3A_857, %iota3A : vector<16xi32>
        %broadcast_in_dim3A_859 = arith.constant 1 : i32
        %broadcast_in_dim3A_860 = vector.broadcast %broadcast_in_dim3A_859 : i32 to vector<16xi32>
        %mul3A_861 = vector.broadcast %reduce_sum3A_823 : i32 to vector<16xi32>
        %mul3A_862 = arith.muli %broadcast_in_dim3A_860, %mul3A_861 : vector<16xi32>
        %gather3A_863 = tpu.vector_load_idx %arg18[%mul3A_855, %add3A_858, %mul3A_862] : memref<6x64x128xf32, #tpu.memory_space<vmem>>[vector<16xi32>, vector<16xi32>, vector<16xi32>], vector<16xf32>,
        %swap3A_864 = arith.index_cast %while3A_782 : i32 to index
        %swap3A_865 = arith.constant 32 : index
        %swap3A_866 = tpu.vector_load %arg19[%swap3A_864, %swap3A_865] {strides = array<i32>} : memref<512x64xf32, #tpu.memory_space<vmem>>, vector<16xf32>,
        tpu.vector_store %arg19[%swap3A_864, %swap3A_865], %gather3A_863 {strides = array<i32>} : memref<512x64xf32, #tpu.memory_space<vmem>>, vector<16xf32>,
        %broadcast_in_dim3A_867 = arith.constant 1 : i32
        %broadcast_in_dim3A_868 = vector.broadcast %broadcast_in_dim3A_867 : i32 to vector<16xi32>
        %mul3A_869 = vector.broadcast %select_n3A_633 : i32 to vector<16xi32>
        %mul3A_870 = arith.muli %broadcast_in_dim3A_868, %mul3A_869 : vector<16xi32>
        %add3A_871 = arith.constant 48 : i32
        %add3A_872 = vector.broadcast %add3A_871 : i32 to vector<16xi32>
        %add3A_873 = arith.addi %add3A_872, %iota3A : vector<16xi32>
        %broadcast_in_dim3A_874 = arith.constant 1 : i32
        %broadcast_in_dim3A_875 = vector.broadcast %broadcast_in_dim3A_874 : i32 to vector<16xi32>
        %mul3A_876 = vector.broadcast %reduce_sum3A_823 : i32 to vector<16xi32>
        %mul3A_877 = arith.muli %broadcast_in_dim3A_875, %mul3A_876 : vector<16xi32>
        %gather3A_878 = tpu.vector_load_idx %arg18[%mul3A_870, %add3A_873, %mul3A_877] : memref<6x64x128xf32, #tpu.memory_space<vmem>>[vector<16xi32>, vector<16xi32>, vector<16xi32>], vector<16xf32>,
        %swap3A_879 = arith.index_cast %while3A_782 : i32 to index
        %swap3A_880 = arith.constant 48 : index
        %swap3A_881 = tpu.vector_load %arg19[%swap3A_879, %swap3A_880] {strides = array<i32>} : memref<512x64xf32, #tpu.memory_space<vmem>>, vector<16xf32>,
        tpu.vector_store %arg19[%swap3A_879, %swap3A_880], %gather3A_878 {strides = array<i32>} : memref<512x64xf32, #tpu.memory_space<vmem>>, vector<16xf32>,
        %jit3A_882 = arith.constant 16 : i32
        %div3A_883 = arith.divsi %while3A_782, %jit3A_882 : i32
        %sign3A_884 = arith.constant 0 : i32
        %sign3A_885 = arith.cmpi sgt, %while3A_782, %sign3A_884 : i32
        %sign3A_886 = arith.extui %sign3A_885 : i1 to i32
        %sign3A_887 = arith.constant 0 : i32
        %sign3A_888 = arith.cmpi slt, %while3A_782, %sign3A_887 : i32
        %sign3A_889 = arith.extui %sign3A_888 : i1 to i32
        %sign3A_890 = arith.subi %sign3A_886, %sign3A_889 : i32
        %sign3A_891 = arith.constant 0 : i32
        %sign3A_892 = arith.cmpi sgt, %jit3A_882, %sign3A_891 : i32
        %sign3A_893 = arith.extui %sign3A_892 : i1 to i32
        %sign3A_894 = arith.constant 0 : i32
        %sign3A_895 = arith.cmpi slt, %jit3A_882, %sign3A_894 : i32
        %sign3A_896 = arith.extui %sign3A_895 : i1 to i32
        %sign3A_897 = arith.subi %sign3A_893, %sign3A_896 : i32
        %ne3A_898 = arith.cmpi ne, %sign3A_890, %sign3A_897 : i32
        %rem3A_899 = arith.remsi %while3A_782, %jit3A_882 : i32
        %ne3A_900 = arith.constant 0 : i32
        %ne3A_901 = arith.cmpi ne, %rem3A_899, %ne3A_900 : i32
        %and3A_902 = arith.andi %ne3A_898, %ne3A_901 : i1
        %sub3A_903 = arith.constant 1 : i32
        %sub3A_904 = arith.subi %div3A_883, %sub3A_903 : i32
        %select_n3A_905 = arith.select %and3A_902, %sub3A_904, %div3A_883 : i32
        %mul3A_906 = arith.constant 16 : i32
        %mul3A_907 = arith.muli %select_n3A_905, %mul3A_906 : i32
        %get3A_908 = arith.index_cast %mul3A_907 : i32 to index
        %get3A_909 = tpu.vector_load %arg17[%get3A_908] {strides = array<i32>} : memref<512xi32, #tpu.memory_space<vmem>>, vector<16xi32>,
        %sub3A_910 = arith.subi %while3A_782, %mul3A_907 : i32
        %broadcast_in_dim3A_911 = arith.constant 1 : i32
        %broadcast_in_dim3A_912 = vector.broadcast %broadcast_in_dim3A_911 : i32 to vector<16xi32>
        %mul3A_913 = vector.broadcast %sub3A_910 : i32 to vector<16xi32>
        %mul3A_914 = arith.muli %broadcast_in_dim3A_912, %mul3A_913 : vector<16xi32>
        %eq3A_915 = arith.cmpi eq, %iota3A, %mul3A_914 : vector<16xi32>
        %broadcast_in_dim3A_916 = arith.constant 0 : i32
        %broadcast_in_dim3A_917 = vector.broadcast %broadcast_in_dim3A_916 : i32 to vector<16xi32>
        %select_n3A_918 = arith.select %eq3A_915, %get3A_909, %broadcast_in_dim3A_917 : vector<16xi1>, vector<16xi32>
        %reduce_sum3A_919 = arith.constant true
        %reduce_sum3A_920 = vector.broadcast %reduce_sum3A_919 : i1 to vector<16xi1>
        %reduce_sum3A_921 = tpu.scan <sum>, %select_n3A_918 masked %reduce_sum3A_920 : vector<16xi32>, vector<16xi1> -> vector<16xi32>
        %reduce_sum3A_922 = vector.extract %reduce_sum3A_921[15] : i32 from vector<16xi32>
        %dma_start3A_923 = arith.constant 0 : i32
        %dma_start3A_924 = tpu.memref_slice %arg19[%while3A_782, %dma_start3A_923] : memref<512x64xf32, #tpu.memory_space<vmem>> -> memref<1x64xf32, #tpu.memory_space<vmem>>
        %dma_start3A_925 = tpu.memref_squeeze %dma_start3A_924 : memref<1x64xf32, #tpu.memory_space<vmem>> -> memref<64xf32, #tpu.memory_space<vmem>>
        %dma_start3A_926 = arith.constant 0 : i32
        %dma_start3A_927 = tpu.memref_slice %arg12[%reduce_sum3A_922, %dma_start3A_926] : memref<16384x64xf32, #tpu.memory_space<hbm>> -> memref<1x64xf32, #tpu.memory_space<hbm>>
        %dma_start3A_928 = tpu.memref_squeeze %dma_start3A_927 : memref<1x64xf32, #tpu.memory_space<hbm>> -> memref<64xf32, #tpu.memory_space<hbm>>
        %dma_start3A_929 = arith.constant 0 : i32
        %dma_start3A_930 = tpu.memref_slice %arg12[%reduce_sum3A_922, %dma_start3A_929] : memref<16384x64xf32, #tpu.memory_space<hbm>> -> memref<1x64xf32, #tpu.memory_space<hbm>>
        %dma_start3A_931 = tpu.memref_squeeze %dma_start3A_930 : memref<1x64xf32, #tpu.memory_space<hbm>> -> memref<64xf32, #tpu.memory_space<hbm>>
        %dma_start3A_932 = arith.constant 0 : i32
        %dma_start3A_933 = tpu.memref_slice %arg19[%while3A_782, %dma_start3A_932] : memref<512x64xf32, #tpu.memory_space<vmem>> -> memref<1x64xf32, #tpu.memory_space<vmem>>
        %dma_start3A_934 = tpu.memref_squeeze %dma_start3A_933 : memref<1x64xf32, #tpu.memory_space<vmem>> -> memref<64xf32, #tpu.memory_space<vmem>>
        tpu.enqueue_dma source(%dma_start3A_934 : memref<64xf32, #tpu.memory_space<vmem>>) target(%dma_start3A_931 : memref<64xf32, #tpu.memory_space<hbm>>) target_semaphore(%arg21 : memref<!tpu.dma_semaphore, #tpu.memory_space<semaphore_mem>>)
      }
      %add3A_724 = arith.constant 6 : i32
      %add3A_725 = arith.addi %while3A_607, %add3A_724 : i32
      %jit3A_726 = arith.constant 16 : i32
      %div3A_727 = arith.divsi %add3A_725, %jit3A_726 : i32
      %sign3A_728 = arith.constant 0 : i32
      %sign3A_729 = arith.cmpi sgt, %add3A_725, %sign3A_728 : i32
      %sign3A_730 = arith.extui %sign3A_729 : i1 to i32
      %sign3A_731 = arith.constant 0 : i32
      %sign3A_732 = arith.cmpi slt, %add3A_725, %sign3A_731 : i32
      %sign3A_733 = arith.extui %sign3A_732 : i1 to i32
      %sign3A_734 = arith.subi %sign3A_730, %sign3A_733 : i32
      %sign3A_735 = arith.constant 0 : i32
      %sign3A_736 = arith.cmpi sgt, %jit3A_726, %sign3A_735 : i32
      %sign3A_737 = arith.extui %sign3A_736 : i1 to i32
      %sign3A_738 = arith.constant 0 : i32
      %sign3A_739 = arith.cmpi slt, %jit3A_726, %sign3A_738 : i32
      %sign3A_740 = arith.extui %sign3A_739 : i1 to i32
      %sign3A_741 = arith.subi %sign3A_737, %sign3A_740 : i32
      %ne3A_742 = arith.cmpi ne, %sign3A_734, %sign3A_741 : i32
      %rem3A_743 = arith.remsi %add3A_725, %jit3A_726 : i32
      %ne3A_744 = arith.constant 0 : i32
      %ne3A_745 = arith.cmpi ne, %rem3A_743, %ne3A_744 : i32
      %and3A_746 = arith.andi %ne3A_742, %ne3A_745 : i1
      %sub3A_747 = arith.constant 1 : i32
      %sub3A_748 = arith.subi %div3A_727, %sub3A_747 : i32
      %select_n3A_749 = arith.select %and3A_746, %sub3A_748, %div3A_727 : i32
      %mul3A_750 = arith.constant 16 : i32
      %mul3A_751 = arith.muli %select_n3A_749, %mul3A_750 : i32
      %get3A_752 = arith.index_cast %mul3A_751 : i32 to index
      %get3A_753 = tpu.vector_load %arg15[%get3A_752] {strides = array<i32>} : memref<528xi32, #tpu.memory_space<vmem>>, vector<16xi32>,
      %sub3A_754 = arith.subi %add3A_725, %mul3A_751 : i32
      %broadcast_in_dim3A_755 = arith.constant 1 : i32
      %broadcast_in_dim3A_756 = vector.broadcast %broadcast_in_dim3A_755 : i32 to vector<16xi32>
      %mul3A_757 = vector.broadcast %sub3A_754 : i32 to vector<16xi32>
      %mul3A_758 = arith.muli %broadcast_in_dim3A_756, %mul3A_757 : vector<16xi32>
      %eq3A_759 = arith.cmpi eq, %iota3A, %mul3A_758 : vector<16xi32>
      %broadcast_in_dim3A_760 = arith.constant 0 : i32
      %broadcast_in_dim3A_761 = vector.broadcast %broadcast_in_dim3A_760 : i32 to vector<16xi32>
      %select_n3A_762 = arith.select %eq3A_759, %get3A_753, %broadcast_in_dim3A_761 : vector<16xi1>, vector<16xi32>
      %reduce_sum3A_763 = arith.constant true
      %reduce_sum3A_764 = vector.broadcast %reduce_sum3A_763 : i1 to vector<16xi1>
      %reduce_sum3A_765 = tpu.scan <sum>, %select_n3A_762 masked %reduce_sum3A_764 : vector<16xi32>, vector<16xi1> -> vector<16xi32>
      %reduce_sum3A_766 = vector.extract %reduce_sum3A_765[15] : i32 from vector<16xi32>
      %mul3A_767 = arith.constant 128 : i32
      %mul3A_768 = arith.muli %reduce_sum3A_766, %mul3A_767 : i32
      %multiple_of3A_769 = tpu.assume_multiple %mul3A_768, 128 : i32
      %dma_start3A_770 = arith.constant 0 : i32
      %dma_start3A_771 = arith.constant 0 : i32
      %dma_start3A_772 = tpu.memref_slice %arg18[%select_n3A_633, %dma_start3A_770, %dma_start3A_771] : memref<6x64x128xf32, #tpu.memory_space<vmem>> -> memref<1x64x128xf32, #tpu.memory_space<vmem>>
      %dma_start3A_773 = tpu.memref_squeeze %dma_start3A_772 : memref<1x64x128xf32, #tpu.memory_space<vmem>> -> memref<64x128xf32, #tpu.memory_space<vmem>>
      %dma_start3A_774 = arith.constant 0 : i32
      %dma_start3A_775 = tpu.memref_slice %arg10[%dma_start3A_774, %multiple_of3A_769] : memref<64x1000000xf32, #tpu.memory_space<hbm>> -> memref<64x128xf32, #tpu.memory_space<hbm>>
      %dma_start3A_776 = arith.constant 0 : i32
      %dma_start3A_777 = arith.constant 0 : i32
      %dma_start3A_778 = tpu.memref_slice %arg18[%select_n3A_633, %dma_start3A_776, %dma_start3A_777] : memref<6x64x128xf32, #tpu.memory_space<vmem>> -> memref<1x64x128xf32, #tpu.memory_space<vmem>>
      %dma_start3A_779 = tpu.memref_squeeze %dma_start3A_778 : memref<1x64x128xf32, #tpu.memory_space<vmem>> -> memref<64x128xf32, #tpu.memory_space<vmem>>
      %dma_start3A_780 = arith.constant 0 : i32
      %dma_start3A_781 = tpu.memref_slice %arg10[%dma_start3A_780, %multiple_of3A_769] : memref<64x1000000xf32, #tpu.memory_space<hbm>> -> memref<64x128xf32, #tpu.memory_space<hbm>>
      tpu.enqueue_dma source(%dma_start3A_781 : memref<64x128xf32, #tpu.memory_space<hbm>>) target(%dma_start3A_779 : memref<64x128xf32, #tpu.memory_space<vmem>>) target_semaphore(%arg20 : memref<!tpu.dma_semaphore, #tpu.memory_space<semaphore_mem>>)
    }
    %dma_wait3A = arith.constant 0 : i32
    %dma_wait3A_206 = arith.constant 0 : i32
    %dma_wait3A_207 = arith.constant 0 : i32
    %dma_wait3A_208 = tpu.memref_slice %arg18[%dma_wait3A, %dma_wait3A_206, %dma_wait3A_207] : memref<6x64x128xf32, #tpu.memory_space<vmem>> -> memref<1x64x128xf32, #tpu.memory_space<vmem>>
    %dma_wait3A_209 = tpu.memref_squeeze %dma_wait3A_208 : memref<1x64x128xf32, #tpu.memory_space<vmem>> -> memref<64x128xf32, #tpu.memory_space<vmem>>
    %dma_wait3A_210 = arith.constant 0 : i32
    %dma_wait3A_211 = arith.constant 0 : i32
    %dma_wait3A_212 = tpu.memref_slice %arg10[%dma_wait3A_210, %dma_wait3A_211] : memref<64x1000000xf32, #tpu.memory_space<hbm>> -> memref<64x128xf32, #tpu.memory_space<hbm>>
    %dma_wait3A_213 = arith.constant 0 : i32
    %dma_wait3A_214 = arith.constant 0 : i32
    %dma_wait3A_215 = tpu.memref_slice %arg18[%dma_wait3A, %dma_wait3A_213, %dma_wait3A_214] : memref<6x64x128xf32, #tpu.memory_space<vmem>> -> memref<1x64x128xf32, #tpu.memory_space<vmem>>
    %dma_wait3A_216 = tpu.memref_squeeze %dma_wait3A_215 : memref<1x64x128xf32, #tpu.memory_space<vmem>> -> memref<64x128xf32, #tpu.memory_space<vmem>>
    %dma_wait3A_217 = arith.constant 0 : i32
    %dma_wait3A_218 = arith.constant 0 : i32
    %dma_wait3A_219 = tpu.memref_slice %arg10[%dma_wait3A_217, %dma_wait3A_218] : memref<64x1000000xf32, #tpu.memory_space<hbm>> -> memref<64x128xf32, #tpu.memory_space<hbm>>
    tpu.wait_dma2 semaphore(%arg20 : memref<!tpu.dma_semaphore, #tpu.memory_space<semaphore_mem>>) src(%dma_wait3A_219 : memref<64x128xf32, #tpu.memory_space<hbm>>) dst(%dma_wait3A_216 : memref<64x128xf32, #tpu.memory_space<vmem>>)
    %dma_wait3A_220 = arith.constant 0 : i32
    %dma_wait3A_221 = arith.constant 0 : i32
    %dma_wait3A_222 = arith.constant 0 : i32
    %dma_wait3A_223 = tpu.memref_slice %arg18[%dma_wait3A_220, %dma_wait3A_221, %dma_wait3A_222] : memref<6x64x128xf32, #tpu.memory_space<vmem>> -> memref<1x64x128xf32, #tpu.memory_space<vmem>>
    %dma_wait3A_224 = tpu.memref_squeeze %dma_wait3A_223 : memref<1x64x128xf32, #tpu.memory_space<vmem>> -> memref<64x128xf32, #tpu.memory_space<vmem>>
    %dma_wait3A_225 = arith.constant 0 : i32
    %dma_wait3A_226 = arith.constant 0 : i32
    %dma_wait3A_227 = tpu.memref_slice %arg10[%dma_wait3A_225, %dma_wait3A_226] : memref<64x1000000xf32, #tpu.memory_space<hbm>> -> memref<64x128xf32, #tpu.memory_space<hbm>>
    %dma_wait3A_228 = arith.constant 0 : i32
    %dma_wait3A_229 = arith.constant 0 : i32
    %dma_wait3A_230 = tpu.memref_slice %arg18[%dma_wait3A_220, %dma_wait3A_228, %dma_wait3A_229] : memref<6x64x128xf32, #tpu.memory_space<vmem>> -> memref<1x64x128xf32, #tpu.memory_space<vmem>>
    %dma_wait3A_231 = tpu.memref_squeeze %dma_wait3A_230 : memref<1x64x128xf32, #tpu.memory_space<vmem>> -> memref<64x128xf32, #tpu.memory_space<vmem>>
    %dma_wait3A_232 = arith.constant 0 : i32
    %dma_wait3A_233 = arith.constant 0 : i32
    %dma_wait3A_234 = tpu.memref_slice %arg10[%dma_wait3A_232, %dma_wait3A_233] : memref<64x1000000xf32, #tpu.memory_space<hbm>> -> memref<64x128xf32, #tpu.memory_space<hbm>>
    tpu.wait_dma2 semaphore(%arg20 : memref<!tpu.dma_semaphore, #tpu.memory_space<semaphore_mem>>) src(%dma_wait3A_234 : memref<64x128xf32, #tpu.memory_space<hbm>>) dst(%dma_wait3A_231 : memref<64x128xf32, #tpu.memory_space<vmem>>)
    %dma_wait3A_235 = arith.constant 0 : i32
    %dma_wait3A_236 = arith.constant 0 : i32
    %dma_wait3A_237 = arith.constant 0 : i32
    %dma_wait3A_238 = tpu.memref_slice %arg18[%dma_wait3A_235, %dma_wait3A_236, %dma_wait3A_237] : memref<6x64x128xf32, #tpu.memory_space<vmem>> -> memref<1x64x128xf32, #tpu.memory_space<vmem>>
    %dma_wait3A_239 = tpu.memref_squeeze %dma_wait3A_238 : memref<1x64x128xf32, #tpu.memory_space<vmem>> -> memref<64x128xf32, #tpu.memory_space<vmem>>
    %dma_wait3A_240 = arith.constant 0 : i32
    %dma_wait3A_241 = arith.constant 0 : i32
    %dma_wait3A_242 = tpu.memref_slice %arg10[%dma_wait3A_240, %dma_wait3A_241] : memref<64x1000000xf32, #tpu.memory_space<hbm>> -> memref<64x128xf32, #tpu.memory_space<hbm>>
    %dma_wait3A_243 = arith.constant 0 : i32
    %dma_wait3A_244 = arith.constant 0 : i32
    %dma_wait3A_245 = tpu.memref_slice %arg18[%dma_wait3A_235, %dma_wait3A_243, %dma_wait3A_244] : memref<6x64x128xf32, #tpu.memory_space<vmem>> -> memref<1x64x128xf32, #tpu.memory_space<vmem>>
    %dma_wait3A_246 = tpu.memref_squeeze %dma_wait3A_245 : memref<1x64x128xf32, #tpu.memory_space<vmem>> -> memref<64x128xf32, #tpu.memory_space<vmem>>
    %dma_wait3A_247 = arith.constant 0 : i32
    %dma_wait3A_248 = arith.constant 0 : i32
    %dma_wait3A_249 = tpu.memref_slice %arg10[%dma_wait3A_247, %dma_wait3A_248] : memref<64x1000000xf32, #tpu.memory_space<hbm>> -> memref<64x128xf32, #tpu.memory_space<hbm>>
    tpu.wait_dma2 semaphore(%arg20 : memref<!tpu.dma_semaphore, #tpu.memory_space<semaphore_mem>>) src(%dma_wait3A_249 : memref<64x128xf32, #tpu.memory_space<hbm>>) dst(%dma_wait3A_246 : memref<64x128xf32, #tpu.memory_space<vmem>>)
    %dma_wait3A_250 = arith.constant 0 : i32
    %dma_wait3A_251 = arith.constant 0 : i32
    %dma_wait3A_252 = arith.constant 0 : i32
    %dma_wait3A_253 = tpu.memref_slice %arg18[%dma_wait3A_250, %dma_wait3A_251, %dma_wait3A_252] : memref<6x64x128xf32, #tpu.memory_space<vmem>> -> memref<1x64x128xf32, #tpu.memory_space<vmem>>
    %dma_wait3A_254 = tpu.memref_squeeze %dma_wait3A_253 : memref<1x64x128xf32, #tpu.memory_space<vmem>> -> memref<64x128xf32, #tpu.memory_space<vmem>>
    %dma_wait3A_255 = arith.constant 0 : i32
    %dma_wait3A_256 = arith.constant 0 : i32
    %dma_wait3A_257 = tpu.memref_slice %arg10[%dma_wait3A_255, %dma_wait3A_256] : memref<64x1000000xf32, #tpu.memory_space<hbm>> -> memref<64x128xf32, #tpu.memory_space<hbm>>
    %dma_wait3A_258 = arith.constant 0 : i32
    %dma_wait3A_259 = arith.constant 0 : i32
    %dma_wait3A_260 = tpu.memref_slice %arg18[%dma_wait3A_250, %dma_wait3A_258, %dma_wait3A_259] : memref<6x64x128xf32, #tpu.memory_space<vmem>> -> memref<1x64x128xf32, #tpu.memory_space<vmem>>
    %dma_wait3A_261 = tpu.memref_squeeze %dma_wait3A_260 : memref<1x64x128xf32, #tpu.memory_space<vmem>> -> memref<64x128xf32, #tpu.memory_space<vmem>>
    %dma_wait3A_262 = arith.constant 0 : i32
    %dma_wait3A_263 = arith.constant 0 : i32
    %dma_wait3A_264 = tpu.memref_slice %arg10[%dma_wait3A_262, %dma_wait3A_263] : memref<64x1000000xf32, #tpu.memory_space<hbm>> -> memref<64x128xf32, #tpu.memory_space<hbm>>
    tpu.wait_dma2 semaphore(%arg20 : memref<!tpu.dma_semaphore, #tpu.memory_space<semaphore_mem>>) src(%dma_wait3A_264 : memref<64x128xf32, #tpu.memory_space<hbm>>) dst(%dma_wait3A_261 : memref<64x128xf32, #tpu.memory_space<vmem>>)
    %dma_wait3A_265 = arith.constant 0 : i32
    %dma_wait3A_266 = arith.constant 0 : i32
    %dma_wait3A_267 = arith.constant 0 : i32
    %dma_wait3A_268 = tpu.memref_slice %arg18[%dma_wait3A_265, %dma_wait3A_266, %dma_wait3A_267] : memref<6x64x128xf32, #tpu.memory_space<vmem>> -> memref<1x64x128xf32, #tpu.memory_space<vmem>>
    %dma_wait3A_269 = tpu.memref_squeeze %dma_wait3A_268 : memref<1x64x128xf32, #tpu.memory_space<vmem>> -> memref<64x128xf32, #tpu.memory_space<vmem>>
    %dma_wait3A_270 = arith.constant 0 : i32
    %dma_wait3A_271 = arith.constant 0 : i32
    %dma_wait3A_272 = tpu.memref_slice %arg10[%dma_wait3A_270, %dma_wait3A_271] : memref<64x1000000xf32, #tpu.memory_space<hbm>> -> memref<64x128xf32, #tpu.memory_space<hbm>>
    %dma_wait3A_273 = arith.constant 0 : i32
    %dma_wait3A_274 = arith.constant 0 : i32
    %dma_wait3A_275 = tpu.memref_slice %arg18[%dma_wait3A_265, %dma_wait3A_273, %dma_wait3A_274] : memref<6x64x128xf32, #tpu.memory_space<vmem>> -> memref<1x64x128xf32, #tpu.memory_space<vmem>>
    %dma_wait3A_276 = tpu.memref_squeeze %dma_wait3A_275 : memref<1x64x128xf32, #tpu.memory_space<vmem>> -> memref<64x128xf32, #tpu.memory_space<vmem>>
    %dma_wait3A_277 = arith.constant 0 : i32
    %dma_wait3A_278 = arith.constant 0 : i32
    %dma_wait3A_279 = tpu.memref_slice %arg10[%dma_wait3A_277, %dma_wait3A_278] : memref<64x1000000xf32, #tpu.memory_space<hbm>> -> memref<64x128xf32, #tpu.memory_space<hbm>>
    tpu.wait_dma2 semaphore(%arg20 : memref<!tpu.dma_semaphore, #tpu.memory_space<semaphore_mem>>) src(%dma_wait3A_279 : memref<64x128xf32, #tpu.memory_space<hbm>>) dst(%dma_wait3A_276 : memref<64x128xf32, #tpu.memory_space<vmem>>)
    %dma_wait3A_280 = arith.constant 0 : i32
    %dma_wait3A_281 = arith.constant 0 : i32
    %dma_wait3A_282 = arith.constant 0 : i32
    %dma_wait3A_283 = tpu.memref_slice %arg18[%dma_wait3A_280, %dma_wait3A_281, %dma_wait3A_282] : memref<6x64x128xf32, #tpu.memory_space<vmem>> -> memref<1x64x128xf32, #tpu.memory_space<vmem>>
    %dma_wait3A_284 = tpu.memref_squeeze %dma_wait3A_283 : memref<1x64x128xf32, #tpu.memory_space<vmem>> -> memref<64x128xf32, #tpu.memory_space<vmem>>
    %dma_wait3A_285 = arith.constant 0 : i32
    %dma_wait3A_286 = arith.constant 0 : i32
    %dma_wait3A_287 = tpu.memref_slice %arg10[%dma_wait3A_285, %dma_wait3A_286] : memref<64x1000000xf32, #tpu.memory_space<hbm>> -> memref<64x128xf32, #tpu.memory_space<hbm>>
    %dma_wait3A_288 = arith.constant 0 : i32
    %dma_wait3A_289 = arith.constant 0 : i32
    %dma_wait3A_290 = tpu.memref_slice %arg18[%dma_wait3A_280, %dma_wait3A_288, %dma_wait3A_289] : memref<6x64x128xf32, #tpu.memory_space<vmem>> -> memref<1x64x128xf32, #tpu.memory_space<vmem>>
    %dma_wait3A_291 = tpu.memref_squeeze %dma_wait3A_290 : memref<1x64x128xf32, #tpu.memory_space<vmem>> -> memref<64x128xf32, #tpu.memory_space<vmem>>
    %dma_wait3A_292 = arith.constant 0 : i32
    %dma_wait3A_293 = arith.constant 0 : i32
    %dma_wait3A_294 = tpu.memref_slice %arg10[%dma_wait3A_292, %dma_wait3A_293] : memref<64x1000000xf32, #tpu.memory_space<hbm>> -> memref<64x128xf32, #tpu.memory_space<hbm>>
    tpu.wait_dma2 semaphore(%arg20 : memref<!tpu.dma_semaphore, #tpu.memory_space<semaphore_mem>>) src(%dma_wait3A_294 : memref<64x128xf32, #tpu.memory_space<hbm>>) dst(%dma_wait3A_291 : memref<64x128xf32, #tpu.memory_space<vmem>>)
    %scan3A = arith.constant 0 : i32
    %scan3A_295 = arith.constant 0 : i32
    %scan3A_296 = arith.constant 512 : i32
    %scan3A_297 = arith.addi %scan3A_295, %scan3A_296 : i32
    %scan3A_298 = arith.constant 1 : i32
    scf.for %scan3A_607 = %scan3A_295 to %scan3A_297 step %scan3A_298  : i32 {
      %dma_wait3A_608 = arith.constant 0 : i32
      %dma_wait3A_609 = arith.constant 0 : i32
      %dma_wait3A_610 = arith.constant 0 : i32
      %dma_wait3A_611 = tpu.memref_slice %arg19[%dma_wait3A_608, %dma_wait3A_610] : memref<512x64xf32, #tpu.memory_space<vmem>> -> memref<1x64xf32, #tpu.memory_space<vmem>>
      %dma_wait3A_612 = tpu.memref_squeeze %dma_wait3A_611 : memref<1x64xf32, #tpu.memory_space<vmem>> -> memref<64xf32, #tpu.memory_space<vmem>>
      %dma_wait3A_613 = arith.constant 0 : i32
      %dma_wait3A_614 = tpu.memref_slice %arg12[%dma_wait3A_609, %dma_wait3A_613] : memref<16384x64xf32, #tpu.memory_space<hbm>> -> memref<1x64xf32, #tpu.memory_space<hbm>>
      %dma_wait3A_615 = tpu.memref_squeeze %dma_wait3A_614 : memref<1x64xf32, #tpu.memory_space<hbm>> -> memref<64xf32, #tpu.memory_space<hbm>>
      %dma_wait3A_616 = arith.constant 0 : i32
      %dma_wait3A_617 = tpu.memref_slice %arg12[%dma_wait3A_609, %dma_wait3A_616] : memref<16384x64xf32, #tpu.memory_space<hbm>> -> memref<1x64xf32, #tpu.memory_space<hbm>>
      %dma_wait3A_618 = tpu.memref_squeeze %dma_wait3A_617 : memref<1x64xf32, #tpu.memory_space<hbm>> -> memref<64xf32, #tpu.memory_space<hbm>>
      %dma_wait3A_619 = arith.constant 0 : i32
      %dma_wait3A_620 = tpu.memref_slice %arg19[%dma_wait3A_608, %dma_wait3A_619] : memref<512x64xf32, #tpu.memory_space<vmem>> -> memref<1x64xf32, #tpu.memory_space<vmem>>
      %dma_wait3A_621 = tpu.memref_squeeze %dma_wait3A_620 : memref<1x64xf32, #tpu.memory_space<vmem>> -> memref<64xf32, #tpu.memory_space<vmem>>
      tpu.wait_dma2 semaphore(%arg21 : memref<!tpu.dma_semaphore, #tpu.memory_space<semaphore_mem>>) src(%dma_wait3A_621 : memref<64xf32, #tpu.memory_space<vmem>>) dst(%dma_wait3A_618 : memref<64xf32, #tpu.memory_space<hbm>>)
    }
    %scan3A_299 = arith.constant 512 : i32
    "tpu.region"() ({
      %run_scoped3A = tpu.sem_alloc : memref<!tpu.dma_semaphore, #tpu.memory_space<semaphore_mem>>
      %dma_start3A_607 = arith.constant 0 : i32
      %dma_start3A_608 = tpu.memref_slice %arg6[%add3A, %dma_start3A_607] : memref<32x512xi32, #tpu.memory_space<hbm>> -> memref<1x512xi32, #tpu.memory_space<hbm>>
      %dma_start3A_609 = tpu.memref_squeeze %dma_start3A_608 : memref<1x512xi32, #tpu.memory_space<hbm>> -> memref<512xi32, #tpu.memory_space<hbm>>
      %dma_start3A_610 = arith.constant 0 : i32
      %dma_start3A_611 = tpu.memref_slice %arg6[%add3A, %dma_start3A_610] : memref<32x512xi32, #tpu.memory_space<hbm>> -> memref<1x512xi32, #tpu.memory_space<hbm>>
      %dma_start3A_612 = tpu.memref_squeeze %dma_start3A_611 : memref<1x512xi32, #tpu.memory_space<hbm>> -> memref<512xi32, #tpu.memory_space<hbm>>
      tpu.enqueue_dma source(%dma_start3A_612 : memref<512xi32, #tpu.memory_space<hbm>>) target(%arg14 : memref<512xi32, #tpu.memory_space<vmem>>) target_semaphore(%run_scoped3A : memref<!tpu.dma_semaphore, #tpu.memory_space<semaphore_mem>>)
      %dma_wait3A_613 = arith.constant 0 : i32
      %dma_wait3A_614 = tpu.memref_slice %arg6[%add3A, %dma_wait3A_613] : memref<32x512xi32, #tpu.memory_space<hbm>> -> memref<1x512xi32, #tpu.memory_space<hbm>>
      %dma_wait3A_615 = tpu.memref_squeeze %dma_wait3A_614 : memref<1x512xi32, #tpu.memory_space<hbm>> -> memref<512xi32, #tpu.memory_space<hbm>>
      %dma_wait3A_616 = arith.constant 0 : i32
      %dma_wait3A_617 = tpu.memref_slice %arg6[%add3A, %dma_wait3A_616] : memref<32x512xi32, #tpu.memory_space<hbm>> -> memref<1x512xi32, #tpu.memory_space<hbm>>
      %dma_wait3A_618 = tpu.memref_squeeze %dma_wait3A_617 : memref<1x512xi32, #tpu.memory_space<hbm>> -> memref<512xi32, #tpu.memory_space<hbm>>
      tpu.wait_dma2 semaphore(%run_scoped3A : memref<!tpu.dma_semaphore, #tpu.memory_space<semaphore_mem>>) src(%dma_wait3A_618 : memref<512xi32, #tpu.memory_space<hbm>>) dst(%arg14 : memref<512xi32, #tpu.memory_space<vmem>>)
      tpu.yield
    }) : () -> ()
    "tpu.region"() ({
      %run_scoped3A = tpu.sem_alloc : memref<!tpu.dma_semaphore, #tpu.memory_space<semaphore_mem>>
      %dma_start3A_607 = arith.constant 0 : i32
      %dma_start3A_608 = tpu.memref_slice %arg7[%add3A, %dma_start3A_607] : memref<32x528xi32, #tpu.memory_space<hbm>> -> memref<1x528xi32, #tpu.memory_space<hbm>>
      %dma_start3A_609 = tpu.memref_squeeze %dma_start3A_608 : memref<1x528xi32, #tpu.memory_space<hbm>> -> memref<528xi32, #tpu.memory_space<hbm>>
      %dma_start3A_610 = arith.constant 0 : i32
      %dma_start3A_611 = tpu.memref_slice %arg7[%add3A, %dma_start3A_610] : memref<32x528xi32, #tpu.memory_space<hbm>> -> memref<1x528xi32, #tpu.memory_space<hbm>>
      %dma_start3A_612 = tpu.memref_squeeze %dma_start3A_611 : memref<1x528xi32, #tpu.memory_space<hbm>> -> memref<528xi32, #tpu.memory_space<hbm>>
      tpu.enqueue_dma source(%dma_start3A_612 : memref<528xi32, #tpu.memory_space<hbm>>) target(%arg15 : memref<528xi32, #tpu.memory_space<vmem>>) target_semaphore(%run_scoped3A : memref<!tpu.dma_semaphore, #tpu.memory_space<semaphore_mem>>)
      %dma_wait3A_613 = arith.constant 0 : i32
      %dma_wait3A_614 = tpu.memref_slice %arg7[%add3A, %dma_wait3A_613] : memref<32x528xi32, #tpu.memory_space<hbm>> -> memref<1x528xi32, #tpu.memory_space<hbm>>
      %dma_wait3A_615 = tpu.memref_squeeze %dma_wait3A_614 : memref<1x528xi32, #tpu.memory_space<hbm>> -> memref<528xi32, #tpu.memory_space<hbm>>
      %dma_wait3A_616 = arith.constant 0 : i32
      %dma_wait3A_617 = tpu.memref_slice %arg7[%add3A, %dma_wait3A_616] : memref<32x528xi32, #tpu.memory_space<hbm>> -> memref<1x528xi32, #tpu.memory_space<hbm>>
      %dma_wait3A_618 = tpu.memref_squeeze %dma_wait3A_617 : memref<1x528xi32, #tpu.memory_space<hbm>> -> memref<528xi32, #tpu.memory_space<hbm>>
      tpu.wait_dma2 semaphore(%run_scoped3A : memref<!tpu.dma_semaphore, #tpu.memory_space<semaphore_mem>>) src(%dma_wait3A_618 : memref<528xi32, #tpu.memory_space<hbm>>) dst(%arg15 : memref<528xi32, #tpu.memory_space<vmem>>)
      tpu.yield
    }) : () -> ()
    "tpu.region"() ({
      %run_scoped3A = tpu.sem_alloc : memref<!tpu.dma_semaphore, #tpu.memory_space<semaphore_mem>>
      %dma_start3A_607 = arith.constant 0 : i32
      %dma_start3A_608 = tpu.memref_slice %arg8[%add3A, %dma_start3A_607] : memref<32x528xi32, #tpu.memory_space<hbm>> -> memref<1x528xi32, #tpu.memory_space<hbm>>
      %dma_start3A_609 = tpu.memref_squeeze %dma_start3A_608 : memref<1x528xi32, #tpu.memory_space<hbm>> -> memref<528xi32, #tpu.memory_space<hbm>>
      %dma_start3A_610 = arith.constant 0 : i32
      %dma_start3A_611 = tpu.memref_slice %arg8[%add3A, %dma_start3A_610] : memref<32x528xi32, #tpu.memory_space<hbm>> -> memref<1x528xi32, #tpu.memory_space<hbm>>
      %dma_start3A_612 = tpu.memref_squeeze %dma_start3A_611 : memref<1x528xi32, #tpu.memory_space<hbm>> -> memref<528xi32, #tpu.memory_space<hbm>>
      tpu.enqueue_dma source(%dma_start3A_612 : memref<528xi32, #tpu.memory_space<hbm>>) target(%arg16 : memref<528xi32, #tpu.memory_space<vmem>>) target_semaphore(%run_scoped3A : memref<!tpu.dma_semaphore, #tpu.memory_space<semaphore_mem>>)
      %dma_wait3A_613 = arith.constant 0 : i32
      %dma_wait3A_614 = tpu.memref_slice %arg8[%add3A, %dma_wait3A_613] : memref<32x528xi32, #tpu.memory_space<hbm>> -> memref<1x528xi32, #tpu.memory_space<hbm>>
      %dma_wait3A_615 = tpu.memref_squeeze %dma_wait3A_614 : memref<1x528xi32, #tpu.memory_space<hbm>> -> memref<528xi32, #tpu.memory_space<hbm>>
      %dma_wait3A_616 = arith.constant 0 : i32
      %dma_wait3A_617 = tpu.memref_slice %arg8[%add3A, %dma_wait3A_616] : memref<32x528xi32, #tpu.memory_space<hbm>> -> memref<1x528xi32, #tpu.memory_space<hbm>>
      %dma_wait3A_618 = tpu.memref_squeeze %dma_wait3A_617 : memref<1x528xi32, #tpu.memory_space<hbm>> -> memref<528xi32, #tpu.memory_space<hbm>>
      tpu.wait_dma2 semaphore(%run_scoped3A : memref<!tpu.dma_semaphore, #tpu.memory_space<semaphore_mem>>) src(%dma_wait3A_618 : memref<528xi32, #tpu.memory_space<hbm>>) dst(%arg16 : memref<528xi32, #tpu.memory_space<vmem>>)
      tpu.yield
    }) : () -> ()
    "tpu.region"() ({
      %run_scoped3A = tpu.sem_alloc : memref<!tpu.dma_semaphore, #tpu.memory_space<semaphore_mem>>
      %dma_start3A_607 = arith.constant 0 : i32
      %dma_start3A_608 = tpu.memref_slice %arg9[%add3A, %dma_start3A_607] : memref<32x512xi32, #tpu.memory_space<hbm>> -> memref<1x512xi32, #tpu.memory_space<hbm>>
      %dma_start3A_609 = tpu.memref_squeeze %dma_start3A_608 : memref<1x512xi32, #tpu.memory_space<hbm>> -> memref<512xi32, #tpu.memory_space<hbm>>
      %dma_start3A_610 = arith.constant 0 : i32
      %dma_start3A_611 = tpu.memref_slice %arg9[%add3A, %dma_start3A_610] : memref<32x512xi32, #tpu.memory_space<hbm>> -> memref<1x512xi32, #tpu.memory_space<hbm>>
      %dma_start3A_612 = tpu.memref_squeeze %dma_start3A_611 : memref<1x512xi32, #tpu.memory_space<hbm>> -> memref<512xi32, #tpu.memory_space<hbm>>
      tpu.enqueue_dma source(%dma_start3A_612 : memref<512xi32, #tpu.memory_space<hbm>>) target(%arg17 : memref<512xi32, #tpu.memory_space<vmem>>) target_semaphore(%run_scoped3A : memref<!tpu.dma_semaphore, #tpu.memory_space<semaphore_mem>>)
      %dma_wait3A_613 = arith.constant 0 : i32
      %dma_wait3A_614 = tpu.memref_slice %arg9[%add3A, %dma_wait3A_613] : memref<32x512xi32, #tpu.memory_space<hbm>> -> memref<1x512xi32, #tpu.memory_space<hbm>>
      %dma_wait3A_615 = tpu.memref_squeeze %dma_wait3A_614 : memref<1x512xi32, #tpu.memory_space<hbm>> -> memref<512xi32, #tpu.memory_space<hbm>>
      %dma_wait3A_616 = arith.constant 0 : i32
      %dma_wait3A_617 = tpu.memref_slice %arg9[%add3A, %dma_wait3A_616] : memref<32x512xi32, #tpu.memory_space<hbm>> -> memref<1x512xi32, #tpu.memory_space<hbm>>
      %dma_wait3A_618 = tpu.memref_squeeze %dma_wait3A_617 : memref<1x512xi32, #tpu.memory_space<hbm>> -> memref<512xi32, #tpu.memory_space<hbm>>
      tpu.wait_dma2 semaphore(%run_scoped3A : memref<!tpu.dma_semaphore, #tpu.memory_space<semaphore_mem>>) src(%dma_wait3A_618 : memref<512xi32, #tpu.memory_space<hbm>>) dst(%arg17 : memref<512xi32, #tpu.memory_space<vmem>>)
      tpu.yield
    }) : () -> ()
    %get3A_300 = arith.constant 512 : index
    %get3A_301 = tpu.vector_load %arg16[%get3A_300] {strides = array<i32>} : memref<528xi32, #tpu.memory_space<vmem>>, vector<16xi32>,
    %broadcast_in_dim3A_302 = arith.constant 1 : i32
    %broadcast_in_dim3A_303 = vector.broadcast %broadcast_in_dim3A_302 : i32 to vector<16xi32>
    %mul3A_304 = arith.constant 1 : i32
    %mul3A_305 = vector.broadcast %mul3A_304 : i32 to vector<16xi32>
    %mul3A_306 = arith.muli %broadcast_in_dim3A_303, %mul3A_305 : vector<16xi32>
    %eq3A_307 = arith.cmpi eq, %iota3A, %mul3A_306 : vector<16xi32>
    %broadcast_in_dim3A_308 = arith.constant 0 : i32
    %broadcast_in_dim3A_309 = vector.broadcast %broadcast_in_dim3A_308 : i32 to vector<16xi32>
    %select_n3A_310 = arith.select %eq3A_307, %get3A_301, %broadcast_in_dim3A_309 : vector<16xi1>, vector<16xi32>
    %reduce_sum3A_311 = arith.constant true
    %reduce_sum3A_312 = vector.broadcast %reduce_sum3A_311 : i1 to vector<16xi1>
    %reduce_sum3A_313 = tpu.scan <sum>, %select_n3A_310 masked %reduce_sum3A_312 : vector<16xi32>, vector<16xi1> -> vector<16xi32>
    %reduce_sum3A_314 = vector.extract %reduce_sum3A_313[15] : i32 from vector<16xi32>
    %get3A_315 = arith.constant 0 : index
    %get3A_316 = tpu.vector_load %arg15[%get3A_315] {strides = array<i32>} : memref<528xi32, #tpu.memory_space<vmem>>, vector<16xi32>,
    %broadcast_in_dim3A_317 = arith.constant 1 : i32
    %broadcast_in_dim3A_318 = vector.broadcast %broadcast_in_dim3A_317 : i32 to vector<16xi32>
    %mul3A_319 = arith.constant 0 : i32
    %mul3A_320 = vector.broadcast %mul3A_319 : i32 to vector<16xi32>
    %mul3A_321 = arith.muli %broadcast_in_dim3A_318, %mul3A_320 : vector<16xi32>
    %eq3A_322 = arith.cmpi eq, %iota3A, %mul3A_321 : vector<16xi32>
    %broadcast_in_dim3A_323 = arith.constant 0 : i32
    %broadcast_in_dim3A_324 = vector.broadcast %broadcast_in_dim3A_323 : i32 to vector<16xi32>
    %select_n3A_325 = arith.select %eq3A_322, %get3A_316, %broadcast_in_dim3A_324 : vector<16xi1>, vector<16xi32>
    %reduce_sum3A_326 = arith.constant true
    %reduce_sum3A_327 = vector.broadcast %reduce_sum3A_326 : i1 to vector<16xi1>
    %reduce_sum3A_328 = tpu.scan <sum>, %select_n3A_325 masked %reduce_sum3A_327 : vector<16xi32>, vector<16xi1> -> vector<16xi32>
    %reduce_sum3A_329 = vector.extract %reduce_sum3A_328[15] : i32 from vector<16xi32>
    %mul3A_330 = arith.constant 128 : i32
    %mul3A_331 = arith.muli %reduce_sum3A_329, %mul3A_330 : i32
    %multiple_of3A_332 = tpu.assume_multiple %mul3A_331, 128 : i32
    %dma_start3A_333 = arith.constant 0 : i32
    %dma_start3A_334 = arith.constant 0 : i32
    %dma_start3A_335 = arith.constant 0 : i32
    %dma_start3A_336 = tpu.memref_slice %arg18[%dma_start3A_333, %dma_start3A_334, %dma_start3A_335] : memref<6x64x128xf32, #tpu.memory_space<vmem>> -> memref<1x64x128xf32, #tpu.memory_space<vmem>>
    %dma_start3A_337 = tpu.memref_squeeze %dma_start3A_336 : memref<1x64x128xf32, #tpu.memory_space<vmem>> -> memref<64x128xf32, #tpu.memory_space<vmem>>
    %dma_start3A_338 = arith.constant 0 : i32
    %dma_start3A_339 = tpu.memref_slice %arg11[%dma_start3A_338, %multiple_of3A_332] : memref<64x1000000xf32, #tpu.memory_space<hbm>> -> memref<64x128xf32, #tpu.memory_space<hbm>>
    %dma_start3A_340 = arith.constant 0 : i32
    %dma_start3A_341 = arith.constant 0 : i32
    %dma_start3A_342 = tpu.memref_slice %arg18[%dma_start3A_333, %dma_start3A_340, %dma_start3A_341] : memref<6x64x128xf32, #tpu.memory_space<vmem>> -> memref<1x64x128xf32, #tpu.memory_space<vmem>>
    %dma_start3A_343 = tpu.memref_squeeze %dma_start3A_342 : memref<1x64x128xf32, #tpu.memory_space<vmem>> -> memref<64x128xf32, #tpu.memory_space<vmem>>
    %dma_start3A_344 = arith.constant 0 : i32
    %dma_start3A_345 = tpu.memref_slice %arg11[%dma_start3A_344, %multiple_of3A_332] : memref<64x1000000xf32, #tpu.memory_space<hbm>> -> memref<64x128xf32, #tpu.memory_space<hbm>>
    tpu.enqueue_dma source(%dma_start3A_345 : memref<64x128xf32, #tpu.memory_space<hbm>>) target(%dma_start3A_343 : memref<64x128xf32, #tpu.memory_space<vmem>>) target_semaphore(%arg20 : memref<!tpu.dma_semaphore, #tpu.memory_space<semaphore_mem>>)
    %get3A_346 = arith.constant 0 : index
    %get3A_347 = tpu.vector_load %arg15[%get3A_346] {strides = array<i32>} : memref<528xi32, #tpu.memory_space<vmem>>, vector<16xi32>,
    %broadcast_in_dim3A_348 = arith.constant 1 : i32
    %broadcast_in_dim3A_349 = vector.broadcast %broadcast_in_dim3A_348 : i32 to vector<16xi32>
    %mul3A_350 = arith.constant 1 : i32
    %mul3A_351 = vector.broadcast %mul3A_350 : i32 to vector<16xi32>
    %mul3A_352 = arith.muli %broadcast_in_dim3A_349, %mul3A_351 : vector<16xi32>
    %eq3A_353 = arith.cmpi eq, %iota3A, %mul3A_352 : vector<16xi32>
    %broadcast_in_dim3A_354 = arith.constant 0 : i32
    %broadcast_in_dim3A_355 = vector.broadcast %broadcast_in_dim3A_354 : i32 to vector<16xi32>
    %select_n3A_356 = arith.select %eq3A_353, %get3A_347, %broadcast_in_dim3A_355 : vector<16xi1>, vector<16xi32>
    %reduce_sum3A_357 = arith.constant true
    %reduce_sum3A_358 = vector.broadcast %reduce_sum3A_357 : i1 to vector<16xi1>
    %reduce_sum3A_359 = tpu.scan <sum>, %select_n3A_356 masked %reduce_sum3A_358 : vector<16xi32>, vector<16xi1> -> vector<16xi32>
    %reduce_sum3A_360 = vector.extract %reduce_sum3A_359[15] : i32 from vector<16xi32>
    %mul3A_361 = arith.constant 128 : i32
    %mul3A_362 = arith.muli %reduce_sum3A_360, %mul3A_361 : i32
    %multiple_of3A_363 = tpu.assume_multiple %mul3A_362, 128 : i32
    %dma_start3A_364 = arith.constant 1 : i32
    %dma_start3A_365 = arith.constant 0 : i32
    %dma_start3A_366 = arith.constant 0 : i32
    %dma_start3A_367 = tpu.memref_slice %arg18[%dma_start3A_364, %dma_start3A_365, %dma_start3A_366] : memref<6x64x128xf32, #tpu.memory_space<vmem>> -> memref<1x64x128xf32, #tpu.memory_space<vmem>>
    %dma_start3A_368 = tpu.memref_squeeze %dma_start3A_367 : memref<1x64x128xf32, #tpu.memory_space<vmem>> -> memref<64x128xf32, #tpu.memory_space<vmem>>
    %dma_start3A_369 = arith.constant 0 : i32
    %dma_start3A_370 = tpu.memref_slice %arg11[%dma_start3A_369, %multiple_of3A_363] : memref<64x1000000xf32, #tpu.memory_space<hbm>> -> memref<64x128xf32, #tpu.memory_space<hbm>>
    %dma_start3A_371 = arith.constant 0 : i32
    %dma_start3A_372 = arith.constant 0 : i32
    %dma_start3A_373 = tpu.memref_slice %arg18[%dma_start3A_364, %dma_start3A_371, %dma_start3A_372] : memref<6x64x128xf32, #tpu.memory_space<vmem>> -> memref<1x64x128xf32, #tpu.memory_space<vmem>>
    %dma_start3A_374 = tpu.memref_squeeze %dma_start3A_373 : memref<1x64x128xf32, #tpu.memory_space<vmem>> -> memref<64x128xf32, #tpu.memory_space<vmem>>
    %dma_start3A_375 = arith.constant 0 : i32
    %dma_start3A_376 = tpu.memref_slice %arg11[%dma_start3A_375, %multiple_of3A_363] : memref<64x1000000xf32, #tpu.memory_space<hbm>> -> memref<64x128xf32, #tpu.memory_space<hbm>>
    tpu.enqueue_dma source(%dma_start3A_376 : memref<64x128xf32, #tpu.memory_space<hbm>>) target(%dma_start3A_374 : memref<64x128xf32, #tpu.memory_space<vmem>>) target_semaphore(%arg20 : memref<!tpu.dma_semaphore, #tpu.memory_space<semaphore_mem>>)
    %get3A_377 = arith.constant 0 : index
    %get3A_378 = tpu.vector_load %arg15[%get3A_377] {strides = array<i32>} : memref<528xi32, #tpu.memory_space<vmem>>, vector<16xi32>,
    %broadcast_in_dim3A_379 = arith.constant 1 : i32
    %broadcast_in_dim3A_380 = vector.broadcast %broadcast_in_dim3A_379 : i32 to vector<16xi32>
    %mul3A_381 = arith.constant 2 : i32
    %mul3A_382 = vector.broadcast %mul3A_381 : i32 to vector<16xi32>
    %mul3A_383 = arith.muli %broadcast_in_dim3A_380, %mul3A_382 : vector<16xi32>
    %eq3A_384 = arith.cmpi eq, %iota3A, %mul3A_383 : vector<16xi32>
    %broadcast_in_dim3A_385 = arith.constant 0 : i32
    %broadcast_in_dim3A_386 = vector.broadcast %broadcast_in_dim3A_385 : i32 to vector<16xi32>
    %select_n3A_387 = arith.select %eq3A_384, %get3A_378, %broadcast_in_dim3A_386 : vector<16xi1>, vector<16xi32>
    %reduce_sum3A_388 = arith.constant true
    %reduce_sum3A_389 = vector.broadcast %reduce_sum3A_388 : i1 to vector<16xi1>
    %reduce_sum3A_390 = tpu.scan <sum>, %select_n3A_387 masked %reduce_sum3A_389 : vector<16xi32>, vector<16xi1> -> vector<16xi32>
    %reduce_sum3A_391 = vector.extract %reduce_sum3A_390[15] : i32 from vector<16xi32>
    %mul3A_392 = arith.constant 128 : i32
    %mul3A_393 = arith.muli %reduce_sum3A_391, %mul3A_392 : i32
    %multiple_of3A_394 = tpu.assume_multiple %mul3A_393, 128 : i32
    %dma_start3A_395 = arith.constant 2 : i32
    %dma_start3A_396 = arith.constant 0 : i32
    %dma_start3A_397 = arith.constant 0 : i32
    %dma_start3A_398 = tpu.memref_slice %arg18[%dma_start3A_395, %dma_start3A_396, %dma_start3A_397] : memref<6x64x128xf32, #tpu.memory_space<vmem>> -> memref<1x64x128xf32, #tpu.memory_space<vmem>>
    %dma_start3A_399 = tpu.memref_squeeze %dma_start3A_398 : memref<1x64x128xf32, #tpu.memory_space<vmem>> -> memref<64x128xf32, #tpu.memory_space<vmem>>
    %dma_start3A_400 = arith.constant 0 : i32
    %dma_start3A_401 = tpu.memref_slice %arg11[%dma_start3A_400, %multiple_of3A_394] : memref<64x1000000xf32, #tpu.memory_space<hbm>> -> memref<64x128xf32, #tpu.memory_space<hbm>>
    %dma_start3A_402 = arith.constant 0 : i32
    %dma_start3A_403 = arith.constant 0 : i32
    %dma_start3A_404 = tpu.memref_slice %arg18[%dma_start3A_395, %dma_start3A_402, %dma_start3A_403] : memref<6x64x128xf32, #tpu.memory_space<vmem>> -> memref<1x64x128xf32, #tpu.memory_space<vmem>>
    %dma_start3A_405 = tpu.memref_squeeze %dma_start3A_404 : memref<1x64x128xf32, #tpu.memory_space<vmem>> -> memref<64x128xf32, #tpu.memory_space<vmem>>
    %dma_start3A_406 = arith.constant 0 : i32
    %dma_start3A_407 = tpu.memref_slice %arg11[%dma_start3A_406, %multiple_of3A_394] : memref<64x1000000xf32, #tpu.memory_space<hbm>> -> memref<64x128xf32, #tpu.memory_space<hbm>>
    tpu.enqueue_dma source(%dma_start3A_407 : memref<64x128xf32, #tpu.memory_space<hbm>>) target(%dma_start3A_405 : memref<64x128xf32, #tpu.memory_space<vmem>>) target_semaphore(%arg20 : memref<!tpu.dma_semaphore, #tpu.memory_space<semaphore_mem>>)
    %get3A_408 = arith.constant 0 : index
    %get3A_409 = tpu.vector_load %arg15[%get3A_408] {strides = array<i32>} : memref<528xi32, #tpu.memory_space<vmem>>, vector<16xi32>,
    %broadcast_in_dim3A_410 = arith.constant 1 : i32
    %broadcast_in_dim3A_411 = vector.broadcast %broadcast_in_dim3A_410 : i32 to vector<16xi32>
    %mul3A_412 = arith.constant 3 : i32
    %mul3A_413 = vector.broadcast %mul3A_412 : i32 to vector<16xi32>
    %mul3A_414 = arith.muli %broadcast_in_dim3A_411, %mul3A_413 : vector<16xi32>
    %eq3A_415 = arith.cmpi eq, %iota3A, %mul3A_414 : vector<16xi32>
    %broadcast_in_dim3A_416 = arith.constant 0 : i32
    %broadcast_in_dim3A_417 = vector.broadcast %broadcast_in_dim3A_416 : i32 to vector<16xi32>
    %select_n3A_418 = arith.select %eq3A_415, %get3A_409, %broadcast_in_dim3A_417 : vector<16xi1>, vector<16xi32>
    %reduce_sum3A_419 = arith.constant true
    %reduce_sum3A_420 = vector.broadcast %reduce_sum3A_419 : i1 to vector<16xi1>
    %reduce_sum3A_421 = tpu.scan <sum>, %select_n3A_418 masked %reduce_sum3A_420 : vector<16xi32>, vector<16xi1> -> vector<16xi32>
    %reduce_sum3A_422 = vector.extract %reduce_sum3A_421[15] : i32 from vector<16xi32>
    %mul3A_423 = arith.constant 128 : i32
    %mul3A_424 = arith.muli %reduce_sum3A_422, %mul3A_423 : i32
    %multiple_of3A_425 = tpu.assume_multiple %mul3A_424, 128 : i32
    %dma_start3A_426 = arith.constant 3 : i32
    %dma_start3A_427 = arith.constant 0 : i32
    %dma_start3A_428 = arith.constant 0 : i32
    %dma_start3A_429 = tpu.memref_slice %arg18[%dma_start3A_426, %dma_start3A_427, %dma_start3A_428] : memref<6x64x128xf32, #tpu.memory_space<vmem>> -> memref<1x64x128xf32, #tpu.memory_space<vmem>>
    %dma_start3A_430 = tpu.memref_squeeze %dma_start3A_429 : memref<1x64x128xf32, #tpu.memory_space<vmem>> -> memref<64x128xf32, #tpu.memory_space<vmem>>
    %dma_start3A_431 = arith.constant 0 : i32
    %dma_start3A_432 = tpu.memref_slice %arg11[%dma_start3A_431, %multiple_of3A_425] : memref<64x1000000xf32, #tpu.memory_space<hbm>> -> memref<64x128xf32, #tpu.memory_space<hbm>>
    %dma_start3A_433 = arith.constant 0 : i32
    %dma_start3A_434 = arith.constant 0 : i32
    %dma_start3A_435 = tpu.memref_slice %arg18[%dma_start3A_426, %dma_start3A_433, %dma_start3A_434] : memref<6x64x128xf32, #tpu.memory_space<vmem>> -> memref<1x64x128xf32, #tpu.memory_space<vmem>>
    %dma_start3A_436 = tpu.memref_squeeze %dma_start3A_435 : memref<1x64x128xf32, #tpu.memory_space<vmem>> -> memref<64x128xf32, #tpu.memory_space<vmem>>
    %dma_start3A_437 = arith.constant 0 : i32
    %dma_start3A_438 = tpu.memref_slice %arg11[%dma_start3A_437, %multiple_of3A_425] : memref<64x1000000xf32, #tpu.memory_space<hbm>> -> memref<64x128xf32, #tpu.memory_space<hbm>>
    tpu.enqueue_dma source(%dma_start3A_438 : memref<64x128xf32, #tpu.memory_space<hbm>>) target(%dma_start3A_436 : memref<64x128xf32, #tpu.memory_space<vmem>>) target_semaphore(%arg20 : memref<!tpu.dma_semaphore, #tpu.memory_space<semaphore_mem>>)
    %get3A_439 = arith.constant 0 : index
    %get3A_440 = tpu.vector_load %arg15[%get3A_439] {strides = array<i32>} : memref<528xi32, #tpu.memory_space<vmem>>, vector<16xi32>,
    %broadcast_in_dim3A_441 = arith.constant 1 : i32
    %broadcast_in_dim3A_442 = vector.broadcast %broadcast_in_dim3A_441 : i32 to vector<16xi32>
    %mul3A_443 = arith.constant 4 : i32
    %mul3A_444 = vector.broadcast %mul3A_443 : i32 to vector<16xi32>
    %mul3A_445 = arith.muli %broadcast_in_dim3A_442, %mul3A_444 : vector<16xi32>
    %eq3A_446 = arith.cmpi eq, %iota3A, %mul3A_445 : vector<16xi32>
    %broadcast_in_dim3A_447 = arith.constant 0 : i32
    %broadcast_in_dim3A_448 = vector.broadcast %broadcast_in_dim3A_447 : i32 to vector<16xi32>
    %select_n3A_449 = arith.select %eq3A_446, %get3A_440, %broadcast_in_dim3A_448 : vector<16xi1>, vector<16xi32>
    %reduce_sum3A_450 = arith.constant true
    %reduce_sum3A_451 = vector.broadcast %reduce_sum3A_450 : i1 to vector<16xi1>
    %reduce_sum3A_452 = tpu.scan <sum>, %select_n3A_449 masked %reduce_sum3A_451 : vector<16xi32>, vector<16xi1> -> vector<16xi32>
    %reduce_sum3A_453 = vector.extract %reduce_sum3A_452[15] : i32 from vector<16xi32>
    %mul3A_454 = arith.constant 128 : i32
    %mul3A_455 = arith.muli %reduce_sum3A_453, %mul3A_454 : i32
    %multiple_of3A_456 = tpu.assume_multiple %mul3A_455, 128 : i32
    %dma_start3A_457 = arith.constant 4 : i32
    %dma_start3A_458 = arith.constant 0 : i32
    %dma_start3A_459 = arith.constant 0 : i32
    %dma_start3A_460 = tpu.memref_slice %arg18[%dma_start3A_457, %dma_start3A_458, %dma_start3A_459] : memref<6x64x128xf32, #tpu.memory_space<vmem>> -> memref<1x64x128xf32, #tpu.memory_space<vmem>>
    %dma_start3A_461 = tpu.memref_squeeze %dma_start3A_460 : memref<1x64x128xf32, #tpu.memory_space<vmem>> -> memref<64x128xf32, #tpu.memory_space<vmem>>
    %dma_start3A_462 = arith.constant 0 : i32
    %dma_start3A_463 = tpu.memref_slice %arg11[%dma_start3A_462, %multiple_of3A_456] : memref<64x1000000xf32, #tpu.memory_space<hbm>> -> memref<64x128xf32, #tpu.memory_space<hbm>>
    %dma_start3A_464 = arith.constant 0 : i32
    %dma_start3A_465 = arith.constant 0 : i32
    %dma_start3A_466 = tpu.memref_slice %arg18[%dma_start3A_457, %dma_start3A_464, %dma_start3A_465] : memref<6x64x128xf32, #tpu.memory_space<vmem>> -> memref<1x64x128xf32, #tpu.memory_space<vmem>>
    %dma_start3A_467 = tpu.memref_squeeze %dma_start3A_466 : memref<1x64x128xf32, #tpu.memory_space<vmem>> -> memref<64x128xf32, #tpu.memory_space<vmem>>
    %dma_start3A_468 = arith.constant 0 : i32
    %dma_start3A_469 = tpu.memref_slice %arg11[%dma_start3A_468, %multiple_of3A_456] : memref<64x1000000xf32, #tpu.memory_space<hbm>> -> memref<64x128xf32, #tpu.memory_space<hbm>>
    tpu.enqueue_dma source(%dma_start3A_469 : memref<64x128xf32, #tpu.memory_space<hbm>>) target(%dma_start3A_467 : memref<64x128xf32, #tpu.memory_space<vmem>>) target_semaphore(%arg20 : memref<!tpu.dma_semaphore, #tpu.memory_space<semaphore_mem>>)
    %get3A_470 = arith.constant 0 : index
    %get3A_471 = tpu.vector_load %arg15[%get3A_470] {strides = array<i32>} : memref<528xi32, #tpu.memory_space<vmem>>, vector<16xi32>,
    %broadcast_in_dim3A_472 = arith.constant 1 : i32
    %broadcast_in_dim3A_473 = vector.broadcast %broadcast_in_dim3A_472 : i32 to vector<16xi32>
    %mul3A_474 = arith.constant 5 : i32
    %mul3A_475 = vector.broadcast %mul3A_474 : i32 to vector<16xi32>
    %mul3A_476 = arith.muli %broadcast_in_dim3A_473, %mul3A_475 : vector<16xi32>
    %eq3A_477 = arith.cmpi eq, %iota3A, %mul3A_476 : vector<16xi32>
    %broadcast_in_dim3A_478 = arith.constant 0 : i32
    %broadcast_in_dim3A_479 = vector.broadcast %broadcast_in_dim3A_478 : i32 to vector<16xi32>
    %select_n3A_480 = arith.select %eq3A_477, %get3A_471, %broadcast_in_dim3A_479 : vector<16xi1>, vector<16xi32>
    %reduce_sum3A_481 = arith.constant true
    %reduce_sum3A_482 = vector.broadcast %reduce_sum3A_481 : i1 to vector<16xi1>
    %reduce_sum3A_483 = tpu.scan <sum>, %select_n3A_480 masked %reduce_sum3A_482 : vector<16xi32>, vector<16xi1> -> vector<16xi32>
    %reduce_sum3A_484 = vector.extract %reduce_sum3A_483[15] : i32 from vector<16xi32>
    %mul3A_485 = arith.constant 128 : i32
    %mul3A_486 = arith.muli %reduce_sum3A_484, %mul3A_485 : i32
    %multiple_of3A_487 = tpu.assume_multiple %mul3A_486, 128 : i32
    %dma_start3A_488 = arith.constant 5 : i32
    %dma_start3A_489 = arith.constant 0 : i32
    %dma_start3A_490 = arith.constant 0 : i32
    %dma_start3A_491 = tpu.memref_slice %arg18[%dma_start3A_488, %dma_start3A_489, %dma_start3A_490] : memref<6x64x128xf32, #tpu.memory_space<vmem>> -> memref<1x64x128xf32, #tpu.memory_space<vmem>>
    %dma_start3A_492 = tpu.memref_squeeze %dma_start3A_491 : memref<1x64x128xf32, #tpu.memory_space<vmem>> -> memref<64x128xf32, #tpu.memory_space<vmem>>
    %dma_start3A_493 = arith.constant 0 : i32
    %dma_start3A_494 = tpu.memref_slice %arg11[%dma_start3A_493, %multiple_of3A_487] : memref<64x1000000xf32, #tpu.memory_space<hbm>> -> memref<64x128xf32, #tpu.memory_space<hbm>>
    %dma_start3A_495 = arith.constant 0 : i32
    %dma_start3A_496 = arith.constant 0 : i32
    %dma_start3A_497 = tpu.memref_slice %arg18[%dma_start3A_488, %dma_start3A_495, %dma_start3A_496] : memref<6x64x128xf32, #tpu.memory_space<vmem>> -> memref<1x64x128xf32, #tpu.memory_space<vmem>>
    %dma_start3A_498 = tpu.memref_squeeze %dma_start3A_497 : memref<1x64x128xf32, #tpu.memory_space<vmem>> -> memref<64x128xf32, #tpu.memory_space<vmem>>
    %dma_start3A_499 = arith.constant 0 : i32
    %dma_start3A_500 = tpu.memref_slice %arg11[%dma_start3A_499, %multiple_of3A_487] : memref<64x1000000xf32, #tpu.memory_space<hbm>> -> memref<64x128xf32, #tpu.memory_space<hbm>>
    tpu.enqueue_dma source(%dma_start3A_500 : memref<64x128xf32, #tpu.memory_space<hbm>>) target(%dma_start3A_498 : memref<64x128xf32, #tpu.memory_space<vmem>>) target_semaphore(%arg20 : memref<!tpu.dma_semaphore, #tpu.memory_space<semaphore_mem>>)
    %while3A_501 = arith.constant 0 : i32
    %while3A_502 = arith.constant 0 : i32
    %while3A_503 = arith.subi %reduce_sum3A_314, %while3A_502 : i32
    %while3A_504 = arith.addi %while3A_502, %while3A_503 : i32
    %while3A_505 = arith.constant 1 : i32
    %while3A_506 = arith.divsi %while3A_503, %while3A_505 : i32
    %while3A_507 = arith.muli %while3A_506, %while3A_505 : i32
    %while3A_508 = arith.addi %while3A_502, %while3A_507 : i32
    %while3A_509 = arith.constant 1 : i32
    scf.for %while3A_607 = %while3A_502 to %while3A_508 step %while3A_509  : i32 {
      %dma_wait3A_608 = arith.constant 0 : i32
      %dma_wait3A_609 = arith.constant 0 : i32
      %dma_wait3A_610 = arith.constant 0 : i32
      %dma_wait3A_611 = tpu.memref_slice %arg18[%dma_wait3A_608, %dma_wait3A_609, %dma_wait3A_610] : memref<6x64x128xf32, #tpu.memory_space<vmem>> -> memref<1x64x128xf32, #tpu.memory_space<vmem>>
      %dma_wait3A_612 = tpu.memref_squeeze %dma_wait3A_611 : memref<1x64x128xf32, #tpu.memory_space<vmem>> -> memref<64x128xf32, #tpu.memory_space<vmem>>
      %dma_wait3A_613 = arith.constant 0 : i32
      %dma_wait3A_614 = arith.constant 0 : i32
      %dma_wait3A_615 = tpu.memref_slice %arg11[%dma_wait3A_613, %dma_wait3A_614] : memref<64x1000000xf32, #tpu.memory_space<hbm>> -> memref<64x128xf32, #tpu.memory_space<hbm>>
      %dma_wait3A_616 = arith.constant 0 : i32
      %dma_wait3A_617 = arith.constant 0 : i32
      %dma_wait3A_618 = tpu.memref_slice %arg18[%dma_wait3A_608, %dma_wait3A_616, %dma_wait3A_617] : memref<6x64x128xf32, #tpu.memory_space<vmem>> -> memref<1x64x128xf32, #tpu.memory_space<vmem>>
      %dma_wait3A_619 = tpu.memref_squeeze %dma_wait3A_618 : memref<1x64x128xf32, #tpu.memory_space<vmem>> -> memref<64x128xf32, #tpu.memory_space<vmem>>
      %dma_wait3A_620 = arith.constant 0 : i32
      %dma_wait3A_621 = arith.constant 0 : i32
      %dma_wait3A_622 = tpu.memref_slice %arg11[%dma_wait3A_620, %dma_wait3A_621] : memref<64x1000000xf32, #tpu.memory_space<hbm>> -> memref<64x128xf32, #tpu.memory_space<hbm>>
      tpu.wait_dma2 semaphore(%arg20 : memref<!tpu.dma_semaphore, #tpu.memory_space<semaphore_mem>>) src(%dma_wait3A_622 : memref<64x128xf32, #tpu.memory_space<hbm>>) dst(%dma_wait3A_619 : memref<64x128xf32, #tpu.memory_space<vmem>>)
      %jit3A = arith.constant 6 : i32
      %eq3A_623 = arith.constant 0 : i32
      %eq3A_624 = arith.cmpi eq, %jit3A, %eq3A_623 : i32
      %jit3A_625 = arith.constant 1 : i32
      %select_n3A_626 = arith.select %eq3A_624, %jit3A_625, %jit3A : i32
      %rem3A = arith.remsi %while3A_607, %select_n3A_626 : i32
      %ne3A = arith.constant 0 : i32
      %ne3A_627 = arith.cmpi ne, %rem3A, %ne3A : i32
      %lt3A = arith.constant 0 : i32
      %lt3A_628 = arith.cmpi slt, %rem3A, %lt3A : i32
      %lt3A_629 = arith.constant 0 : i32
      %lt3A_630 = arith.cmpi slt, %select_n3A_626, %lt3A_629 : i32
      %ne3A_631 = arith.xori %lt3A_628, %lt3A_630 : i1
      %and3A = arith.andi %ne3A_631, %ne3A_627 : i1
      %add3A_632 = arith.addi %rem3A, %select_n3A_626 : i32
      %select_n3A_633 = arith.select %and3A, %add3A_632, %rem3A : i32
      %jit3A_634 = arith.constant 16 : i32
      %div3A = arith.divsi %while3A_607, %jit3A_634 : i32
      %sign3A = arith.constant 0 : i32
      %sign3A_635 = arith.cmpi sgt, %while3A_607, %sign3A : i32
      %sign3A_636 = arith.extui %sign3A_635 : i1 to i32
      %sign3A_637 = arith.constant 0 : i32
      %sign3A_638 = arith.cmpi slt, %while3A_607, %sign3A_637 : i32
      %sign3A_639 = arith.extui %sign3A_638 : i1 to i32
      %sign3A_640 = arith.subi %sign3A_636, %sign3A_639 : i32
      %sign3A_641 = arith.constant 0 : i32
      %sign3A_642 = arith.cmpi sgt, %jit3A_634, %sign3A_641 : i32
      %sign3A_643 = arith.extui %sign3A_642 : i1 to i32
      %sign3A_644 = arith.constant 0 : i32
      %sign3A_645 = arith.cmpi slt, %jit3A_634, %sign3A_644 : i32
      %sign3A_646 = arith.extui %sign3A_645 : i1 to i32
      %sign3A_647 = arith.subi %sign3A_643, %sign3A_646 : i32
      %ne3A_648 = arith.cmpi ne, %sign3A_640, %sign3A_647 : i32
      %rem3A_649 = arith.remsi %while3A_607, %jit3A_634 : i32
      %ne3A_650 = arith.constant 0 : i32
      %ne3A_651 = arith.cmpi ne, %rem3A_649, %ne3A_650 : i32
      %and3A_652 = arith.andi %ne3A_648, %ne3A_651 : i1
      %sub3A = arith.constant 1 : i32
      %sub3A_653 = arith.subi %div3A, %sub3A : i32
      %select_n3A_654 = arith.select %and3A_652, %sub3A_653, %div3A : i32
      %mul3A_655 = arith.constant 16 : i32
      %mul3A_656 = arith.muli %select_n3A_654, %mul3A_655 : i32
      %get3A_657 = arith.index_cast %mul3A_656 : i32 to index
      %get3A_658 = tpu.vector_load %arg16[%get3A_657] {strides = array<i32>} : memref<528xi32, #tpu.memory_space<vmem>>, vector<16xi32>,
      %sub3A_659 = arith.subi %while3A_607, %mul3A_656 : i32
      %broadcast_in_dim3A_660 = arith.constant 1 : i32
      %broadcast_in_dim3A_661 = vector.broadcast %broadcast_in_dim3A_660 : i32 to vector<16xi32>
      %mul3A_662 = vector.broadcast %sub3A_659 : i32 to vector<16xi32>
      %mul3A_663 = arith.muli %broadcast_in_dim3A_661, %mul3A_662 : vector<16xi32>
      %eq3A_664 = arith.cmpi eq, %iota3A, %mul3A_663 : vector<16xi32>
      %broadcast_in_dim3A_665 = arith.constant 0 : i32
      %broadcast_in_dim3A_666 = vector.broadcast %broadcast_in_dim3A_665 : i32 to vector<16xi32>
      %select_n3A_667 = arith.select %eq3A_664, %get3A_658, %broadcast_in_dim3A_666 : vector<16xi1>, vector<16xi32>
      %reduce_sum3A_668 = arith.constant true
      %reduce_sum3A_669 = vector.broadcast %reduce_sum3A_668 : i1 to vector<16xi1>
      %reduce_sum3A_670 = tpu.scan <sum>, %select_n3A_667 masked %reduce_sum3A_669 : vector<16xi32>, vector<16xi1> -> vector<16xi32>
      %reduce_sum3A_671 = vector.extract %reduce_sum3A_670[15] : i32 from vector<16xi32>
      %add3A_672 = arith.constant 1 : i32
      %add3A_673 = arith.addi %while3A_607, %add3A_672 : i32
      %jit3A_674 = arith.constant 16 : i32
      %div3A_675 = arith.divsi %add3A_673, %jit3A_674 : i32
      %sign3A_676 = arith.constant 0 : i32
      %sign3A_677 = arith.cmpi sgt, %add3A_673, %sign3A_676 : i32
      %sign3A_678 = arith.extui %sign3A_677 : i1 to i32
      %sign3A_679 = arith.constant 0 : i32
      %sign3A_680 = arith.cmpi slt, %add3A_673, %sign3A_679 : i32
      %sign3A_681 = arith.extui %sign3A_680 : i1 to i32
      %sign3A_682 = arith.subi %sign3A_678, %sign3A_681 : i32
      %sign3A_683 = arith.constant 0 : i32
      %sign3A_684 = arith.cmpi sgt, %jit3A_674, %sign3A_683 : i32
      %sign3A_685 = arith.extui %sign3A_684 : i1 to i32
      %sign3A_686 = arith.constant 0 : i32
      %sign3A_687 = arith.cmpi slt, %jit3A_674, %sign3A_686 : i32
      %sign3A_688 = arith.extui %sign3A_687 : i1 to i32
      %sign3A_689 = arith.subi %sign3A_685, %sign3A_688 : i32
      %ne3A_690 = arith.cmpi ne, %sign3A_682, %sign3A_689 : i32
      %rem3A_691 = arith.remsi %add3A_673, %jit3A_674 : i32
      %ne3A_692 = arith.constant 0 : i32
      %ne3A_693 = arith.cmpi ne, %rem3A_691, %ne3A_692 : i32
      %and3A_694 = arith.andi %ne3A_690, %ne3A_693 : i1
      %sub3A_695 = arith.constant 1 : i32
      %sub3A_696 = arith.subi %div3A_675, %sub3A_695 : i32
      %select_n3A_697 = arith.select %and3A_694, %sub3A_696, %div3A_675 : i32
      %mul3A_698 = arith.constant 16 : i32
      %mul3A_699 = arith.muli %select_n3A_697, %mul3A_698 : i32
      %get3A_700 = arith.index_cast %mul3A_699 : i32 to index
      %get3A_701 = tpu.vector_load %arg16[%get3A_700] {strides = array<i32>} : memref<528xi32, #tpu.memory_space<vmem>>, vector<16xi32>,
      %sub3A_702 = arith.subi %add3A_673, %mul3A_699 : i32
      %broadcast_in_dim3A_703 = arith.constant 1 : i32
      %broadcast_in_dim3A_704 = vector.broadcast %broadcast_in_dim3A_703 : i32 to vector<16xi32>
      %mul3A_705 = vector.broadcast %sub3A_702 : i32 to vector<16xi32>
      %mul3A_706 = arith.muli %broadcast_in_dim3A_704, %mul3A_705 : vector<16xi32>
      %eq3A_707 = arith.cmpi eq, %iota3A, %mul3A_706 : vector<16xi32>
      %broadcast_in_dim3A_708 = arith.constant 0 : i32
      %broadcast_in_dim3A_709 = vector.broadcast %broadcast_in_dim3A_708 : i32 to vector<16xi32>
      %select_n3A_710 = arith.select %eq3A_707, %get3A_701, %broadcast_in_dim3A_709 : vector<16xi1>, vector<16xi32>
      %reduce_sum3A_711 = arith.constant true
      %reduce_sum3A_712 = vector.broadcast %reduce_sum3A_711 : i1 to vector<16xi1>
      %reduce_sum3A_713 = tpu.scan <sum>, %select_n3A_710 masked %reduce_sum3A_712 : vector<16xi32>, vector<16xi1> -> vector<16xi32>
      %reduce_sum3A_714 = vector.extract %reduce_sum3A_713[15] : i32 from vector<16xi32>
      %while3A_715 = arith.constant 0 : i32
      %while3A_716 = arith.subi %reduce_sum3A_714, %reduce_sum3A_671 : i32
      %while3A_717 = arith.addi %reduce_sum3A_671, %while3A_716 : i32
      %while3A_718 = arith.constant 1 : i32
      %while3A_719 = arith.divsi %while3A_716, %while3A_718 : i32
      %while3A_720 = arith.muli %while3A_719, %while3A_718 : i32
      %while3A_721 = arith.addi %reduce_sum3A_671, %while3A_720 : i32
      %while3A_722 = arith.constant 1 : i32
      scf.for %while3A_782 = %reduce_sum3A_671 to %while3A_721 step %while3A_722  : i32 {
        %jit3A_783 = arith.constant 16 : i32
        %div3A_784 = arith.divsi %while3A_782, %jit3A_783 : i32
        %sign3A_785 = arith.constant 0 : i32
        %sign3A_786 = arith.cmpi sgt, %while3A_782, %sign3A_785 : i32
        %sign3A_787 = arith.extui %sign3A_786 : i1 to i32
        %sign3A_788 = arith.constant 0 : i32
        %sign3A_789 = arith.cmpi slt, %while3A_782, %sign3A_788 : i32
        %sign3A_790 = arith.extui %sign3A_789 : i1 to i32
        %sign3A_791 = arith.subi %sign3A_787, %sign3A_790 : i32
        %sign3A_792 = arith.constant 0 : i32
        %sign3A_793 = arith.cmpi sgt, %jit3A_783, %sign3A_792 : i32
        %sign3A_794 = arith.extui %sign3A_793 : i1 to i32
        %sign3A_795 = arith.constant 0 : i32
        %sign3A_796 = arith.cmpi slt, %jit3A_783, %sign3A_795 : i32
        %sign3A_797 = arith.extui %sign3A_796 : i1 to i32
        %sign3A_798 = arith.subi %sign3A_794, %sign3A_797 : i32
        %ne3A_799 = arith.cmpi ne, %sign3A_791, %sign3A_798 : i32
        %rem3A_800 = arith.remsi %while3A_782, %jit3A_783 : i32
        %ne3A_801 = arith.constant 0 : i32
        %ne3A_802 = arith.cmpi ne, %rem3A_800, %ne3A_801 : i32
        %and3A_803 = arith.andi %ne3A_799, %ne3A_802 : i1
        %sub3A_804 = arith.constant 1 : i32
        %sub3A_805 = arith.subi %div3A_784, %sub3A_804 : i32
        %select_n3A_806 = arith.select %and3A_803, %sub3A_805, %div3A_784 : i32
        %mul3A_807 = arith.constant 16 : i32
        %mul3A_808 = arith.muli %select_n3A_806, %mul3A_807 : i32
        %get3A_809 = arith.index_cast %mul3A_808 : i32 to index
        %get3A_810 = tpu.vector_load %arg14[%get3A_809] {strides = array<i32>} : memref<512xi32, #tpu.memory_space<vmem>>, vector<16xi32>,
        %sub3A_811 = arith.subi %while3A_782, %mul3A_808 : i32
        %broadcast_in_dim3A_812 = arith.constant 1 : i32
        %broadcast_in_dim3A_813 = vector.broadcast %broadcast_in_dim3A_812 : i32 to vector<16xi32>
        %mul3A_814 = vector.broadcast %sub3A_811 : i32 to vector<16xi32>
        %mul3A_815 = arith.muli %broadcast_in_dim3A_813, %mul3A_814 : vector<16xi32>
        %eq3A_816 = arith.cmpi eq, %iota3A, %mul3A_815 : vector<16xi32>
        %broadcast_in_dim3A_817 = arith.constant 0 : i32
        %broadcast_in_dim3A_818 = vector.broadcast %broadcast_in_dim3A_817 : i32 to vector<16xi32>
        %select_n3A_819 = arith.select %eq3A_816, %get3A_810, %broadcast_in_dim3A_818 : vector<16xi1>, vector<16xi32>
        %reduce_sum3A_820 = arith.constant true
        %reduce_sum3A_821 = vector.broadcast %reduce_sum3A_820 : i1 to vector<16xi1>
        %reduce_sum3A_822 = tpu.scan <sum>, %select_n3A_819 masked %reduce_sum3A_821 : vector<16xi32>, vector<16xi1> -> vector<16xi32>
        %reduce_sum3A_823 = vector.extract %reduce_sum3A_822[15] : i32 from vector<16xi32>
        %broadcast_in_dim3A_824 = arith.constant 1 : i32
        %broadcast_in_dim3A_825 = vector.broadcast %broadcast_in_dim3A_824 : i32 to vector<16xi32>
        %mul3A_826 = vector.broadcast %select_n3A_633 : i32 to vector<16xi32>
        %mul3A_827 = arith.muli %broadcast_in_dim3A_825, %mul3A_826 : vector<16xi32>
        %add3A_828 = arith.constant 0 : i32
        %add3A_829 = vector.broadcast %add3A_828 : i32 to vector<16xi32>
        %add3A_830 = arith.addi %add3A_829, %iota3A : vector<16xi32>
        %broadcast_in_dim3A_831 = arith.constant 1 : i32
        %broadcast_in_dim3A_832 = vector.broadcast %broadcast_in_dim3A_831 : i32 to vector<16xi32>
        %mul3A_833 = vector.broadcast %reduce_sum3A_823 : i32 to vector<16xi32>
        %mul3A_834 = arith.muli %broadcast_in_dim3A_832, %mul3A_833 : vector<16xi32>
        %gather3A = tpu.vector_load_idx %arg18[%mul3A_827, %add3A_830, %mul3A_834] : memref<6x64x128xf32, #tpu.memory_space<vmem>>[vector<16xi32>, vector<16xi32>, vector<16xi32>], vector<16xf32>,
        %swap3A = arith.index_cast %while3A_782 : i32 to index
        %swap3A_835 = arith.constant 0 : index
        %swap3A_836 = tpu.vector_load %arg19[%swap3A, %swap3A_835] {strides = array<i32>} : memref<512x64xf32, #tpu.memory_space<vmem>>, vector<16xf32>,
        tpu.vector_store %arg19[%swap3A, %swap3A_835], %gather3A {strides = array<i32>} : memref<512x64xf32, #tpu.memory_space<vmem>>, vector<16xf32>,
        %broadcast_in_dim3A_837 = arith.constant 1 : i32
        %broadcast_in_dim3A_838 = vector.broadcast %broadcast_in_dim3A_837 : i32 to vector<16xi32>
        %mul3A_839 = vector.broadcast %select_n3A_633 : i32 to vector<16xi32>
        %mul3A_840 = arith.muli %broadcast_in_dim3A_838, %mul3A_839 : vector<16xi32>
        %add3A_841 = arith.constant 16 : i32
        %add3A_842 = vector.broadcast %add3A_841 : i32 to vector<16xi32>
        %add3A_843 = arith.addi %add3A_842, %iota3A : vector<16xi32>
        %broadcast_in_dim3A_844 = arith.constant 1 : i32
        %broadcast_in_dim3A_845 = vector.broadcast %broadcast_in_dim3A_844 : i32 to vector<16xi32>
        %mul3A_846 = vector.broadcast %reduce_sum3A_823 : i32 to vector<16xi32>
        %mul3A_847 = arith.muli %broadcast_in_dim3A_845, %mul3A_846 : vector<16xi32>
        %gather3A_848 = tpu.vector_load_idx %arg18[%mul3A_840, %add3A_843, %mul3A_847] : memref<6x64x128xf32, #tpu.memory_space<vmem>>[vector<16xi32>, vector<16xi32>, vector<16xi32>], vector<16xf32>,
        %swap3A_849 = arith.index_cast %while3A_782 : i32 to index
        %swap3A_850 = arith.constant 16 : index
        %swap3A_851 = tpu.vector_load %arg19[%swap3A_849, %swap3A_850] {strides = array<i32>} : memref<512x64xf32, #tpu.memory_space<vmem>>, vector<16xf32>,
        tpu.vector_store %arg19[%swap3A_849, %swap3A_850], %gather3A_848 {strides = array<i32>} : memref<512x64xf32, #tpu.memory_space<vmem>>, vector<16xf32>,
        %broadcast_in_dim3A_852 = arith.constant 1 : i32
        %broadcast_in_dim3A_853 = vector.broadcast %broadcast_in_dim3A_852 : i32 to vector<16xi32>
        %mul3A_854 = vector.broadcast %select_n3A_633 : i32 to vector<16xi32>
        %mul3A_855 = arith.muli %broadcast_in_dim3A_853, %mul3A_854 : vector<16xi32>
        %add3A_856 = arith.constant 32 : i32
        %add3A_857 = vector.broadcast %add3A_856 : i32 to vector<16xi32>
        %add3A_858 = arith.addi %add3A_857, %iota3A : vector<16xi32>
        %broadcast_in_dim3A_859 = arith.constant 1 : i32
        %broadcast_in_dim3A_860 = vector.broadcast %broadcast_in_dim3A_859 : i32 to vector<16xi32>
        %mul3A_861 = vector.broadcast %reduce_sum3A_823 : i32 to vector<16xi32>
        %mul3A_862 = arith.muli %broadcast_in_dim3A_860, %mul3A_861 : vector<16xi32>
        %gather3A_863 = tpu.vector_load_idx %arg18[%mul3A_855, %add3A_858, %mul3A_862] : memref<6x64x128xf32, #tpu.memory_space<vmem>>[vector<16xi32>, vector<16xi32>, vector<16xi32>], vector<16xf32>,
        %swap3A_864 = arith.index_cast %while3A_782 : i32 to index
        %swap3A_865 = arith.constant 32 : index
        %swap3A_866 = tpu.vector_load %arg19[%swap3A_864, %swap3A_865] {strides = array<i32>} : memref<512x64xf32, #tpu.memory_space<vmem>>, vector<16xf32>,
        tpu.vector_store %arg19[%swap3A_864, %swap3A_865], %gather3A_863 {strides = array<i32>} : memref<512x64xf32, #tpu.memory_space<vmem>>, vector<16xf32>,
        %broadcast_in_dim3A_867 = arith.constant 1 : i32
        %broadcast_in_dim3A_868 = vector.broadcast %broadcast_in_dim3A_867 : i32 to vector<16xi32>
        %mul3A_869 = vector.broadcast %select_n3A_633 : i32 to vector<16xi32>
        %mul3A_870 = arith.muli %broadcast_in_dim3A_868, %mul3A_869 : vector<16xi32>
        %add3A_871 = arith.constant 48 : i32
        %add3A_872 = vector.broadcast %add3A_871 : i32 to vector<16xi32>
        %add3A_873 = arith.addi %add3A_872, %iota3A : vector<16xi32>
        %broadcast_in_dim3A_874 = arith.constant 1 : i32
        %broadcast_in_dim3A_875 = vector.broadcast %broadcast_in_dim3A_874 : i32 to vector<16xi32>
        %mul3A_876 = vector.broadcast %reduce_sum3A_823 : i32 to vector<16xi32>
        %mul3A_877 = arith.muli %broadcast_in_dim3A_875, %mul3A_876 : vector<16xi32>
        %gather3A_878 = tpu.vector_load_idx %arg18[%mul3A_870, %add3A_873, %mul3A_877] : memref<6x64x128xf32, #tpu.memory_space<vmem>>[vector<16xi32>, vector<16xi32>, vector<16xi32>], vector<16xf32>,
        %swap3A_879 = arith.index_cast %while3A_782 : i32 to index
        %swap3A_880 = arith.constant 48 : index
        %swap3A_881 = tpu.vector_load %arg19[%swap3A_879, %swap3A_880] {strides = array<i32>} : memref<512x64xf32, #tpu.memory_space<vmem>>, vector<16xf32>,
        tpu.vector_store %arg19[%swap3A_879, %swap3A_880], %gather3A_878 {strides = array<i32>} : memref<512x64xf32, #tpu.memory_space<vmem>>, vector<16xf32>,
        %jit3A_882 = arith.constant 16 : i32
        %div3A_883 = arith.divsi %while3A_782, %jit3A_882 : i32
        %sign3A_884 = arith.constant 0 : i32
        %sign3A_885 = arith.cmpi sgt, %while3A_782, %sign3A_884 : i32
        %sign3A_886 = arith.extui %sign3A_885 : i1 to i32
        %sign3A_887 = arith.constant 0 : i32
        %sign3A_888 = arith.cmpi slt, %while3A_782, %sign3A_887 : i32
        %sign3A_889 = arith.extui %sign3A_888 : i1 to i32
        %sign3A_890 = arith.subi %sign3A_886, %sign3A_889 : i32
        %sign3A_891 = arith.constant 0 : i32
        %sign3A_892 = arith.cmpi sgt, %jit3A_882, %sign3A_891 : i32
        %sign3A_893 = arith.extui %sign3A_892 : i1 to i32
        %sign3A_894 = arith.constant 0 : i32
        %sign3A_895 = arith.cmpi slt, %jit3A_882, %sign3A_894 : i32
        %sign3A_896 = arith.extui %sign3A_895 : i1 to i32
        %sign3A_897 = arith.subi %sign3A_893, %sign3A_896 : i32
        %ne3A_898 = arith.cmpi ne, %sign3A_890, %sign3A_897 : i32
        %rem3A_899 = arith.remsi %while3A_782, %jit3A_882 : i32
        %ne3A_900 = arith.constant 0 : i32
        %ne3A_901 = arith.cmpi ne, %rem3A_899, %ne3A_900 : i32
        %and3A_902 = arith.andi %ne3A_898, %ne3A_901 : i1
        %sub3A_903 = arith.constant 1 : i32
        %sub3A_904 = arith.subi %div3A_883, %sub3A_903 : i32
        %select_n3A_905 = arith.select %and3A_902, %sub3A_904, %div3A_883 : i32
        %mul3A_906 = arith.constant 16 : i32
        %mul3A_907 = arith.muli %select_n3A_905, %mul3A_906 : i32
        %get3A_908 = arith.index_cast %mul3A_907 : i32 to index
        %get3A_909 = tpu.vector_load %arg17[%get3A_908] {strides = array<i32>} : memref<512xi32, #tpu.memory_space<vmem>>, vector<16xi32>,
        %sub3A_910 = arith.subi %while3A_782, %mul3A_907 : i32
        %broadcast_in_dim3A_911 = arith.constant 1 : i32
        %broadcast_in_dim3A_912 = vector.broadcast %broadcast_in_dim3A_911 : i32 to vector<16xi32>
        %mul3A_913 = vector.broadcast %sub3A_910 : i32 to vector<16xi32>
        %mul3A_914 = arith.muli %broadcast_in_dim3A_912, %mul3A_913 : vector<16xi32>
        %eq3A_915 = arith.cmpi eq, %iota3A, %mul3A_914 : vector<16xi32>
        %broadcast_in_dim3A_916 = arith.constant 0 : i32
        %broadcast_in_dim3A_917 = vector.broadcast %broadcast_in_dim3A_916 : i32 to vector<16xi32>
        %select_n3A_918 = arith.select %eq3A_915, %get3A_909, %broadcast_in_dim3A_917 : vector<16xi1>, vector<16xi32>
        %reduce_sum3A_919 = arith.constant true
        %reduce_sum3A_920 = vector.broadcast %reduce_sum3A_919 : i1 to vector<16xi1>
        %reduce_sum3A_921 = tpu.scan <sum>, %select_n3A_918 masked %reduce_sum3A_920 : vector<16xi32>, vector<16xi1> -> vector<16xi32>
        %reduce_sum3A_922 = vector.extract %reduce_sum3A_921[15] : i32 from vector<16xi32>
        %dma_start3A_923 = arith.constant 0 : i32
        %dma_start3A_924 = tpu.memref_slice %arg19[%while3A_782, %dma_start3A_923] : memref<512x64xf32, #tpu.memory_space<vmem>> -> memref<1x64xf32, #tpu.memory_space<vmem>>
        %dma_start3A_925 = tpu.memref_squeeze %dma_start3A_924 : memref<1x64xf32, #tpu.memory_space<vmem>> -> memref<64xf32, #tpu.memory_space<vmem>>
        %dma_start3A_926 = arith.constant 0 : i32
        %dma_start3A_927 = tpu.memref_slice %arg13[%reduce_sum3A_922, %dma_start3A_926] : memref<16384x64xf32, #tpu.memory_space<hbm>> -> memref<1x64xf32, #tpu.memory_space<hbm>>
        %dma_start3A_928 = tpu.memref_squeeze %dma_start3A_927 : memref<1x64xf32, #tpu.memory_space<hbm>> -> memref<64xf32, #tpu.memory_space<hbm>>
        %dma_start3A_929 = arith.constant 0 : i32
        %dma_start3A_930 = tpu.memref_slice %arg13[%reduce_sum3A_922, %dma_start3A_929] : memref<16384x64xf32, #tpu.memory_space<hbm>> -> memref<1x64xf32, #tpu.memory_space<hbm>>
        %dma_start3A_931 = tpu.memref_squeeze %dma_start3A_930 : memref<1x64xf32, #tpu.memory_space<hbm>> -> memref<64xf32, #tpu.memory_space<hbm>>
        %dma_start3A_932 = arith.constant 0 : i32
        %dma_start3A_933 = tpu.memref_slice %arg19[%while3A_782, %dma_start3A_932] : memref<512x64xf32, #tpu.memory_space<vmem>> -> memref<1x64xf32, #tpu.memory_space<vmem>>
        %dma_start3A_934 = tpu.memref_squeeze %dma_start3A_933 : memref<1x64xf32, #tpu.memory_space<vmem>> -> memref<64xf32, #tpu.memory_space<vmem>>
        tpu.enqueue_dma source(%dma_start3A_934 : memref<64xf32, #tpu.memory_space<vmem>>) target(%dma_start3A_931 : memref<64xf32, #tpu.memory_space<hbm>>) target_semaphore(%arg21 : memref<!tpu.dma_semaphore, #tpu.memory_space<semaphore_mem>>)
      }
      %while3A_723 = arith.constant 1 : i32
      scf.for %while3A_782 = %while3A_721 to %while3A_717 step %while3A_723  : i32 {
        %jit3A_783 = arith.constant 16 : i32
        %div3A_784 = arith.divsi %while3A_782, %jit3A_783 : i32
        %sign3A_785 = arith.constant 0 : i32
        %sign3A_786 = arith.cmpi sgt, %while3A_782, %sign3A_785 : i32
        %sign3A_787 = arith.extui %sign3A_786 : i1 to i32
        %sign3A_788 = arith.constant 0 : i32
        %sign3A_789 = arith.cmpi slt, %while3A_782, %sign3A_788 : i32
        %sign3A_790 = arith.extui %sign3A_789 : i1 to i32
        %sign3A_791 = arith.subi %sign3A_787, %sign3A_790 : i32
        %sign3A_792 = arith.constant 0 : i32
        %sign3A_793 = arith.cmpi sgt, %jit3A_783, %sign3A_792 : i32
        %sign3A_794 = arith.extui %sign3A_793 : i1 to i32
        %sign3A_795 = arith.constant 0 : i32
        %sign3A_796 = arith.cmpi slt, %jit3A_783, %sign3A_795 : i32
        %sign3A_797 = arith.extui %sign3A_796 : i1 to i32
        %sign3A_798 = arith.subi %sign3A_794, %sign3A_797 : i32
        %ne3A_799 = arith.cmpi ne, %sign3A_791, %sign3A_798 : i32
        %rem3A_800 = arith.remsi %while3A_782, %jit3A_783 : i32
        %ne3A_801 = arith.constant 0 : i32
        %ne3A_802 = arith.cmpi ne, %rem3A_800, %ne3A_801 : i32
        %and3A_803 = arith.andi %ne3A_799, %ne3A_802 : i1
        %sub3A_804 = arith.constant 1 : i32
        %sub3A_805 = arith.subi %div3A_784, %sub3A_804 : i32
        %select_n3A_806 = arith.select %and3A_803, %sub3A_805, %div3A_784 : i32
        %mul3A_807 = arith.constant 16 : i32
        %mul3A_808 = arith.muli %select_n3A_806, %mul3A_807 : i32
        %get3A_809 = arith.index_cast %mul3A_808 : i32 to index
        %get3A_810 = tpu.vector_load %arg14[%get3A_809] {strides = array<i32>} : memref<512xi32, #tpu.memory_space<vmem>>, vector<16xi32>,
        %sub3A_811 = arith.subi %while3A_782, %mul3A_808 : i32
        %broadcast_in_dim3A_812 = arith.constant 1 : i32
        %broadcast_in_dim3A_813 = vector.broadcast %broadcast_in_dim3A_812 : i32 to vector<16xi32>
        %mul3A_814 = vector.broadcast %sub3A_811 : i32 to vector<16xi32>
        %mul3A_815 = arith.muli %broadcast_in_dim3A_813, %mul3A_814 : vector<16xi32>
        %eq3A_816 = arith.cmpi eq, %iota3A, %mul3A_815 : vector<16xi32>
        %broadcast_in_dim3A_817 = arith.constant 0 : i32
        %broadcast_in_dim3A_818 = vector.broadcast %broadcast_in_dim3A_817 : i32 to vector<16xi32>
        %select_n3A_819 = arith.select %eq3A_816, %get3A_810, %broadcast_in_dim3A_818 : vector<16xi1>, vector<16xi32>
        %reduce_sum3A_820 = arith.constant true
        %reduce_sum3A_821 = vector.broadcast %reduce_sum3A_820 : i1 to vector<16xi1>
        %reduce_sum3A_822 = tpu.scan <sum>, %select_n3A_819 masked %reduce_sum3A_821 : vector<16xi32>, vector<16xi1> -> vector<16xi32>
        %reduce_sum3A_823 = vector.extract %reduce_sum3A_822[15] : i32 from vector<16xi32>
        %broadcast_in_dim3A_824 = arith.constant 1 : i32
        %broadcast_in_dim3A_825 = vector.broadcast %broadcast_in_dim3A_824 : i32 to vector<16xi32>
        %mul3A_826 = vector.broadcast %select_n3A_633 : i32 to vector<16xi32>
        %mul3A_827 = arith.muli %broadcast_in_dim3A_825, %mul3A_826 : vector<16xi32>
        %add3A_828 = arith.constant 0 : i32
        %add3A_829 = vector.broadcast %add3A_828 : i32 to vector<16xi32>
        %add3A_830 = arith.addi %add3A_829, %iota3A : vector<16xi32>
        %broadcast_in_dim3A_831 = arith.constant 1 : i32
        %broadcast_in_dim3A_832 = vector.broadcast %broadcast_in_dim3A_831 : i32 to vector<16xi32>
        %mul3A_833 = vector.broadcast %reduce_sum3A_823 : i32 to vector<16xi32>
        %mul3A_834 = arith.muli %broadcast_in_dim3A_832, %mul3A_833 : vector<16xi32>
        %gather3A = tpu.vector_load_idx %arg18[%mul3A_827, %add3A_830, %mul3A_834] : memref<6x64x128xf32, #tpu.memory_space<vmem>>[vector<16xi32>, vector<16xi32>, vector<16xi32>], vector<16xf32>,
        %swap3A = arith.index_cast %while3A_782 : i32 to index
        %swap3A_835 = arith.constant 0 : index
        %swap3A_836 = tpu.vector_load %arg19[%swap3A, %swap3A_835] {strides = array<i32>} : memref<512x64xf32, #tpu.memory_space<vmem>>, vector<16xf32>,
        tpu.vector_store %arg19[%swap3A, %swap3A_835], %gather3A {strides = array<i32>} : memref<512x64xf32, #tpu.memory_space<vmem>>, vector<16xf32>,
        %broadcast_in_dim3A_837 = arith.constant 1 : i32
        %broadcast_in_dim3A_838 = vector.broadcast %broadcast_in_dim3A_837 : i32 to vector<16xi32>
        %mul3A_839 = vector.broadcast %select_n3A_633 : i32 to vector<16xi32>
        %mul3A_840 = arith.muli %broadcast_in_dim3A_838, %mul3A_839 : vector<16xi32>
        %add3A_841 = arith.constant 16 : i32
        %add3A_842 = vector.broadcast %add3A_841 : i32 to vector<16xi32>
        %add3A_843 = arith.addi %add3A_842, %iota3A : vector<16xi32>
        %broadcast_in_dim3A_844 = arith.constant 1 : i32
        %broadcast_in_dim3A_845 = vector.broadcast %broadcast_in_dim3A_844 : i32 to vector<16xi32>
        %mul3A_846 = vector.broadcast %reduce_sum3A_823 : i32 to vector<16xi32>
        %mul3A_847 = arith.muli %broadcast_in_dim3A_845, %mul3A_846 : vector<16xi32>
        %gather3A_848 = tpu.vector_load_idx %arg18[%mul3A_840, %add3A_843, %mul3A_847] : memref<6x64x128xf32, #tpu.memory_space<vmem>>[vector<16xi32>, vector<16xi32>, vector<16xi32>], vector<16xf32>,
        %swap3A_849 = arith.index_cast %while3A_782 : i32 to index
        %swap3A_850 = arith.constant 16 : index
        %swap3A_851 = tpu.vector_load %arg19[%swap3A_849, %swap3A_850] {strides = array<i32>} : memref<512x64xf32, #tpu.memory_space<vmem>>, vector<16xf32>,
        tpu.vector_store %arg19[%swap3A_849, %swap3A_850], %gather3A_848 {strides = array<i32>} : memref<512x64xf32, #tpu.memory_space<vmem>>, vector<16xf32>,
        %broadcast_in_dim3A_852 = arith.constant 1 : i32
        %broadcast_in_dim3A_853 = vector.broadcast %broadcast_in_dim3A_852 : i32 to vector<16xi32>
        %mul3A_854 = vector.broadcast %select_n3A_633 : i32 to vector<16xi32>
        %mul3A_855 = arith.muli %broadcast_in_dim3A_853, %mul3A_854 : vector<16xi32>
        %add3A_856 = arith.constant 32 : i32
        %add3A_857 = vector.broadcast %add3A_856 : i32 to vector<16xi32>
        %add3A_858 = arith.addi %add3A_857, %iota3A : vector<16xi32>
        %broadcast_in_dim3A_859 = arith.constant 1 : i32
        %broadcast_in_dim3A_860 = vector.broadcast %broadcast_in_dim3A_859 : i32 to vector<16xi32>
        %mul3A_861 = vector.broadcast %reduce_sum3A_823 : i32 to vector<16xi32>
        %mul3A_862 = arith.muli %broadcast_in_dim3A_860, %mul3A_861 : vector<16xi32>
        %gather3A_863 = tpu.vector_load_idx %arg18[%mul3A_855, %add3A_858, %mul3A_862] : memref<6x64x128xf32, #tpu.memory_space<vmem>>[vector<16xi32>, vector<16xi32>, vector<16xi32>], vector<16xf32>,
        %swap3A_864 = arith.index_cast %while3A_782 : i32 to index
        %swap3A_865 = arith.constant 32 : index
        %swap3A_866 = tpu.vector_load %arg19[%swap3A_864, %swap3A_865] {strides = array<i32>} : memref<512x64xf32, #tpu.memory_space<vmem>>, vector<16xf32>,
        tpu.vector_store %arg19[%swap3A_864, %swap3A_865], %gather3A_863 {strides = array<i32>} : memref<512x64xf32, #tpu.memory_space<vmem>>, vector<16xf32>,
        %broadcast_in_dim3A_867 = arith.constant 1 : i32
        %broadcast_in_dim3A_868 = vector.broadcast %broadcast_in_dim3A_867 : i32 to vector<16xi32>
        %mul3A_869 = vector.broadcast %select_n3A_633 : i32 to vector<16xi32>
        %mul3A_870 = arith.muli %broadcast_in_dim3A_868, %mul3A_869 : vector<16xi32>
        %add3A_871 = arith.constant 48 : i32
        %add3A_872 = vector.broadcast %add3A_871 : i32 to vector<16xi32>
        %add3A_873 = arith.addi %add3A_872, %iota3A : vector<16xi32>
        %broadcast_in_dim3A_874 = arith.constant 1 : i32
        %broadcast_in_dim3A_875 = vector.broadcast %broadcast_in_dim3A_874 : i32 to vector<16xi32>
        %mul3A_876 = vector.broadcast %reduce_sum3A_823 : i32 to vector<16xi32>
        %mul3A_877 = arith.muli %broadcast_in_dim3A_875, %mul3A_876 : vector<16xi32>
        %gather3A_878 = tpu.vector_load_idx %arg18[%mul3A_870, %add3A_873, %mul3A_877] : memref<6x64x128xf32, #tpu.memory_space<vmem>>[vector<16xi32>, vector<16xi32>, vector<16xi32>], vector<16xf32>,
        %swap3A_879 = arith.index_cast %while3A_782 : i32 to index
        %swap3A_880 = arith.constant 48 : index
        %swap3A_881 = tpu.vector_load %arg19[%swap3A_879, %swap3A_880] {strides = array<i32>} : memref<512x64xf32, #tpu.memory_space<vmem>>, vector<16xf32>,
        tpu.vector_store %arg19[%swap3A_879, %swap3A_880], %gather3A_878 {strides = array<i32>} : memref<512x64xf32, #tpu.memory_space<vmem>>, vector<16xf32>,
        %jit3A_882 = arith.constant 16 : i32
        %div3A_883 = arith.divsi %while3A_782, %jit3A_882 : i32
        %sign3A_884 = arith.constant 0 : i32
        %sign3A_885 = arith.cmpi sgt, %while3A_782, %sign3A_884 : i32
        %sign3A_886 = arith.extui %sign3A_885 : i1 to i32
        %sign3A_887 = arith.constant 0 : i32
        %sign3A_888 = arith.cmpi slt, %while3A_782, %sign3A_887 : i32
        %sign3A_889 = arith.extui %sign3A_888 : i1 to i32
        %sign3A_890 = arith.subi %sign3A_886, %sign3A_889 : i32
        %sign3A_891 = arith.constant 0 : i32
        %sign3A_892 = arith.cmpi sgt, %jit3A_882, %sign3A_891 : i32
        %sign3A_893 = arith.extui %sign3A_892 : i1 to i32
        %sign3A_894 = arith.constant 0 : i32
        %sign3A_895 = arith.cmpi slt, %jit3A_882, %sign3A_894 : i32
        %sign3A_896 = arith.extui %sign3A_895 : i1 to i32
        %sign3A_897 = arith.subi %sign3A_893, %sign3A_896 : i32
        %ne3A_898 = arith.cmpi ne, %sign3A_890, %sign3A_897 : i32
        %rem3A_899 = arith.remsi %while3A_782, %jit3A_882 : i32
        %ne3A_900 = arith.constant 0 : i32
        %ne3A_901 = arith.cmpi ne, %rem3A_899, %ne3A_900 : i32
        %and3A_902 = arith.andi %ne3A_898, %ne3A_901 : i1
        %sub3A_903 = arith.constant 1 : i32
        %sub3A_904 = arith.subi %div3A_883, %sub3A_903 : i32
        %select_n3A_905 = arith.select %and3A_902, %sub3A_904, %div3A_883 : i32
        %mul3A_906 = arith.constant 16 : i32
        %mul3A_907 = arith.muli %select_n3A_905, %mul3A_906 : i32
        %get3A_908 = arith.index_cast %mul3A_907 : i32 to index
        %get3A_909 = tpu.vector_load %arg17[%get3A_908] {strides = array<i32>} : memref<512xi32, #tpu.memory_space<vmem>>, vector<16xi32>,
        %sub3A_910 = arith.subi %while3A_782, %mul3A_907 : i32
        %broadcast_in_dim3A_911 = arith.constant 1 : i32
        %broadcast_in_dim3A_912 = vector.broadcast %broadcast_in_dim3A_911 : i32 to vector<16xi32>
        %mul3A_913 = vector.broadcast %sub3A_910 : i32 to vector<16xi32>
        %mul3A_914 = arith.muli %broadcast_in_dim3A_912, %mul3A_913 : vector<16xi32>
        %eq3A_915 = arith.cmpi eq, %iota3A, %mul3A_914 : vector<16xi32>
        %broadcast_in_dim3A_916 = arith.constant 0 : i32
        %broadcast_in_dim3A_917 = vector.broadcast %broadcast_in_dim3A_916 : i32 to vector<16xi32>
        %select_n3A_918 = arith.select %eq3A_915, %get3A_909, %broadcast_in_dim3A_917 : vector<16xi1>, vector<16xi32>
        %reduce_sum3A_919 = arith.constant true
        %reduce_sum3A_920 = vector.broadcast %reduce_sum3A_919 : i1 to vector<16xi1>
        %reduce_sum3A_921 = tpu.scan <sum>, %select_n3A_918 masked %reduce_sum3A_920 : vector<16xi32>, vector<16xi1> -> vector<16xi32>
        %reduce_sum3A_922 = vector.extract %reduce_sum3A_921[15] : i32 from vector<16xi32>
        %dma_start3A_923 = arith.constant 0 : i32
        %dma_start3A_924 = tpu.memref_slice %arg19[%while3A_782, %dma_start3A_923] : memref<512x64xf32, #tpu.memory_space<vmem>> -> memref<1x64xf32, #tpu.memory_space<vmem>>
        %dma_start3A_925 = tpu.memref_squeeze %dma_start3A_924 : memref<1x64xf32, #tpu.memory_space<vmem>> -> memref<64xf32, #tpu.memory_space<vmem>>
        %dma_start3A_926 = arith.constant 0 : i32
        %dma_start3A_927 = tpu.memref_slice %arg13[%reduce_sum3A_922, %dma_start3A_926] : memref<16384x64xf32, #tpu.memory_space<hbm>> -> memref<1x64xf32, #tpu.memory_space<hbm>>
        %dma_start3A_928 = tpu.memref_squeeze %dma_start3A_927 : memref<1x64xf32, #tpu.memory_space<hbm>> -> memref<64xf32, #tpu.memory_space<hbm>>
        %dma_start3A_929 = arith.constant 0 : i32
        %dma_start3A_930 = tpu.memref_slice %arg13[%reduce_sum3A_922, %dma_start3A_929] : memref<16384x64xf32, #tpu.memory_space<hbm>> -> memref<1x64xf32, #tpu.memory_space<hbm>>
        %dma_start3A_931 = tpu.memref_squeeze %dma_start3A_930 : memref<1x64xf32, #tpu.memory_space<hbm>> -> memref<64xf32, #tpu.memory_space<hbm>>
        %dma_start3A_932 = arith.constant 0 : i32
        %dma_start3A_933 = tpu.memref_slice %arg19[%while3A_782, %dma_start3A_932] : memref<512x64xf32, #tpu.memory_space<vmem>> -> memref<1x64xf32, #tpu.memory_space<vmem>>
        %dma_start3A_934 = tpu.memref_squeeze %dma_start3A_933 : memref<1x64xf32, #tpu.memory_space<vmem>> -> memref<64xf32, #tpu.memory_space<vmem>>
        tpu.enqueue_dma source(%dma_start3A_934 : memref<64xf32, #tpu.memory_space<vmem>>) target(%dma_start3A_931 : memref<64xf32, #tpu.memory_space<hbm>>) target_semaphore(%arg21 : memref<!tpu.dma_semaphore, #tpu.memory_space<semaphore_mem>>)
      }
      %add3A_724 = arith.constant 6 : i32
      %add3A_725 = arith.addi %while3A_607, %add3A_724 : i32
      %jit3A_726 = arith.constant 16 : i32
      %div3A_727 = arith.divsi %add3A_725, %jit3A_726 : i32
      %sign3A_728 = arith.constant 0 : i32
      %sign3A_729 = arith.cmpi sgt, %add3A_725, %sign3A_728 : i32
      %sign3A_730 = arith.extui %sign3A_729 : i1 to i32
      %sign3A_731 = arith.constant 0 : i32
      %sign3A_732 = arith.cmpi slt, %add3A_725, %sign3A_731 : i32
      %sign3A_733 = arith.extui %sign3A_732 : i1 to i32
      %sign3A_734 = arith.subi %sign3A_730, %sign3A_733 : i32
      %sign3A_735 = arith.constant 0 : i32
      %sign3A_736 = arith.cmpi sgt, %jit3A_726, %sign3A_735 : i32
      %sign3A_737 = arith.extui %sign3A_736 : i1 to i32
      %sign3A_738 = arith.constant 0 : i32
      %sign3A_739 = arith.cmpi slt, %jit3A_726, %sign3A_738 : i32
      %sign3A_740 = arith.extui %sign3A_739 : i1 to i32
      %sign3A_741 = arith.subi %sign3A_737, %sign3A_740 : i32
      %ne3A_742 = arith.cmpi ne, %sign3A_734, %sign3A_741 : i32
      %rem3A_743 = arith.remsi %add3A_725, %jit3A_726 : i32
      %ne3A_744 = arith.constant 0 : i32
      %ne3A_745 = arith.cmpi ne, %rem3A_743, %ne3A_744 : i32
      %and3A_746 = arith.andi %ne3A_742, %ne3A_745 : i1
      %sub3A_747 = arith.constant 1 : i32
      %sub3A_748 = arith.subi %div3A_727, %sub3A_747 : i32
      %select_n3A_749 = arith.select %and3A_746, %sub3A_748, %div3A_727 : i32
      %mul3A_750 = arith.constant 16 : i32
      %mul3A_751 = arith.muli %select_n3A_749, %mul3A_750 : i32
      %get3A_752 = arith.index_cast %mul3A_751 : i32 to index
      %get3A_753 = tpu.vector_load %arg15[%get3A_752] {strides = array<i32>} : memref<528xi32, #tpu.memory_space<vmem>>, vector<16xi32>,
      %sub3A_754 = arith.subi %add3A_725, %mul3A_751 : i32
      %broadcast_in_dim3A_755 = arith.constant 1 : i32
      %broadcast_in_dim3A_756 = vector.broadcast %broadcast_in_dim3A_755 : i32 to vector<16xi32>
      %mul3A_757 = vector.broadcast %sub3A_754 : i32 to vector<16xi32>
      %mul3A_758 = arith.muli %broadcast_in_dim3A_756, %mul3A_757 : vector<16xi32>
      %eq3A_759 = arith.cmpi eq, %iota3A, %mul3A_758 : vector<16xi32>
      %broadcast_in_dim3A_760 = arith.constant 0 : i32
      %broadcast_in_dim3A_761 = vector.broadcast %broadcast_in_dim3A_760 : i32 to vector<16xi32>
      %select_n3A_762 = arith.select %eq3A_759, %get3A_753, %broadcast_in_dim3A_761 : vector<16xi1>, vector<16xi32>
      %reduce_sum3A_763 = arith.constant true
      %reduce_sum3A_764 = vector.broadcast %reduce_sum3A_763 : i1 to vector<16xi1>
      %reduce_sum3A_765 = tpu.scan <sum>, %select_n3A_762 masked %reduce_sum3A_764 : vector<16xi32>, vector<16xi1> -> vector<16xi32>
      %reduce_sum3A_766 = vector.extract %reduce_sum3A_765[15] : i32 from vector<16xi32>
      %mul3A_767 = arith.constant 128 : i32
      %mul3A_768 = arith.muli %reduce_sum3A_766, %mul3A_767 : i32
      %multiple_of3A_769 = tpu.assume_multiple %mul3A_768, 128 : i32
      %dma_start3A_770 = arith.constant 0 : i32
      %dma_start3A_771 = arith.constant 0 : i32
      %dma_start3A_772 = tpu.memref_slice %arg18[%select_n3A_633, %dma_start3A_770, %dma_start3A_771] : memref<6x64x128xf32, #tpu.memory_space<vmem>> -> memref<1x64x128xf32, #tpu.memory_space<vmem>>
      %dma_start3A_773 = tpu.memref_squeeze %dma_start3A_772 : memref<1x64x128xf32, #tpu.memory_space<vmem>> -> memref<64x128xf32, #tpu.memory_space<vmem>>
      %dma_start3A_774 = arith.constant 0 : i32
      %dma_start3A_775 = tpu.memref_slice %arg11[%dma_start3A_774, %multiple_of3A_769] : memref<64x1000000xf32, #tpu.memory_space<hbm>> -> memref<64x128xf32, #tpu.memory_space<hbm>>
      %dma_start3A_776 = arith.constant 0 : i32
      %dma_start3A_777 = arith.constant 0 : i32
      %dma_start3A_778 = tpu.memref_slice %arg18[%select_n3A_633, %dma_start3A_776, %dma_start3A_777] : memref<6x64x128xf32, #tpu.memory_space<vmem>> -> memref<1x64x128xf32, #tpu.memory_space<vmem>>
      %dma_start3A_779 = tpu.memref_squeeze %dma_start3A_778 : memref<1x64x128xf32, #tpu.memory_space<vmem>> -> memref<64x128xf32, #tpu.memory_space<vmem>>
      %dma_start3A_780 = arith.constant 0 : i32
      %dma_start3A_781 = tpu.memref_slice %arg11[%dma_start3A_780, %multiple_of3A_769] : memref<64x1000000xf32, #tpu.memory_space<hbm>> -> memref<64x128xf32, #tpu.memory_space<hbm>>
      tpu.enqueue_dma source(%dma_start3A_781 : memref<64x128xf32, #tpu.memory_space<hbm>>) target(%dma_start3A_779 : memref<64x128xf32, #tpu.memory_space<vmem>>) target_semaphore(%arg20 : memref<!tpu.dma_semaphore, #tpu.memory_space<semaphore_mem>>)
    }
    %while3A_510 = arith.constant 1 : i32
    scf.for %while3A_607 = %while3A_508 to %while3A_504 step %while3A_510  : i32 {
      %dma_wait3A_608 = arith.constant 0 : i32
      %dma_wait3A_609 = arith.constant 0 : i32
      %dma_wait3A_610 = arith.constant 0 : i32
      %dma_wait3A_611 = tpu.memref_slice %arg18[%dma_wait3A_608, %dma_wait3A_609, %dma_wait3A_610] : memref<6x64x128xf32, #tpu.memory_space<vmem>> -> memref<1x64x128xf32, #tpu.memory_space<vmem>>
      %dma_wait3A_612 = tpu.memref_squeeze %dma_wait3A_611 : memref<1x64x128xf32, #tpu.memory_space<vmem>> -> memref<64x128xf32, #tpu.memory_space<vmem>>
      %dma_wait3A_613 = arith.constant 0 : i32
      %dma_wait3A_614 = arith.constant 0 : i32
      %dma_wait3A_615 = tpu.memref_slice %arg11[%dma_wait3A_613, %dma_wait3A_614] : memref<64x1000000xf32, #tpu.memory_space<hbm>> -> memref<64x128xf32, #tpu.memory_space<hbm>>
      %dma_wait3A_616 = arith.constant 0 : i32
      %dma_wait3A_617 = arith.constant 0 : i32
      %dma_wait3A_618 = tpu.memref_slice %arg18[%dma_wait3A_608, %dma_wait3A_616, %dma_wait3A_617] : memref<6x64x128xf32, #tpu.memory_space<vmem>> -> memref<1x64x128xf32, #tpu.memory_space<vmem>>
      %dma_wait3A_619 = tpu.memref_squeeze %dma_wait3A_618 : memref<1x64x128xf32, #tpu.memory_space<vmem>> -> memref<64x128xf32, #tpu.memory_space<vmem>>
      %dma_wait3A_620 = arith.constant 0 : i32
      %dma_wait3A_621 = arith.constant 0 : i32
      %dma_wait3A_622 = tpu.memref_slice %arg11[%dma_wait3A_620, %dma_wait3A_621] : memref<64x1000000xf32, #tpu.memory_space<hbm>> -> memref<64x128xf32, #tpu.memory_space<hbm>>
      tpu.wait_dma2 semaphore(%arg20 : memref<!tpu.dma_semaphore, #tpu.memory_space<semaphore_mem>>) src(%dma_wait3A_622 : memref<64x128xf32, #tpu.memory_space<hbm>>) dst(%dma_wait3A_619 : memref<64x128xf32, #tpu.memory_space<vmem>>)
      %jit3A = arith.constant 6 : i32
      %eq3A_623 = arith.constant 0 : i32
      %eq3A_624 = arith.cmpi eq, %jit3A, %eq3A_623 : i32
      %jit3A_625 = arith.constant 1 : i32
      %select_n3A_626 = arith.select %eq3A_624, %jit3A_625, %jit3A : i32
      %rem3A = arith.remsi %while3A_607, %select_n3A_626 : i32
      %ne3A = arith.constant 0 : i32
      %ne3A_627 = arith.cmpi ne, %rem3A, %ne3A : i32
      %lt3A = arith.constant 0 : i32
      %lt3A_628 = arith.cmpi slt, %rem3A, %lt3A : i32
      %lt3A_629 = arith.constant 0 : i32
      %lt3A_630 = arith.cmpi slt, %select_n3A_626, %lt3A_629 : i32
      %ne3A_631 = arith.xori %lt3A_628, %lt3A_630 : i1
      %and3A = arith.andi %ne3A_631, %ne3A_627 : i1
      %add3A_632 = arith.addi %rem3A, %select_n3A_626 : i32
      %select_n3A_633 = arith.select %and3A, %add3A_632, %rem3A : i32
      %jit3A_634 = arith.constant 16 : i32
      %div3A = arith.divsi %while3A_607, %jit3A_634 : i32
      %sign3A = arith.constant 0 : i32
      %sign3A_635 = arith.cmpi sgt, %while3A_607, %sign3A : i32
      %sign3A_636 = arith.extui %sign3A_635 : i1 to i32
      %sign3A_637 = arith.constant 0 : i32
      %sign3A_638 = arith.cmpi slt, %while3A_607, %sign3A_637 : i32
      %sign3A_639 = arith.extui %sign3A_638 : i1 to i32
      %sign3A_640 = arith.subi %sign3A_636, %sign3A_639 : i32
      %sign3A_641 = arith.constant 0 : i32
      %sign3A_642 = arith.cmpi sgt, %jit3A_634, %sign3A_641 : i32
      %sign3A_643 = arith.extui %sign3A_642 : i1 to i32
      %sign3A_644 = arith.constant 0 : i32
      %sign3A_645 = arith.cmpi slt, %jit3A_634, %sign3A_644 : i32
      %sign3A_646 = arith.extui %sign3A_645 : i1 to i32
      %sign3A_647 = arith.subi %sign3A_643, %sign3A_646 : i32
      %ne3A_648 = arith.cmpi ne, %sign3A_640, %sign3A_647 : i32
      %rem3A_649 = arith.remsi %while3A_607, %jit3A_634 : i32
      %ne3A_650 = arith.constant 0 : i32
      %ne3A_651 = arith.cmpi ne, %rem3A_649, %ne3A_650 : i32
      %and3A_652 = arith.andi %ne3A_648, %ne3A_651 : i1
      %sub3A = arith.constant 1 : i32
      %sub3A_653 = arith.subi %div3A, %sub3A : i32
      %select_n3A_654 = arith.select %and3A_652, %sub3A_653, %div3A : i32
      %mul3A_655 = arith.constant 16 : i32
      %mul3A_656 = arith.muli %select_n3A_654, %mul3A_655 : i32
      %get3A_657 = arith.index_cast %mul3A_656 : i32 to index
      %get3A_658 = tpu.vector_load %arg16[%get3A_657] {strides = array<i32>} : memref<528xi32, #tpu.memory_space<vmem>>, vector<16xi32>,
      %sub3A_659 = arith.subi %while3A_607, %mul3A_656 : i32
      %broadcast_in_dim3A_660 = arith.constant 1 : i32
      %broadcast_in_dim3A_661 = vector.broadcast %broadcast_in_dim3A_660 : i32 to vector<16xi32>
      %mul3A_662 = vector.broadcast %sub3A_659 : i32 to vector<16xi32>
      %mul3A_663 = arith.muli %broadcast_in_dim3A_661, %mul3A_662 : vector<16xi32>
      %eq3A_664 = arith.cmpi eq, %iota3A, %mul3A_663 : vector<16xi32>
      %broadcast_in_dim3A_665 = arith.constant 0 : i32
      %broadcast_in_dim3A_666 = vector.broadcast %broadcast_in_dim3A_665 : i32 to vector<16xi32>
      %select_n3A_667 = arith.select %eq3A_664, %get3A_658, %broadcast_in_dim3A_666 : vector<16xi1>, vector<16xi32>
      %reduce_sum3A_668 = arith.constant true
      %reduce_sum3A_669 = vector.broadcast %reduce_sum3A_668 : i1 to vector<16xi1>
      %reduce_sum3A_670 = tpu.scan <sum>, %select_n3A_667 masked %reduce_sum3A_669 : vector<16xi32>, vector<16xi1> -> vector<16xi32>
      %reduce_sum3A_671 = vector.extract %reduce_sum3A_670[15] : i32 from vector<16xi32>
      %add3A_672 = arith.constant 1 : i32
      %add3A_673 = arith.addi %while3A_607, %add3A_672 : i32
      %jit3A_674 = arith.constant 16 : i32
      %div3A_675 = arith.divsi %add3A_673, %jit3A_674 : i32
      %sign3A_676 = arith.constant 0 : i32
      %sign3A_677 = arith.cmpi sgt, %add3A_673, %sign3A_676 : i32
      %sign3A_678 = arith.extui %sign3A_677 : i1 to i32
      %sign3A_679 = arith.constant 0 : i32
      %sign3A_680 = arith.cmpi slt, %add3A_673, %sign3A_679 : i32
      %sign3A_681 = arith.extui %sign3A_680 : i1 to i32
      %sign3A_682 = arith.subi %sign3A_678, %sign3A_681 : i32
      %sign3A_683 = arith.constant 0 : i32
      %sign3A_684 = arith.cmpi sgt, %jit3A_674, %sign3A_683 : i32
      %sign3A_685 = arith.extui %sign3A_684 : i1 to i32
      %sign3A_686 = arith.constant 0 : i32
      %sign3A_687 = arith.cmpi slt, %jit3A_674, %sign3A_686 : i32
      %sign3A_688 = arith.extui %sign3A_687 : i1 to i32
      %sign3A_689 = arith.subi %sign3A_685, %sign3A_688 : i32
      %ne3A_690 = arith.cmpi ne, %sign3A_682, %sign3A_689 : i32
      %rem3A_691 = arith.remsi %add3A_673, %jit3A_674 : i32
      %ne3A_692 = arith.constant 0 : i32
      %ne3A_693 = arith.cmpi ne, %rem3A_691, %ne3A_692 : i32
      %and3A_694 = arith.andi %ne3A_690, %ne3A_693 : i1
      %sub3A_695 = arith.constant 1 : i32
      %sub3A_696 = arith.subi %div3A_675, %sub3A_695 : i32
      %select_n3A_697 = arith.select %and3A_694, %sub3A_696, %div3A_675 : i32
      %mul3A_698 = arith.constant 16 : i32
      %mul3A_699 = arith.muli %select_n3A_697, %mul3A_698 : i32
      %get3A_700 = arith.index_cast %mul3A_699 : i32 to index
      %get3A_701 = tpu.vector_load %arg16[%get3A_700] {strides = array<i32>} : memref<528xi32, #tpu.memory_space<vmem>>, vector<16xi32>,
      %sub3A_702 = arith.subi %add3A_673, %mul3A_699 : i32
      %broadcast_in_dim3A_703 = arith.constant 1 : i32
      %broadcast_in_dim3A_704 = vector.broadcast %broadcast_in_dim3A_703 : i32 to vector<16xi32>
      %mul3A_705 = vector.broadcast %sub3A_702 : i32 to vector<16xi32>
      %mul3A_706 = arith.muli %broadcast_in_dim3A_704, %mul3A_705 : vector<16xi32>
      %eq3A_707 = arith.cmpi eq, %iota3A, %mul3A_706 : vector<16xi32>
      %broadcast_in_dim3A_708 = arith.constant 0 : i32
      %broadcast_in_dim3A_709 = vector.broadcast %broadcast_in_dim3A_708 : i32 to vector<16xi32>
      %select_n3A_710 = arith.select %eq3A_707, %get3A_701, %broadcast_in_dim3A_709 : vector<16xi1>, vector<16xi32>
      %reduce_sum3A_711 = arith.constant true
      %reduce_sum3A_712 = vector.broadcast %reduce_sum3A_711 : i1 to vector<16xi1>
      %reduce_sum3A_713 = tpu.scan <sum>, %select_n3A_710 masked %reduce_sum3A_712 : vector<16xi32>, vector<16xi1> -> vector<16xi32>
      %reduce_sum3A_714 = vector.extract %reduce_sum3A_713[15] : i32 from vector<16xi32>
      %while3A_715 = arith.constant 0 : i32
      %while3A_716 = arith.subi %reduce_sum3A_714, %reduce_sum3A_671 : i32
      %while3A_717 = arith.addi %reduce_sum3A_671, %while3A_716 : i32
      %while3A_718 = arith.constant 1 : i32
      %while3A_719 = arith.divsi %while3A_716, %while3A_718 : i32
      %while3A_720 = arith.muli %while3A_719, %while3A_718 : i32
      %while3A_721 = arith.addi %reduce_sum3A_671, %while3A_720 : i32
      %while3A_722 = arith.constant 1 : i32
      scf.for %while3A_782 = %reduce_sum3A_671 to %while3A_721 step %while3A_722  : i32 {
        %jit3A_783 = arith.constant 16 : i32
        %div3A_784 = arith.divsi %while3A_782, %jit3A_783 : i32
        %sign3A_785 = arith.constant 0 : i32
        %sign3A_786 = arith.cmpi sgt, %while3A_782, %sign3A_785 : i32
        %sign3A_787 = arith.extui %sign3A_786 : i1 to i32
        %sign3A_788 = arith.constant 0 : i32
        %sign3A_789 = arith.cmpi slt, %while3A_782, %sign3A_788 : i32
        %sign3A_790 = arith.extui %sign3A_789 : i1 to i32
        %sign3A_791 = arith.subi %sign3A_787, %sign3A_790 : i32
        %sign3A_792 = arith.constant 0 : i32
        %sign3A_793 = arith.cmpi sgt, %jit3A_783, %sign3A_792 : i32
        %sign3A_794 = arith.extui %sign3A_793 : i1 to i32
        %sign3A_795 = arith.constant 0 : i32
        %sign3A_796 = arith.cmpi slt, %jit3A_783, %sign3A_795 : i32
        %sign3A_797 = arith.extui %sign3A_796 : i1 to i32
        %sign3A_798 = arith.subi %sign3A_794, %sign3A_797 : i32
        %ne3A_799 = arith.cmpi ne, %sign3A_791, %sign3A_798 : i32
        %rem3A_800 = arith.remsi %while3A_782, %jit3A_783 : i32
        %ne3A_801 = arith.constant 0 : i32
        %ne3A_802 = arith.cmpi ne, %rem3A_800, %ne3A_801 : i32
        %and3A_803 = arith.andi %ne3A_799, %ne3A_802 : i1
        %sub3A_804 = arith.constant 1 : i32
        %sub3A_805 = arith.subi %div3A_784, %sub3A_804 : i32
        %select_n3A_806 = arith.select %and3A_803, %sub3A_805, %div3A_784 : i32
        %mul3A_807 = arith.constant 16 : i32
        %mul3A_808 = arith.muli %select_n3A_806, %mul3A_807 : i32
        %get3A_809 = arith.index_cast %mul3A_808 : i32 to index
        %get3A_810 = tpu.vector_load %arg14[%get3A_809] {strides = array<i32>} : memref<512xi32, #tpu.memory_space<vmem>>, vector<16xi32>,
        %sub3A_811 = arith.subi %while3A_782, %mul3A_808 : i32
        %broadcast_in_dim3A_812 = arith.constant 1 : i32
        %broadcast_in_dim3A_813 = vector.broadcast %broadcast_in_dim3A_812 : i32 to vector<16xi32>
        %mul3A_814 = vector.broadcast %sub3A_811 : i32 to vector<16xi32>
        %mul3A_815 = arith.muli %broadcast_in_dim3A_813, %mul3A_814 : vector<16xi32>
        %eq3A_816 = arith.cmpi eq, %iota3A, %mul3A_815 : vector<16xi32>
        %broadcast_in_dim3A_817 = arith.constant 0 : i32
        %broadcast_in_dim3A_818 = vector.broadcast %broadcast_in_dim3A_817 : i32 to vector<16xi32>
        %select_n3A_819 = arith.select %eq3A_816, %get3A_810, %broadcast_in_dim3A_818 : vector<16xi1>, vector<16xi32>
        %reduce_sum3A_820 = arith.constant true
        %reduce_sum3A_821 = vector.broadcast %reduce_sum3A_820 : i1 to vector<16xi1>
        %reduce_sum3A_822 = tpu.scan <sum>, %select_n3A_819 masked %reduce_sum3A_821 : vector<16xi32>, vector<16xi1> -> vector<16xi32>
        %reduce_sum3A_823 = vector.extract %reduce_sum3A_822[15] : i32 from vector<16xi32>
        %broadcast_in_dim3A_824 = arith.constant 1 : i32
        %broadcast_in_dim3A_825 = vector.broadcast %broadcast_in_dim3A_824 : i32 to vector<16xi32>
        %mul3A_826 = vector.broadcast %select_n3A_633 : i32 to vector<16xi32>
        %mul3A_827 = arith.muli %broadcast_in_dim3A_825, %mul3A_826 : vector<16xi32>
        %add3A_828 = arith.constant 0 : i32
        %add3A_829 = vector.broadcast %add3A_828 : i32 to vector<16xi32>
        %add3A_830 = arith.addi %add3A_829, %iota3A : vector<16xi32>
        %broadcast_in_dim3A_831 = arith.constant 1 : i32
        %broadcast_in_dim3A_832 = vector.broadcast %broadcast_in_dim3A_831 : i32 to vector<16xi32>
        %mul3A_833 = vector.broadcast %reduce_sum3A_823 : i32 to vector<16xi32>
        %mul3A_834 = arith.muli %broadcast_in_dim3A_832, %mul3A_833 : vector<16xi32>
        %gather3A = tpu.vector_load_idx %arg18[%mul3A_827, %add3A_830, %mul3A_834] : memref<6x64x128xf32, #tpu.memory_space<vmem>>[vector<16xi32>, vector<16xi32>, vector<16xi32>], vector<16xf32>,
        %swap3A = arith.index_cast %while3A_782 : i32 to index
        %swap3A_835 = arith.constant 0 : index
        %swap3A_836 = tpu.vector_load %arg19[%swap3A, %swap3A_835] {strides = array<i32>} : memref<512x64xf32, #tpu.memory_space<vmem>>, vector<16xf32>,
        tpu.vector_store %arg19[%swap3A, %swap3A_835], %gather3A {strides = array<i32>} : memref<512x64xf32, #tpu.memory_space<vmem>>, vector<16xf32>,
        %broadcast_in_dim3A_837 = arith.constant 1 : i32
        %broadcast_in_dim3A_838 = vector.broadcast %broadcast_in_dim3A_837 : i32 to vector<16xi32>
        %mul3A_839 = vector.broadcast %select_n3A_633 : i32 to vector<16xi32>
        %mul3A_840 = arith.muli %broadcast_in_dim3A_838, %mul3A_839 : vector<16xi32>
        %add3A_841 = arith.constant 16 : i32
        %add3A_842 = vector.broadcast %add3A_841 : i32 to vector<16xi32>
        %add3A_843 = arith.addi %add3A_842, %iota3A : vector<16xi32>
        %broadcast_in_dim3A_844 = arith.constant 1 : i32
        %broadcast_in_dim3A_845 = vector.broadcast %broadcast_in_dim3A_844 : i32 to vector<16xi32>
        %mul3A_846 = vector.broadcast %reduce_sum3A_823 : i32 to vector<16xi32>
        %mul3A_847 = arith.muli %broadcast_in_dim3A_845, %mul3A_846 : vector<16xi32>
        %gather3A_848 = tpu.vector_load_idx %arg18[%mul3A_840, %add3A_843, %mul3A_847] : memref<6x64x128xf32, #tpu.memory_space<vmem>>[vector<16xi32>, vector<16xi32>, vector<16xi32>], vector<16xf32>,
        %swap3A_849 = arith.index_cast %while3A_782 : i32 to index
        %swap3A_850 = arith.constant 16 : index
        %swap3A_851 = tpu.vector_load %arg19[%swap3A_849, %swap3A_850] {strides = array<i32>} : memref<512x64xf32, #tpu.memory_space<vmem>>, vector<16xf32>,
        tpu.vector_store %arg19[%swap3A_849, %swap3A_850], %gather3A_848 {strides = array<i32>} : memref<512x64xf32, #tpu.memory_space<vmem>>, vector<16xf32>,
        %broadcast_in_dim3A_852 = arith.constant 1 : i32
        %broadcast_in_dim3A_853 = vector.broadcast %broadcast_in_dim3A_852 : i32 to vector<16xi32>
        %mul3A_854 = vector.broadcast %select_n3A_633 : i32 to vector<16xi32>
        %mul3A_855 = arith.muli %broadcast_in_dim3A_853, %mul3A_854 : vector<16xi32>
        %add3A_856 = arith.constant 32 : i32
        %add3A_857 = vector.broadcast %add3A_856 : i32 to vector<16xi32>
        %add3A_858 = arith.addi %add3A_857, %iota3A : vector<16xi32>
        %broadcast_in_dim3A_859 = arith.constant 1 : i32
        %broadcast_in_dim3A_860 = vector.broadcast %broadcast_in_dim3A_859 : i32 to vector<16xi32>
        %mul3A_861 = vector.broadcast %reduce_sum3A_823 : i32 to vector<16xi32>
        %mul3A_862 = arith.muli %broadcast_in_dim3A_860, %mul3A_861 : vector<16xi32>
        %gather3A_863 = tpu.vector_load_idx %arg18[%mul3A_855, %add3A_858, %mul3A_862] : memref<6x64x128xf32, #tpu.memory_space<vmem>>[vector<16xi32>, vector<16xi32>, vector<16xi32>], vector<16xf32>,
        %swap3A_864 = arith.index_cast %while3A_782 : i32 to index
        %swap3A_865 = arith.constant 32 : index
        %swap3A_866 = tpu.vector_load %arg19[%swap3A_864, %swap3A_865] {strides = array<i32>} : memref<512x64xf32, #tpu.memory_space<vmem>>, vector<16xf32>,
        tpu.vector_store %arg19[%swap3A_864, %swap3A_865], %gather3A_863 {strides = array<i32>} : memref<512x64xf32, #tpu.memory_space<vmem>>, vector<16xf32>,
        %broadcast_in_dim3A_867 = arith.constant 1 : i32
        %broadcast_in_dim3A_868 = vector.broadcast %broadcast_in_dim3A_867 : i32 to vector<16xi32>
        %mul3A_869 = vector.broadcast %select_n3A_633 : i32 to vector<16xi32>
        %mul3A_870 = arith.muli %broadcast_in_dim3A_868, %mul3A_869 : vector<16xi32>
        %add3A_871 = arith.constant 48 : i32
        %add3A_872 = vector.broadcast %add3A_871 : i32 to vector<16xi32>
        %add3A_873 = arith.addi %add3A_872, %iota3A : vector<16xi32>
        %broadcast_in_dim3A_874 = arith.constant 1 : i32
        %broadcast_in_dim3A_875 = vector.broadcast %broadcast_in_dim3A_874 : i32 to vector<16xi32>
        %mul3A_876 = vector.broadcast %reduce_sum3A_823 : i32 to vector<16xi32>
        %mul3A_877 = arith.muli %broadcast_in_dim3A_875, %mul3A_876 : vector<16xi32>
        %gather3A_878 = tpu.vector_load_idx %arg18[%mul3A_870, %add3A_873, %mul3A_877] : memref<6x64x128xf32, #tpu.memory_space<vmem>>[vector<16xi32>, vector<16xi32>, vector<16xi32>], vector<16xf32>,
        %swap3A_879 = arith.index_cast %while3A_782 : i32 to index
        %swap3A_880 = arith.constant 48 : index
        %swap3A_881 = tpu.vector_load %arg19[%swap3A_879, %swap3A_880] {strides = array<i32>} : memref<512x64xf32, #tpu.memory_space<vmem>>, vector<16xf32>,
        tpu.vector_store %arg19[%swap3A_879, %swap3A_880], %gather3A_878 {strides = array<i32>} : memref<512x64xf32, #tpu.memory_space<vmem>>, vector<16xf32>,
        %jit3A_882 = arith.constant 16 : i32
        %div3A_883 = arith.divsi %while3A_782, %jit3A_882 : i32
        %sign3A_884 = arith.constant 0 : i32
        %sign3A_885 = arith.cmpi sgt, %while3A_782, %sign3A_884 : i32
        %sign3A_886 = arith.extui %sign3A_885 : i1 to i32
        %sign3A_887 = arith.constant 0 : i32
        %sign3A_888 = arith.cmpi slt, %while3A_782, %sign3A_887 : i32
        %sign3A_889 = arith.extui %sign3A_888 : i1 to i32
        %sign3A_890 = arith.subi %sign3A_886, %sign3A_889 : i32
        %sign3A_891 = arith.constant 0 : i32
        %sign3A_892 = arith.cmpi sgt, %jit3A_882, %sign3A_891 : i32
        %sign3A_893 = arith.extui %sign3A_892 : i1 to i32
        %sign3A_894 = arith.constant 0 : i32
        %sign3A_895 = arith.cmpi slt, %jit3A_882, %sign3A_894 : i32
        %sign3A_896 = arith.extui %sign3A_895 : i1 to i32
        %sign3A_897 = arith.subi %sign3A_893, %sign3A_896 : i32
        %ne3A_898 = arith.cmpi ne, %sign3A_890, %sign3A_897 : i32
        %rem3A_899 = arith.remsi %while3A_782, %jit3A_882 : i32
        %ne3A_900 = arith.constant 0 : i32
        %ne3A_901 = arith.cmpi ne, %rem3A_899, %ne3A_900 : i32
        %and3A_902 = arith.andi %ne3A_898, %ne3A_901 : i1
        %sub3A_903 = arith.constant 1 : i32
        %sub3A_904 = arith.subi %div3A_883, %sub3A_903 : i32
        %select_n3A_905 = arith.select %and3A_902, %sub3A_904, %div3A_883 : i32
        %mul3A_906 = arith.constant 16 : i32
        %mul3A_907 = arith.muli %select_n3A_905, %mul3A_906 : i32
        %get3A_908 = arith.index_cast %mul3A_907 : i32 to index
        %get3A_909 = tpu.vector_load %arg17[%get3A_908] {strides = array<i32>} : memref<512xi32, #tpu.memory_space<vmem>>, vector<16xi32>,
        %sub3A_910 = arith.subi %while3A_782, %mul3A_907 : i32
        %broadcast_in_dim3A_911 = arith.constant 1 : i32
        %broadcast_in_dim3A_912 = vector.broadcast %broadcast_in_dim3A_911 : i32 to vector<16xi32>
        %mul3A_913 = vector.broadcast %sub3A_910 : i32 to vector<16xi32>
        %mul3A_914 = arith.muli %broadcast_in_dim3A_912, %mul3A_913 : vector<16xi32>
        %eq3A_915 = arith.cmpi eq, %iota3A, %mul3A_914 : vector<16xi32>
        %broadcast_in_dim3A_916 = arith.constant 0 : i32
        %broadcast_in_dim3A_917 = vector.broadcast %broadcast_in_dim3A_916 : i32 to vector<16xi32>
        %select_n3A_918 = arith.select %eq3A_915, %get3A_909, %broadcast_in_dim3A_917 : vector<16xi1>, vector<16xi32>
        %reduce_sum3A_919 = arith.constant true
        %reduce_sum3A_920 = vector.broadcast %reduce_sum3A_919 : i1 to vector<16xi1>
        %reduce_sum3A_921 = tpu.scan <sum>, %select_n3A_918 masked %reduce_sum3A_920 : vector<16xi32>, vector<16xi1> -> vector<16xi32>
        %reduce_sum3A_922 = vector.extract %reduce_sum3A_921[15] : i32 from vector<16xi32>
        %dma_start3A_923 = arith.constant 0 : i32
        %dma_start3A_924 = tpu.memref_slice %arg19[%while3A_782, %dma_start3A_923] : memref<512x64xf32, #tpu.memory_space<vmem>> -> memref<1x64xf32, #tpu.memory_space<vmem>>
        %dma_start3A_925 = tpu.memref_squeeze %dma_start3A_924 : memref<1x64xf32, #tpu.memory_space<vmem>> -> memref<64xf32, #tpu.memory_space<vmem>>
        %dma_start3A_926 = arith.constant 0 : i32
        %dma_start3A_927 = tpu.memref_slice %arg13[%reduce_sum3A_922, %dma_start3A_926] : memref<16384x64xf32, #tpu.memory_space<hbm>> -> memref<1x64xf32, #tpu.memory_space<hbm>>
        %dma_start3A_928 = tpu.memref_squeeze %dma_start3A_927 : memref<1x64xf32, #tpu.memory_space<hbm>> -> memref<64xf32, #tpu.memory_space<hbm>>
        %dma_start3A_929 = arith.constant 0 : i32
        %dma_start3A_930 = tpu.memref_slice %arg13[%reduce_sum3A_922, %dma_start3A_929] : memref<16384x64xf32, #tpu.memory_space<hbm>> -> memref<1x64xf32, #tpu.memory_space<hbm>>
        %dma_start3A_931 = tpu.memref_squeeze %dma_start3A_930 : memref<1x64xf32, #tpu.memory_space<hbm>> -> memref<64xf32, #tpu.memory_space<hbm>>
        %dma_start3A_932 = arith.constant 0 : i32
        %dma_start3A_933 = tpu.memref_slice %arg19[%while3A_782, %dma_start3A_932] : memref<512x64xf32, #tpu.memory_space<vmem>> -> memref<1x64xf32, #tpu.memory_space<vmem>>
        %dma_start3A_934 = tpu.memref_squeeze %dma_start3A_933 : memref<1x64xf32, #tpu.memory_space<vmem>> -> memref<64xf32, #tpu.memory_space<vmem>>
        tpu.enqueue_dma source(%dma_start3A_934 : memref<64xf32, #tpu.memory_space<vmem>>) target(%dma_start3A_931 : memref<64xf32, #tpu.memory_space<hbm>>) target_semaphore(%arg21 : memref<!tpu.dma_semaphore, #tpu.memory_space<semaphore_mem>>)
      }
      %while3A_723 = arith.constant 1 : i32
      scf.for %while3A_782 = %while3A_721 to %while3A_717 step %while3A_723  : i32 {
        %jit3A_783 = arith.constant 16 : i32
        %div3A_784 = arith.divsi %while3A_782, %jit3A_783 : i32
        %sign3A_785 = arith.constant 0 : i32
        %sign3A_786 = arith.cmpi sgt, %while3A_782, %sign3A_785 : i32
        %sign3A_787 = arith.extui %sign3A_786 : i1 to i32
        %sign3A_788 = arith.constant 0 : i32
        %sign3A_789 = arith.cmpi slt, %while3A_782, %sign3A_788 : i32
        %sign3A_790 = arith.extui %sign3A_789 : i1 to i32
        %sign3A_791 = arith.subi %sign3A_787, %sign3A_790 : i32
        %sign3A_792 = arith.constant 0 : i32
        %sign3A_793 = arith.cmpi sgt, %jit3A_783, %sign3A_792 : i32
        %sign3A_794 = arith.extui %sign3A_793 : i1 to i32
        %sign3A_795 = arith.constant 0 : i32
        %sign3A_796 = arith.cmpi slt, %jit3A_783, %sign3A_795 : i32
        %sign3A_797 = arith.extui %sign3A_796 : i1 to i32
        %sign3A_798 = arith.subi %sign3A_794, %sign3A_797 : i32
        %ne3A_799 = arith.cmpi ne, %sign3A_791, %sign3A_798 : i32
        %rem3A_800 = arith.remsi %while3A_782, %jit3A_783 : i32
        %ne3A_801 = arith.constant 0 : i32
        %ne3A_802 = arith.cmpi ne, %rem3A_800, %ne3A_801 : i32
        %and3A_803 = arith.andi %ne3A_799, %ne3A_802 : i1
        %sub3A_804 = arith.constant 1 : i32
        %sub3A_805 = arith.subi %div3A_784, %sub3A_804 : i32
        %select_n3A_806 = arith.select %and3A_803, %sub3A_805, %div3A_784 : i32
        %mul3A_807 = arith.constant 16 : i32
        %mul3A_808 = arith.muli %select_n3A_806, %mul3A_807 : i32
        %get3A_809 = arith.index_cast %mul3A_808 : i32 to index
        %get3A_810 = tpu.vector_load %arg14[%get3A_809] {strides = array<i32>} : memref<512xi32, #tpu.memory_space<vmem>>, vector<16xi32>,
        %sub3A_811 = arith.subi %while3A_782, %mul3A_808 : i32
        %broadcast_in_dim3A_812 = arith.constant 1 : i32
        %broadcast_in_dim3A_813 = vector.broadcast %broadcast_in_dim3A_812 : i32 to vector<16xi32>
        %mul3A_814 = vector.broadcast %sub3A_811 : i32 to vector<16xi32>
        %mul3A_815 = arith.muli %broadcast_in_dim3A_813, %mul3A_814 : vector<16xi32>
        %eq3A_816 = arith.cmpi eq, %iota3A, %mul3A_815 : vector<16xi32>
        %broadcast_in_dim3A_817 = arith.constant 0 : i32
        %broadcast_in_dim3A_818 = vector.broadcast %broadcast_in_dim3A_817 : i32 to vector<16xi32>
        %select_n3A_819 = arith.select %eq3A_816, %get3A_810, %broadcast_in_dim3A_818 : vector<16xi1>, vector<16xi32>
        %reduce_sum3A_820 = arith.constant true
        %reduce_sum3A_821 = vector.broadcast %reduce_sum3A_820 : i1 to vector<16xi1>
        %reduce_sum3A_822 = tpu.scan <sum>, %select_n3A_819 masked %reduce_sum3A_821 : vector<16xi32>, vector<16xi1> -> vector<16xi32>
        %reduce_sum3A_823 = vector.extract %reduce_sum3A_822[15] : i32 from vector<16xi32>
        %broadcast_in_dim3A_824 = arith.constant 1 : i32
        %broadcast_in_dim3A_825 = vector.broadcast %broadcast_in_dim3A_824 : i32 to vector<16xi32>
        %mul3A_826 = vector.broadcast %select_n3A_633 : i32 to vector<16xi32>
        %mul3A_827 = arith.muli %broadcast_in_dim3A_825, %mul3A_826 : vector<16xi32>
        %add3A_828 = arith.constant 0 : i32
        %add3A_829 = vector.broadcast %add3A_828 : i32 to vector<16xi32>
        %add3A_830 = arith.addi %add3A_829, %iota3A : vector<16xi32>
        %broadcast_in_dim3A_831 = arith.constant 1 : i32
        %broadcast_in_dim3A_832 = vector.broadcast %broadcast_in_dim3A_831 : i32 to vector<16xi32>
        %mul3A_833 = vector.broadcast %reduce_sum3A_823 : i32 to vector<16xi32>
        %mul3A_834 = arith.muli %broadcast_in_dim3A_832, %mul3A_833 : vector<16xi32>
        %gather3A = tpu.vector_load_idx %arg18[%mul3A_827, %add3A_830, %mul3A_834] : memref<6x64x128xf32, #tpu.memory_space<vmem>>[vector<16xi32>, vector<16xi32>, vector<16xi32>], vector<16xf32>,
        %swap3A = arith.index_cast %while3A_782 : i32 to index
        %swap3A_835 = arith.constant 0 : index
        %swap3A_836 = tpu.vector_load %arg19[%swap3A, %swap3A_835] {strides = array<i32>} : memref<512x64xf32, #tpu.memory_space<vmem>>, vector<16xf32>,
        tpu.vector_store %arg19[%swap3A, %swap3A_835], %gather3A {strides = array<i32>} : memref<512x64xf32, #tpu.memory_space<vmem>>, vector<16xf32>,
        %broadcast_in_dim3A_837 = arith.constant 1 : i32
        %broadcast_in_dim3A_838 = vector.broadcast %broadcast_in_dim3A_837 : i32 to vector<16xi32>
        %mul3A_839 = vector.broadcast %select_n3A_633 : i32 to vector<16xi32>
        %mul3A_840 = arith.muli %broadcast_in_dim3A_838, %mul3A_839 : vector<16xi32>
        %add3A_841 = arith.constant 16 : i32
        %add3A_842 = vector.broadcast %add3A_841 : i32 to vector<16xi32>
        %add3A_843 = arith.addi %add3A_842, %iota3A : vector<16xi32>
        %broadcast_in_dim3A_844 = arith.constant 1 : i32
        %broadcast_in_dim3A_845 = vector.broadcast %broadcast_in_dim3A_844 : i32 to vector<16xi32>
        %mul3A_846 = vector.broadcast %reduce_sum3A_823 : i32 to vector<16xi32>
        %mul3A_847 = arith.muli %broadcast_in_dim3A_845, %mul3A_846 : vector<16xi32>
        %gather3A_848 = tpu.vector_load_idx %arg18[%mul3A_840, %add3A_843, %mul3A_847] : memref<6x64x128xf32, #tpu.memory_space<vmem>>[vector<16xi32>, vector<16xi32>, vector<16xi32>], vector<16xf32>,
        %swap3A_849 = arith.index_cast %while3A_782 : i32 to index
        %swap3A_850 = arith.constant 16 : index
        %swap3A_851 = tpu.vector_load %arg19[%swap3A_849, %swap3A_850] {strides = array<i32>} : memref<512x64xf32, #tpu.memory_space<vmem>>, vector<16xf32>,
        tpu.vector_store %arg19[%swap3A_849, %swap3A_850], %gather3A_848 {strides = array<i32>} : memref<512x64xf32, #tpu.memory_space<vmem>>, vector<16xf32>,
        %broadcast_in_dim3A_852 = arith.constant 1 : i32
        %broadcast_in_dim3A_853 = vector.broadcast %broadcast_in_dim3A_852 : i32 to vector<16xi32>
        %mul3A_854 = vector.broadcast %select_n3A_633 : i32 to vector<16xi32>
        %mul3A_855 = arith.muli %broadcast_in_dim3A_853, %mul3A_854 : vector<16xi32>
        %add3A_856 = arith.constant 32 : i32
        %add3A_857 = vector.broadcast %add3A_856 : i32 to vector<16xi32>
        %add3A_858 = arith.addi %add3A_857, %iota3A : vector<16xi32>
        %broadcast_in_dim3A_859 = arith.constant 1 : i32
        %broadcast_in_dim3A_860 = vector.broadcast %broadcast_in_dim3A_859 : i32 to vector<16xi32>
        %mul3A_861 = vector.broadcast %reduce_sum3A_823 : i32 to vector<16xi32>
        %mul3A_862 = arith.muli %broadcast_in_dim3A_860, %mul3A_861 : vector<16xi32>
        %gather3A_863 = tpu.vector_load_idx %arg18[%mul3A_855, %add3A_858, %mul3A_862] : memref<6x64x128xf32, #tpu.memory_space<vmem>>[vector<16xi32>, vector<16xi32>, vector<16xi32>], vector<16xf32>,
        %swap3A_864 = arith.index_cast %while3A_782 : i32 to index
        %swap3A_865 = arith.constant 32 : index
        %swap3A_866 = tpu.vector_load %arg19[%swap3A_864, %swap3A_865] {strides = array<i32>} : memref<512x64xf32, #tpu.memory_space<vmem>>, vector<16xf32>,
        tpu.vector_store %arg19[%swap3A_864, %swap3A_865], %gather3A_863 {strides = array<i32>} : memref<512x64xf32, #tpu.memory_space<vmem>>, vector<16xf32>,
        %broadcast_in_dim3A_867 = arith.constant 1 : i32
        %broadcast_in_dim3A_868 = vector.broadcast %broadcast_in_dim3A_867 : i32 to vector<16xi32>
        %mul3A_869 = vector.broadcast %select_n3A_633 : i32 to vector<16xi32>
        %mul3A_870 = arith.muli %broadcast_in_dim3A_868, %mul3A_869 : vector<16xi32>
        %add3A_871 = arith.constant 48 : i32
        %add3A_872 = vector.broadcast %add3A_871 : i32 to vector<16xi32>
        %add3A_873 = arith.addi %add3A_872, %iota3A : vector<16xi32>
        %broadcast_in_dim3A_874 = arith.constant 1 : i32
        %broadcast_in_dim3A_875 = vector.broadcast %broadcast_in_dim3A_874 : i32 to vector<16xi32>
        %mul3A_876 = vector.broadcast %reduce_sum3A_823 : i32 to vector<16xi32>
        %mul3A_877 = arith.muli %broadcast_in_dim3A_875, %mul3A_876 : vector<16xi32>
        %gather3A_878 = tpu.vector_load_idx %arg18[%mul3A_870, %add3A_873, %mul3A_877] : memref<6x64x128xf32, #tpu.memory_space<vmem>>[vector<16xi32>, vector<16xi32>, vector<16xi32>], vector<16xf32>,
        %swap3A_879 = arith.index_cast %while3A_782 : i32 to index
        %swap3A_880 = arith.constant 48 : index
        %swap3A_881 = tpu.vector_load %arg19[%swap3A_879, %swap3A_880] {strides = array<i32>} : memref<512x64xf32, #tpu.memory_space<vmem>>, vector<16xf32>,
        tpu.vector_store %arg19[%swap3A_879, %swap3A_880], %gather3A_878 {strides = array<i32>} : memref<512x64xf32, #tpu.memory_space<vmem>>, vector<16xf32>,
        %jit3A_882 = arith.constant 16 : i32
        %div3A_883 = arith.divsi %while3A_782, %jit3A_882 : i32
        %sign3A_884 = arith.constant 0 : i32
        %sign3A_885 = arith.cmpi sgt, %while3A_782, %sign3A_884 : i32
        %sign3A_886 = arith.extui %sign3A_885 : i1 to i32
        %sign3A_887 = arith.constant 0 : i32
        %sign3A_888 = arith.cmpi slt, %while3A_782, %sign3A_887 : i32
        %sign3A_889 = arith.extui %sign3A_888 : i1 to i32
        %sign3A_890 = arith.subi %sign3A_886, %sign3A_889 : i32
        %sign3A_891 = arith.constant 0 : i32
        %sign3A_892 = arith.cmpi sgt, %jit3A_882, %sign3A_891 : i32
        %sign3A_893 = arith.extui %sign3A_892 : i1 to i32
        %sign3A_894 = arith.constant 0 : i32
        %sign3A_895 = arith.cmpi slt, %jit3A_882, %sign3A_894 : i32
        %sign3A_896 = arith.extui %sign3A_895 : i1 to i32
        %sign3A_897 = arith.subi %sign3A_893, %sign3A_896 : i32
        %ne3A_898 = arith.cmpi ne, %sign3A_890, %sign3A_897 : i32
        %rem3A_899 = arith.remsi %while3A_782, %jit3A_882 : i32
        %ne3A_900 = arith.constant 0 : i32
        %ne3A_901 = arith.cmpi ne, %rem3A_899, %ne3A_900 : i32
        %and3A_902 = arith.andi %ne3A_898, %ne3A_901 : i1
        %sub3A_903 = arith.constant 1 : i32
        %sub3A_904 = arith.subi %div3A_883, %sub3A_903 : i32
        %select_n3A_905 = arith.select %and3A_902, %sub3A_904, %div3A_883 : i32
        %mul3A_906 = arith.constant 16 : i32
        %mul3A_907 = arith.muli %select_n3A_905, %mul3A_906 : i32
        %get3A_908 = arith.index_cast %mul3A_907 : i32 to index
        %get3A_909 = tpu.vector_load %arg17[%get3A_908] {strides = array<i32>} : memref<512xi32, #tpu.memory_space<vmem>>, vector<16xi32>,
        %sub3A_910 = arith.subi %while3A_782, %mul3A_907 : i32
        %broadcast_in_dim3A_911 = arith.constant 1 : i32
        %broadcast_in_dim3A_912 = vector.broadcast %broadcast_in_dim3A_911 : i32 to vector<16xi32>
        %mul3A_913 = vector.broadcast %sub3A_910 : i32 to vector<16xi32>
        %mul3A_914 = arith.muli %broadcast_in_dim3A_912, %mul3A_913 : vector<16xi32>
        %eq3A_915 = arith.cmpi eq, %iota3A, %mul3A_914 : vector<16xi32>
        %broadcast_in_dim3A_916 = arith.constant 0 : i32
        %broadcast_in_dim3A_917 = vector.broadcast %broadcast_in_dim3A_916 : i32 to vector<16xi32>
        %select_n3A_918 = arith.select %eq3A_915, %get3A_909, %broadcast_in_dim3A_917 : vector<16xi1>, vector<16xi32>
        %reduce_sum3A_919 = arith.constant true
        %reduce_sum3A_920 = vector.broadcast %reduce_sum3A_919 : i1 to vector<16xi1>
        %reduce_sum3A_921 = tpu.scan <sum>, %select_n3A_918 masked %reduce_sum3A_920 : vector<16xi32>, vector<16xi1> -> vector<16xi32>
        %reduce_sum3A_922 = vector.extract %reduce_sum3A_921[15] : i32 from vector<16xi32>
        %dma_start3A_923 = arith.constant 0 : i32
        %dma_start3A_924 = tpu.memref_slice %arg19[%while3A_782, %dma_start3A_923] : memref<512x64xf32, #tpu.memory_space<vmem>> -> memref<1x64xf32, #tpu.memory_space<vmem>>
        %dma_start3A_925 = tpu.memref_squeeze %dma_start3A_924 : memref<1x64xf32, #tpu.memory_space<vmem>> -> memref<64xf32, #tpu.memory_space<vmem>>
        %dma_start3A_926 = arith.constant 0 : i32
        %dma_start3A_927 = tpu.memref_slice %arg13[%reduce_sum3A_922, %dma_start3A_926] : memref<16384x64xf32, #tpu.memory_space<hbm>> -> memref<1x64xf32, #tpu.memory_space<hbm>>
        %dma_start3A_928 = tpu.memref_squeeze %dma_start3A_927 : memref<1x64xf32, #tpu.memory_space<hbm>> -> memref<64xf32, #tpu.memory_space<hbm>>
        %dma_start3A_929 = arith.constant 0 : i32
        %dma_start3A_930 = tpu.memref_slice %arg13[%reduce_sum3A_922, %dma_start3A_929] : memref<16384x64xf32, #tpu.memory_space<hbm>> -> memref<1x64xf32, #tpu.memory_space<hbm>>
        %dma_start3A_931 = tpu.memref_squeeze %dma_start3A_930 : memref<1x64xf32, #tpu.memory_space<hbm>> -> memref<64xf32, #tpu.memory_space<hbm>>
        %dma_start3A_932 = arith.constant 0 : i32
        %dma_start3A_933 = tpu.memref_slice %arg19[%while3A_782, %dma_start3A_932] : memref<512x64xf32, #tpu.memory_space<vmem>> -> memref<1x64xf32, #tpu.memory_space<vmem>>
        %dma_start3A_934 = tpu.memref_squeeze %dma_start3A_933 : memref<1x64xf32, #tpu.memory_space<vmem>> -> memref<64xf32, #tpu.memory_space<vmem>>
        tpu.enqueue_dma source(%dma_start3A_934 : memref<64xf32, #tpu.memory_space<vmem>>) target(%dma_start3A_931 : memref<64xf32, #tpu.memory_space<hbm>>) target_semaphore(%arg21 : memref<!tpu.dma_semaphore, #tpu.memory_space<semaphore_mem>>)
      }
      %add3A_724 = arith.constant 6 : i32
      %add3A_725 = arith.addi %while3A_607, %add3A_724 : i32
      %jit3A_726 = arith.constant 16 : i32
      %div3A_727 = arith.divsi %add3A_725, %jit3A_726 : i32
      %sign3A_728 = arith.constant 0 : i32
      %sign3A_729 = arith.cmpi sgt, %add3A_725, %sign3A_728 : i32
      %sign3A_730 = arith.extui %sign3A_729 : i1 to i32
      %sign3A_731 = arith.constant 0 : i32
      %sign3A_732 = arith.cmpi slt, %add3A_725, %sign3A_731 : i32
      %sign3A_733 = arith.extui %sign3A_732 : i1 to i32
      %sign3A_734 = arith.subi %sign3A_730, %sign3A_733 : i32
      %sign3A_735 = arith.constant 0 : i32
      %sign3A_736 = arith.cmpi sgt, %jit3A_726, %sign3A_735 : i32
      %sign3A_737 = arith.extui %sign3A_736 : i1 to i32
      %sign3A_738 = arith.constant 0 : i32
      %sign3A_739 = arith.cmpi slt, %jit3A_726, %sign3A_738 : i32
      %sign3A_740 = arith.extui %sign3A_739 : i1 to i32
      %sign3A_741 = arith.subi %sign3A_737, %sign3A_740 : i32
      %ne3A_742 = arith.cmpi ne, %sign3A_734, %sign3A_741 : i32
      %rem3A_743 = arith.remsi %add3A_725, %jit3A_726 : i32
      %ne3A_744 = arith.constant 0 : i32
      %ne3A_745 = arith.cmpi ne, %rem3A_743, %ne3A_744 : i32
      %and3A_746 = arith.andi %ne3A_742, %ne3A_745 : i1
      %sub3A_747 = arith.constant 1 : i32
      %sub3A_748 = arith.subi %div3A_727, %sub3A_747 : i32
      %select_n3A_749 = arith.select %and3A_746, %sub3A_748, %div3A_727 : i32
      %mul3A_750 = arith.constant 16 : i32
      %mul3A_751 = arith.muli %select_n3A_749, %mul3A_750 : i32
      %get3A_752 = arith.index_cast %mul3A_751 : i32 to index
      %get3A_753 = tpu.vector_load %arg15[%get3A_752] {strides = array<i32>} : memref<528xi32, #tpu.memory_space<vmem>>, vector<16xi32>,
      %sub3A_754 = arith.subi %add3A_725, %mul3A_751 : i32
      %broadcast_in_dim3A_755 = arith.constant 1 : i32
      %broadcast_in_dim3A_756 = vector.broadcast %broadcast_in_dim3A_755 : i32 to vector<16xi32>
      %mul3A_757 = vector.broadcast %sub3A_754 : i32 to vector<16xi32>
      %mul3A_758 = arith.muli %broadcast_in_dim3A_756, %mul3A_757 : vector<16xi32>
      %eq3A_759 = arith.cmpi eq, %iota3A, %mul3A_758 : vector<16xi32>
      %broadcast_in_dim3A_760 = arith.constant 0 : i32
      %broadcast_in_dim3A_761 = vector.broadcast %broadcast_in_dim3A_760 : i32 to vector<16xi32>
      %select_n3A_762 = arith.select %eq3A_759, %get3A_753, %broadcast_in_dim3A_761 : vector<16xi1>, vector<16xi32>
      %reduce_sum3A_763 = arith.constant true
      %reduce_sum3A_764 = vector.broadcast %reduce_sum3A_763 : i1 to vector<16xi1>
      %reduce_sum3A_765 = tpu.scan <sum>, %select_n3A_762 masked %reduce_sum3A_764 : vector<16xi32>, vector<16xi1> -> vector<16xi32>
      %reduce_sum3A_766 = vector.extract %reduce_sum3A_765[15] : i32 from vector<16xi32>
      %mul3A_767 = arith.constant 128 : i32
      %mul3A_768 = arith.muli %reduce_sum3A_766, %mul3A_767 : i32
      %multiple_of3A_769 = tpu.assume_multiple %mul3A_768, 128 : i32
      %dma_start3A_770 = arith.constant 0 : i32
      %dma_start3A_771 = arith.constant 0 : i32
      %dma_start3A_772 = tpu.memref_slice %arg18[%select_n3A_633, %dma_start3A_770, %dma_start3A_771] : memref<6x64x128xf32, #tpu.memory_space<vmem>> -> memref<1x64x128xf32, #tpu.memory_space<vmem>>
      %dma_start3A_773 = tpu.memref_squeeze %dma_start3A_772 : memref<1x64x128xf32, #tpu.memory_space<vmem>> -> memref<64x128xf32, #tpu.memory_space<vmem>>
      %dma_start3A_774 = arith.constant 0 : i32
      %dma_start3A_775 = tpu.memref_slice %arg11[%dma_start3A_774, %multiple_of3A_769] : memref<64x1000000xf32, #tpu.memory_space<hbm>> -> memref<64x128xf32, #tpu.memory_space<hbm>>
      %dma_start3A_776 = arith.constant 0 : i32
      %dma_start3A_777 = arith.constant 0 : i32
      %dma_start3A_778 = tpu.memref_slice %arg18[%select_n3A_633, %dma_start3A_776, %dma_start3A_777] : memref<6x64x128xf32, #tpu.memory_space<vmem>> -> memref<1x64x128xf32, #tpu.memory_space<vmem>>
      %dma_start3A_779 = tpu.memref_squeeze %dma_start3A_778 : memref<1x64x128xf32, #tpu.memory_space<vmem>> -> memref<64x128xf32, #tpu.memory_space<vmem>>
      %dma_start3A_780 = arith.constant 0 : i32
      %dma_start3A_781 = tpu.memref_slice %arg11[%dma_start3A_780, %multiple_of3A_769] : memref<64x1000000xf32, #tpu.memory_space<hbm>> -> memref<64x128xf32, #tpu.memory_space<hbm>>
      tpu.enqueue_dma source(%dma_start3A_781 : memref<64x128xf32, #tpu.memory_space<hbm>>) target(%dma_start3A_779 : memref<64x128xf32, #tpu.memory_space<vmem>>) target_semaphore(%arg20 : memref<!tpu.dma_semaphore, #tpu.memory_space<semaphore_mem>>)
    }
    %dma_wait3A_511 = arith.constant 0 : i32
    %dma_wait3A_512 = arith.constant 0 : i32
    %dma_wait3A_513 = arith.constant 0 : i32
    %dma_wait3A_514 = tpu.memref_slice %arg18[%dma_wait3A_511, %dma_wait3A_512, %dma_wait3A_513] : memref<6x64x128xf32, #tpu.memory_space<vmem>> -> memref<1x64x128xf32, #tpu.memory_space<vmem>>
    %dma_wait3A_515 = tpu.memref_squeeze %dma_wait3A_514 : memref<1x64x128xf32, #tpu.memory_space<vmem>> -> memref<64x128xf32, #tpu.memory_space<vmem>>
    %dma_wait3A_516 = arith.constant 0 : i32
    %dma_wait3A_517 = arith.constant 0 : i32
    %dma_wait3A_518 = tpu.memref_slice %arg11[%dma_wait3A_516, %dma_wait3A_517] : memref<64x1000000xf32, #tpu.memory_space<hbm>> -> memref<64x128xf32, #tpu.memory_space<hbm>>
    %dma_wait3A_519 = arith.constant 0 : i32
    %dma_wait3A_520 = arith.constant 0 : i32
    %dma_wait3A_521 = tpu.memref_slice %arg18[%dma_wait3A_511, %dma_wait3A_519, %dma_wait3A_520] : memref<6x64x128xf32, #tpu.memory_space<vmem>> -> memref<1x64x128xf32, #tpu.memory_space<vmem>>
    %dma_wait3A_522 = tpu.memref_squeeze %dma_wait3A_521 : memref<1x64x128xf32, #tpu.memory_space<vmem>> -> memref<64x128xf32, #tpu.memory_space<vmem>>
    %dma_wait3A_523 = arith.constant 0 : i32
    %dma_wait3A_524 = arith.constant 0 : i32
    %dma_wait3A_525 = tpu.memref_slice %arg11[%dma_wait3A_523, %dma_wait3A_524] : memref<64x1000000xf32, #tpu.memory_space<hbm>> -> memref<64x128xf32, #tpu.memory_space<hbm>>
    tpu.wait_dma2 semaphore(%arg20 : memref<!tpu.dma_semaphore, #tpu.memory_space<semaphore_mem>>) src(%dma_wait3A_525 : memref<64x128xf32, #tpu.memory_space<hbm>>) dst(%dma_wait3A_522 : memref<64x128xf32, #tpu.memory_space<vmem>>)
    %dma_wait3A_526 = arith.constant 0 : i32
    %dma_wait3A_527 = arith.constant 0 : i32
    %dma_wait3A_528 = arith.constant 0 : i32
    %dma_wait3A_529 = tpu.memref_slice %arg18[%dma_wait3A_526, %dma_wait3A_527, %dma_wait3A_528] : memref<6x64x128xf32, #tpu.memory_space<vmem>> -> memref<1x64x128xf32, #tpu.memory_space<vmem>>
    %dma_wait3A_530 = tpu.memref_squeeze %dma_wait3A_529 : memref<1x64x128xf32, #tpu.memory_space<vmem>> -> memref<64x128xf32, #tpu.memory_space<vmem>>
    %dma_wait3A_531 = arith.constant 0 : i32
    %dma_wait3A_532 = arith.constant 0 : i32
    %dma_wait3A_533 = tpu.memref_slice %arg11[%dma_wait3A_531, %dma_wait3A_532] : memref<64x1000000xf32, #tpu.memory_space<hbm>> -> memref<64x128xf32, #tpu.memory_space<hbm>>
    %dma_wait3A_534 = arith.constant 0 : i32
    %dma_wait3A_535 = arith.constant 0 : i32
    %dma_wait3A_536 = tpu.memref_slice %arg18[%dma_wait3A_526, %dma_wait3A_534, %dma_wait3A_535] : memref<6x64x128xf32, #tpu.memory_space<vmem>> -> memref<1x64x128xf32, #tpu.memory_space<vmem>>
    %dma_wait3A_537 = tpu.memref_squeeze %dma_wait3A_536 : memref<1x64x128xf32, #tpu.memory_space<vmem>> -> memref<64x128xf32, #tpu.memory_space<vmem>>
    %dma_wait3A_538 = arith.constant 0 : i32
    %dma_wait3A_539 = arith.constant 0 : i32
    %dma_wait3A_540 = tpu.memref_slice %arg11[%dma_wait3A_538, %dma_wait3A_539] : memref<64x1000000xf32, #tpu.memory_space<hbm>> -> memref<64x128xf32, #tpu.memory_space<hbm>>
    tpu.wait_dma2 semaphore(%arg20 : memref<!tpu.dma_semaphore, #tpu.memory_space<semaphore_mem>>) src(%dma_wait3A_540 : memref<64x128xf32, #tpu.memory_space<hbm>>) dst(%dma_wait3A_537 : memref<64x128xf32, #tpu.memory_space<vmem>>)
    %dma_wait3A_541 = arith.constant 0 : i32
    %dma_wait3A_542 = arith.constant 0 : i32
    %dma_wait3A_543 = arith.constant 0 : i32
    %dma_wait3A_544 = tpu.memref_slice %arg18[%dma_wait3A_541, %dma_wait3A_542, %dma_wait3A_543] : memref<6x64x128xf32, #tpu.memory_space<vmem>> -> memref<1x64x128xf32, #tpu.memory_space<vmem>>
    %dma_wait3A_545 = tpu.memref_squeeze %dma_wait3A_544 : memref<1x64x128xf32, #tpu.memory_space<vmem>> -> memref<64x128xf32, #tpu.memory_space<vmem>>
    %dma_wait3A_546 = arith.constant 0 : i32
    %dma_wait3A_547 = arith.constant 0 : i32
    %dma_wait3A_548 = tpu.memref_slice %arg11[%dma_wait3A_546, %dma_wait3A_547] : memref<64x1000000xf32, #tpu.memory_space<hbm>> -> memref<64x128xf32, #tpu.memory_space<hbm>>
    %dma_wait3A_549 = arith.constant 0 : i32
    %dma_wait3A_550 = arith.constant 0 : i32
    %dma_wait3A_551 = tpu.memref_slice %arg18[%dma_wait3A_541, %dma_wait3A_549, %dma_wait3A_550] : memref<6x64x128xf32, #tpu.memory_space<vmem>> -> memref<1x64x128xf32, #tpu.memory_space<vmem>>
    %dma_wait3A_552 = tpu.memref_squeeze %dma_wait3A_551 : memref<1x64x128xf32, #tpu.memory_space<vmem>> -> memref<64x128xf32, #tpu.memory_space<vmem>>
    %dma_wait3A_553 = arith.constant 0 : i32
    %dma_wait3A_554 = arith.constant 0 : i32
    %dma_wait3A_555 = tpu.memref_slice %arg11[%dma_wait3A_553, %dma_wait3A_554] : memref<64x1000000xf32, #tpu.memory_space<hbm>> -> memref<64x128xf32, #tpu.memory_space<hbm>>
    tpu.wait_dma2 semaphore(%arg20 : memref<!tpu.dma_semaphore, #tpu.memory_space<semaphore_mem>>) src(%dma_wait3A_555 : memref<64x128xf32, #tpu.memory_space<hbm>>) dst(%dma_wait3A_552 : memref<64x128xf32, #tpu.memory_space<vmem>>)
    %dma_wait3A_556 = arith.constant 0 : i32
    %dma_wait3A_557 = arith.constant 0 : i32
    %dma_wait3A_558 = arith.constant 0 : i32
    %dma_wait3A_559 = tpu.memref_slice %arg18[%dma_wait3A_556, %dma_wait3A_557, %dma_wait3A_558] : memref<6x64x128xf32, #tpu.memory_space<vmem>> -> memref<1x64x128xf32, #tpu.memory_space<vmem>>
    %dma_wait3A_560 = tpu.memref_squeeze %dma_wait3A_559 : memref<1x64x128xf32, #tpu.memory_space<vmem>> -> memref<64x128xf32, #tpu.memory_space<vmem>>
    %dma_wait3A_561 = arith.constant 0 : i32
    %dma_wait3A_562 = arith.constant 0 : i32
    %dma_wait3A_563 = tpu.memref_slice %arg11[%dma_wait3A_561, %dma_wait3A_562] : memref<64x1000000xf32, #tpu.memory_space<hbm>> -> memref<64x128xf32, #tpu.memory_space<hbm>>
    %dma_wait3A_564 = arith.constant 0 : i32
    %dma_wait3A_565 = arith.constant 0 : i32
    %dma_wait3A_566 = tpu.memref_slice %arg18[%dma_wait3A_556, %dma_wait3A_564, %dma_wait3A_565] : memref<6x64x128xf32, #tpu.memory_space<vmem>> -> memref<1x64x128xf32, #tpu.memory_space<vmem>>
    %dma_wait3A_567 = tpu.memref_squeeze %dma_wait3A_566 : memref<1x64x128xf32, #tpu.memory_space<vmem>> -> memref<64x128xf32, #tpu.memory_space<vmem>>
    %dma_wait3A_568 = arith.constant 0 : i32
    %dma_wait3A_569 = arith.constant 0 : i32
    %dma_wait3A_570 = tpu.memref_slice %arg11[%dma_wait3A_568, %dma_wait3A_569] : memref<64x1000000xf32, #tpu.memory_space<hbm>> -> memref<64x128xf32, #tpu.memory_space<hbm>>
    tpu.wait_dma2 semaphore(%arg20 : memref<!tpu.dma_semaphore, #tpu.memory_space<semaphore_mem>>) src(%dma_wait3A_570 : memref<64x128xf32, #tpu.memory_space<hbm>>) dst(%dma_wait3A_567 : memref<64x128xf32, #tpu.memory_space<vmem>>)
    %dma_wait3A_571 = arith.constant 0 : i32
    %dma_wait3A_572 = arith.constant 0 : i32
    %dma_wait3A_573 = arith.constant 0 : i32
    %dma_wait3A_574 = tpu.memref_slice %arg18[%dma_wait3A_571, %dma_wait3A_572, %dma_wait3A_573] : memref<6x64x128xf32, #tpu.memory_space<vmem>> -> memref<1x64x128xf32, #tpu.memory_space<vmem>>
    %dma_wait3A_575 = tpu.memref_squeeze %dma_wait3A_574 : memref<1x64x128xf32, #tpu.memory_space<vmem>> -> memref<64x128xf32, #tpu.memory_space<vmem>>
    %dma_wait3A_576 = arith.constant 0 : i32
    %dma_wait3A_577 = arith.constant 0 : i32
    %dma_wait3A_578 = tpu.memref_slice %arg11[%dma_wait3A_576, %dma_wait3A_577] : memref<64x1000000xf32, #tpu.memory_space<hbm>> -> memref<64x128xf32, #tpu.memory_space<hbm>>
    %dma_wait3A_579 = arith.constant 0 : i32
    %dma_wait3A_580 = arith.constant 0 : i32
    %dma_wait3A_581 = tpu.memref_slice %arg18[%dma_wait3A_571, %dma_wait3A_579, %dma_wait3A_580] : memref<6x64x128xf32, #tpu.memory_space<vmem>> -> memref<1x64x128xf32, #tpu.memory_space<vmem>>
    %dma_wait3A_582 = tpu.memref_squeeze %dma_wait3A_581 : memref<1x64x128xf32, #tpu.memory_space<vmem>> -> memref<64x128xf32, #tpu.memory_space<vmem>>
    %dma_wait3A_583 = arith.constant 0 : i32
    %dma_wait3A_584 = arith.constant 0 : i32
    %dma_wait3A_585 = tpu.memref_slice %arg11[%dma_wait3A_583, %dma_wait3A_584] : memref<64x1000000xf32, #tpu.memory_space<hbm>> -> memref<64x128xf32, #tpu.memory_space<hbm>>
    tpu.wait_dma2 semaphore(%arg20 : memref<!tpu.dma_semaphore, #tpu.memory_space<semaphore_mem>>) src(%dma_wait3A_585 : memref<64x128xf32, #tpu.memory_space<hbm>>) dst(%dma_wait3A_582 : memref<64x128xf32, #tpu.memory_space<vmem>>)
    %dma_wait3A_586 = arith.constant 0 : i32
    %dma_wait3A_587 = arith.constant 0 : i32
    %dma_wait3A_588 = arith.constant 0 : i32
    %dma_wait3A_589 = tpu.memref_slice %arg18[%dma_wait3A_586, %dma_wait3A_587, %dma_wait3A_588] : memref<6x64x128xf32, #tpu.memory_space<vmem>> -> memref<1x64x128xf32, #tpu.memory_space<vmem>>
    %dma_wait3A_590 = tpu.memref_squeeze %dma_wait3A_589 : memref<1x64x128xf32, #tpu.memory_space<vmem>> -> memref<64x128xf32, #tpu.memory_space<vmem>>
    %dma_wait3A_591 = arith.constant 0 : i32
    %dma_wait3A_592 = arith.constant 0 : i32
    %dma_wait3A_593 = tpu.memref_slice %arg11[%dma_wait3A_591, %dma_wait3A_592] : memref<64x1000000xf32, #tpu.memory_space<hbm>> -> memref<64x128xf32, #tpu.memory_space<hbm>>
    %dma_wait3A_594 = arith.constant 0 : i32
    %dma_wait3A_595 = arith.constant 0 : i32
    %dma_wait3A_596 = tpu.memref_slice %arg18[%dma_wait3A_586, %dma_wait3A_594, %dma_wait3A_595] : memref<6x64x128xf32, #tpu.memory_space<vmem>> -> memref<1x64x128xf32, #tpu.memory_space<vmem>>
    %dma_wait3A_597 = tpu.memref_squeeze %dma_wait3A_596 : memref<1x64x128xf32, #tpu.memory_space<vmem>> -> memref<64x128xf32, #tpu.memory_space<vmem>>
    %dma_wait3A_598 = arith.constant 0 : i32
    %dma_wait3A_599 = arith.constant 0 : i32
    %dma_wait3A_600 = tpu.memref_slice %arg11[%dma_wait3A_598, %dma_wait3A_599] : memref<64x1000000xf32, #tpu.memory_space<hbm>> -> memref<64x128xf32, #tpu.memory_space<hbm>>
    tpu.wait_dma2 semaphore(%arg20 : memref<!tpu.dma_semaphore, #tpu.memory_space<semaphore_mem>>) src(%dma_wait3A_600 : memref<64x128xf32, #tpu.memory_space<hbm>>) dst(%dma_wait3A_597 : memref<64x128xf32, #tpu.memory_space<vmem>>)
    %scan3A_601 = arith.constant 0 : i32
    %scan3A_602 = arith.constant 0 : i32
    %scan3A_603 = arith.constant 512 : i32
    %scan3A_604 = arith.addi %scan3A_602, %scan3A_603 : i32
    %scan3A_605 = arith.constant 1 : i32
    scf.for %scan3A_607 = %scan3A_602 to %scan3A_604 step %scan3A_605  : i32 {
      %dma_wait3A_608 = arith.constant 0 : i32
      %dma_wait3A_609 = arith.constant 0 : i32
      %dma_wait3A_610 = arith.constant 0 : i32
      %dma_wait3A_611 = tpu.memref_slice %arg19[%dma_wait3A_608, %dma_wait3A_610] : memref<512x64xf32, #tpu.memory_space<vmem>> -> memref<1x64xf32, #tpu.memory_space<vmem>>
      %dma_wait3A_612 = tpu.memref_squeeze %dma_wait3A_611 : memref<1x64xf32, #tpu.memory_space<vmem>> -> memref<64xf32, #tpu.memory_space<vmem>>
      %dma_wait3A_613 = arith.constant 0 : i32
      %dma_wait3A_614 = tpu.memref_slice %arg13[%dma_wait3A_609, %dma_wait3A_613] : memref<16384x64xf32, #tpu.memory_space<hbm>> -> memref<1x64xf32, #tpu.memory_space<hbm>>
      %dma_wait3A_615 = tpu.memref_squeeze %dma_wait3A_614 : memref<1x64xf32, #tpu.memory_space<hbm>> -> memref<64xf32, #tpu.memory_space<hbm>>
      %dma_wait3A_616 = arith.constant 0 : i32
      %dma_wait3A_617 = tpu.memref_slice %arg13[%dma_wait3A_609, %dma_wait3A_616] : memref<16384x64xf32, #tpu.memory_space<hbm>> -> memref<1x64xf32, #tpu.memory_space<hbm>>
      %dma_wait3A_618 = tpu.memref_squeeze %dma_wait3A_617 : memref<1x64xf32, #tpu.memory_space<hbm>> -> memref<64xf32, #tpu.memory_space<hbm>>
      %dma_wait3A_619 = arith.constant 0 : i32
      %dma_wait3A_620 = tpu.memref_slice %arg19[%dma_wait3A_608, %dma_wait3A_619] : memref<512x64xf32, #tpu.memory_space<vmem>> -> memref<1x64xf32, #tpu.memory_space<vmem>>
      %dma_wait3A_621 = tpu.memref_squeeze %dma_wait3A_620 : memref<1x64xf32, #tpu.memory_space<vmem>> -> memref<64xf32, #tpu.memory_space<vmem>>
      tpu.wait_dma2 semaphore(%arg21 : memref<!tpu.dma_semaphore, #tpu.memory_space<semaphore_mem>>) src(%dma_wait3A_621 : memref<64xf32, #tpu.memory_space<vmem>>) dst(%dma_wait3A_618 : memref<64xf32, #tpu.memory_space<hbm>>)
    }
    %scan3A_606 = arith.constant 512 : i32
    return
  }
}

#map = affine_map<(d0, d1) -> (0, 0)>
#map1 = affine_map<(d0, d1) -> (0)>
module attributes {stable_mosaic.version = 14 : i64} {
  func.func @_dot_body(%arg0: i32, %arg1: i32, %arg2: memref<16384x64xf32, #tpu.memory_space<hbm>>, %arg3: memref<16384x64xf32, #tpu.memory_space<hbm>>, %arg4: memref<16384xf32, #tpu.memory_space<hbm>>, %arg5: memref<512x128xf32, #tpu.memory_space<vmem>>, %arg6: memref<512xf32, #tpu.memory_space<vmem>>, %arg7: memref<!tpu.dma_semaphore, #tpu.memory_space<semaphore_mem>>) attributes {dimension_semantics = [#tpu.dimension_semantics<core_parallel>, #tpu.dimension_semantics<subcore_parallel>], iteration_bounds = array<i64: 2, 16>, scalar_prefetch = 0 : i64, scratch_operands = 3 : i64, tpu.core_type = #tpu.core_type<sc_vector_subcore>, window_params = [{transform_indices = #map}, {transform_indices = #map}, {transform_indices = #map1}]} {
    %mul3A = arith.constant 2 : i32
    %mul3A_0 = arith.muli %arg1, %mul3A : i32
    %add3A = arith.addi %mul3A_0, %arg0 : i32
    %mul3A_1 = arith.constant 512 : i32
    %mul3A_2 = arith.muli %add3A, %mul3A_1 : i32
    %iota3A = tpu.iota {dimensions = array<i32: 0>} : vector<16xi32>
    %xor3A = arith.constant 1 : i32
    %xor3A_3 = vector.broadcast %xor3A : i32 to vector<16xi32>
    %xor3A_4 = arith.xori %iota3A, %xor3A_3 : vector<16xi32>
    %xor3A_5 = arith.constant 2 : i32
    %xor3A_6 = vector.broadcast %xor3A_5 : i32 to vector<16xi32>
    %xor3A_7 = arith.xori %iota3A, %xor3A_6 : vector<16xi32>
    %xor3A_8 = arith.constant 4 : i32
    %xor3A_9 = vector.broadcast %xor3A_8 : i32 to vector<16xi32>
    %xor3A_10 = arith.xori %iota3A, %xor3A_9 : vector<16xi32>
    %xor3A_11 = arith.constant 8 : i32
    %xor3A_12 = vector.broadcast %xor3A_11 : i32 to vector<16xi32>
    %xor3A_13 = arith.xori %iota3A, %xor3A_12 : vector<16xi32>
    %scan3A = arith.constant 0 : i32
    %scan3A_14 = arith.constant 0 : i32
    %scan3A_15 = arith.constant 512 : i32
    %scan3A_16 = arith.addi %scan3A_14, %scan3A_15 : i32
    %scan3A_17 = arith.constant 1 : i32
    scf.for %scan3A_31 = %scan3A_14 to %scan3A_16 step %scan3A_17  : i32 {
      %add3A_32 = arith.addi %mul3A_2, %scan3A_31 : i32
      %dma_start3A = arith.constant 0 : i32
      %dma_start3A_33 = tpu.memref_slice %arg5[%scan3A_31, %dma_start3A] : memref<512x128xf32, #tpu.memory_space<vmem>> -> memref<1x64xf32, #tpu.memory_space<vmem>>
      %dma_start3A_34 = tpu.memref_squeeze %dma_start3A_33 : memref<1x64xf32, #tpu.memory_space<vmem>> -> memref<64xf32, #tpu.memory_space<vmem>>
      %dma_start3A_35 = arith.constant 0 : i32
      %dma_start3A_36 = tpu.memref_slice %arg2[%add3A_32, %dma_start3A_35] : memref<16384x64xf32, #tpu.memory_space<hbm>> -> memref<1x64xf32, #tpu.memory_space<hbm>>
      %dma_start3A_37 = tpu.memref_squeeze %dma_start3A_36 : memref<1x64xf32, #tpu.memory_space<hbm>> -> memref<64xf32, #tpu.memory_space<hbm>>
      %dma_start3A_38 = arith.constant 0 : i32
      %dma_start3A_39 = tpu.memref_slice %arg5[%scan3A_31, %dma_start3A_38] : memref<512x128xf32, #tpu.memory_space<vmem>> -> memref<1x64xf32, #tpu.memory_space<vmem>>
      %dma_start3A_40 = tpu.memref_squeeze %dma_start3A_39 : memref<1x64xf32, #tpu.memory_space<vmem>> -> memref<64xf32, #tpu.memory_space<vmem>>
      %dma_start3A_41 = arith.constant 0 : i32
      %dma_start3A_42 = tpu.memref_slice %arg2[%add3A_32, %dma_start3A_41] : memref<16384x64xf32, #tpu.memory_space<hbm>> -> memref<1x64xf32, #tpu.memory_space<hbm>>
      %dma_start3A_43 = tpu.memref_squeeze %dma_start3A_42 : memref<1x64xf32, #tpu.memory_space<hbm>> -> memref<64xf32, #tpu.memory_space<hbm>>
      tpu.enqueue_dma source(%dma_start3A_43 : memref<64xf32, #tpu.memory_space<hbm>>) target(%dma_start3A_40 : memref<64xf32, #tpu.memory_space<vmem>>) target_semaphore(%arg7 : memref<!tpu.dma_semaphore, #tpu.memory_space<semaphore_mem>>)
      %add3A_44 = arith.addi %mul3A_2, %scan3A_31 : i32
      %dma_start3A_45 = arith.constant 64 : i32
      %dma_start3A_46 = tpu.memref_slice %arg5[%scan3A_31, %dma_start3A_45] : memref<512x128xf32, #tpu.memory_space<vmem>> -> memref<1x64xf32, #tpu.memory_space<vmem>>
      %dma_start3A_47 = tpu.memref_squeeze %dma_start3A_46 : memref<1x64xf32, #tpu.memory_space<vmem>> -> memref<64xf32, #tpu.memory_space<vmem>>
      %dma_start3A_48 = arith.constant 0 : i32
      %dma_start3A_49 = tpu.memref_slice %arg3[%add3A_44, %dma_start3A_48] : memref<16384x64xf32, #tpu.memory_space<hbm>> -> memref<1x64xf32, #tpu.memory_space<hbm>>
      %dma_start3A_50 = tpu.memref_squeeze %dma_start3A_49 : memref<1x64xf32, #tpu.memory_space<hbm>> -> memref<64xf32, #tpu.memory_space<hbm>>
      %dma_start3A_51 = arith.constant 64 : i32
      %dma_start3A_52 = tpu.memref_slice %arg5[%scan3A_31, %dma_start3A_51] : memref<512x128xf32, #tpu.memory_space<vmem>> -> memref<1x64xf32, #tpu.memory_space<vmem>>
      %dma_start3A_53 = tpu.memref_squeeze %dma_start3A_52 : memref<1x64xf32, #tpu.memory_space<vmem>> -> memref<64xf32, #tpu.memory_space<vmem>>
      %dma_start3A_54 = arith.constant 0 : i32
      %dma_start3A_55 = tpu.memref_slice %arg3[%add3A_44, %dma_start3A_54] : memref<16384x64xf32, #tpu.memory_space<hbm>> -> memref<1x64xf32, #tpu.memory_space<hbm>>
      %dma_start3A_56 = tpu.memref_squeeze %dma_start3A_55 : memref<1x64xf32, #tpu.memory_space<hbm>> -> memref<64xf32, #tpu.memory_space<hbm>>
      tpu.enqueue_dma source(%dma_start3A_56 : memref<64xf32, #tpu.memory_space<hbm>>) target(%dma_start3A_53 : memref<64xf32, #tpu.memory_space<vmem>>) target_semaphore(%arg7 : memref<!tpu.dma_semaphore, #tpu.memory_space<semaphore_mem>>)
    }
    %scan3A_18 = arith.constant 512 : i32
    %scan3A_19 = arith.constant 0 : i32
    %scan3A_20 = arith.constant 0 : i32
    %scan3A_21 = arith.constant 512 : i32
    %scan3A_22 = arith.addi %scan3A_20, %scan3A_21 : i32
    %scan3A_23 = arith.constant 1 : i32
    scf.for %scan3A_31 = %scan3A_20 to %scan3A_22 step %scan3A_23  : i32 {
      %dma_wait3A = arith.constant 0 : i32
      %dma_wait3A_32 = arith.constant 0 : i32
      %dma_wait3A_33 = tpu.memref_slice %arg5[%scan3A_31, %dma_wait3A_32] : memref<512x128xf32, #tpu.memory_space<vmem>> -> memref<1x64xf32, #tpu.memory_space<vmem>>
      %dma_wait3A_34 = tpu.memref_squeeze %dma_wait3A_33 : memref<1x64xf32, #tpu.memory_space<vmem>> -> memref<64xf32, #tpu.memory_space<vmem>>
      %dma_wait3A_35 = arith.constant 0 : i32
      %dma_wait3A_36 = tpu.memref_slice %arg2[%dma_wait3A, %dma_wait3A_35] : memref<16384x64xf32, #tpu.memory_space<hbm>> -> memref<1x64xf32, #tpu.memory_space<hbm>>
      %dma_wait3A_37 = tpu.memref_squeeze %dma_wait3A_36 : memref<1x64xf32, #tpu.memory_space<hbm>> -> memref<64xf32, #tpu.memory_space<hbm>>
      %dma_wait3A_38 = arith.constant 0 : i32
      %dma_wait3A_39 = tpu.memref_slice %arg5[%scan3A_31, %dma_wait3A_38] : memref<512x128xf32, #tpu.memory_space<vmem>> -> memref<1x64xf32, #tpu.memory_space<vmem>>
      %dma_wait3A_40 = tpu.memref_squeeze %dma_wait3A_39 : memref<1x64xf32, #tpu.memory_space<vmem>> -> memref<64xf32, #tpu.memory_space<vmem>>
      %dma_wait3A_41 = arith.constant 0 : i32
      %dma_wait3A_42 = tpu.memref_slice %arg2[%dma_wait3A, %dma_wait3A_41] : memref<16384x64xf32, #tpu.memory_space<hbm>> -> memref<1x64xf32, #tpu.memory_space<hbm>>
      %dma_wait3A_43 = tpu.memref_squeeze %dma_wait3A_42 : memref<1x64xf32, #tpu.memory_space<hbm>> -> memref<64xf32, #tpu.memory_space<hbm>>
      tpu.wait_dma2 semaphore(%arg7 : memref<!tpu.dma_semaphore, #tpu.memory_space<semaphore_mem>>) src(%dma_wait3A_43 : memref<64xf32, #tpu.memory_space<hbm>>) dst(%dma_wait3A_40 : memref<64xf32, #tpu.memory_space<vmem>>)
      %dma_wait3A_44 = arith.constant 0 : i32
      %dma_wait3A_45 = arith.constant 64 : i32
      %dma_wait3A_46 = tpu.memref_slice %arg5[%scan3A_31, %dma_wait3A_45] : memref<512x128xf32, #tpu.memory_space<vmem>> -> memref<1x64xf32, #tpu.memory_space<vmem>>
      %dma_wait3A_47 = tpu.memref_squeeze %dma_wait3A_46 : memref<1x64xf32, #tpu.memory_space<vmem>> -> memref<64xf32, #tpu.memory_space<vmem>>
      %dma_wait3A_48 = arith.constant 0 : i32
      %dma_wait3A_49 = tpu.memref_slice %arg3[%dma_wait3A_44, %dma_wait3A_48] : memref<16384x64xf32, #tpu.memory_space<hbm>> -> memref<1x64xf32, #tpu.memory_space<hbm>>
      %dma_wait3A_50 = tpu.memref_squeeze %dma_wait3A_49 : memref<1x64xf32, #tpu.memory_space<hbm>> -> memref<64xf32, #tpu.memory_space<hbm>>
      %dma_wait3A_51 = arith.constant 64 : i32
      %dma_wait3A_52 = tpu.memref_slice %arg5[%scan3A_31, %dma_wait3A_51] : memref<512x128xf32, #tpu.memory_space<vmem>> -> memref<1x64xf32, #tpu.memory_space<vmem>>
      %dma_wait3A_53 = tpu.memref_squeeze %dma_wait3A_52 : memref<1x64xf32, #tpu.memory_space<vmem>> -> memref<64xf32, #tpu.memory_space<vmem>>
      %dma_wait3A_54 = arith.constant 0 : i32
      %dma_wait3A_55 = tpu.memref_slice %arg3[%dma_wait3A_44, %dma_wait3A_54] : memref<16384x64xf32, #tpu.memory_space<hbm>> -> memref<1x64xf32, #tpu.memory_space<hbm>>
      %dma_wait3A_56 = tpu.memref_squeeze %dma_wait3A_55 : memref<1x64xf32, #tpu.memory_space<hbm>> -> memref<64xf32, #tpu.memory_space<hbm>>
      tpu.wait_dma2 semaphore(%arg7 : memref<!tpu.dma_semaphore, #tpu.memory_space<semaphore_mem>>) src(%dma_wait3A_56 : memref<64xf32, #tpu.memory_space<hbm>>) dst(%dma_wait3A_53 : memref<64xf32, #tpu.memory_space<vmem>>)
    }
    %scan3A_24 = arith.constant 512 : i32
    %scan3A_25 = arith.constant 0 : i32
    %scan3A_26 = arith.constant 0 : i32
    %scan3A_27 = arith.constant 32 : i32
    %scan3A_28 = arith.addi %scan3A_26, %scan3A_27 : i32
    %scan3A_29 = arith.constant 1 : i32
    scf.for %scan3A_31 = %scan3A_26 to %scan3A_28 step %scan3A_29  : i32 {
      %broadcast_in_dim3A = arith.constant 0.000000e+00 : f32
      %broadcast_in_dim3A_32 = vector.broadcast %broadcast_in_dim3A : f32 to vector<16xf32>
      %mul3A_33 = arith.constant 16 : i32
      %mul3A_34 = arith.muli %scan3A_31, %mul3A_33 : i32
      %add3A_35 = arith.constant 0 : i32
      %add3A_36 = arith.addi %mul3A_34, %add3A_35 : i32
      %get3A = arith.index_cast %add3A_36 : i32 to index
      %get3A_37 = arith.constant 0 : index
      %get3A_38 = tpu.vector_load %arg5[%get3A, %get3A_37] {strides = array<i32>} : memref<512x128xf32, #tpu.memory_space<vmem>>, vector<16xf32>,
      %get3A_39 = arith.index_cast %add3A_36 : i32 to index
      %get3A_40 = arith.constant 64 : index
      %get3A_41 = tpu.vector_load %arg5[%get3A_39, %get3A_40] {strides = array<i32>} : memref<512x128xf32, #tpu.memory_space<vmem>>, vector<16xf32>,
      %mul3A_42 = arith.mulf %get3A_38, %get3A_41 : vector<16xf32>
      %get3A_43 = arith.index_cast %add3A_36 : i32 to index
      %get3A_44 = arith.constant 16 : index
      %get3A_45 = tpu.vector_load %arg5[%get3A_43, %get3A_44] {strides = array<i32>} : memref<512x128xf32, #tpu.memory_space<vmem>>, vector<16xf32>,
      %get3A_46 = arith.index_cast %add3A_36 : i32 to index
      %get3A_47 = arith.constant 80 : index
      %get3A_48 = tpu.vector_load %arg5[%get3A_46, %get3A_47] {strides = array<i32>} : memref<512x128xf32, #tpu.memory_space<vmem>>, vector<16xf32>,
      %mul3A_49 = arith.mulf %get3A_45, %get3A_48 : vector<16xf32>
      %add3A_50 = arith.addf %mul3A_42, %mul3A_49 : vector<16xf32>
      %get3A_51 = arith.index_cast %add3A_36 : i32 to index
      %get3A_52 = arith.constant 32 : index
      %get3A_53 = tpu.vector_load %arg5[%get3A_51, %get3A_52] {strides = array<i32>} : memref<512x128xf32, #tpu.memory_space<vmem>>, vector<16xf32>,
      %get3A_54 = arith.index_cast %add3A_36 : i32 to index
      %get3A_55 = arith.constant 96 : index
      %get3A_56 = tpu.vector_load %arg5[%get3A_54, %get3A_55] {strides = array<i32>} : memref<512x128xf32, #tpu.memory_space<vmem>>, vector<16xf32>,
      %mul3A_57 = arith.mulf %get3A_53, %get3A_56 : vector<16xf32>
      %add3A_58 = arith.addf %add3A_50, %mul3A_57 : vector<16xf32>
      %get3A_59 = arith.index_cast %add3A_36 : i32 to index
      %get3A_60 = arith.constant 48 : index
      %get3A_61 = tpu.vector_load %arg5[%get3A_59, %get3A_60] {strides = array<i32>} : memref<512x128xf32, #tpu.memory_space<vmem>>, vector<16xf32>,
      %get3A_62 = arith.index_cast %add3A_36 : i32 to index
      %get3A_63 = arith.constant 112 : index
      %get3A_64 = tpu.vector_load %arg5[%get3A_62, %get3A_63] {strides = array<i32>} : memref<512x128xf32, #tpu.memory_space<vmem>>, vector<16xf32>,
      %mul3A_65 = arith.mulf %get3A_61, %get3A_64 : vector<16xf32>
      %add3A_66 = arith.addf %add3A_58, %mul3A_65 : vector<16xf32>
      %broadcast_in_dim3A_67 = vector.shape_cast %xor3A_4 : vector<16xi32> to vector<16x1xi32>
      %gather3A = vector.shape_cast %broadcast_in_dim3A_67 : vector<16x1xi32> to vector<16xi32>
      %gather3A_68 = tpu.dynamic_gather %add3A_66[%gather3A] in [0] : vector<16xf32>, vector<16xi32> -> vector<16xf32>
      %add3A_69 = arith.addf %add3A_66, %gather3A_68 : vector<16xf32>
      %broadcast_in_dim3A_70 = vector.shape_cast %xor3A_7 : vector<16xi32> to vector<16x1xi32>
      %gather3A_71 = vector.shape_cast %broadcast_in_dim3A_70 : vector<16x1xi32> to vector<16xi32>
      %gather3A_72 = tpu.dynamic_gather %add3A_69[%gather3A_71] in [0] : vector<16xf32>, vector<16xi32> -> vector<16xf32>
      %add3A_73 = arith.addf %add3A_69, %gather3A_72 : vector<16xf32>
      %broadcast_in_dim3A_74 = vector.shape_cast %xor3A_10 : vector<16xi32> to vector<16x1xi32>
      %gather3A_75 = vector.shape_cast %broadcast_in_dim3A_74 : vector<16x1xi32> to vector<16xi32>
      %gather3A_76 = tpu.dynamic_gather %add3A_73[%gather3A_75] in [0] : vector<16xf32>, vector<16xi32> -> vector<16xf32>
      %add3A_77 = arith.addf %add3A_73, %gather3A_76 : vector<16xf32>
      %broadcast_in_dim3A_78 = vector.shape_cast %xor3A_13 : vector<16xi32> to vector<16x1xi32>
      %gather3A_79 = vector.shape_cast %broadcast_in_dim3A_78 : vector<16x1xi32> to vector<16xi32>
      %gather3A_80 = tpu.dynamic_gather %add3A_77[%gather3A_79] in [0] : vector<16xf32>, vector<16xi32> -> vector<16xf32>
      %add3A_81 = arith.addf %add3A_77, %gather3A_80 : vector<16xf32>
      %eq3A = arith.constant 0 : i32
      %eq3A_82 = vector.broadcast %eq3A : i32 to vector<16xi32>
      %eq3A_83 = arith.cmpi eq, %iota3A, %eq3A_82 : vector<16xi32>
      %select_n3A = arith.select %eq3A_83, %add3A_81, %broadcast_in_dim3A_32 : vector<16xi1>, vector<16xf32>
      %mul3A_84 = arith.constant 16 : i32
      %mul3A_85 = arith.muli %scan3A_31, %mul3A_84 : i32
      %add3A_86 = arith.constant 1 : i32
      %add3A_87 = arith.addi %mul3A_85, %add3A_86 : i32
      %get3A_88 = arith.index_cast %add3A_87 : i32 to index
      %get3A_89 = arith.constant 0 : index
      %get3A_90 = tpu.vector_load %arg5[%get3A_88, %get3A_89] {strides = array<i32>} : memref<512x128xf32, #tpu.memory_space<vmem>>, vector<16xf32>,
      %get3A_91 = arith.index_cast %add3A_87 : i32 to index
      %get3A_92 = arith.constant 64 : index
      %get3A_93 = tpu.vector_load %arg5[%get3A_91, %get3A_92] {strides = array<i32>} : memref<512x128xf32, #tpu.memory_space<vmem>>, vector<16xf32>,
      %mul3A_94 = arith.mulf %get3A_90, %get3A_93 : vector<16xf32>
      %get3A_95 = arith.index_cast %add3A_87 : i32 to index
      %get3A_96 = arith.constant 16 : index
      %get3A_97 = tpu.vector_load %arg5[%get3A_95, %get3A_96] {strides = array<i32>} : memref<512x128xf32, #tpu.memory_space<vmem>>, vector<16xf32>,
      %get3A_98 = arith.index_cast %add3A_87 : i32 to index
      %get3A_99 = arith.constant 80 : index
      %get3A_100 = tpu.vector_load %arg5[%get3A_98, %get3A_99] {strides = array<i32>} : memref<512x128xf32, #tpu.memory_space<vmem>>, vector<16xf32>,
      %mul3A_101 = arith.mulf %get3A_97, %get3A_100 : vector<16xf32>
      %add3A_102 = arith.addf %mul3A_94, %mul3A_101 : vector<16xf32>
      %get3A_103 = arith.index_cast %add3A_87 : i32 to index
      %get3A_104 = arith.constant 32 : index
      %get3A_105 = tpu.vector_load %arg5[%get3A_103, %get3A_104] {strides = array<i32>} : memref<512x128xf32, #tpu.memory_space<vmem>>, vector<16xf32>,
      %get3A_106 = arith.index_cast %add3A_87 : i32 to index
      %get3A_107 = arith.constant 96 : index
      %get3A_108 = tpu.vector_load %arg5[%get3A_106, %get3A_107] {strides = array<i32>} : memref<512x128xf32, #tpu.memory_space<vmem>>, vector<16xf32>,
      %mul3A_109 = arith.mulf %get3A_105, %get3A_108 : vector<16xf32>
      %add3A_110 = arith.addf %add3A_102, %mul3A_109 : vector<16xf32>
      %get3A_111 = arith.index_cast %add3A_87 : i32 to index
      %get3A_112 = arith.constant 48 : index
      %get3A_113 = tpu.vector_load %arg5[%get3A_111, %get3A_112] {strides = array<i32>} : memref<512x128xf32, #tpu.memory_space<vmem>>, vector<16xf32>,
      %get3A_114 = arith.index_cast %add3A_87 : i32 to index
      %get3A_115 = arith.constant 112 : index
      %get3A_116 = tpu.vector_load %arg5[%get3A_114, %get3A_115] {strides = array<i32>} : memref<512x128xf32, #tpu.memory_space<vmem>>, vector<16xf32>,
      %mul3A_117 = arith.mulf %get3A_113, %get3A_116 : vector<16xf32>
      %add3A_118 = arith.addf %add3A_110, %mul3A_117 : vector<16xf32>
      %broadcast_in_dim3A_119 = vector.shape_cast %xor3A_4 : vector<16xi32> to vector<16x1xi32>
      %gather3A_120 = vector.shape_cast %broadcast_in_dim3A_119 : vector<16x1xi32> to vector<16xi32>
      %gather3A_121 = tpu.dynamic_gather %add3A_118[%gather3A_120] in [0] : vector<16xf32>, vector<16xi32> -> vector<16xf32>
      %add3A_122 = arith.addf %add3A_118, %gather3A_121 : vector<16xf32>
      %broadcast_in_dim3A_123 = vector.shape_cast %xor3A_7 : vector<16xi32> to vector<16x1xi32>
      %gather3A_124 = vector.shape_cast %broadcast_in_dim3A_123 : vector<16x1xi32> to vector<16xi32>
      %gather3A_125 = tpu.dynamic_gather %add3A_122[%gather3A_124] in [0] : vector<16xf32>, vector<16xi32> -> vector<16xf32>
      %add3A_126 = arith.addf %add3A_122, %gather3A_125 : vector<16xf32>
      %broadcast_in_dim3A_127 = vector.shape_cast %xor3A_10 : vector<16xi32> to vector<16x1xi32>
      %gather3A_128 = vector.shape_cast %broadcast_in_dim3A_127 : vector<16x1xi32> to vector<16xi32>
      %gather3A_129 = tpu.dynamic_gather %add3A_126[%gather3A_128] in [0] : vector<16xf32>, vector<16xi32> -> vector<16xf32>
      %add3A_130 = arith.addf %add3A_126, %gather3A_129 : vector<16xf32>
      %broadcast_in_dim3A_131 = vector.shape_cast %xor3A_13 : vector<16xi32> to vector<16x1xi32>
      %gather3A_132 = vector.shape_cast %broadcast_in_dim3A_131 : vector<16x1xi32> to vector<16xi32>
      %gather3A_133 = tpu.dynamic_gather %add3A_130[%gather3A_132] in [0] : vector<16xf32>, vector<16xi32> -> vector<16xf32>
      %add3A_134 = arith.addf %add3A_130, %gather3A_133 : vector<16xf32>
      %eq3A_135 = arith.constant 1 : i32
      %eq3A_136 = vector.broadcast %eq3A_135 : i32 to vector<16xi32>
      %eq3A_137 = arith.cmpi eq, %iota3A, %eq3A_136 : vector<16xi32>
      %select_n3A_138 = arith.select %eq3A_137, %add3A_134, %select_n3A : vector<16xi1>, vector<16xf32>
      %mul3A_139 = arith.constant 16 : i32
      %mul3A_140 = arith.muli %scan3A_31, %mul3A_139 : i32
      %add3A_141 = arith.constant 2 : i32
      %add3A_142 = arith.addi %mul3A_140, %add3A_141 : i32
      %get3A_143 = arith.index_cast %add3A_142 : i32 to index
      %get3A_144 = arith.constant 0 : index
      %get3A_145 = tpu.vector_load %arg5[%get3A_143, %get3A_144] {strides = array<i32>} : memref<512x128xf32, #tpu.memory_space<vmem>>, vector<16xf32>,
      %get3A_146 = arith.index_cast %add3A_142 : i32 to index
      %get3A_147 = arith.constant 64 : index
      %get3A_148 = tpu.vector_load %arg5[%get3A_146, %get3A_147] {strides = array<i32>} : memref<512x128xf32, #tpu.memory_space<vmem>>, vector<16xf32>,
      %mul3A_149 = arith.mulf %get3A_145, %get3A_148 : vector<16xf32>
      %get3A_150 = arith.index_cast %add3A_142 : i32 to index
      %get3A_151 = arith.constant 16 : index
      %get3A_152 = tpu.vector_load %arg5[%get3A_150, %get3A_151] {strides = array<i32>} : memref<512x128xf32, #tpu.memory_space<vmem>>, vector<16xf32>,
      %get3A_153 = arith.index_cast %add3A_142 : i32 to index
      %get3A_154 = arith.constant 80 : index
      %get3A_155 = tpu.vector_load %arg5[%get3A_153, %get3A_154] {strides = array<i32>} : memref<512x128xf32, #tpu.memory_space<vmem>>, vector<16xf32>,
      %mul3A_156 = arith.mulf %get3A_152, %get3A_155 : vector<16xf32>
      %add3A_157 = arith.addf %mul3A_149, %mul3A_156 : vector<16xf32>
      %get3A_158 = arith.index_cast %add3A_142 : i32 to index
      %get3A_159 = arith.constant 32 : index
      %get3A_160 = tpu.vector_load %arg5[%get3A_158, %get3A_159] {strides = array<i32>} : memref<512x128xf32, #tpu.memory_space<vmem>>, vector<16xf32>,
      %get3A_161 = arith.index_cast %add3A_142 : i32 to index
      %get3A_162 = arith.constant 96 : index
      %get3A_163 = tpu.vector_load %arg5[%get3A_161, %get3A_162] {strides = array<i32>} : memref<512x128xf32, #tpu.memory_space<vmem>>, vector<16xf32>,
      %mul3A_164 = arith.mulf %get3A_160, %get3A_163 : vector<16xf32>
      %add3A_165 = arith.addf %add3A_157, %mul3A_164 : vector<16xf32>
      %get3A_166 = arith.index_cast %add3A_142 : i32 to index
      %get3A_167 = arith.constant 48 : index
      %get3A_168 = tpu.vector_load %arg5[%get3A_166, %get3A_167] {strides = array<i32>} : memref<512x128xf32, #tpu.memory_space<vmem>>, vector<16xf32>,
      %get3A_169 = arith.index_cast %add3A_142 : i32 to index
      %get3A_170 = arith.constant 112 : index
      %get3A_171 = tpu.vector_load %arg5[%get3A_169, %get3A_170] {strides = array<i32>} : memref<512x128xf32, #tpu.memory_space<vmem>>, vector<16xf32>,
      %mul3A_172 = arith.mulf %get3A_168, %get3A_171 : vector<16xf32>
      %add3A_173 = arith.addf %add3A_165, %mul3A_172 : vector<16xf32>
      %broadcast_in_dim3A_174 = vector.shape_cast %xor3A_4 : vector<16xi32> to vector<16x1xi32>
      %gather3A_175 = vector.shape_cast %broadcast_in_dim3A_174 : vector<16x1xi32> to vector<16xi32>
      %gather3A_176 = tpu.dynamic_gather %add3A_173[%gather3A_175] in [0] : vector<16xf32>, vector<16xi32> -> vector<16xf32>
      %add3A_177 = arith.addf %add3A_173, %gather3A_176 : vector<16xf32>
      %broadcast_in_dim3A_178 = vector.shape_cast %xor3A_7 : vector<16xi32> to vector<16x1xi32>
      %gather3A_179 = vector.shape_cast %broadcast_in_dim3A_178 : vector<16x1xi32> to vector<16xi32>
      %gather3A_180 = tpu.dynamic_gather %add3A_177[%gather3A_179] in [0] : vector<16xf32>, vector<16xi32> -> vector<16xf32>
      %add3A_181 = arith.addf %add3A_177, %gather3A_180 : vector<16xf32>
      %broadcast_in_dim3A_182 = vector.shape_cast %xor3A_10 : vector<16xi32> to vector<16x1xi32>
      %gather3A_183 = vector.shape_cast %broadcast_in_dim3A_182 : vector<16x1xi32> to vector<16xi32>
      %gather3A_184 = tpu.dynamic_gather %add3A_181[%gather3A_183] in [0] : vector<16xf32>, vector<16xi32> -> vector<16xf32>
      %add3A_185 = arith.addf %add3A_181, %gather3A_184 : vector<16xf32>
      %broadcast_in_dim3A_186 = vector.shape_cast %xor3A_13 : vector<16xi32> to vector<16x1xi32>
      %gather3A_187 = vector.shape_cast %broadcast_in_dim3A_186 : vector<16x1xi32> to vector<16xi32>
      %gather3A_188 = tpu.dynamic_gather %add3A_185[%gather3A_187] in [0] : vector<16xf32>, vector<16xi32> -> vector<16xf32>
      %add3A_189 = arith.addf %add3A_185, %gather3A_188 : vector<16xf32>
      %eq3A_190 = arith.constant 2 : i32
      %eq3A_191 = vector.broadcast %eq3A_190 : i32 to vector<16xi32>
      %eq3A_192 = arith.cmpi eq, %iota3A, %eq3A_191 : vector<16xi32>
      %select_n3A_193 = arith.select %eq3A_192, %add3A_189, %select_n3A_138 : vector<16xi1>, vector<16xf32>
      %mul3A_194 = arith.constant 16 : i32
      %mul3A_195 = arith.muli %scan3A_31, %mul3A_194 : i32
      %add3A_196 = arith.constant 3 : i32
      %add3A_197 = arith.addi %mul3A_195, %add3A_196 : i32
      %get3A_198 = arith.index_cast %add3A_197 : i32 to index
      %get3A_199 = arith.constant 0 : index
      %get3A_200 = tpu.vector_load %arg5[%get3A_198, %get3A_199] {strides = array<i32>} : memref<512x128xf32, #tpu.memory_space<vmem>>, vector<16xf32>,
      %get3A_201 = arith.index_cast %add3A_197 : i32 to index
      %get3A_202 = arith.constant 64 : index
      %get3A_203 = tpu.vector_load %arg5[%get3A_201, %get3A_202] {strides = array<i32>} : memref<512x128xf32, #tpu.memory_space<vmem>>, vector<16xf32>,
      %mul3A_204 = arith.mulf %get3A_200, %get3A_203 : vector<16xf32>
      %get3A_205 = arith.index_cast %add3A_197 : i32 to index
      %get3A_206 = arith.constant 16 : index
      %get3A_207 = tpu.vector_load %arg5[%get3A_205, %get3A_206] {strides = array<i32>} : memref<512x128xf32, #tpu.memory_space<vmem>>, vector<16xf32>,
      %get3A_208 = arith.index_cast %add3A_197 : i32 to index
      %get3A_209 = arith.constant 80 : index
      %get3A_210 = tpu.vector_load %arg5[%get3A_208, %get3A_209] {strides = array<i32>} : memref<512x128xf32, #tpu.memory_space<vmem>>, vector<16xf32>,
      %mul3A_211 = arith.mulf %get3A_207, %get3A_210 : vector<16xf32>
      %add3A_212 = arith.addf %mul3A_204, %mul3A_211 : vector<16xf32>
      %get3A_213 = arith.index_cast %add3A_197 : i32 to index
      %get3A_214 = arith.constant 32 : index
      %get3A_215 = tpu.vector_load %arg5[%get3A_213, %get3A_214] {strides = array<i32>} : memref<512x128xf32, #tpu.memory_space<vmem>>, vector<16xf32>,
      %get3A_216 = arith.index_cast %add3A_197 : i32 to index
      %get3A_217 = arith.constant 96 : index
      %get3A_218 = tpu.vector_load %arg5[%get3A_216, %get3A_217] {strides = array<i32>} : memref<512x128xf32, #tpu.memory_space<vmem>>, vector<16xf32>,
      %mul3A_219 = arith.mulf %get3A_215, %get3A_218 : vector<16xf32>
      %add3A_220 = arith.addf %add3A_212, %mul3A_219 : vector<16xf32>
      %get3A_221 = arith.index_cast %add3A_197 : i32 to index
      %get3A_222 = arith.constant 48 : index
      %get3A_223 = tpu.vector_load %arg5[%get3A_221, %get3A_222] {strides = array<i32>} : memref<512x128xf32, #tpu.memory_space<vmem>>, vector<16xf32>,
      %get3A_224 = arith.index_cast %add3A_197 : i32 to index
      %get3A_225 = arith.constant 112 : index
      %get3A_226 = tpu.vector_load %arg5[%get3A_224, %get3A_225] {strides = array<i32>} : memref<512x128xf32, #tpu.memory_space<vmem>>, vector<16xf32>,
      %mul3A_227 = arith.mulf %get3A_223, %get3A_226 : vector<16xf32>
      %add3A_228 = arith.addf %add3A_220, %mul3A_227 : vector<16xf32>
      %broadcast_in_dim3A_229 = vector.shape_cast %xor3A_4 : vector<16xi32> to vector<16x1xi32>
      %gather3A_230 = vector.shape_cast %broadcast_in_dim3A_229 : vector<16x1xi32> to vector<16xi32>
      %gather3A_231 = tpu.dynamic_gather %add3A_228[%gather3A_230] in [0] : vector<16xf32>, vector<16xi32> -> vector<16xf32>
      %add3A_232 = arith.addf %add3A_228, %gather3A_231 : vector<16xf32>
      %broadcast_in_dim3A_233 = vector.shape_cast %xor3A_7 : vector<16xi32> to vector<16x1xi32>
      %gather3A_234 = vector.shape_cast %broadcast_in_dim3A_233 : vector<16x1xi32> to vector<16xi32>
      %gather3A_235 = tpu.dynamic_gather %add3A_232[%gather3A_234] in [0] : vector<16xf32>, vector<16xi32> -> vector<16xf32>
      %add3A_236 = arith.addf %add3A_232, %gather3A_235 : vector<16xf32>
      %broadcast_in_dim3A_237 = vector.shape_cast %xor3A_10 : vector<16xi32> to vector<16x1xi32>
      %gather3A_238 = vector.shape_cast %broadcast_in_dim3A_237 : vector<16x1xi32> to vector<16xi32>
      %gather3A_239 = tpu.dynamic_gather %add3A_236[%gather3A_238] in [0] : vector<16xf32>, vector<16xi32> -> vector<16xf32>
      %add3A_240 = arith.addf %add3A_236, %gather3A_239 : vector<16xf32>
      %broadcast_in_dim3A_241 = vector.shape_cast %xor3A_13 : vector<16xi32> to vector<16x1xi32>
      %gather3A_242 = vector.shape_cast %broadcast_in_dim3A_241 : vector<16x1xi32> to vector<16xi32>
      %gather3A_243 = tpu.dynamic_gather %add3A_240[%gather3A_242] in [0] : vector<16xf32>, vector<16xi32> -> vector<16xf32>
      %add3A_244 = arith.addf %add3A_240, %gather3A_243 : vector<16xf32>
      %eq3A_245 = arith.constant 3 : i32
      %eq3A_246 = vector.broadcast %eq3A_245 : i32 to vector<16xi32>
      %eq3A_247 = arith.cmpi eq, %iota3A, %eq3A_246 : vector<16xi32>
      %select_n3A_248 = arith.select %eq3A_247, %add3A_244, %select_n3A_193 : vector<16xi1>, vector<16xf32>
      %mul3A_249 = arith.constant 16 : i32
      %mul3A_250 = arith.muli %scan3A_31, %mul3A_249 : i32
      %add3A_251 = arith.constant 4 : i32
      %add3A_252 = arith.addi %mul3A_250, %add3A_251 : i32
      %get3A_253 = arith.index_cast %add3A_252 : i32 to index
      %get3A_254 = arith.constant 0 : index
      %get3A_255 = tpu.vector_load %arg5[%get3A_253, %get3A_254] {strides = array<i32>} : memref<512x128xf32, #tpu.memory_space<vmem>>, vector<16xf32>,
      %get3A_256 = arith.index_cast %add3A_252 : i32 to index
      %get3A_257 = arith.constant 64 : index
      %get3A_258 = tpu.vector_load %arg5[%get3A_256, %get3A_257] {strides = array<i32>} : memref<512x128xf32, #tpu.memory_space<vmem>>, vector<16xf32>,
      %mul3A_259 = arith.mulf %get3A_255, %get3A_258 : vector<16xf32>
      %get3A_260 = arith.index_cast %add3A_252 : i32 to index
      %get3A_261 = arith.constant 16 : index
      %get3A_262 = tpu.vector_load %arg5[%get3A_260, %get3A_261] {strides = array<i32>} : memref<512x128xf32, #tpu.memory_space<vmem>>, vector<16xf32>,
      %get3A_263 = arith.index_cast %add3A_252 : i32 to index
      %get3A_264 = arith.constant 80 : index
      %get3A_265 = tpu.vector_load %arg5[%get3A_263, %get3A_264] {strides = array<i32>} : memref<512x128xf32, #tpu.memory_space<vmem>>, vector<16xf32>,
      %mul3A_266 = arith.mulf %get3A_262, %get3A_265 : vector<16xf32>
      %add3A_267 = arith.addf %mul3A_259, %mul3A_266 : vector<16xf32>
      %get3A_268 = arith.index_cast %add3A_252 : i32 to index
      %get3A_269 = arith.constant 32 : index
      %get3A_270 = tpu.vector_load %arg5[%get3A_268, %get3A_269] {strides = array<i32>} : memref<512x128xf32, #tpu.memory_space<vmem>>, vector<16xf32>,
      %get3A_271 = arith.index_cast %add3A_252 : i32 to index
      %get3A_272 = arith.constant 96 : index
      %get3A_273 = tpu.vector_load %arg5[%get3A_271, %get3A_272] {strides = array<i32>} : memref<512x128xf32, #tpu.memory_space<vmem>>, vector<16xf32>,
      %mul3A_274 = arith.mulf %get3A_270, %get3A_273 : vector<16xf32>
      %add3A_275 = arith.addf %add3A_267, %mul3A_274 : vector<16xf32>
      %get3A_276 = arith.index_cast %add3A_252 : i32 to index
      %get3A_277 = arith.constant 48 : index
      %get3A_278 = tpu.vector_load %arg5[%get3A_276, %get3A_277] {strides = array<i32>} : memref<512x128xf32, #tpu.memory_space<vmem>>, vector<16xf32>,
      %get3A_279 = arith.index_cast %add3A_252 : i32 to index
      %get3A_280 = arith.constant 112 : index
      %get3A_281 = tpu.vector_load %arg5[%get3A_279, %get3A_280] {strides = array<i32>} : memref<512x128xf32, #tpu.memory_space<vmem>>, vector<16xf32>,
      %mul3A_282 = arith.mulf %get3A_278, %get3A_281 : vector<16xf32>
      %add3A_283 = arith.addf %add3A_275, %mul3A_282 : vector<16xf32>
      %broadcast_in_dim3A_284 = vector.shape_cast %xor3A_4 : vector<16xi32> to vector<16x1xi32>
      %gather3A_285 = vector.shape_cast %broadcast_in_dim3A_284 : vector<16x1xi32> to vector<16xi32>
      %gather3A_286 = tpu.dynamic_gather %add3A_283[%gather3A_285] in [0] : vector<16xf32>, vector<16xi32> -> vector<16xf32>
      %add3A_287 = arith.addf %add3A_283, %gather3A_286 : vector<16xf32>
      %broadcast_in_dim3A_288 = vector.shape_cast %xor3A_7 : vector<16xi32> to vector<16x1xi32>
      %gather3A_289 = vector.shape_cast %broadcast_in_dim3A_288 : vector<16x1xi32> to vector<16xi32>
      %gather3A_290 = tpu.dynamic_gather %add3A_287[%gather3A_289] in [0] : vector<16xf32>, vector<16xi32> -> vector<16xf32>
      %add3A_291 = arith.addf %add3A_287, %gather3A_290 : vector<16xf32>
      %broadcast_in_dim3A_292 = vector.shape_cast %xor3A_10 : vector<16xi32> to vector<16x1xi32>
      %gather3A_293 = vector.shape_cast %broadcast_in_dim3A_292 : vector<16x1xi32> to vector<16xi32>
      %gather3A_294 = tpu.dynamic_gather %add3A_291[%gather3A_293] in [0] : vector<16xf32>, vector<16xi32> -> vector<16xf32>
      %add3A_295 = arith.addf %add3A_291, %gather3A_294 : vector<16xf32>
      %broadcast_in_dim3A_296 = vector.shape_cast %xor3A_13 : vector<16xi32> to vector<16x1xi32>
      %gather3A_297 = vector.shape_cast %broadcast_in_dim3A_296 : vector<16x1xi32> to vector<16xi32>
      %gather3A_298 = tpu.dynamic_gather %add3A_295[%gather3A_297] in [0] : vector<16xf32>, vector<16xi32> -> vector<16xf32>
      %add3A_299 = arith.addf %add3A_295, %gather3A_298 : vector<16xf32>
      %eq3A_300 = arith.constant 4 : i32
      %eq3A_301 = vector.broadcast %eq3A_300 : i32 to vector<16xi32>
      %eq3A_302 = arith.cmpi eq, %iota3A, %eq3A_301 : vector<16xi32>
      %select_n3A_303 = arith.select %eq3A_302, %add3A_299, %select_n3A_248 : vector<16xi1>, vector<16xf32>
      %mul3A_304 = arith.constant 16 : i32
      %mul3A_305 = arith.muli %scan3A_31, %mul3A_304 : i32
      %add3A_306 = arith.constant 5 : i32
      %add3A_307 = arith.addi %mul3A_305, %add3A_306 : i32
      %get3A_308 = arith.index_cast %add3A_307 : i32 to index
      %get3A_309 = arith.constant 0 : index
      %get3A_310 = tpu.vector_load %arg5[%get3A_308, %get3A_309] {strides = array<i32>} : memref<512x128xf32, #tpu.memory_space<vmem>>, vector<16xf32>,
      %get3A_311 = arith.index_cast %add3A_307 : i32 to index
      %get3A_312 = arith.constant 64 : index
      %get3A_313 = tpu.vector_load %arg5[%get3A_311, %get3A_312] {strides = array<i32>} : memref<512x128xf32, #tpu.memory_space<vmem>>, vector<16xf32>,
      %mul3A_314 = arith.mulf %get3A_310, %get3A_313 : vector<16xf32>
      %get3A_315 = arith.index_cast %add3A_307 : i32 to index
      %get3A_316 = arith.constant 16 : index
      %get3A_317 = tpu.vector_load %arg5[%get3A_315, %get3A_316] {strides = array<i32>} : memref<512x128xf32, #tpu.memory_space<vmem>>, vector<16xf32>,
      %get3A_318 = arith.index_cast %add3A_307 : i32 to index
      %get3A_319 = arith.constant 80 : index
      %get3A_320 = tpu.vector_load %arg5[%get3A_318, %get3A_319] {strides = array<i32>} : memref<512x128xf32, #tpu.memory_space<vmem>>, vector<16xf32>,
      %mul3A_321 = arith.mulf %get3A_317, %get3A_320 : vector<16xf32>
      %add3A_322 = arith.addf %mul3A_314, %mul3A_321 : vector<16xf32>
      %get3A_323 = arith.index_cast %add3A_307 : i32 to index
      %get3A_324 = arith.constant 32 : index
      %get3A_325 = tpu.vector_load %arg5[%get3A_323, %get3A_324] {strides = array<i32>} : memref<512x128xf32, #tpu.memory_space<vmem>>, vector<16xf32>,
      %get3A_326 = arith.index_cast %add3A_307 : i32 to index
      %get3A_327 = arith.constant 96 : index
      %get3A_328 = tpu.vector_load %arg5[%get3A_326, %get3A_327] {strides = array<i32>} : memref<512x128xf32, #tpu.memory_space<vmem>>, vector<16xf32>,
      %mul3A_329 = arith.mulf %get3A_325, %get3A_328 : vector<16xf32>
      %add3A_330 = arith.addf %add3A_322, %mul3A_329 : vector<16xf32>
      %get3A_331 = arith.index_cast %add3A_307 : i32 to index
      %get3A_332 = arith.constant 48 : index
      %get3A_333 = tpu.vector_load %arg5[%get3A_331, %get3A_332] {strides = array<i32>} : memref<512x128xf32, #tpu.memory_space<vmem>>, vector<16xf32>,
      %get3A_334 = arith.index_cast %add3A_307 : i32 to index
      %get3A_335 = arith.constant 112 : index
      %get3A_336 = tpu.vector_load %arg5[%get3A_334, %get3A_335] {strides = array<i32>} : memref<512x128xf32, #tpu.memory_space<vmem>>, vector<16xf32>,
      %mul3A_337 = arith.mulf %get3A_333, %get3A_336 : vector<16xf32>
      %add3A_338 = arith.addf %add3A_330, %mul3A_337 : vector<16xf32>
      %broadcast_in_dim3A_339 = vector.shape_cast %xor3A_4 : vector<16xi32> to vector<16x1xi32>
      %gather3A_340 = vector.shape_cast %broadcast_in_dim3A_339 : vector<16x1xi32> to vector<16xi32>
      %gather3A_341 = tpu.dynamic_gather %add3A_338[%gather3A_340] in [0] : vector<16xf32>, vector<16xi32> -> vector<16xf32>
      %add3A_342 = arith.addf %add3A_338, %gather3A_341 : vector<16xf32>
      %broadcast_in_dim3A_343 = vector.shape_cast %xor3A_7 : vector<16xi32> to vector<16x1xi32>
      %gather3A_344 = vector.shape_cast %broadcast_in_dim3A_343 : vector<16x1xi32> to vector<16xi32>
      %gather3A_345 = tpu.dynamic_gather %add3A_342[%gather3A_344] in [0] : vector<16xf32>, vector<16xi32> -> vector<16xf32>
      %add3A_346 = arith.addf %add3A_342, %gather3A_345 : vector<16xf32>
      %broadcast_in_dim3A_347 = vector.shape_cast %xor3A_10 : vector<16xi32> to vector<16x1xi32>
      %gather3A_348 = vector.shape_cast %broadcast_in_dim3A_347 : vector<16x1xi32> to vector<16xi32>
      %gather3A_349 = tpu.dynamic_gather %add3A_346[%gather3A_348] in [0] : vector<16xf32>, vector<16xi32> -> vector<16xf32>
      %add3A_350 = arith.addf %add3A_346, %gather3A_349 : vector<16xf32>
      %broadcast_in_dim3A_351 = vector.shape_cast %xor3A_13 : vector<16xi32> to vector<16x1xi32>
      %gather3A_352 = vector.shape_cast %broadcast_in_dim3A_351 : vector<16x1xi32> to vector<16xi32>
      %gather3A_353 = tpu.dynamic_gather %add3A_350[%gather3A_352] in [0] : vector<16xf32>, vector<16xi32> -> vector<16xf32>
      %add3A_354 = arith.addf %add3A_350, %gather3A_353 : vector<16xf32>
      %eq3A_355 = arith.constant 5 : i32
      %eq3A_356 = vector.broadcast %eq3A_355 : i32 to vector<16xi32>
      %eq3A_357 = arith.cmpi eq, %iota3A, %eq3A_356 : vector<16xi32>
      %select_n3A_358 = arith.select %eq3A_357, %add3A_354, %select_n3A_303 : vector<16xi1>, vector<16xf32>
      %mul3A_359 = arith.constant 16 : i32
      %mul3A_360 = arith.muli %scan3A_31, %mul3A_359 : i32
      %add3A_361 = arith.constant 6 : i32
      %add3A_362 = arith.addi %mul3A_360, %add3A_361 : i32
      %get3A_363 = arith.index_cast %add3A_362 : i32 to index
      %get3A_364 = arith.constant 0 : index
      %get3A_365 = tpu.vector_load %arg5[%get3A_363, %get3A_364] {strides = array<i32>} : memref<512x128xf32, #tpu.memory_space<vmem>>, vector<16xf32>,
      %get3A_366 = arith.index_cast %add3A_362 : i32 to index
      %get3A_367 = arith.constant 64 : index
      %get3A_368 = tpu.vector_load %arg5[%get3A_366, %get3A_367] {strides = array<i32>} : memref<512x128xf32, #tpu.memory_space<vmem>>, vector<16xf32>,
      %mul3A_369 = arith.mulf %get3A_365, %get3A_368 : vector<16xf32>
      %get3A_370 = arith.index_cast %add3A_362 : i32 to index
      %get3A_371 = arith.constant 16 : index
      %get3A_372 = tpu.vector_load %arg5[%get3A_370, %get3A_371] {strides = array<i32>} : memref<512x128xf32, #tpu.memory_space<vmem>>, vector<16xf32>,
      %get3A_373 = arith.index_cast %add3A_362 : i32 to index
      %get3A_374 = arith.constant 80 : index
      %get3A_375 = tpu.vector_load %arg5[%get3A_373, %get3A_374] {strides = array<i32>} : memref<512x128xf32, #tpu.memory_space<vmem>>, vector<16xf32>,
      %mul3A_376 = arith.mulf %get3A_372, %get3A_375 : vector<16xf32>
      %add3A_377 = arith.addf %mul3A_369, %mul3A_376 : vector<16xf32>
      %get3A_378 = arith.index_cast %add3A_362 : i32 to index
      %get3A_379 = arith.constant 32 : index
      %get3A_380 = tpu.vector_load %arg5[%get3A_378, %get3A_379] {strides = array<i32>} : memref<512x128xf32, #tpu.memory_space<vmem>>, vector<16xf32>,
      %get3A_381 = arith.index_cast %add3A_362 : i32 to index
      %get3A_382 = arith.constant 96 : index
      %get3A_383 = tpu.vector_load %arg5[%get3A_381, %get3A_382] {strides = array<i32>} : memref<512x128xf32, #tpu.memory_space<vmem>>, vector<16xf32>,
      %mul3A_384 = arith.mulf %get3A_380, %get3A_383 : vector<16xf32>
      %add3A_385 = arith.addf %add3A_377, %mul3A_384 : vector<16xf32>
      %get3A_386 = arith.index_cast %add3A_362 : i32 to index
      %get3A_387 = arith.constant 48 : index
      %get3A_388 = tpu.vector_load %arg5[%get3A_386, %get3A_387] {strides = array<i32>} : memref<512x128xf32, #tpu.memory_space<vmem>>, vector<16xf32>,
      %get3A_389 = arith.index_cast %add3A_362 : i32 to index
      %get3A_390 = arith.constant 112 : index
      %get3A_391 = tpu.vector_load %arg5[%get3A_389, %get3A_390] {strides = array<i32>} : memref<512x128xf32, #tpu.memory_space<vmem>>, vector<16xf32>,
      %mul3A_392 = arith.mulf %get3A_388, %get3A_391 : vector<16xf32>
      %add3A_393 = arith.addf %add3A_385, %mul3A_392 : vector<16xf32>
      %broadcast_in_dim3A_394 = vector.shape_cast %xor3A_4 : vector<16xi32> to vector<16x1xi32>
      %gather3A_395 = vector.shape_cast %broadcast_in_dim3A_394 : vector<16x1xi32> to vector<16xi32>
      %gather3A_396 = tpu.dynamic_gather %add3A_393[%gather3A_395] in [0] : vector<16xf32>, vector<16xi32> -> vector<16xf32>
      %add3A_397 = arith.addf %add3A_393, %gather3A_396 : vector<16xf32>
      %broadcast_in_dim3A_398 = vector.shape_cast %xor3A_7 : vector<16xi32> to vector<16x1xi32>
      %gather3A_399 = vector.shape_cast %broadcast_in_dim3A_398 : vector<16x1xi32> to vector<16xi32>
      %gather3A_400 = tpu.dynamic_gather %add3A_397[%gather3A_399] in [0] : vector<16xf32>, vector<16xi32> -> vector<16xf32>
      %add3A_401 = arith.addf %add3A_397, %gather3A_400 : vector<16xf32>
      %broadcast_in_dim3A_402 = vector.shape_cast %xor3A_10 : vector<16xi32> to vector<16x1xi32>
      %gather3A_403 = vector.shape_cast %broadcast_in_dim3A_402 : vector<16x1xi32> to vector<16xi32>
      %gather3A_404 = tpu.dynamic_gather %add3A_401[%gather3A_403] in [0] : vector<16xf32>, vector<16xi32> -> vector<16xf32>
      %add3A_405 = arith.addf %add3A_401, %gather3A_404 : vector<16xf32>
      %broadcast_in_dim3A_406 = vector.shape_cast %xor3A_13 : vector<16xi32> to vector<16x1xi32>
      %gather3A_407 = vector.shape_cast %broadcast_in_dim3A_406 : vector<16x1xi32> to vector<16xi32>
      %gather3A_408 = tpu.dynamic_gather %add3A_405[%gather3A_407] in [0] : vector<16xf32>, vector<16xi32> -> vector<16xf32>
      %add3A_409 = arith.addf %add3A_405, %gather3A_408 : vector<16xf32>
      %eq3A_410 = arith.constant 6 : i32
      %eq3A_411 = vector.broadcast %eq3A_410 : i32 to vector<16xi32>
      %eq3A_412 = arith.cmpi eq, %iota3A, %eq3A_411 : vector<16xi32>
      %select_n3A_413 = arith.select %eq3A_412, %add3A_409, %select_n3A_358 : vector<16xi1>, vector<16xf32>
      %mul3A_414 = arith.constant 16 : i32
      %mul3A_415 = arith.muli %scan3A_31, %mul3A_414 : i32
      %add3A_416 = arith.constant 7 : i32
      %add3A_417 = arith.addi %mul3A_415, %add3A_416 : i32
      %get3A_418 = arith.index_cast %add3A_417 : i32 to index
      %get3A_419 = arith.constant 0 : index
      %get3A_420 = tpu.vector_load %arg5[%get3A_418, %get3A_419] {strides = array<i32>} : memref<512x128xf32, #tpu.memory_space<vmem>>, vector<16xf32>,
      %get3A_421 = arith.index_cast %add3A_417 : i32 to index
      %get3A_422 = arith.constant 64 : index
      %get3A_423 = tpu.vector_load %arg5[%get3A_421, %get3A_422] {strides = array<i32>} : memref<512x128xf32, #tpu.memory_space<vmem>>, vector<16xf32>,
      %mul3A_424 = arith.mulf %get3A_420, %get3A_423 : vector<16xf32>
      %get3A_425 = arith.index_cast %add3A_417 : i32 to index
      %get3A_426 = arith.constant 16 : index
      %get3A_427 = tpu.vector_load %arg5[%get3A_425, %get3A_426] {strides = array<i32>} : memref<512x128xf32, #tpu.memory_space<vmem>>, vector<16xf32>,
      %get3A_428 = arith.index_cast %add3A_417 : i32 to index
      %get3A_429 = arith.constant 80 : index
      %get3A_430 = tpu.vector_load %arg5[%get3A_428, %get3A_429] {strides = array<i32>} : memref<512x128xf32, #tpu.memory_space<vmem>>, vector<16xf32>,
      %mul3A_431 = arith.mulf %get3A_427, %get3A_430 : vector<16xf32>
      %add3A_432 = arith.addf %mul3A_424, %mul3A_431 : vector<16xf32>
      %get3A_433 = arith.index_cast %add3A_417 : i32 to index
      %get3A_434 = arith.constant 32 : index
      %get3A_435 = tpu.vector_load %arg5[%get3A_433, %get3A_434] {strides = array<i32>} : memref<512x128xf32, #tpu.memory_space<vmem>>, vector<16xf32>,
      %get3A_436 = arith.index_cast %add3A_417 : i32 to index
      %get3A_437 = arith.constant 96 : index
      %get3A_438 = tpu.vector_load %arg5[%get3A_436, %get3A_437] {strides = array<i32>} : memref<512x128xf32, #tpu.memory_space<vmem>>, vector<16xf32>,
      %mul3A_439 = arith.mulf %get3A_435, %get3A_438 : vector<16xf32>
      %add3A_440 = arith.addf %add3A_432, %mul3A_439 : vector<16xf32>
      %get3A_441 = arith.index_cast %add3A_417 : i32 to index
      %get3A_442 = arith.constant 48 : index
      %get3A_443 = tpu.vector_load %arg5[%get3A_441, %get3A_442] {strides = array<i32>} : memref<512x128xf32, #tpu.memory_space<vmem>>, vector<16xf32>,
      %get3A_444 = arith.index_cast %add3A_417 : i32 to index
      %get3A_445 = arith.constant 112 : index
      %get3A_446 = tpu.vector_load %arg5[%get3A_444, %get3A_445] {strides = array<i32>} : memref<512x128xf32, #tpu.memory_space<vmem>>, vector<16xf32>,
      %mul3A_447 = arith.mulf %get3A_443, %get3A_446 : vector<16xf32>
      %add3A_448 = arith.addf %add3A_440, %mul3A_447 : vector<16xf32>
      %broadcast_in_dim3A_449 = vector.shape_cast %xor3A_4 : vector<16xi32> to vector<16x1xi32>
      %gather3A_450 = vector.shape_cast %broadcast_in_dim3A_449 : vector<16x1xi32> to vector<16xi32>
      %gather3A_451 = tpu.dynamic_gather %add3A_448[%gather3A_450] in [0] : vector<16xf32>, vector<16xi32> -> vector<16xf32>
      %add3A_452 = arith.addf %add3A_448, %gather3A_451 : vector<16xf32>
      %broadcast_in_dim3A_453 = vector.shape_cast %xor3A_7 : vector<16xi32> to vector<16x1xi32>
      %gather3A_454 = vector.shape_cast %broadcast_in_dim3A_453 : vector<16x1xi32> to vector<16xi32>
      %gather3A_455 = tpu.dynamic_gather %add3A_452[%gather3A_454] in [0] : vector<16xf32>, vector<16xi32> -> vector<16xf32>
      %add3A_456 = arith.addf %add3A_452, %gather3A_455 : vector<16xf32>
      %broadcast_in_dim3A_457 = vector.shape_cast %xor3A_10 : vector<16xi32> to vector<16x1xi32>
      %gather3A_458 = vector.shape_cast %broadcast_in_dim3A_457 : vector<16x1xi32> to vector<16xi32>
      %gather3A_459 = tpu.dynamic_gather %add3A_456[%gather3A_458] in [0] : vector<16xf32>, vector<16xi32> -> vector<16xf32>
      %add3A_460 = arith.addf %add3A_456, %gather3A_459 : vector<16xf32>
      %broadcast_in_dim3A_461 = vector.shape_cast %xor3A_13 : vector<16xi32> to vector<16x1xi32>
      %gather3A_462 = vector.shape_cast %broadcast_in_dim3A_461 : vector<16x1xi32> to vector<16xi32>
      %gather3A_463 = tpu.dynamic_gather %add3A_460[%gather3A_462] in [0] : vector<16xf32>, vector<16xi32> -> vector<16xf32>
      %add3A_464 = arith.addf %add3A_460, %gather3A_463 : vector<16xf32>
      %eq3A_465 = arith.constant 7 : i32
      %eq3A_466 = vector.broadcast %eq3A_465 : i32 to vector<16xi32>
      %eq3A_467 = arith.cmpi eq, %iota3A, %eq3A_466 : vector<16xi32>
      %select_n3A_468 = arith.select %eq3A_467, %add3A_464, %select_n3A_413 : vector<16xi1>, vector<16xf32>
      %mul3A_469 = arith.constant 16 : i32
      %mul3A_470 = arith.muli %scan3A_31, %mul3A_469 : i32
      %add3A_471 = arith.constant 8 : i32
      %add3A_472 = arith.addi %mul3A_470, %add3A_471 : i32
      %get3A_473 = arith.index_cast %add3A_472 : i32 to index
      %get3A_474 = arith.constant 0 : index
      %get3A_475 = tpu.vector_load %arg5[%get3A_473, %get3A_474] {strides = array<i32>} : memref<512x128xf32, #tpu.memory_space<vmem>>, vector<16xf32>,
      %get3A_476 = arith.index_cast %add3A_472 : i32 to index
      %get3A_477 = arith.constant 64 : index
      %get3A_478 = tpu.vector_load %arg5[%get3A_476, %get3A_477] {strides = array<i32>} : memref<512x128xf32, #tpu.memory_space<vmem>>, vector<16xf32>,
      %mul3A_479 = arith.mulf %get3A_475, %get3A_478 : vector<16xf32>
      %get3A_480 = arith.index_cast %add3A_472 : i32 to index
      %get3A_481 = arith.constant 16 : index
      %get3A_482 = tpu.vector_load %arg5[%get3A_480, %get3A_481] {strides = array<i32>} : memref<512x128xf32, #tpu.memory_space<vmem>>, vector<16xf32>,
      %get3A_483 = arith.index_cast %add3A_472 : i32 to index
      %get3A_484 = arith.constant 80 : index
      %get3A_485 = tpu.vector_load %arg5[%get3A_483, %get3A_484] {strides = array<i32>} : memref<512x128xf32, #tpu.memory_space<vmem>>, vector<16xf32>,
      %mul3A_486 = arith.mulf %get3A_482, %get3A_485 : vector<16xf32>
      %add3A_487 = arith.addf %mul3A_479, %mul3A_486 : vector<16xf32>
      %get3A_488 = arith.index_cast %add3A_472 : i32 to index
      %get3A_489 = arith.constant 32 : index
      %get3A_490 = tpu.vector_load %arg5[%get3A_488, %get3A_489] {strides = array<i32>} : memref<512x128xf32, #tpu.memory_space<vmem>>, vector<16xf32>,
      %get3A_491 = arith.index_cast %add3A_472 : i32 to index
      %get3A_492 = arith.constant 96 : index
      %get3A_493 = tpu.vector_load %arg5[%get3A_491, %get3A_492] {strides = array<i32>} : memref<512x128xf32, #tpu.memory_space<vmem>>, vector<16xf32>,
      %mul3A_494 = arith.mulf %get3A_490, %get3A_493 : vector<16xf32>
      %add3A_495 = arith.addf %add3A_487, %mul3A_494 : vector<16xf32>
      %get3A_496 = arith.index_cast %add3A_472 : i32 to index
      %get3A_497 = arith.constant 48 : index
      %get3A_498 = tpu.vector_load %arg5[%get3A_496, %get3A_497] {strides = array<i32>} : memref<512x128xf32, #tpu.memory_space<vmem>>, vector<16xf32>,
      %get3A_499 = arith.index_cast %add3A_472 : i32 to index
      %get3A_500 = arith.constant 112 : index
      %get3A_501 = tpu.vector_load %arg5[%get3A_499, %get3A_500] {strides = array<i32>} : memref<512x128xf32, #tpu.memory_space<vmem>>, vector<16xf32>,
      %mul3A_502 = arith.mulf %get3A_498, %get3A_501 : vector<16xf32>
      %add3A_503 = arith.addf %add3A_495, %mul3A_502 : vector<16xf32>
      %broadcast_in_dim3A_504 = vector.shape_cast %xor3A_4 : vector<16xi32> to vector<16x1xi32>
      %gather3A_505 = vector.shape_cast %broadcast_in_dim3A_504 : vector<16x1xi32> to vector<16xi32>
      %gather3A_506 = tpu.dynamic_gather %add3A_503[%gather3A_505] in [0] : vector<16xf32>, vector<16xi32> -> vector<16xf32>
      %add3A_507 = arith.addf %add3A_503, %gather3A_506 : vector<16xf32>
      %broadcast_in_dim3A_508 = vector.shape_cast %xor3A_7 : vector<16xi32> to vector<16x1xi32>
      %gather3A_509 = vector.shape_cast %broadcast_in_dim3A_508 : vector<16x1xi32> to vector<16xi32>
      %gather3A_510 = tpu.dynamic_gather %add3A_507[%gather3A_509] in [0] : vector<16xf32>, vector<16xi32> -> vector<16xf32>
      %add3A_511 = arith.addf %add3A_507, %gather3A_510 : vector<16xf32>
      %broadcast_in_dim3A_512 = vector.shape_cast %xor3A_10 : vector<16xi32> to vector<16x1xi32>
      %gather3A_513 = vector.shape_cast %broadcast_in_dim3A_512 : vector<16x1xi32> to vector<16xi32>
      %gather3A_514 = tpu.dynamic_gather %add3A_511[%gather3A_513] in [0] : vector<16xf32>, vector<16xi32> -> vector<16xf32>
      %add3A_515 = arith.addf %add3A_511, %gather3A_514 : vector<16xf32>
      %broadcast_in_dim3A_516 = vector.shape_cast %xor3A_13 : vector<16xi32> to vector<16x1xi32>
      %gather3A_517 = vector.shape_cast %broadcast_in_dim3A_516 : vector<16x1xi32> to vector<16xi32>
      %gather3A_518 = tpu.dynamic_gather %add3A_515[%gather3A_517] in [0] : vector<16xf32>, vector<16xi32> -> vector<16xf32>
      %add3A_519 = arith.addf %add3A_515, %gather3A_518 : vector<16xf32>
      %eq3A_520 = arith.constant 8 : i32
      %eq3A_521 = vector.broadcast %eq3A_520 : i32 to vector<16xi32>
      %eq3A_522 = arith.cmpi eq, %iota3A, %eq3A_521 : vector<16xi32>
      %select_n3A_523 = arith.select %eq3A_522, %add3A_519, %select_n3A_468 : vector<16xi1>, vector<16xf32>
      %mul3A_524 = arith.constant 16 : i32
      %mul3A_525 = arith.muli %scan3A_31, %mul3A_524 : i32
      %add3A_526 = arith.constant 9 : i32
      %add3A_527 = arith.addi %mul3A_525, %add3A_526 : i32
      %get3A_528 = arith.index_cast %add3A_527 : i32 to index
      %get3A_529 = arith.constant 0 : index
      %get3A_530 = tpu.vector_load %arg5[%get3A_528, %get3A_529] {strides = array<i32>} : memref<512x128xf32, #tpu.memory_space<vmem>>, vector<16xf32>,
      %get3A_531 = arith.index_cast %add3A_527 : i32 to index
      %get3A_532 = arith.constant 64 : index
      %get3A_533 = tpu.vector_load %arg5[%get3A_531, %get3A_532] {strides = array<i32>} : memref<512x128xf32, #tpu.memory_space<vmem>>, vector<16xf32>,
      %mul3A_534 = arith.mulf %get3A_530, %get3A_533 : vector<16xf32>
      %get3A_535 = arith.index_cast %add3A_527 : i32 to index
      %get3A_536 = arith.constant 16 : index
      %get3A_537 = tpu.vector_load %arg5[%get3A_535, %get3A_536] {strides = array<i32>} : memref<512x128xf32, #tpu.memory_space<vmem>>, vector<16xf32>,
      %get3A_538 = arith.index_cast %add3A_527 : i32 to index
      %get3A_539 = arith.constant 80 : index
      %get3A_540 = tpu.vector_load %arg5[%get3A_538, %get3A_539] {strides = array<i32>} : memref<512x128xf32, #tpu.memory_space<vmem>>, vector<16xf32>,
      %mul3A_541 = arith.mulf %get3A_537, %get3A_540 : vector<16xf32>
      %add3A_542 = arith.addf %mul3A_534, %mul3A_541 : vector<16xf32>
      %get3A_543 = arith.index_cast %add3A_527 : i32 to index
      %get3A_544 = arith.constant 32 : index
      %get3A_545 = tpu.vector_load %arg5[%get3A_543, %get3A_544] {strides = array<i32>} : memref<512x128xf32, #tpu.memory_space<vmem>>, vector<16xf32>,
      %get3A_546 = arith.index_cast %add3A_527 : i32 to index
      %get3A_547 = arith.constant 96 : index
      %get3A_548 = tpu.vector_load %arg5[%get3A_546, %get3A_547] {strides = array<i32>} : memref<512x128xf32, #tpu.memory_space<vmem>>, vector<16xf32>,
      %mul3A_549 = arith.mulf %get3A_545, %get3A_548 : vector<16xf32>
      %add3A_550 = arith.addf %add3A_542, %mul3A_549 : vector<16xf32>
      %get3A_551 = arith.index_cast %add3A_527 : i32 to index
      %get3A_552 = arith.constant 48 : index
      %get3A_553 = tpu.vector_load %arg5[%get3A_551, %get3A_552] {strides = array<i32>} : memref<512x128xf32, #tpu.memory_space<vmem>>, vector<16xf32>,
      %get3A_554 = arith.index_cast %add3A_527 : i32 to index
      %get3A_555 = arith.constant 112 : index
      %get3A_556 = tpu.vector_load %arg5[%get3A_554, %get3A_555] {strides = array<i32>} : memref<512x128xf32, #tpu.memory_space<vmem>>, vector<16xf32>,
      %mul3A_557 = arith.mulf %get3A_553, %get3A_556 : vector<16xf32>
      %add3A_558 = arith.addf %add3A_550, %mul3A_557 : vector<16xf32>
      %broadcast_in_dim3A_559 = vector.shape_cast %xor3A_4 : vector<16xi32> to vector<16x1xi32>
      %gather3A_560 = vector.shape_cast %broadcast_in_dim3A_559 : vector<16x1xi32> to vector<16xi32>
      %gather3A_561 = tpu.dynamic_gather %add3A_558[%gather3A_560] in [0] : vector<16xf32>, vector<16xi32> -> vector<16xf32>
      %add3A_562 = arith.addf %add3A_558, %gather3A_561 : vector<16xf32>
      %broadcast_in_dim3A_563 = vector.shape_cast %xor3A_7 : vector<16xi32> to vector<16x1xi32>
      %gather3A_564 = vector.shape_cast %broadcast_in_dim3A_563 : vector<16x1xi32> to vector<16xi32>
      %gather3A_565 = tpu.dynamic_gather %add3A_562[%gather3A_564] in [0] : vector<16xf32>, vector<16xi32> -> vector<16xf32>
      %add3A_566 = arith.addf %add3A_562, %gather3A_565 : vector<16xf32>
      %broadcast_in_dim3A_567 = vector.shape_cast %xor3A_10 : vector<16xi32> to vector<16x1xi32>
      %gather3A_568 = vector.shape_cast %broadcast_in_dim3A_567 : vector<16x1xi32> to vector<16xi32>
      %gather3A_569 = tpu.dynamic_gather %add3A_566[%gather3A_568] in [0] : vector<16xf32>, vector<16xi32> -> vector<16xf32>
      %add3A_570 = arith.addf %add3A_566, %gather3A_569 : vector<16xf32>
      %broadcast_in_dim3A_571 = vector.shape_cast %xor3A_13 : vector<16xi32> to vector<16x1xi32>
      %gather3A_572 = vector.shape_cast %broadcast_in_dim3A_571 : vector<16x1xi32> to vector<16xi32>
      %gather3A_573 = tpu.dynamic_gather %add3A_570[%gather3A_572] in [0] : vector<16xf32>, vector<16xi32> -> vector<16xf32>
      %add3A_574 = arith.addf %add3A_570, %gather3A_573 : vector<16xf32>
      %eq3A_575 = arith.constant 9 : i32
      %eq3A_576 = vector.broadcast %eq3A_575 : i32 to vector<16xi32>
      %eq3A_577 = arith.cmpi eq, %iota3A, %eq3A_576 : vector<16xi32>
      %select_n3A_578 = arith.select %eq3A_577, %add3A_574, %select_n3A_523 : vector<16xi1>, vector<16xf32>
      %mul3A_579 = arith.constant 16 : i32
      %mul3A_580 = arith.muli %scan3A_31, %mul3A_579 : i32
      %add3A_581 = arith.constant 10 : i32
      %add3A_582 = arith.addi %mul3A_580, %add3A_581 : i32
      %get3A_583 = arith.index_cast %add3A_582 : i32 to index
      %get3A_584 = arith.constant 0 : index
      %get3A_585 = tpu.vector_load %arg5[%get3A_583, %get3A_584] {strides = array<i32>} : memref<512x128xf32, #tpu.memory_space<vmem>>, vector<16xf32>,
      %get3A_586 = arith.index_cast %add3A_582 : i32 to index
      %get3A_587 = arith.constant 64 : index
      %get3A_588 = tpu.vector_load %arg5[%get3A_586, %get3A_587] {strides = array<i32>} : memref<512x128xf32, #tpu.memory_space<vmem>>, vector<16xf32>,
      %mul3A_589 = arith.mulf %get3A_585, %get3A_588 : vector<16xf32>
      %get3A_590 = arith.index_cast %add3A_582 : i32 to index
      %get3A_591 = arith.constant 16 : index
      %get3A_592 = tpu.vector_load %arg5[%get3A_590, %get3A_591] {strides = array<i32>} : memref<512x128xf32, #tpu.memory_space<vmem>>, vector<16xf32>,
      %get3A_593 = arith.index_cast %add3A_582 : i32 to index
      %get3A_594 = arith.constant 80 : index
      %get3A_595 = tpu.vector_load %arg5[%get3A_593, %get3A_594] {strides = array<i32>} : memref<512x128xf32, #tpu.memory_space<vmem>>, vector<16xf32>,
      %mul3A_596 = arith.mulf %get3A_592, %get3A_595 : vector<16xf32>
      %add3A_597 = arith.addf %mul3A_589, %mul3A_596 : vector<16xf32>
      %get3A_598 = arith.index_cast %add3A_582 : i32 to index
      %get3A_599 = arith.constant 32 : index
      %get3A_600 = tpu.vector_load %arg5[%get3A_598, %get3A_599] {strides = array<i32>} : memref<512x128xf32, #tpu.memory_space<vmem>>, vector<16xf32>,
      %get3A_601 = arith.index_cast %add3A_582 : i32 to index
      %get3A_602 = arith.constant 96 : index
      %get3A_603 = tpu.vector_load %arg5[%get3A_601, %get3A_602] {strides = array<i32>} : memref<512x128xf32, #tpu.memory_space<vmem>>, vector<16xf32>,
      %mul3A_604 = arith.mulf %get3A_600, %get3A_603 : vector<16xf32>
      %add3A_605 = arith.addf %add3A_597, %mul3A_604 : vector<16xf32>
      %get3A_606 = arith.index_cast %add3A_582 : i32 to index
      %get3A_607 = arith.constant 48 : index
      %get3A_608 = tpu.vector_load %arg5[%get3A_606, %get3A_607] {strides = array<i32>} : memref<512x128xf32, #tpu.memory_space<vmem>>, vector<16xf32>,
      %get3A_609 = arith.index_cast %add3A_582 : i32 to index
      %get3A_610 = arith.constant 112 : index
      %get3A_611 = tpu.vector_load %arg5[%get3A_609, %get3A_610] {strides = array<i32>} : memref<512x128xf32, #tpu.memory_space<vmem>>, vector<16xf32>,
      %mul3A_612 = arith.mulf %get3A_608, %get3A_611 : vector<16xf32>
      %add3A_613 = arith.addf %add3A_605, %mul3A_612 : vector<16xf32>
      %broadcast_in_dim3A_614 = vector.shape_cast %xor3A_4 : vector<16xi32> to vector<16x1xi32>
      %gather3A_615 = vector.shape_cast %broadcast_in_dim3A_614 : vector<16x1xi32> to vector<16xi32>
      %gather3A_616 = tpu.dynamic_gather %add3A_613[%gather3A_615] in [0] : vector<16xf32>, vector<16xi32> -> vector<16xf32>
      %add3A_617 = arith.addf %add3A_613, %gather3A_616 : vector<16xf32>
      %broadcast_in_dim3A_618 = vector.shape_cast %xor3A_7 : vector<16xi32> to vector<16x1xi32>
      %gather3A_619 = vector.shape_cast %broadcast_in_dim3A_618 : vector<16x1xi32> to vector<16xi32>
      %gather3A_620 = tpu.dynamic_gather %add3A_617[%gather3A_619] in [0] : vector<16xf32>, vector<16xi32> -> vector<16xf32>
      %add3A_621 = arith.addf %add3A_617, %gather3A_620 : vector<16xf32>
      %broadcast_in_dim3A_622 = vector.shape_cast %xor3A_10 : vector<16xi32> to vector<16x1xi32>
      %gather3A_623 = vector.shape_cast %broadcast_in_dim3A_622 : vector<16x1xi32> to vector<16xi32>
      %gather3A_624 = tpu.dynamic_gather %add3A_621[%gather3A_623] in [0] : vector<16xf32>, vector<16xi32> -> vector<16xf32>
      %add3A_625 = arith.addf %add3A_621, %gather3A_624 : vector<16xf32>
      %broadcast_in_dim3A_626 = vector.shape_cast %xor3A_13 : vector<16xi32> to vector<16x1xi32>
      %gather3A_627 = vector.shape_cast %broadcast_in_dim3A_626 : vector<16x1xi32> to vector<16xi32>
      %gather3A_628 = tpu.dynamic_gather %add3A_625[%gather3A_627] in [0] : vector<16xf32>, vector<16xi32> -> vector<16xf32>
      %add3A_629 = arith.addf %add3A_625, %gather3A_628 : vector<16xf32>
      %eq3A_630 = arith.constant 10 : i32
      %eq3A_631 = vector.broadcast %eq3A_630 : i32 to vector<16xi32>
      %eq3A_632 = arith.cmpi eq, %iota3A, %eq3A_631 : vector<16xi32>
      %select_n3A_633 = arith.select %eq3A_632, %add3A_629, %select_n3A_578 : vector<16xi1>, vector<16xf32>
      %mul3A_634 = arith.constant 16 : i32
      %mul3A_635 = arith.muli %scan3A_31, %mul3A_634 : i32
      %add3A_636 = arith.constant 11 : i32
      %add3A_637 = arith.addi %mul3A_635, %add3A_636 : i32
      %get3A_638 = arith.index_cast %add3A_637 : i32 to index
      %get3A_639 = arith.constant 0 : index
      %get3A_640 = tpu.vector_load %arg5[%get3A_638, %get3A_639] {strides = array<i32>} : memref<512x128xf32, #tpu.memory_space<vmem>>, vector<16xf32>,
      %get3A_641 = arith.index_cast %add3A_637 : i32 to index
      %get3A_642 = arith.constant 64 : index
      %get3A_643 = tpu.vector_load %arg5[%get3A_641, %get3A_642] {strides = array<i32>} : memref<512x128xf32, #tpu.memory_space<vmem>>, vector<16xf32>,
      %mul3A_644 = arith.mulf %get3A_640, %get3A_643 : vector<16xf32>
      %get3A_645 = arith.index_cast %add3A_637 : i32 to index
      %get3A_646 = arith.constant 16 : index
      %get3A_647 = tpu.vector_load %arg5[%get3A_645, %get3A_646] {strides = array<i32>} : memref<512x128xf32, #tpu.memory_space<vmem>>, vector<16xf32>,
      %get3A_648 = arith.index_cast %add3A_637 : i32 to index
      %get3A_649 = arith.constant 80 : index
      %get3A_650 = tpu.vector_load %arg5[%get3A_648, %get3A_649] {strides = array<i32>} : memref<512x128xf32, #tpu.memory_space<vmem>>, vector<16xf32>,
      %mul3A_651 = arith.mulf %get3A_647, %get3A_650 : vector<16xf32>
      %add3A_652 = arith.addf %mul3A_644, %mul3A_651 : vector<16xf32>
      %get3A_653 = arith.index_cast %add3A_637 : i32 to index
      %get3A_654 = arith.constant 32 : index
      %get3A_655 = tpu.vector_load %arg5[%get3A_653, %get3A_654] {strides = array<i32>} : memref<512x128xf32, #tpu.memory_space<vmem>>, vector<16xf32>,
      %get3A_656 = arith.index_cast %add3A_637 : i32 to index
      %get3A_657 = arith.constant 96 : index
      %get3A_658 = tpu.vector_load %arg5[%get3A_656, %get3A_657] {strides = array<i32>} : memref<512x128xf32, #tpu.memory_space<vmem>>, vector<16xf32>,
      %mul3A_659 = arith.mulf %get3A_655, %get3A_658 : vector<16xf32>
      %add3A_660 = arith.addf %add3A_652, %mul3A_659 : vector<16xf32>
      %get3A_661 = arith.index_cast %add3A_637 : i32 to index
      %get3A_662 = arith.constant 48 : index
      %get3A_663 = tpu.vector_load %arg5[%get3A_661, %get3A_662] {strides = array<i32>} : memref<512x128xf32, #tpu.memory_space<vmem>>, vector<16xf32>,
      %get3A_664 = arith.index_cast %add3A_637 : i32 to index
      %get3A_665 = arith.constant 112 : index
      %get3A_666 = tpu.vector_load %arg5[%get3A_664, %get3A_665] {strides = array<i32>} : memref<512x128xf32, #tpu.memory_space<vmem>>, vector<16xf32>,
      %mul3A_667 = arith.mulf %get3A_663, %get3A_666 : vector<16xf32>
      %add3A_668 = arith.addf %add3A_660, %mul3A_667 : vector<16xf32>
      %broadcast_in_dim3A_669 = vector.shape_cast %xor3A_4 : vector<16xi32> to vector<16x1xi32>
      %gather3A_670 = vector.shape_cast %broadcast_in_dim3A_669 : vector<16x1xi32> to vector<16xi32>
      %gather3A_671 = tpu.dynamic_gather %add3A_668[%gather3A_670] in [0] : vector<16xf32>, vector<16xi32> -> vector<16xf32>
      %add3A_672 = arith.addf %add3A_668, %gather3A_671 : vector<16xf32>
      %broadcast_in_dim3A_673 = vector.shape_cast %xor3A_7 : vector<16xi32> to vector<16x1xi32>
      %gather3A_674 = vector.shape_cast %broadcast_in_dim3A_673 : vector<16x1xi32> to vector<16xi32>
      %gather3A_675 = tpu.dynamic_gather %add3A_672[%gather3A_674] in [0] : vector<16xf32>, vector<16xi32> -> vector<16xf32>
      %add3A_676 = arith.addf %add3A_672, %gather3A_675 : vector<16xf32>
      %broadcast_in_dim3A_677 = vector.shape_cast %xor3A_10 : vector<16xi32> to vector<16x1xi32>
      %gather3A_678 = vector.shape_cast %broadcast_in_dim3A_677 : vector<16x1xi32> to vector<16xi32>
      %gather3A_679 = tpu.dynamic_gather %add3A_676[%gather3A_678] in [0] : vector<16xf32>, vector<16xi32> -> vector<16xf32>
      %add3A_680 = arith.addf %add3A_676, %gather3A_679 : vector<16xf32>
      %broadcast_in_dim3A_681 = vector.shape_cast %xor3A_13 : vector<16xi32> to vector<16x1xi32>
      %gather3A_682 = vector.shape_cast %broadcast_in_dim3A_681 : vector<16x1xi32> to vector<16xi32>
      %gather3A_683 = tpu.dynamic_gather %add3A_680[%gather3A_682] in [0] : vector<16xf32>, vector<16xi32> -> vector<16xf32>
      %add3A_684 = arith.addf %add3A_680, %gather3A_683 : vector<16xf32>
      %eq3A_685 = arith.constant 11 : i32
      %eq3A_686 = vector.broadcast %eq3A_685 : i32 to vector<16xi32>
      %eq3A_687 = arith.cmpi eq, %iota3A, %eq3A_686 : vector<16xi32>
      %select_n3A_688 = arith.select %eq3A_687, %add3A_684, %select_n3A_633 : vector<16xi1>, vector<16xf32>
      %mul3A_689 = arith.constant 16 : i32
      %mul3A_690 = arith.muli %scan3A_31, %mul3A_689 : i32
      %add3A_691 = arith.constant 12 : i32
      %add3A_692 = arith.addi %mul3A_690, %add3A_691 : i32
      %get3A_693 = arith.index_cast %add3A_692 : i32 to index
      %get3A_694 = arith.constant 0 : index
      %get3A_695 = tpu.vector_load %arg5[%get3A_693, %get3A_694] {strides = array<i32>} : memref<512x128xf32, #tpu.memory_space<vmem>>, vector<16xf32>,
      %get3A_696 = arith.index_cast %add3A_692 : i32 to index
      %get3A_697 = arith.constant 64 : index
      %get3A_698 = tpu.vector_load %arg5[%get3A_696, %get3A_697] {strides = array<i32>} : memref<512x128xf32, #tpu.memory_space<vmem>>, vector<16xf32>,
      %mul3A_699 = arith.mulf %get3A_695, %get3A_698 : vector<16xf32>
      %get3A_700 = arith.index_cast %add3A_692 : i32 to index
      %get3A_701 = arith.constant 16 : index
      %get3A_702 = tpu.vector_load %arg5[%get3A_700, %get3A_701] {strides = array<i32>} : memref<512x128xf32, #tpu.memory_space<vmem>>, vector<16xf32>,
      %get3A_703 = arith.index_cast %add3A_692 : i32 to index
      %get3A_704 = arith.constant 80 : index
      %get3A_705 = tpu.vector_load %arg5[%get3A_703, %get3A_704] {strides = array<i32>} : memref<512x128xf32, #tpu.memory_space<vmem>>, vector<16xf32>,
      %mul3A_706 = arith.mulf %get3A_702, %get3A_705 : vector<16xf32>
      %add3A_707 = arith.addf %mul3A_699, %mul3A_706 : vector<16xf32>
      %get3A_708 = arith.index_cast %add3A_692 : i32 to index
      %get3A_709 = arith.constant 32 : index
      %get3A_710 = tpu.vector_load %arg5[%get3A_708, %get3A_709] {strides = array<i32>} : memref<512x128xf32, #tpu.memory_space<vmem>>, vector<16xf32>,
      %get3A_711 = arith.index_cast %add3A_692 : i32 to index
      %get3A_712 = arith.constant 96 : index
      %get3A_713 = tpu.vector_load %arg5[%get3A_711, %get3A_712] {strides = array<i32>} : memref<512x128xf32, #tpu.memory_space<vmem>>, vector<16xf32>,
      %mul3A_714 = arith.mulf %get3A_710, %get3A_713 : vector<16xf32>
      %add3A_715 = arith.addf %add3A_707, %mul3A_714 : vector<16xf32>
      %get3A_716 = arith.index_cast %add3A_692 : i32 to index
      %get3A_717 = arith.constant 48 : index
      %get3A_718 = tpu.vector_load %arg5[%get3A_716, %get3A_717] {strides = array<i32>} : memref<512x128xf32, #tpu.memory_space<vmem>>, vector<16xf32>,
      %get3A_719 = arith.index_cast %add3A_692 : i32 to index
      %get3A_720 = arith.constant 112 : index
      %get3A_721 = tpu.vector_load %arg5[%get3A_719, %get3A_720] {strides = array<i32>} : memref<512x128xf32, #tpu.memory_space<vmem>>, vector<16xf32>,
      %mul3A_722 = arith.mulf %get3A_718, %get3A_721 : vector<16xf32>
      %add3A_723 = arith.addf %add3A_715, %mul3A_722 : vector<16xf32>
      %broadcast_in_dim3A_724 = vector.shape_cast %xor3A_4 : vector<16xi32> to vector<16x1xi32>
      %gather3A_725 = vector.shape_cast %broadcast_in_dim3A_724 : vector<16x1xi32> to vector<16xi32>
      %gather3A_726 = tpu.dynamic_gather %add3A_723[%gather3A_725] in [0] : vector<16xf32>, vector<16xi32> -> vector<16xf32>
      %add3A_727 = arith.addf %add3A_723, %gather3A_726 : vector<16xf32>
      %broadcast_in_dim3A_728 = vector.shape_cast %xor3A_7 : vector<16xi32> to vector<16x1xi32>
      %gather3A_729 = vector.shape_cast %broadcast_in_dim3A_728 : vector<16x1xi32> to vector<16xi32>
      %gather3A_730 = tpu.dynamic_gather %add3A_727[%gather3A_729] in [0] : vector<16xf32>, vector<16xi32> -> vector<16xf32>
      %add3A_731 = arith.addf %add3A_727, %gather3A_730 : vector<16xf32>
      %broadcast_in_dim3A_732 = vector.shape_cast %xor3A_10 : vector<16xi32> to vector<16x1xi32>
      %gather3A_733 = vector.shape_cast %broadcast_in_dim3A_732 : vector<16x1xi32> to vector<16xi32>
      %gather3A_734 = tpu.dynamic_gather %add3A_731[%gather3A_733] in [0] : vector<16xf32>, vector<16xi32> -> vector<16xf32>
      %add3A_735 = arith.addf %add3A_731, %gather3A_734 : vector<16xf32>
      %broadcast_in_dim3A_736 = vector.shape_cast %xor3A_13 : vector<16xi32> to vector<16x1xi32>
      %gather3A_737 = vector.shape_cast %broadcast_in_dim3A_736 : vector<16x1xi32> to vector<16xi32>
      %gather3A_738 = tpu.dynamic_gather %add3A_735[%gather3A_737] in [0] : vector<16xf32>, vector<16xi32> -> vector<16xf32>
      %add3A_739 = arith.addf %add3A_735, %gather3A_738 : vector<16xf32>
      %eq3A_740 = arith.constant 12 : i32
      %eq3A_741 = vector.broadcast %eq3A_740 : i32 to vector<16xi32>
      %eq3A_742 = arith.cmpi eq, %iota3A, %eq3A_741 : vector<16xi32>
      %select_n3A_743 = arith.select %eq3A_742, %add3A_739, %select_n3A_688 : vector<16xi1>, vector<16xf32>
      %mul3A_744 = arith.constant 16 : i32
      %mul3A_745 = arith.muli %scan3A_31, %mul3A_744 : i32
      %add3A_746 = arith.constant 13 : i32
      %add3A_747 = arith.addi %mul3A_745, %add3A_746 : i32
      %get3A_748 = arith.index_cast %add3A_747 : i32 to index
      %get3A_749 = arith.constant 0 : index
      %get3A_750 = tpu.vector_load %arg5[%get3A_748, %get3A_749] {strides = array<i32>} : memref<512x128xf32, #tpu.memory_space<vmem>>, vector<16xf32>,
      %get3A_751 = arith.index_cast %add3A_747 : i32 to index
      %get3A_752 = arith.constant 64 : index
      %get3A_753 = tpu.vector_load %arg5[%get3A_751, %get3A_752] {strides = array<i32>} : memref<512x128xf32, #tpu.memory_space<vmem>>, vector<16xf32>,
      %mul3A_754 = arith.mulf %get3A_750, %get3A_753 : vector<16xf32>
      %get3A_755 = arith.index_cast %add3A_747 : i32 to index
      %get3A_756 = arith.constant 16 : index
      %get3A_757 = tpu.vector_load %arg5[%get3A_755, %get3A_756] {strides = array<i32>} : memref<512x128xf32, #tpu.memory_space<vmem>>, vector<16xf32>,
      %get3A_758 = arith.index_cast %add3A_747 : i32 to index
      %get3A_759 = arith.constant 80 : index
      %get3A_760 = tpu.vector_load %arg5[%get3A_758, %get3A_759] {strides = array<i32>} : memref<512x128xf32, #tpu.memory_space<vmem>>, vector<16xf32>,
      %mul3A_761 = arith.mulf %get3A_757, %get3A_760 : vector<16xf32>
      %add3A_762 = arith.addf %mul3A_754, %mul3A_761 : vector<16xf32>
      %get3A_763 = arith.index_cast %add3A_747 : i32 to index
      %get3A_764 = arith.constant 32 : index
      %get3A_765 = tpu.vector_load %arg5[%get3A_763, %get3A_764] {strides = array<i32>} : memref<512x128xf32, #tpu.memory_space<vmem>>, vector<16xf32>,
      %get3A_766 = arith.index_cast %add3A_747 : i32 to index
      %get3A_767 = arith.constant 96 : index
      %get3A_768 = tpu.vector_load %arg5[%get3A_766, %get3A_767] {strides = array<i32>} : memref<512x128xf32, #tpu.memory_space<vmem>>, vector<16xf32>,
      %mul3A_769 = arith.mulf %get3A_765, %get3A_768 : vector<16xf32>
      %add3A_770 = arith.addf %add3A_762, %mul3A_769 : vector<16xf32>
      %get3A_771 = arith.index_cast %add3A_747 : i32 to index
      %get3A_772 = arith.constant 48 : index
      %get3A_773 = tpu.vector_load %arg5[%get3A_771, %get3A_772] {strides = array<i32>} : memref<512x128xf32, #tpu.memory_space<vmem>>, vector<16xf32>,
      %get3A_774 = arith.index_cast %add3A_747 : i32 to index
      %get3A_775 = arith.constant 112 : index
      %get3A_776 = tpu.vector_load %arg5[%get3A_774, %get3A_775] {strides = array<i32>} : memref<512x128xf32, #tpu.memory_space<vmem>>, vector<16xf32>,
      %mul3A_777 = arith.mulf %get3A_773, %get3A_776 : vector<16xf32>
      %add3A_778 = arith.addf %add3A_770, %mul3A_777 : vector<16xf32>
      %broadcast_in_dim3A_779 = vector.shape_cast %xor3A_4 : vector<16xi32> to vector<16x1xi32>
      %gather3A_780 = vector.shape_cast %broadcast_in_dim3A_779 : vector<16x1xi32> to vector<16xi32>
      %gather3A_781 = tpu.dynamic_gather %add3A_778[%gather3A_780] in [0] : vector<16xf32>, vector<16xi32> -> vector<16xf32>
      %add3A_782 = arith.addf %add3A_778, %gather3A_781 : vector<16xf32>
      %broadcast_in_dim3A_783 = vector.shape_cast %xor3A_7 : vector<16xi32> to vector<16x1xi32>
      %gather3A_784 = vector.shape_cast %broadcast_in_dim3A_783 : vector<16x1xi32> to vector<16xi32>
      %gather3A_785 = tpu.dynamic_gather %add3A_782[%gather3A_784] in [0] : vector<16xf32>, vector<16xi32> -> vector<16xf32>
      %add3A_786 = arith.addf %add3A_782, %gather3A_785 : vector<16xf32>
      %broadcast_in_dim3A_787 = vector.shape_cast %xor3A_10 : vector<16xi32> to vector<16x1xi32>
      %gather3A_788 = vector.shape_cast %broadcast_in_dim3A_787 : vector<16x1xi32> to vector<16xi32>
      %gather3A_789 = tpu.dynamic_gather %add3A_786[%gather3A_788] in [0] : vector<16xf32>, vector<16xi32> -> vector<16xf32>
      %add3A_790 = arith.addf %add3A_786, %gather3A_789 : vector<16xf32>
      %broadcast_in_dim3A_791 = vector.shape_cast %xor3A_13 : vector<16xi32> to vector<16x1xi32>
      %gather3A_792 = vector.shape_cast %broadcast_in_dim3A_791 : vector<16x1xi32> to vector<16xi32>
      %gather3A_793 = tpu.dynamic_gather %add3A_790[%gather3A_792] in [0] : vector<16xf32>, vector<16xi32> -> vector<16xf32>
      %add3A_794 = arith.addf %add3A_790, %gather3A_793 : vector<16xf32>
      %eq3A_795 = arith.constant 13 : i32
      %eq3A_796 = vector.broadcast %eq3A_795 : i32 to vector<16xi32>
      %eq3A_797 = arith.cmpi eq, %iota3A, %eq3A_796 : vector<16xi32>
      %select_n3A_798 = arith.select %eq3A_797, %add3A_794, %select_n3A_743 : vector<16xi1>, vector<16xf32>
      %mul3A_799 = arith.constant 16 : i32
      %mul3A_800 = arith.muli %scan3A_31, %mul3A_799 : i32
      %add3A_801 = arith.constant 14 : i32
      %add3A_802 = arith.addi %mul3A_800, %add3A_801 : i32
      %get3A_803 = arith.index_cast %add3A_802 : i32 to index
      %get3A_804 = arith.constant 0 : index
      %get3A_805 = tpu.vector_load %arg5[%get3A_803, %get3A_804] {strides = array<i32>} : memref<512x128xf32, #tpu.memory_space<vmem>>, vector<16xf32>,
      %get3A_806 = arith.index_cast %add3A_802 : i32 to index
      %get3A_807 = arith.constant 64 : index
      %get3A_808 = tpu.vector_load %arg5[%get3A_806, %get3A_807] {strides = array<i32>} : memref<512x128xf32, #tpu.memory_space<vmem>>, vector<16xf32>,
      %mul3A_809 = arith.mulf %get3A_805, %get3A_808 : vector<16xf32>
      %get3A_810 = arith.index_cast %add3A_802 : i32 to index
      %get3A_811 = arith.constant 16 : index
      %get3A_812 = tpu.vector_load %arg5[%get3A_810, %get3A_811] {strides = array<i32>} : memref<512x128xf32, #tpu.memory_space<vmem>>, vector<16xf32>,
      %get3A_813 = arith.index_cast %add3A_802 : i32 to index
      %get3A_814 = arith.constant 80 : index
      %get3A_815 = tpu.vector_load %arg5[%get3A_813, %get3A_814] {strides = array<i32>} : memref<512x128xf32, #tpu.memory_space<vmem>>, vector<16xf32>,
      %mul3A_816 = arith.mulf %get3A_812, %get3A_815 : vector<16xf32>
      %add3A_817 = arith.addf %mul3A_809, %mul3A_816 : vector<16xf32>
      %get3A_818 = arith.index_cast %add3A_802 : i32 to index
      %get3A_819 = arith.constant 32 : index
      %get3A_820 = tpu.vector_load %arg5[%get3A_818, %get3A_819] {strides = array<i32>} : memref<512x128xf32, #tpu.memory_space<vmem>>, vector<16xf32>,
      %get3A_821 = arith.index_cast %add3A_802 : i32 to index
      %get3A_822 = arith.constant 96 : index
      %get3A_823 = tpu.vector_load %arg5[%get3A_821, %get3A_822] {strides = array<i32>} : memref<512x128xf32, #tpu.memory_space<vmem>>, vector<16xf32>,
      %mul3A_824 = arith.mulf %get3A_820, %get3A_823 : vector<16xf32>
      %add3A_825 = arith.addf %add3A_817, %mul3A_824 : vector<16xf32>
      %get3A_826 = arith.index_cast %add3A_802 : i32 to index
      %get3A_827 = arith.constant 48 : index
      %get3A_828 = tpu.vector_load %arg5[%get3A_826, %get3A_827] {strides = array<i32>} : memref<512x128xf32, #tpu.memory_space<vmem>>, vector<16xf32>,
      %get3A_829 = arith.index_cast %add3A_802 : i32 to index
      %get3A_830 = arith.constant 112 : index
      %get3A_831 = tpu.vector_load %arg5[%get3A_829, %get3A_830] {strides = array<i32>} : memref<512x128xf32, #tpu.memory_space<vmem>>, vector<16xf32>,
      %mul3A_832 = arith.mulf %get3A_828, %get3A_831 : vector<16xf32>
      %add3A_833 = arith.addf %add3A_825, %mul3A_832 : vector<16xf32>
      %broadcast_in_dim3A_834 = vector.shape_cast %xor3A_4 : vector<16xi32> to vector<16x1xi32>
      %gather3A_835 = vector.shape_cast %broadcast_in_dim3A_834 : vector<16x1xi32> to vector<16xi32>
      %gather3A_836 = tpu.dynamic_gather %add3A_833[%gather3A_835] in [0] : vector<16xf32>, vector<16xi32> -> vector<16xf32>
      %add3A_837 = arith.addf %add3A_833, %gather3A_836 : vector<16xf32>
      %broadcast_in_dim3A_838 = vector.shape_cast %xor3A_7 : vector<16xi32> to vector<16x1xi32>
      %gather3A_839 = vector.shape_cast %broadcast_in_dim3A_838 : vector<16x1xi32> to vector<16xi32>
      %gather3A_840 = tpu.dynamic_gather %add3A_837[%gather3A_839] in [0] : vector<16xf32>, vector<16xi32> -> vector<16xf32>
      %add3A_841 = arith.addf %add3A_837, %gather3A_840 : vector<16xf32>
      %broadcast_in_dim3A_842 = vector.shape_cast %xor3A_10 : vector<16xi32> to vector<16x1xi32>
      %gather3A_843 = vector.shape_cast %broadcast_in_dim3A_842 : vector<16x1xi32> to vector<16xi32>
      %gather3A_844 = tpu.dynamic_gather %add3A_841[%gather3A_843] in [0] : vector<16xf32>, vector<16xi32> -> vector<16xf32>
      %add3A_845 = arith.addf %add3A_841, %gather3A_844 : vector<16xf32>
      %broadcast_in_dim3A_846 = vector.shape_cast %xor3A_13 : vector<16xi32> to vector<16x1xi32>
      %gather3A_847 = vector.shape_cast %broadcast_in_dim3A_846 : vector<16x1xi32> to vector<16xi32>
      %gather3A_848 = tpu.dynamic_gather %add3A_845[%gather3A_847] in [0] : vector<16xf32>, vector<16xi32> -> vector<16xf32>
      %add3A_849 = arith.addf %add3A_845, %gather3A_848 : vector<16xf32>
      %eq3A_850 = arith.constant 14 : i32
      %eq3A_851 = vector.broadcast %eq3A_850 : i32 to vector<16xi32>
      %eq3A_852 = arith.cmpi eq, %iota3A, %eq3A_851 : vector<16xi32>
      %select_n3A_853 = arith.select %eq3A_852, %add3A_849, %select_n3A_798 : vector<16xi1>, vector<16xf32>
      %mul3A_854 = arith.constant 16 : i32
      %mul3A_855 = arith.muli %scan3A_31, %mul3A_854 : i32
      %add3A_856 = arith.constant 15 : i32
      %add3A_857 = arith.addi %mul3A_855, %add3A_856 : i32
      %get3A_858 = arith.index_cast %add3A_857 : i32 to index
      %get3A_859 = arith.constant 0 : index
      %get3A_860 = tpu.vector_load %arg5[%get3A_858, %get3A_859] {strides = array<i32>} : memref<512x128xf32, #tpu.memory_space<vmem>>, vector<16xf32>,
      %get3A_861 = arith.index_cast %add3A_857 : i32 to index
      %get3A_862 = arith.constant 64 : index
      %get3A_863 = tpu.vector_load %arg5[%get3A_861, %get3A_862] {strides = array<i32>} : memref<512x128xf32, #tpu.memory_space<vmem>>, vector<16xf32>,
      %mul3A_864 = arith.mulf %get3A_860, %get3A_863 : vector<16xf32>
      %get3A_865 = arith.index_cast %add3A_857 : i32 to index
      %get3A_866 = arith.constant 16 : index
      %get3A_867 = tpu.vector_load %arg5[%get3A_865, %get3A_866] {strides = array<i32>} : memref<512x128xf32, #tpu.memory_space<vmem>>, vector<16xf32>,
      %get3A_868 = arith.index_cast %add3A_857 : i32 to index
      %get3A_869 = arith.constant 80 : index
      %get3A_870 = tpu.vector_load %arg5[%get3A_868, %get3A_869] {strides = array<i32>} : memref<512x128xf32, #tpu.memory_space<vmem>>, vector<16xf32>,
      %mul3A_871 = arith.mulf %get3A_867, %get3A_870 : vector<16xf32>
      %add3A_872 = arith.addf %mul3A_864, %mul3A_871 : vector<16xf32>
      %get3A_873 = arith.index_cast %add3A_857 : i32 to index
      %get3A_874 = arith.constant 32 : index
      %get3A_875 = tpu.vector_load %arg5[%get3A_873, %get3A_874] {strides = array<i32>} : memref<512x128xf32, #tpu.memory_space<vmem>>, vector<16xf32>,
      %get3A_876 = arith.index_cast %add3A_857 : i32 to index
      %get3A_877 = arith.constant 96 : index
      %get3A_878 = tpu.vector_load %arg5[%get3A_876, %get3A_877] {strides = array<i32>} : memref<512x128xf32, #tpu.memory_space<vmem>>, vector<16xf32>,
      %mul3A_879 = arith.mulf %get3A_875, %get3A_878 : vector<16xf32>
      %add3A_880 = arith.addf %add3A_872, %mul3A_879 : vector<16xf32>
      %get3A_881 = arith.index_cast %add3A_857 : i32 to index
      %get3A_882 = arith.constant 48 : index
      %get3A_883 = tpu.vector_load %arg5[%get3A_881, %get3A_882] {strides = array<i32>} : memref<512x128xf32, #tpu.memory_space<vmem>>, vector<16xf32>,
      %get3A_884 = arith.index_cast %add3A_857 : i32 to index
      %get3A_885 = arith.constant 112 : index
      %get3A_886 = tpu.vector_load %arg5[%get3A_884, %get3A_885] {strides = array<i32>} : memref<512x128xf32, #tpu.memory_space<vmem>>, vector<16xf32>,
      %mul3A_887 = arith.mulf %get3A_883, %get3A_886 : vector<16xf32>
      %add3A_888 = arith.addf %add3A_880, %mul3A_887 : vector<16xf32>
      %broadcast_in_dim3A_889 = vector.shape_cast %xor3A_4 : vector<16xi32> to vector<16x1xi32>
      %gather3A_890 = vector.shape_cast %broadcast_in_dim3A_889 : vector<16x1xi32> to vector<16xi32>
      %gather3A_891 = tpu.dynamic_gather %add3A_888[%gather3A_890] in [0] : vector<16xf32>, vector<16xi32> -> vector<16xf32>
      %add3A_892 = arith.addf %add3A_888, %gather3A_891 : vector<16xf32>
      %broadcast_in_dim3A_893 = vector.shape_cast %xor3A_7 : vector<16xi32> to vector<16x1xi32>
      %gather3A_894 = vector.shape_cast %broadcast_in_dim3A_893 : vector<16x1xi32> to vector<16xi32>
      %gather3A_895 = tpu.dynamic_gather %add3A_892[%gather3A_894] in [0] : vector<16xf32>, vector<16xi32> -> vector<16xf32>
      %add3A_896 = arith.addf %add3A_892, %gather3A_895 : vector<16xf32>
      %broadcast_in_dim3A_897 = vector.shape_cast %xor3A_10 : vector<16xi32> to vector<16x1xi32>
      %gather3A_898 = vector.shape_cast %broadcast_in_dim3A_897 : vector<16x1xi32> to vector<16xi32>
      %gather3A_899 = tpu.dynamic_gather %add3A_896[%gather3A_898] in [0] : vector<16xf32>, vector<16xi32> -> vector<16xf32>
      %add3A_900 = arith.addf %add3A_896, %gather3A_899 : vector<16xf32>
      %broadcast_in_dim3A_901 = vector.shape_cast %xor3A_13 : vector<16xi32> to vector<16x1xi32>
      %gather3A_902 = vector.shape_cast %broadcast_in_dim3A_901 : vector<16x1xi32> to vector<16xi32>
      %gather3A_903 = tpu.dynamic_gather %add3A_900[%gather3A_902] in [0] : vector<16xf32>, vector<16xi32> -> vector<16xf32>
      %add3A_904 = arith.addf %add3A_900, %gather3A_903 : vector<16xf32>
      %eq3A_905 = arith.constant 15 : i32
      %eq3A_906 = vector.broadcast %eq3A_905 : i32 to vector<16xi32>
      %eq3A_907 = arith.cmpi eq, %iota3A, %eq3A_906 : vector<16xi32>
      %select_n3A_908 = arith.select %eq3A_907, %add3A_904, %select_n3A_853 : vector<16xi1>, vector<16xf32>
      %mul3A_909 = arith.constant 16 : i32
      %mul3A_910 = arith.muli %scan3A_31, %mul3A_909 : i32
      %swap3A = arith.index_cast %mul3A_910 : i32 to index
      %swap3A_911 = tpu.vector_load %arg6[%swap3A] {strides = array<i32>} : memref<512xf32, #tpu.memory_space<vmem>>, vector<16xf32>,
      tpu.vector_store %arg6[%swap3A], %select_n3A_908 {strides = array<i32>} : memref<512xf32, #tpu.memory_space<vmem>>, vector<16xf32>,
    }
    %scan3A_30 = arith.constant 32 : i32
    "tpu.region"() ({
      %run_scoped3A = tpu.sem_alloc : memref<!tpu.dma_semaphore, #tpu.memory_space<semaphore_mem>>
      %dma_start3A = tpu.memref_slice %arg4[%mul3A_2] : memref<16384xf32, #tpu.memory_space<hbm>> -> memref<512xf32, #tpu.memory_space<hbm>>
      %dma_start3A_31 = tpu.memref_slice %arg4[%mul3A_2] : memref<16384xf32, #tpu.memory_space<hbm>> -> memref<512xf32, #tpu.memory_space<hbm>>
      tpu.enqueue_dma source(%arg6 : memref<512xf32, #tpu.memory_space<vmem>>) target(%dma_start3A_31 : memref<512xf32, #tpu.memory_space<hbm>>) target_semaphore(%run_scoped3A : memref<!tpu.dma_semaphore, #tpu.memory_space<semaphore_mem>>)
      %dma_wait3A = tpu.memref_slice %arg4[%mul3A_2] : memref<16384xf32, #tpu.memory_space<hbm>> -> memref<512xf32, #tpu.memory_space<hbm>>
      %dma_wait3A_32 = tpu.memref_slice %arg4[%mul3A_2] : memref<16384xf32, #tpu.memory_space<hbm>> -> memref<512xf32, #tpu.memory_space<hbm>>
      tpu.wait_dma2 semaphore(%run_scoped3A : memref<!tpu.dma_semaphore, #tpu.memory_space<semaphore_mem>>) src(%arg6 : memref<512xf32, #tpu.memory_space<vmem>>) dst(%dma_wait3A_32 : memref<512xf32, #tpu.memory_space<hbm>>)
      tpu.yield
    }) : () -> ()
    return
  }
}

</mosaic_0001>

<sc_bundles>
// kernel: _run.4.cloned.1.call-start
scs
__scs_entry_jumppad:
0x0: {  	(pc) =	sbr.rel $0x88, $3  }
0x1: {  	(tag) =	ssettag $0x0;
	lr =	simm.s32 $0x1  }
0x2: {  	[smem:$0x3F97] =	sst lr;
	_ =	strace $0xD0000000  }
0x3: {  	_ = 	snop  }
0x4: {  	_ = 	snop  }
0x5: {  	_ = 	snop  }
0x6: {  	_ = 	snop  }
0x7: {  	_ = 	snop  }
__scs_overlays_trampoline_lowered:
0x8: {  	[smem:$0x3FA6] =	sst s0  }
0x9: {  	[smem:$0x3FA7] =	sst s1  }
0xa: {  	[smem:$0x3FA8] =	sst s2  }
0xb: {  	[smem:$0x3FA9] =	sst s3  }
0xc: {  	[smem:$0x3FAA] =	sst s4  }
0xd: {  	[smem:$0x3FAB] =	sst s5  }
0xe: {  	[smem:$0x3FAC] =	sst s6  }
0xf: {  	[smem:$0x3FAD] =	sst s7  }
0x10: {  	[smem:$0x3FAE] =	sst s8  }
0x11: {  	[smem:$0x3FAF] =	sst s9;
	s0 =	simm.s32 @!p0 $0x0  }
0x12: {  	s1 =	sld [smem:$0x3F95];
	s0 =	simm.s32 @p0 $0x1  }
0x13: {  	[smem:$0x3FB0] =	sst s0;
	s0 =	simm.s32 @!p1 $0x0  }
0x14: {  	s2 =	sld [smem:$0x3F94];
	s0 =	simm.s32 @p1 $0x1  }
0x15: {  	[smem:$0x3FB1] =	sst s0;
	s0 =	simm.s32 @!p2 $0x0  }
0x16: {  	s3 =	sld [smem:$0x3FDB];
	s0 =	simm.s32 @p2 $0x1  }
0x17: {  	s4 =	simm.s32 $0x1BF5;
	[smem:$0x3FB3] =	sst s0  }
0x18: {  	s0 =	sld [smem:$0x3F96];
	_ =	swait.ge [sflag:s4], $0x0  }
0x19: {  	s7 =	sld [smem:$0x3F97]  }
0x1a: {  	s8 =	sadd.s32 $0xFFFFE003, lr  }
0x1b: {  	s9 =	sadd.s32 $0xFFFFFEF7, lr;
	s5 =	simm.s32 $0xFFFFFFFF;
	p2 =	slt.u32 s8, $0xFFFFF086  }
0x1c: {  	p1 =	slt.u32 s9, $0xF7A;
	s5 =	simm.s32 @!p2 $0x0  }
0x1d: {  	s5 =	simm.s32 @p1 $0x1;
	p0 =	seq.s32 s7, s2  }
0x1e: {  	s7 =	smul.u32 @!p0 $0xF7A, s2;
	p2 =	seq.s32 @!p0 s5, $0x0  }
0x1f: {  	s9 =	smul.u32 $0xF7A, s1;
	s8 =	simm.s32 @!p0 $0x1BF5;
	p2 =	por !p2, p0  }
0x20: {  	[sflag:s8] =	ssyncset.s32 @!p0 $0xFFFFF086;
	s6 =	sadd.s32 @!p0 s3, s7;
	s7 =	simm.s32 @!p0 $0x108  }
0x21: {  	s3 =	sadd.s32 s3, s9;
	s6 =	sadd.s32 @!p0 $0x88, s6;
	s7 =	simm.s32 @p2 $0x1082  }
0x22: {  	[simem:s7], [sflag:s8] =	dma.local @!p0 [hbm:s6], $0xF7A  }
0x23: {  	s9 =	sor.u32 $0xD0000000, s2;
	s6 =	simm.s32 $0x108;
	_ =	swait.ge @!p0 [sflag:s8], $0x0  }
0x24: {  	s3 =	sadd.s32 $0x88, s3;
	s6 =	simm.s32 @!p1 $0x1082;
	[sflag:s4] =	ssyncset.s32 $0xFFFFF086  }
0x25: {  	[simem:s6], [sflag:s4] =	dma.local [hbm:s3], $0xF7A  }
0x26: {  	[smem:$0x3F97] =	sst s1;
	(tag) =	ssettag s2;
	_ =	strace s9  }
0x27: {  	s1 =	sld [smem:$0x3FA7]  }
0x28: {  	s2 =	sld [smem:$0x3FA8]  }
0x29: {  	s4 =	sld [smem:$0x3FAA]  }
0x2a: {  	p0 =	seq.s32 s5, $0x0;
	s5 =	sld [smem:$0x3FAB]  }
0x2b: {  	s6 =	sld [smem:$0x3FAC]  }
0x2c: {  	s7 =	sld [smem:$0x3FAD]  }
0x2d: {  	s3 =	simm.s32 $0x108;
	s8 =	sld [smem:$0x3FAE]  }
0x2e: {  	s3 =	simm.s32 @!p0 $0x1082;
	s9 =	sld [smem:$0x3FAF]  }
0x2f: {  	lr =	sadd.s32 s0, s3;
	s0 =	sld [smem:$0x3FA6]  }
0x30: {  	s3 =	sld [smem:$0x3FA9]  }
0x31: {  	[smem:$0x3FB2] =	sst s10  }
0x32: {  	s10 =	sld [smem:$0x3FB0];
	_ =	sdelay $0x3  }
0x33: {  	p0 =	seq.s32 s10, $0x1;
	s10 =	sld [smem:$0x3FB2];
	_ =	sdelay $0x3  }
0x34: {  	[smem:$0x3FB2] =	sst s10  }
0x35: {  	s10 =	sld [smem:$0x3FB1];
	_ =	sdelay $0x3  }
0x36: {  	p1 =	seq.s32 s10, $0x1;
	s10 =	sld [smem:$0x3FB2];
	_ =	sdelay $0x3  }
0x37: {  	[smem:$0x3FB2] =	sst s10  }
0x38: {  	s10 =	sld [smem:$0x3FB3]  }
0x39: {  	_ = 	snop;
	(pc) =	sbr.ind lr, $3  }
0x3a: {  	_ = 	snop  }
0x3b: {  	_ = 	snop  }
0x3c: {  	p2 =	seq.s32 s10, $0x1;
	s10 =	sld [smem:$0x3FB2]  }
0x3d: {  	_ =	shalt  }
0x3e: {  	_ =	shalt  }
0x3f: {  	_ =	shalt  }
0x40: {  	_ =	shalt  }
0x41: {  	_ =	shalt  }
0x42: {  	_ =	shalt  }
0x43: {  	_ =	shalt  }
0x44: {  	_ =	shalt  }
0x45: {  	_ =	shalt  }
0x46: {  	_ =	shalt  }
0x47: {  	_ =	shalt  }
0x48: {  	_ =	shalt  }
0x49: {  	_ =	shalt  }
0x4a: {  	_ =	shalt  }
0x4b: {  	_ =	shalt  }
0x4c: {  	_ =	shalt  }
0x4d: {  	_ =	shalt  }
0x4e: {  	_ =	shalt  }
0x4f: {  	_ =	shalt  }
0x50: {  	_ =	shalt  }
0x51: {  	_ =	shalt  }
0x52: {  	_ =	shalt  }
0x53: {  	_ =	shalt  }
0x54: {  	_ =	shalt  }
0x55: {  	_ =	shalt  }
0x56: {  	_ =	shalt  }
0x57: {  	_ =	shalt  }
0x58: {  	_ =	shalt  }
0x59: {  	_ =	shalt  }
0x5a: {  	_ =	shalt  }
0x5b: {  	_ =	shalt  }
0x5c: {  	_ =	shalt  }
0x5d: {  	_ =	shalt  }
0x5e: {  	_ =	shalt  }
0x5f: {  	_ =	shalt  }
0x60: {  	_ =	shalt  }
0x61: {  	_ =	shalt  }
0x62: {  	_ =	shalt  }
0x63: {  	_ =	shalt  }
0x64: {  	_ =	shalt  }
0x65: {  	_ =	shalt  }
0x66: {  	_ =	shalt  }
0x67: {  	_ =	shalt  }
0x68: {  	_ =	shalt  }
0x69: {  	_ =	shalt  }
0x6a: {  	_ =	shalt  }
0x6b: {  	_ =	shalt  }
0x6c: {  	_ =	shalt  }
0x6d: {  	_ =	shalt  }
0x6e: {  	_ =	shalt  }
0x6f: {  	_ =	shalt  }
0x70: {  	_ =	shalt  }
0x71: {  	_ =	shalt  }
0x72: {  	_ =	shalt  }
0x73: {  	_ =	shalt  }
0x74: {  	_ =	shalt  }
0x75: {  	_ =	shalt  }
0x76: {  	_ =	shalt  }
0x77: {  	_ =	shalt  }
0x78: {  	_ =	shalt  }
0x79: {  	_ =	shalt  }
0x7a: {  	_ =	shalt  }
0x7b: {  	_ =	shalt  }
0x7c: {  	_ =	shalt  }
0x7d: {  	_ =	shalt  }
0x7e: {  	_ =	shalt  }
0x7f: {  	_ =	shalt  }
0x80: {  	_ =	shalt  }
0x81: {  	_ =	shalt  }
0x82: {  	_ =	shalt  }
0x83: {  	_ =	shalt  }
0x84: {  	_ =	shalt  }
0x85: {  	_ =	shalt  }
0x86: {  	_ =	shalt  }
0x87: {  	_ =	shalt  }
.Lfunc_end0:
.L_simem_size_0:
called_computation_lowered:
.L_overlay_start_0:
0x88: {  	s2 =	sld [smem:$0x3FD9]  }
0x89: {  	s3 =	sld [smem:$0x3FFE];
	_ =	sdelay $0x1  }
0x8a: {  	s1 =	srdreg.scid  }
0x8b: {  	s0 =	sand.u32 $0x1, s1  }
0x8c: {  	s17 =	sshll.u32 s0, $0xA;
	s2 =	sadd.s32 s3, s2  }
0x8d: {  	s2 =	sadd.s32 s2, s17  }
0x8e: {  	[smem:$0x3FBE] =	sst s2  }
0x8f: {  	_ = 	snop  }
0x90: {  	s2 =	sld [smem:$0x3FC9]  }
0x91: {  	s18 =	sld [smem:$0x3FC8]  }
0x92: {  	s4 =	sld [smem:$0x3FC7]  }
0x93: {  	s5 =	sld [smem:$0x3FC6]  }
0x94: {  	s6 =	sld [smem:$0x3FC5]  }
0x95: {  	s7 =	sld [smem:$0x3FC4]  }
0x96: {  	s8 =	sld [smem:$0x3FC3]  }
0x97: {  	s9 =	sld [smem:$0x3FC2]  }
0x98: {  	s10 =	sld [smem:$0x3FC1]  }
0x99: {  	s11 =	sld [smem:$0x3FC0];
	(tm) =	ssettm $0x1  }
0x9a: {  	s12 =	sld [smem:$0x3FFB];
	_ =	sdelay $0x3  }
0x9b: {  	_ =	strace s12  }
0x9c: {  	s12 =	sld [smem:$0x3FFC];
	_ =	sdelay $0x3  }
0x9d: {  	_ =	strace s12  }
0x9e: {  	s12 =	sld [smem:$0x3FFD];
	_ =	sdelay $0x3  }
0x9f: {  	_ =	strace s12  }
0xa0: {  	_ =	strace $0x8FFFFFFF  }
0xa1: {  	s19 =	sld [smem:$0x3FDB];
	_ =	sdelay $0x1  }
0xa2: {  	s13 =	simm.s32 $_scs_section_size  }
0xa3: {  	s14 =	simm.s32 $_size__tile_overlayer_lowered;
	s15 =	simm.s32 $_tile_overlayer_lowered  }
0xa4: {  	s22 =	simm.s32 $0x1BFF;
	s21 =	sshll.u32 s15, $0x1;
	s12 =	sadd.s32 s13, s19  }
0xa5: {  	s16 =	simm.s32 $0x0;
	s20 =	sshll.u32 s14, $0x1;
	s14 =	sadd.s32 s21, s12  }
0xa6: {  	[timem:s16], [sflag:s22] =	dma.local [hbm:s14], s20  }
0xa7: {  	_ =	swait.ge [sflag:s22], s20  }
0xa8: {  	s13 =	ssub.s32 $0x0, s20;
	[sflag:s22] =	ssyncset.done $0x0  }
0xa9: {  	[sflag:s22] =	ssyncadd.s32 s13;
	_ =	sdelay $0x1  }
0xaa: {  	s23 =	simm.s32 $0x1B8B  }
0xab: {  	_ =	swait.ge [sflag:s23], $0x1  }
0xac: {  	[sflag:s23] =	ssyncset.done $0x0  }
0xad: {  	s25 =	simm.s32 $0x1B8E;
	s24 =	sld [smem:$0x3FFE];
	[sflag:s23] =	ssyncadd.s32 $0xFFFFFFFF  }
0xae: {  	s26 =	simm.s32 $execute0_lowered;
	[smem:$0x3FD2] =	sst s25  }
0xaf: {  	s14 =	sshll.u32 s26, $0x1;
	_ =	strace $0x80000046;
	[dreg:$0x1] =	wrdreg $0xFFFFFFFF  }
0xb0: {  	s28 =	simm.s32 $_size_execute0_lowered;
	s12 =	sadd.s32 s12, s14;
	[dreg:$0x0] =	wrdreg $0x0  }
0xb1: {  	s14 =	sshll.u32 s28, $0x1;
	[dreg:$0x2] =	wrdreg s12  }
0xb2: {  	[dreg:$0x3] =	wrdreg s14  }
0xb3: {  	[dreg:$0x4] =	wrdreg $0xC0  }
0xb4: {  	_ =	task [dreg:s16], $0x5FFFF  }
0xb5: {  	[dreg:$0x1] =	wrdreg $0xFFFFFFFF  }
0xb6: {  	[dreg:$0x0] =	wrdreg $0x60  }
0xb7: {  	[dreg:$0x2] =	wrdreg s2  }
0xb8: {  	[dreg:$0x3] =	wrdreg s18  }
0xb9: {  	[dreg:$0x4] =	wrdreg s4  }
0xba: {  	[dreg:$0x5] =	wrdreg s5  }
0xbb: {  	[dreg:$0x6] =	wrdreg s6  }
0xbc: {  	[dreg:$0x7] =	wrdreg s7  }
0xbd: {  	[dreg:$0x8] =	wrdreg s8  }
0xbe: {  	[dreg:$0x9] =	wrdreg s9  }
0xbf: {  	[dreg:$0xa] =	wrdreg s10  }
0xc0: {  	[dreg:$0xb] =	wrdreg s11  }
0xc1: {  	[dreg:$0xc] =	wrdreg s24  }
0xc2: {  	[dreg:$0xd] =	wrdreg $0x9  }
0xc3: {  	_ =	task.clear_ibuf [dreg:s16], $0xEFFFF;
	_ =	strace $0x90000046  }
0xc4: {  	s29 =	simm.s32 $0x9;
	_ =	strace $0x80000048  }
0xc5: {  	_ =	swait.ge [sflag:s29], $0x1  }
0xc6: {  	[sflag:s29] =	ssyncadd.s32 $0xFFFFFFFF  }
0xc7: {  	_ =	strace $0x90000048  }
0xc8: {  	_ =	sfence  }
0xc9: {  	s30 =	sld [smem:$0x0];
	_ =	sdelay $0x2  }
0xca: {  	s31 =	sshll.u32 s1, $0xD;
	s1 =	sshrl.u32 s1, $0x2  }
0xcb: {  	s3 =	sand.u32 $0x4000, s31;
	s1 =	sadd.s32 s1, s30  }
0xcc: {  	s0 =	sor.u32 s3, s0;
	s1 =	sshll.u32 s1, $0x11  }
0xcd: {  	s0 =	sor.u32 s1, s0  }
0xce: {  	s0 =	sadd.s32 $0x8F2B, s0  }
0xcf: {  	[sflag:s0] =	ssyncadd.remote.s32 $0x1  }
0xd0: {  	_ =	sfence.sel $0xFFFF  }
0xd1: {  	[dreg:$0x0] =	wrdreg $0xFFFFFFFF;
	(pc) =	sbr.abs _section_cstart, $3  }
0xd2: {  	[dreg:$0x1] =	wrdreg $0xFFFFFFFF  }
0xd3: {  	_ =	task.clear_ibuf [dreg:s16], $0x2FFFF;
	_ =	strace $0x9FFFFFFF  }
0xd4: {  	(tm) =	ssettm $0x7FFFFFFF  }
0xd5: {  	_ =	shalt  }
tec
execute0_lowered:
.L_overlay_start_1:
0x0: {  	(tag) =	ssettag $0x1  }
0x1: {  	s0 =	rddreg [dreg:$0x0]  }
0x2: {  	s3 =	rddreg [dreg:$0x1]  }
0x3: {  	s7 =	rddreg [dreg:$0x2]  }
0x4: {  	s8 =	rddreg [dreg:$0x3]  }
0x5: {  	s9 =	rddreg [dreg:$0x4]  }
0x6: {  	s10 =	rddreg [dreg:$0x5]  }
0x7: {  	s11 =	rddreg [dreg:$0x6]  }
0x8: {  	s12 =	rddreg [dreg:$0x7]  }
0x9: {  	s1 =	rddreg [dreg:$0x8]  }
0xa: {  	s2 =	rddreg [dreg:$0x9]  }
0xb: {  	s6 =	rddreg [dreg:$0xa];
	s4 =	simm.s32 $0x0;
	s13 =	srdreg.scid  }
0xc: {  	s15 =	stileid.u32;
	s18 =	simm.s32 $0x3;
	s28 =	simm.s32 $0x8900  }
0xd: {  	s29 =	simm.s32 $0xA900;
	s30 =	simm.s32 $0x1;
	s31 =	simm.s32 $0x2  }
0xe: {  	[smem:$0x7FF] =	sst s4;
	s13 =	sand.u32 $0x1, s13;
	s14 =	sshll.u32 s15, $0x8  }
0xf: {  	s15 =	sshrl.u32 s15, $0x2;
	s16 =	sshll.u32 s13, $0x7;
	s14 =	sand.u32 $0x300, s14  }
0x10: {  	s17 =	sshll.u32 s15, $0xC;
	s15 =	smul.u32 $0x1400, s15;
	s14 =	sor.u32 s16, s14  }
0x11: {  	s5 =	sadd.s32 $0xC00, s6;
	s6 =	sadd.s32 $0x40C00, s6;
	s16 =	sor.u32 s17, s14  }
0x12: {  	_ =	strace $0x80000047;
	s14 =	sor.u32 s15, s14;
	s16 =	sshrl.u32 s16, $0x3  }
0x13: {  	s13 =	ssub.s32 $0x2, s13;
	s22 =	sshrl.u32 s14, $0x3;
	s0 =	sadd.s32 s0, s16  }
0x14: {  	s20 =	sshrl.u32 s13, $0x1;
	s3 =	sadd.s32 s3, s22;
	[dreg:$0xc] =	wrdreg s0  }
0x15: {  	s21 =	ssub.s32 s13, s20;
	s23 =	sadd.s32 s7, s22;
	[dreg:$0xd] =	wrdreg s3  }
0x16: {  	s17 =	simm.s32 $0x400;
	s24 =	sadd.s32 s8, s16;
	[dreg:$0xe] =	wrdreg s23  }
0x17: {  	s15 =	smax.u32 s21, $0x1;
	s25 =	sadd.s32 s9, s16;
	[dreg:$0xf] =	wrdreg s24  }
0x18: {  	vm0 =	vcmask $0x308;
	v0 =	vlaneseq.u32;
	s26 =	sadd.s32 s10, s22;
	s14 =	sadd.s32 s12, s16;
	[dreg:$0x10] =	wrdreg s25  }
0x19: {  	vm2 =	vcmask $0x70C;
	vm3 =	vcmask $0xB10;
	v1 =	vmul.u32 $0x80, v0;
	s16 =	simm.s32 $0x80;
	[dreg:$0x11] =	wrdreg s26;
	s0 =	sadd.s32 s11, s22  }
0x1a: {  	vm1 =	vmmov $0x1;
	vm4 =	vcmask $0xF14;
	vm5 =	vcmask $0x1318;
	s22 =	simm.s32 $0x7A1400;
	s23 =	simm.s32 $0x900;
	s25 =	simm.s32 $0x4900  }
0x1b: {  	v2 =	vor.u32 $0x800, v1;
	v3 =	vor.u32 $0x1000, v1;
	v4 =	vor.u32 $0x1800, v1;
	s26 =	simm.s32 $0x6900;
	[dreg:$0x12] =	wrdreg s0;
	s0 =	simm.s32 $0x0  }
.LBB2_1:
0x1c: {  	s3 =	rddreg [dreg:$0xc]  }
0x1d: {  	[tilespmem:s4], [sflag:$0x3] =	stream.strided.gather [hbm4b:s3+s16], $0x200, s17, s16, $0x38;
	[tilespmem:$0x1C900] =	vst v63  }
0x1e: {  	_ =	swait.ge [sflag:s18], $0x200  }
0x1f: {  	[sflag:s18] =	ssyncset.done $0x0  }
0x20: {  	s7 =	simm.s32 $0x200;
	s24 =	rddreg [dreg:$0xd];
	[sflag:s18] =	ssyncadd.s32 $0xFFFFFE00  }
0x21: {  	[tilespmem:s7], [sflag:$0x3] =	stream.strided.gather [hbm4b:s24+s16], $0x280, s17, s16, $0x38;
	[tilespmem:$0x1C900] =	vst v63  }
0x22: {  	_ =	swait.ge [sflag:s18], $0x280  }
0x23: {  	[sflag:s18] =	ssyncset.done $0x0  }
0x24: {  	s9 =	simm.s32 $0x480;
	s8 =	rddreg [dreg:$0xe];
	[sflag:s18] =	ssyncadd.s32 $0xFFFFFD80  }
0x25: {  	[tilespmem:s9], [sflag:$0x3] =	stream.strided.gather [hbm4b:s8+s16], $0x280, s17, s16, $0x38;
	[tilespmem:$0x1C900] =	vst v63  }
0x26: {  	_ =	swait.ge [sflag:s18], $0x280  }
0x27: {  	[sflag:s18] =	ssyncset.done $0x0  }
0x28: {  	s11 =	simm.s32 $0x700;
	s10 =	rddreg [dreg:$0xf];
	[sflag:s18] =	ssyncadd.s32 $0xFFFFFD80  }
0x29: {  	[tilespmem:s11], [sflag:$0x3] =	stream.strided.gather [hbm4b:s10+s16], $0x200, s17, s16, $0x38;
	[tilespmem:$0x1C900] =	vst v63  }
0x2a: {  	_ =	swait.ge [sflag:s18], $0x200  }
0x2b: {  	[sflag:s18] =	ssyncset.done $0x0  }
0x2c: {  	[sflag:s18] =	ssyncadd.s32 $0xFFFFFE00  }
0x2d: {  	v5 =	vld [tilespmem:$0x680]  }
0x2e: {  	v6 =	vld [tilespmem:$0x200];
	_ =	sdelay $0x3  }
0x2f: {  	v5 =	vsel vm0, $0x0, v5  }
0x30: {  	(xrf0) =	vadd.scan.msk.s32 $0xffff, v5;
	v5 =	vnsel vm1, $0x0, v6  }
0x31: {  	(xrf0) =	vadd.scan.msk.s32 $0xffff, v5;
	_ =	sdelay $0x4  }
0x32: {  	v5, _, _ =	vpop (xrf0)  }
0x33: {  	(v2sf) =	vpush v5, $0xF;
	v5, _, _ =	vpop (xrf0)  }
0x34: {  	(v2sf) =	vpush v5, $0xF;
	_ =	sdelay $0xd  }
0x35: {  	s3 =	spop (v2sf)  }
0x36: {  	s12 =	spop (v2sf)  }
0x37: {  	s7 =	sshll.u32 s12, $0x7  }
0x38: {  	s7 =	sand.u32 $0x1FFFFF80, s7  }
0x39: {  	s7 =	sadd.s32 s1, s7  }
0x3a: {  	[tilespmem:s23], [sflag:$0x1] =	stream.strided.gather [hbm4b:s7+s17], $0x2000, s22, s17, $0x38;
	[tilespmem:$0x1C900] =	vst v63  }
0x3b: {  	v5 =	vld [tilespmem:$0x200];
	_ =	sdelay $0x4  }
0x3c: {  	v5 =	vsel vm0, $0x0, v5  }
0x3d: {  	(xrf0) =	vadd.scan.msk.s32 $0xffff, v5;
	_ =	sdelay $0x5  }
0x3e: {  	v5, _, _ =	vpop (xrf0)  }
0x3f: {  	(v2sf) =	vpush v5, $0xF;
	_ =	sdelay $0xe  }
0x40: {  	s13 =	spop (v2sf)  }
0x41: {  	s7 =	sshll.u32 s13, $0x7  }
0x42: {  	s7 =	sand.u32 $0x1FFFFF80, s7  }
0x43: {  	s8 =	simm.s32 $0x2900;
	s7 =	sadd.s32 s1, s7  }
0x44: {  	[tilespmem:s8], [sflag:$0x1] =	stream.strided.gather [hbm4b:s7+s17], $0x2000, s22, s17, $0x38;
	[tilespmem:$0x1C900] =	vst v63  }
0x45: {  	v5 =	vld [tilespmem:$0x200];
	_ =	sdelay $0x4  }
0x46: {  	v5 =	vsel vm2, $0x0, v5  }
0x47: {  	(xrf0) =	vadd.scan.msk.s32 $0xffff, v5;
	_ =	sdelay $0x5  }
0x48: {  	v5, _, _ =	vpop (xrf0)  }
0x49: {  	(v2sf) =	vpush v5, $0xF;
	_ =	sdelay $0xe  }
0x4a: {  	s19 =	spop (v2sf)  }
0x4b: {  	s7 =	sshll.u32 s19, $0x7  }
0x4c: {  	s7 =	sand.u32 $0x1FFFFF80, s7  }
0x4d: {  	s7 =	sadd.s32 s1, s7  }
0x4e: {  	[tilespmem:s25], [sflag:$0x1] =	stream.strided.gather [hbm4b:s7+s17], $0x2000, s22, s17, $0x38;
	[tilespmem:$0x1C900] =	vst v63  }
0x4f: {  	v5 =	vld [tilespmem:$0x200];
	_ =	sdelay $0x4  }
0x50: {  	v5 =	vsel vm3, $0x0, v5  }
0x51: {  	(xrf0) =	vadd.scan.msk.s32 $0xffff, v5;
	_ =	sdelay $0x5  }
0x52: {  	v5, _, _ =	vpop (xrf0)  }
0x53: {  	(v2sf) =	vpush v5, $0xF;
	_ =	sdelay $0xe  }
0x54: {  	s20 =	spop (v2sf)  }
0x55: {  	s7 =	sshll.u32 s20, $0x7  }
0x56: {  	s7 =	sand.u32 $0x1FFFFF80, s7  }
0x57: {  	s7 =	sadd.s32 s1, s7  }
0x58: {  	[tilespmem:s26], [sflag:$0x1] =	stream.strided.gather [hbm4b:s7+s17], $0x2000, s22, s17, $0x38;
	[tilespmem:$0x1C900] =	vst v63  }
0x59: {  	v5 =	vld [tilespmem:$0x200];
	_ =	sdelay $0x4  }
0x5a: {  	v5 =	vsel vm4, $0x0, v5  }
0x5b: {  	(xrf0) =	vadd.scan.msk.s32 $0xffff, v5;
	_ =	sdelay $0x5  }
0x5c: {  	v5, _, _ =	vpop (xrf0)  }
0x5d: {  	(v2sf) =	vpush v5, $0xF;
	_ =	sdelay $0xe  }
0x5e: {  	s21 =	spop (v2sf)  }
0x5f: {  	s7 =	sshll.u32 s21, $0x7  }
0x60: {  	s7 =	sand.u32 $0x1FFFFF80, s7  }
0x61: {  	s7 =	sadd.s32 s1, s7  }
0x62: {  	[tilespmem:s28], [sflag:$0x1] =	stream.strided.gather [hbm4b:s7+s17], $0x2000, s22, s17, $0x38;
	[tilespmem:$0x1C900] =	vst v63  }
0x63: {  	v5 =	vld [tilespmem:$0x200];
	_ =	sdelay $0x4  }
0x64: {  	v5 =	vsel vm5, $0x0, v5  }
0x65: {  	(xrf0) =	vadd.scan.msk.s32 $0xffff, v5;
	_ =	sdelay $0x5  }
0x66: {  	v5, _, _ =	vpop (xrf0)  }
0x67: {  	(v2sf) =	vpush v5, $0xF;
	_ =	sdelay $0xd  }
0x68: {  	p0 =	slt.s32 s3, $0x1  }
.Ltmp0:
0x69: {  	s24 =	spop (v2sf);
	(pc) =	sbr.rel @!p0 .LBB2_2-.Ltmp0, $4  }
0x6a: {  	s7 =	sshll.u32 s24, $0x7  }
0x6b: {  	s7 =	sand.u32 $0x1FFFFF80, s7  }
0x6c: {  	s20 =	simm.s32 $0x0;
	s7 =	sadd.s32 s1, s7  }
0x6d: {  	[tilespmem:s29], [sflag:$0x1] =	stream.strided.gather [hbm4b:s7+s17], $0x2000, s22, s17, $0x38;
	[tilespmem:$0x1C900] =	vst v63  }
.LBB2_11:
0x6e: {  	_ =	swait.ge [sflag:s30], $0x2000  }
0x6f: {  	[sflag:s30] =	ssyncset.done $0x0  }
0x70: {  	[sflag:s30] =	ssyncadd.s32 $0xFFFFE000  }
0x71: {  	_ =	swait.ge [sflag:s30], $0x2000  }
0x72: {  	[sflag:s30] =	ssyncset.done $0x0  }
0x73: {  	[sflag:s30] =	ssyncadd.s32 $0xFFFFE000  }
0x74: {  	_ =	swait.ge [sflag:s30], $0x2000  }
0x75: {  	[sflag:s30] =	ssyncset.done $0x0  }
0x76: {  	[sflag:s30] =	ssyncadd.s32 $0xFFFFE000  }
0x77: {  	_ =	swait.ge [sflag:s30], $0x2000  }
0x78: {  	[sflag:s30] =	ssyncset.done $0x0  }
0x79: {  	[sflag:s30] =	ssyncadd.s32 $0xFFFFE000  }
0x7a: {  	_ =	swait.ge [sflag:s30], $0x2000  }
0x7b: {  	[sflag:s30] =	ssyncset.done $0x0  }
0x7c: {  	[sflag:s30] =	ssyncadd.s32 $0xFFFFE000  }
0x7d: {  	_ =	swait.ge [sflag:s30], $0x2000  }
0x7e: {  	[sflag:s30] =	ssyncset.done $0x0  }
0x7f: {  	[sflag:s30] =	ssyncadd.s32 $0xFFFFE000  }
0x80: {  	_ =	swait.ge [sflag:s31], $0x80  }
0x81: {  	s3 =	simm.s32 $0x1FF;
	[sflag:s31] =	ssyncset.done $0x0  }
.LBB2_12:
0x82: {  	p0 =	sne.s32 s3, $0x1;
	s3 =	sadd.s32 $0xFFFFFFFF, s3;
	[sflag:s31] =	ssyncadd.s32 $0xFFFFFF80  }
.Ltmp1:
0x83: {  	(pc) =	sbr.rel @p0 .LBB2_12-.Ltmp1, $3  }
0x84: {  	_ =	sdelay $0x1  }
0x85: {  	_ =	swait.ge [sflag:s31], $0x80  }
0x86: {  	[sflag:s31] =	ssyncset.done $0x0  }
0x87: {  	[sflag:s31] =	ssyncadd.s32 $0xFFFFFF80;
	s19 =	simm.s32 $0x0;
	s3 =	rddreg [dreg:$0x10]  }
0x88: {  	[tilespmem:s19], [sflag:$0x3] =	stream.strided.gather [hbm4b:s3+s16], $0x200, s17, s16, $0x38;
	[tilespmem:$0x1C900] =	vst v63  }
0x89: {  	_ =	swait.ge [sflag:s18], $0x200  }
0x8a: {  	[sflag:s18] =	ssyncset.done $0x0  }
0x8b: {  	s7 =	simm.s32 $0x200;
	s24 =	rddreg [dreg:$0x11];
	[sflag:s18] =	ssyncadd.s32 $0xFFFFFE00  }
0x8c: {  	[tilespmem:s7], [sflag:$0x3] =	stream.strided.gather [hbm4b:s24+s16], $0x280, s17, s16, $0x38;
	[tilespmem:$0x1C900] =	vst v63  }
0x8d: {  	_ =	swait.ge [sflag:s18], $0x280  }
0x8e: {  	[sflag:s18] =	ssyncset.done $0x0  }
0x8f: {  	s9 =	simm.s32 $0x480;
	s8 =	rddreg [dreg:$0x12];
	[sflag:s18] =	ssyncadd.s32 $0xFFFFFD80  }
0x90: {  	[tilespmem:s9], [sflag:$0x3] =	stream.strided.gather [hbm4b:s8+s16], $0x280, s17, s16, $0x38;
	[tilespmem:$0x1C900] =	vst v63  }
0x91: {  	_ =	swait.ge [sflag:s18], $0x280  }
0x92: {  	[sflag:s18] =	ssyncset.done $0x0  }
0x93: {  	s10 =	simm.s32 $0x700;
	[sflag:s18] =	ssyncadd.s32 $0xFFFFFD80  }
0x94: {  	[tilespmem:s10], [sflag:$0x3] =	stream.strided.gather [hbm4b:s14+s16], $0x200, s17, s16, $0x38;
	[tilespmem:$0x1C900] =	vst v63  }
0x95: {  	_ =	swait.ge [sflag:s18], $0x200  }
0x96: {  	[sflag:s18] =	ssyncset.done $0x0  }
0x97: {  	[sflag:s18] =	ssyncadd.s32 $0xFFFFFE00  }
0x98: {  	v5 =	vld [tilespmem:$0x680]  }
0x99: {  	v6 =	vld [tilespmem:$0x200];
	_ =	sdelay $0x3  }
0x9a: {  	v5 =	vsel vm0, $0x0, v5  }
0x9b: {  	(xrf0) =	vadd.scan.msk.s32 $0xffff, v5;
	v5 =	vnsel vm1, $0x0, v6  }
0x9c: {  	(xrf0) =	vadd.scan.msk.s32 $0xffff, v5;
	_ =	sdelay $0x4  }
0x9d: {  	v5, _, _ =	vpop (xrf0)  }
0x9e: {  	(v2sf) =	vpush v5, $0xF;
	v5, _, _ =	vpop (xrf0)  }
0x9f: {  	(v2sf) =	vpush v5, $0xF;
	_ =	sdelay $0xd  }
0xa0: {  	s3 =	spop (v2sf)  }
0xa1: {  	s11 =	spop (v2sf)  }
0xa2: {  	s7 =	sshll.u32 s11, $0x7  }
0xa3: {  	s7 =	sand.u32 $0x1FFFFF80, s7  }
0xa4: {  	s7 =	sadd.s32 s2, s7  }
0xa5: {  	[tilespmem:s23], [sflag:$0x1] =	stream.strided.gather [hbm4b:s7+s17], $0x2000, s22, s17, $0x38;
	[tilespmem:$0x1C900] =	vst v63  }
0xa6: {  	v5 =	vld [tilespmem:$0x200];
	_ =	sdelay $0x4  }
0xa7: {  	v5 =	vsel vm0, $0x0, v5  }
0xa8: {  	(xrf0) =	vadd.scan.msk.s32 $0xffff, v5;
	_ =	sdelay $0x5  }
0xa9: {  	v5, _, _ =	vpop (xrf0)  }
0xaa: {  	(v2sf) =	vpush v5, $0xF;
	_ =	sdelay $0xe  }
0xab: {  	s12 =	spop (v2sf)  }
0xac: {  	s7 =	sshll.u32 s12, $0x7  }
0xad: {  	s7 =	sand.u32 $0x1FFFFF80, s7  }
0xae: {  	s8 =	simm.s32 $0x2900;
	s7 =	sadd.s32 s2, s7  }
0xaf: {  	[tilespmem:s8], [sflag:$0x1] =	stream.strided.gather [hbm4b:s7+s17], $0x2000, s22, s17, $0x38;
	[tilespmem:$0x1C900] =	vst v63  }
0xb0: {  	v5 =	vld [tilespmem:$0x200];
	_ =	sdelay $0x4  }
0xb1: {  	v5 =	vsel vm2, $0x0, v5  }
0xb2: {  	(xrf0) =	vadd.scan.msk.s32 $0xffff, v5;
	_ =	sdelay $0x5  }
0xb3: {  	v5, _, _ =	vpop (xrf0)  }
0xb4: {  	(v2sf) =	vpush v5, $0xF;
	_ =	sdelay $0xe  }
0xb5: {  	s13 =	spop (v2sf)  }
0xb6: {  	s7 =	sshll.u32 s13, $0x7  }
0xb7: {  	s7 =	sand.u32 $0x1FFFFF80, s7  }
0xb8: {  	s7 =	sadd.s32 s2, s7  }
0xb9: {  	[tilespmem:s25], [sflag:$0x1] =	stream.strided.gather [hbm4b:s7+s17], $0x2000, s22, s17, $0x38;
	[tilespmem:$0x1C900] =	vst v63  }
0xba: {  	v5 =	vld [tilespmem:$0x200];
	_ =	sdelay $0x4  }
0xbb: {  	v5 =	vsel vm3, $0x0, v5  }
0xbc: {  	(xrf0) =	vadd.scan.msk.s32 $0xffff, v5;
	_ =	sdelay $0x5  }
0xbd: {  	v5, _, _ =	vpop (xrf0)  }
0xbe: {  	(v2sf) =	vpush v5, $0xF;
	_ =	sdelay $0xe  }
0xbf: {  	s20 =	spop (v2sf)  }
0xc0: {  	s7 =	sshll.u32 s20, $0x7  }
0xc1: {  	s7 =	sand.u32 $0x1FFFFF80, s7  }
0xc2: {  	s7 =	sadd.s32 s2, s7  }
0xc3: {  	[tilespmem:s26], [sflag:$0x1] =	stream.strided.gather [hbm4b:s7+s17], $0x2000, s22, s17, $0x38;
	[tilespmem:$0x1C900] =	vst v63  }
0xc4: {  	v5 =	vld [tilespmem:$0x200];
	_ =	sdelay $0x4  }
0xc5: {  	v5 =	vsel vm4, $0x0, v5  }
0xc6: {  	(xrf0) =	vadd.scan.msk.s32 $0xffff, v5;
	_ =	sdelay $0x5  }
0xc7: {  	v5, _, _ =	vpop (xrf0)  }
0xc8: {  	(v2sf) =	vpush v5, $0xF;
	_ =	sdelay $0xe  }
0xc9: {  	s21 =	spop (v2sf)  }
0xca: {  	s7 =	sshll.u32 s21, $0x7  }
0xcb: {  	s7 =	sand.u32 $0x1FFFFF80, s7  }
0xcc: {  	s7 =	sadd.s32 s2, s7  }
0xcd: {  	[tilespmem:s28], [sflag:$0x1] =	stream.strided.gather [hbm4b:s7+s17], $0x2000, s22, s17, $0x38;
	[tilespmem:$0x1C900] =	vst v63  }
0xce: {  	v5 =	vld [tilespmem:$0x200];
	_ =	sdelay $0x4  }
0xcf: {  	v5 =	vsel vm5, $0x0, v5  }
0xd0: {  	(xrf0) =	vadd.scan.msk.s32 $0xffff, v5;
	_ =	sdelay $0x5  }
0xd1: {  	v5, _, _ =	vpop (xrf0)  }
0xd2: {  	(v2sf) =	vpush v5, $0xF;
	_ =	sdelay $0xd  }
0xd3: {  	p0 =	slt.s32 s3, $0x1  }
.Ltmp2:
0xd4: {  	s24 =	spop (v2sf);
	(pc) =	sbr.rel @!p0 .LBB2_14-.Ltmp2, $4  }
0xd5: {  	s7 =	sshll.u32 s24, $0x7  }
0xd6: {  	s7 =	sand.u32 $0x1FFFFF80, s7  }
0xd7: {  	s7 =	sadd.s32 s2, s7  }
0xd8: {  	[tilespmem:s29], [sflag:$0x1] =	stream.strided.gather [hbm4b:s7+s17], $0x2000, s22, s17, $0x38;
	[tilespmem:$0x1C900] =	vst v63  }
.LBB2_23:
0xd9: {  	_ =	swait.ge [sflag:s30], $0x2000  }
0xda: {  	[sflag:s30] =	ssyncset.done $0x0  }
0xdb: {  	[sflag:s30] =	ssyncadd.s32 $0xFFFFE000  }
0xdc: {  	_ =	swait.ge [sflag:s30], $0x2000  }
0xdd: {  	[sflag:s30] =	ssyncset.done $0x0  }
0xde: {  	[sflag:s30] =	ssyncadd.s32 $0xFFFFE000  }
0xdf: {  	_ =	swait.ge [sflag:s30], $0x2000  }
0xe0: {  	[sflag:s30] =	ssyncset.done $0x0  }
0xe1: {  	[sflag:s30] =	ssyncadd.s32 $0xFFFFE000  }
0xe2: {  	_ =	swait.ge [sflag:s30], $0x2000  }
0xe3: {  	[sflag:s30] =	ssyncset.done $0x0  }
0xe4: {  	[sflag:s30] =	ssyncadd.s32 $0xFFFFE000  }
0xe5: {  	_ =	swait.ge [sflag:s30], $0x2000  }
0xe6: {  	[sflag:s30] =	ssyncset.done $0x0  }
0xe7: {  	[sflag:s30] =	ssyncadd.s32 $0xFFFFE000  }
0xe8: {  	_ =	swait.ge [sflag:s30], $0x2000  }
0xe9: {  	[sflag:s30] =	ssyncset.done $0x0  }
0xea: {  	[sflag:s30] =	ssyncadd.s32 $0xFFFFE000  }
0xeb: {  	_ =	swait.ge [sflag:s31], $0x80  }
0xec: {  	s3 =	simm.s32 $0x1FF;
	[sflag:s31] =	ssyncset.done $0x0  }
.LBB2_24:
0xed: {  	p0 =	sne.s32 s3, $0x1;
	s3 =	sadd.s32 $0xFFFFFFFF, s3;
	[sflag:s31] =	ssyncadd.s32 $0xFFFFFF80  }
.Ltmp3:
0xee: {  	(pc) =	sbr.rel @p0 .LBB2_24-.Ltmp3, $3  }
0xef: {  	_ =	sdelay $0x1  }
0xf0: {  	_ =	swait.ge [sflag:s31], $0x80  }
0xf1: {  	[sflag:s31] =	ssyncset.done $0x0  }
0xf2: {  	s0 =	sadd.s32 $0x1, s0  }
0xf3: {  	p0 =	sne.s32 s0, s15  }
.Ltmp4:
0xf4: {  	_ = 	snop;
	(pc) =	sbr.rel @p0 .LBB2_1-.Ltmp4, $4  }
.Ltmp5:
0xf5: {  	_ = 	snop;
	(pc) =	sbr.rel @!p0 .LBB2_26-.Ltmp5, $4  }
0xf6: {  	_ = 	snop  }
0xf7: {  	_ = 	snop  }
0xf8: {  	[sflag:s31] =	ssyncadd.s32 $0xFFFFFF80  }
0xf9: {  	_ = 	snop  }
.LBB2_4:
0xfa: {  	_ = 	snop  }
.LBB2_9:
0xfb: {  	s7 =	sshll.u32 s12, $0x4;
	s9 =	sadd.s32 @p0 s5, s24  }
0xfc: {  	[hbm4b:s9+s4] =	stream.linear.scatter @p0 [tilespmem:s8], [sflag:$0x2], $0x80, $0x38;
	[tilespmem:$0x1C900] =	vst v63  }
0xfd: {  	v9 =	vld [tilespmem:s7+$0x0];
	_ =	sdelay $0x1  }
0xfe: {  	s13 =	ssub.s32 s10, s7  }
0xff: {  	v10 =	vmov s13  }
0x100: {  	vm6 =	veq.s32 v10, v0  }
0x101: {  	v9 =	vnsel vm6, $0x0, v9  }
0x102: {  	(xrf0) =	vadd.scan.msk.s32 $0xffff, v9;
	_ =	sdelay $0x5  }
0x103: {  	v9, _, _ =	vpop (xrf0)  }
0x104: {  	v9 =	vbroadcast v9, $0xF;
	_ =	sdelay $0x1  }
0x105: {  	v63 =	vand.u32 $0xFFFFFF80, v9  }
0x106: {  	v9 =	vand.u32 $0x7F, v9;
	v7 =	vadd.s32 v63, v7  }
0x107: {  	v7 =	vor.u32 v9, v7;
	_ =	sdelay $0x4  }
0x108: {  	v8 =	vadd.s32 v63, v8;
	v7 =	vld.idx.msk [tilespmem:v7+s23+$0x0], $0xffff  }
0x109: {  	v8 =	vor.u32 v9, v8;
	_ =	sdelay $0x3  }
0x10a: {  	[tilespmem:s11+$0x0] =	vst v7  }
0x10b: {  	v6 =	vadd.s32 v63, v6;
	v7 =	vld.idx.msk [tilespmem:v8+s23+$0x0], $0xffff  }
0x10c: {  	v6 =	vor.u32 v9, v6;
	_ =	sdelay $0x3  }
0x10d: {  	[tilespmem:s11+$0x10] =	vst v7  }
0x10e: {  	v5 =	vadd.s32 v63, v5;
	v6 =	vld.idx.msk [tilespmem:v6+s23+$0x0], $0xffff  }
0x10f: {  	v5 =	vor.u32 v9, v5;
	_ =	sdelay $0x3  }
0x110: {  	[tilespmem:s11+$0x20] =	vst v6  }
0x111: {  	v5 =	vld.idx.msk [tilespmem:v5+s23+$0x0], $0xffff;
	_ =	sdelay $0x4  }
0x112: {  	[tilespmem:s11+$0x30] =	vst v5  }
0x113: {  	v5 =	vld [tilespmem:s7+$0x700];
	_ =	sdelay $0x4  }
0x114: {  	v5 =	vnsel vm6, $0x0, v5  }
0x115: {  	(xrf0) =	vadd.scan.msk.s32 $0xffff, v5;
	_ =	sdelay $0x5  }
0x116: {  	v5, _, _ =	vpop (xrf0)  }
0x117: {  	(v2sf) =	vpush v5, $0xF;
	_ =	sdelay $0xe  }
0x118: {  	s24 =	spop (v2sf)  }
0x119: {  	s7 =	sshll.u32 s24, $0x4  }
0x11a: {  	s7 =	sand.u32 $0x1FFFFFF0, s7  }
0x11b: {  	s7 =	sadd.s32 s5, s7  }
0x11c: {  	[hbm4b:s7+s4] =	stream.linear.scatter [tilespmem:s11], [sflag:$0x2], $0x80, $0x38;
	[tilespmem:$0x1C900] =	vst v63  }
.LBB2_10:
0x11d: {  	s7 =	sadd.s32 $0x6, s20  }
0x11e: {  	s8 =	sand.u32 $0xF, s7  }
0x11f: {  	s9 =	sshra.s32 s7, $0x1F;
	p0 =	slt.s32 s7, $0x1;
	p1 =	sne.s32 s8, $0x0  }
0x120: {  	s13 =	sshrl.u32 s9, $0x1C;
	p0 =	por !p0, !p1  }
0x121: {  	s9 =	simm.s32 $0x1;
	s8 =	sadd.s32 s13, s7;
	p0 =	por !p0, !p0  }
0x122: {  	s8 =	sshrl.u32 s8, $0x4;
	s9 =	simm.s32 @!p0 $0x0  }
0x123: {  	s8 =	ssub.s32 s8, s9  }
0x124: {  	s8 =	sshll.u32 s8, $0x4  }
0x125: {  	v5 =	vld [tilespmem:s8+$0x200];
	_ =	sdelay $0x1  }
0x126: {  	s7 =	ssub.s32 s7, s8  }
0x127: {  	v6 =	vmov s7  }
0x128: {  	vm6 =	veq.s32 v6, v0  }
0x129: {  	v5 =	vnsel vm6, $0x0, v5  }
0x12a: {  	(xrf0) =	vadd.scan.msk.s32 $0xffff, v5;
	_ =	sdelay $0x5  }
0x12b: {  	v5, _, _ =	vpop (xrf0)  }
0x12c: {  	(v2sf) =	vpush v5, $0xF;
	_ =	sdelay $0xd  }
0x12d: {  	p0 =	sne.s32 s19, s3  }
.Ltmp6:
0x12e: {  	s20 =	spop (v2sf);
	(pc) =	sbr.rel @!p0 .LBB2_11-.Ltmp6, $4  }
0x12f: {  	s7 =	sshll.u32 s20, $0x7  }
0x130: {  	s24 =	sand.u32 $0x3FFFE000, s21;
	s7 =	sand.u32 $0x1FFFFF80, s7  }
0x131: {  	s8 =	sor.u32 $0x900, s24;
	s20 =	smov.u32 s19;
	s7 =	sadd.s32 s1, s7  }
0x132: {  	[tilespmem:s8], [sflag:$0x1] =	stream.strided.gather [hbm4b:s7+s17], $0x2000, s22, s17, $0x38;
	[tilespmem:$0x1C900] =	vst v63  }
.LBB2_2:
0x133: {  	_ =	swait.ge [sflag:s30], $0x2000  }
0x134: {  	[sflag:s30] =	ssyncset.done $0x0  }
0x135: {  	s7 =	sand.u32 $0x7FFFFFF0, s20;
	s19 =	sadd.s32 $0x1, s20;
	[sflag:s30] =	ssyncadd.s32 $0xFFFFE000  }
0x136: {  	s12 =	sand.u32 $0x7FFFFFF0, s19;
	v5 =	vld [tilespmem:s7+$0x480]  }
0x137: {  	v6 =	vld [tilespmem:s12+$0x480]  }
0x138: {  	s13 =	sand.u32 $0xF, s20  }
0x139: {  	v7 =	vmov s13;
	s21 =	sand.u32 $0xF, s19  }
0x13a: {  	vm6 =	veq.s32 v7, v0;
	v7 =	vmov s21  }
0x13b: {  	v5 =	vnsel vm6, $0x0, v5;
	vm6 =	veq.s32 v7, v0  }
0x13c: {  	(xrf0) =	vadd.scan.msk.s32 $0xffff, v5;
	v5 =	vnsel vm6, $0x0, v6  }
0x13d: {  	(xrf0) =	vadd.scan.msk.s32 $0xffff, v5;
	_ =	sdelay $0x4  }
0x13e: {  	v5, _, _ =	vpop (xrf0)  }
0x13f: {  	(v2sf) =	vpush v5, $0xF;
	v5, _, _ =	vpop (xrf0)  }
0x140: {  	(v2sf) =	vpush v5, $0xF;
	_ =	sdelay $0xd  }
0x141: {  	s10 =	spop (v2sf)  }
0x142: {  	s24 =	smulhi.u32 $0xAAAAAAAB, s20;
	s8 =	spop (v2sf)  }
0x143: {  	p0 =	sge.s32 s10, s8  }
.Ltmp7:
0x144: {  	s7 =	sshrl.u32 s24, $0x2;
	(pc) =	sbr.rel @p0 .LBB2_10-.Ltmp7, $3  }
0x145: {  	s7 =	smul.u32 $0x6, s7;
	_ =	sdelay $0x1  }
0x146: {  	s7 =	ssub.s32 s20, s7  }
0x147: {  	s21 =	sshll.u32 s7, $0xD  }
0x148: {  	s9 =	sand.u32 $0xF, s10  }
0x149: {  	p0 =	slt.s32 s10, $0x1;
	p1 =	sne.s32 s9, $0x0;
	s9 =	sadd.s32 $0x1, s10  }
0x14a: {  	p0 =	por !p0, !p1;
	p1 =	sne.s32 s8, s9  }
.Ltmp8:
0x14b: {  	s11 =	sshra.s32 s10, $0x1F;
	(pc) =	sbr.rel @!p1 .LBB2_4-.Ltmp8, $4  }
0x14c: {  	s7 =	sshll.u32 s10, $0x9;
	s11 =	sshrl.u32 s11, $0x1C  }
0x14d: {  	s12 =	simm.s32 $0x1;
	s11 =	sadd.s32 s11, s10;
	p0 =	por !p0, !p0  }
0x14e: {  	v7 =	vor.u32 s21, v1;
	s7 =	sshra.s32 s7, $0x2;
	s24 =	sshrl.u32 s11, $0x4;
	s12 =	simm.s32 @!p0 $0x0  }
0x14f: {  	v8 =	vor.u32 s21, v2;
	v6 =	vor.u32 s21, v3;
	v5 =	vor.u32 s21, v4;
	s11 =	sadd.s32 $0xC900, s7;
	p0 =	por $0x0, $0x0;
	s12 =	ssub.s32 s24, s12  }
0x150: {  	s7 =	sshll.u32 s12, $0x4  }
0x151: {  	v9 =	vld [tilespmem:s7+$0x0];
	_ =	sdelay $0x1  }
0x152: {  	s10 =	ssub.s32 s10, s7  }
0x153: {  	v10 =	vmov s10  }
0x154: {  	vm6 =	veq.s32 v10, v0  }
0x155: {  	v9 =	vnsel vm6, $0x0, v9  }
0x156: {  	(xrf0) =	vadd.scan.msk.s32 $0xffff, v9;
	_ =	sdelay $0x5  }
0x157: {  	v9, _, _ =	vpop (xrf0)  }
0x158: {  	v9 =	vbroadcast v9, $0xF;
	_ =	sdelay $0x1  }
0x159: {  	v10 =	vand.u32 $0xFFFFFF80, v9  }
0x15a: {  	v9 =	vand.u32 $0x7F, v9;
	v11 =	vadd.s32 v10, v7  }
0x15b: {  	v11 =	vor.u32 v9, v11;
	_ =	sdelay $0x4  }
0x15c: {  	v12 =	vadd.s32 v10, v8;
	v11 =	vld.idx.msk [tilespmem:v11+s23+$0x0], $0xffff  }
0x15d: {  	v12 =	vor.u32 v9, v12;
	_ =	sdelay $0x3  }
0x15e: {  	[tilespmem:s11+$0x0] =	vst v11  }
0x15f: {  	v11 =	vadd.s32 v10, v6;
	v12 =	vld.idx.msk [tilespmem:v12+s23+$0x0], $0xffff  }
0x160: {  	v11 =	vor.u32 v9, v11;
	_ =	sdelay $0x3  }
0x161: {  	[tilespmem:s11+$0x10] =	vst v12  }
0x162: {  	v10 =	vadd.s32 v10, v5;
	v11 =	vld.idx.msk [tilespmem:v11+s23+$0x0], $0xffff  }
0x163: {  	v9 =	vor.u32 v9, v10;
	_ =	sdelay $0x3  }
0x164: {  	[tilespmem:s11+$0x20] =	vst v11  }
0x165: {  	v9 =	vld.idx.msk [tilespmem:v9+s23+$0x0], $0xffff;
	_ =	sdelay $0x4  }
0x166: {  	[tilespmem:s11+$0x30] =	vst v9  }
0x167: {  	v9 =	vld [tilespmem:s7+$0x700];
	_ =	sdelay $0x4  }
0x168: {  	v9 =	vnsel vm6, $0x0, v9  }
0x169: {  	(xrf0) =	vadd.scan.msk.s32 $0xffff, v9;
	_ =	sdelay $0x5  }
0x16a: {  	v9, _, _ =	vpop (xrf0)  }
0x16b: {  	(v2sf) =	vpush v9, $0xF;
	_ =	sdelay $0x9  }
0x16c: {  	s12 =	sand.u32 $0xF, s9  }
0x16d: {  	p0 =	slt.s32 s9, $0x1;
	p1 =	sne.s32 s12, $0x0;
	s10 =	sadd.s32 $0x1, s9  }
0x16e: {  	p0 =	por !p0, !p1;
	p1 =	sne.s32 s8, s10  }
.Ltmp9:
0x16f: {  	s13 =	sshra.s32 s9, $0x1F;
	(pc) =	sbr.rel @!p1 .LBB2_6-.Ltmp9, $4  }
0x170: {  	s24 =	sshrl.u32 s13, $0x1C;
	s12 =	simm.s32 $0x1;
	p0 =	por !p0, !p0  }
0x171: {  	s12 =	simm.s32 @!p0 $0x0;
	s7 =	sadd.s32 s24, s9;
	s24 =	spop (v2sf)  }
0x172: {  	p0 =	por $0x1, $0x1;
	s7 =	sshrl.u32 s7, $0x4;
	s24 =	sshll.u32 s24, $0x4  }
0x173: {  	s12 =	ssub.s32 s7, s12;
	s7 =	sadd.s32 $0x80, s11;
	s24 =	sand.u32 $0x1FFFFFF0, s24  }
.LBB2_7:
0x174: {  	s12 =	sshll.u32 s12, $0x4  }
0x175: {  	s24 =	sadd.s32 s5, s24;
	s13 =	smov.u32 s10;
	s10 =	sadd.s32 $0x1, s10  }
0x176: {  	[hbm4b:s24+s4] =	stream.linear.scatter [tilespmem:s11], [sflag:$0x2], $0x80, $0x38;
	[tilespmem:$0x1C900] =	vst v63  }
0x177: {  	p1 =	sne.s32 s8, s10;
	s11 =	ssub.s32 s9, s12;
	s9 =	smov.u32 s13;
	v9 =	vld [tilespmem:s12+$0x0]  }
0x178: {  	v10 =	vmov s11;
	s11 =	smov.u32 s7;
	_ =	sdelay $0x2  }
0x179: {  	vm6 =	veq.s32 v10, v0  }
0x17a: {  	v9 =	vnsel vm6, $0x0, v9  }
0x17b: {  	(xrf0) =	vadd.scan.msk.s32 $0xffff, v9;
	_ =	sdelay $0x5  }
0x17c: {  	v9, _, _ =	vpop (xrf0)  }
0x17d: {  	v9 =	vbroadcast v9, $0xF;
	_ =	sdelay $0x1  }
0x17e: {  	v10 =	vand.u32 $0xFFFFFF80, v9  }
0x17f: {  	v9 =	vand.u32 $0x7F, v9;
	v11 =	vadd.s32 v10, v7;
	v12 =	vadd.s32 v10, v8  }
0x180: {  	v13 =	vadd.s32 v10, v6;
	v11 =	vor.u32 v9, v11;
	v12 =	vor.u32 v9, v12  }
0x181: {  	v10 =	vadd.s32 v10, v5;
	v13 =	vor.u32 v9, v13  }
0x182: {  	v9 =	vor.u32 v9, v10;
	_ =	sdelay $0x2  }
0x183: {  	v10 =	vld.idx.msk [tilespmem:v11+s23+$0x0], $0xffff;
	_ =	sdelay $0x5  }
0x184: {  	[tilespmem:s7+$0x0] =	vst v10  }
0x185: {  	v10 =	vld.idx.msk [tilespmem:v12+s23+$0x0], $0xffff;
	_ =	sdelay $0x5  }
0x186: {  	[tilespmem:s7+$0x10] =	vst v10  }
0x187: {  	v10 =	vld.idx.msk [tilespmem:v13+s23+$0x0], $0xffff;
	_ =	sdelay $0x5  }
0x188: {  	[tilespmem:s7+$0x20] =	vst v10  }
0x189: {  	v9 =	vld.idx.msk [tilespmem:v9+s23+$0x0], $0xffff;
	_ =	sdelay $0x5  }
0x18a: {  	[tilespmem:s7+$0x30] =	vst v9  }
0x18b: {  	v9 =	vld [tilespmem:s12+$0x700];
	_ =	sdelay $0x4  }
0x18c: {  	v9 =	vnsel vm6, $0x0, v9  }
0x18d: {  	(xrf0) =	vadd.scan.msk.s32 $0xffff, v9;
	_ =	sdelay $0x5  }
0x18e: {  	v9, _, _ =	vpop (xrf0)  }
0x18f: {  	(v2sf) =	vpush v9, $0xF;
	_ =	sdelay $0xb  }
0x190: {  	s13 =	sand.u32 $0xF, s9;
	s12 =	sshra.s32 s9, $0x1F  }
.Ltmp10:
0x191: {  	p2 =	slt.s32 s9, $0x1;
	p3 =	sne.s32 s13, $0x0;
	(pc) =	sbr.rel @p1 .LBB2_7-.Ltmp10, $4  }
0x192: {  	s24 =	simm.s32 $0x1;
	p2 =	por !p2, !p3;
	s12 =	sshrl.u32 s12, $0x1C  }
0x193: {  	p2 =	por !p2, !p2;
	s12 =	sadd.s32 s12, s9;
	s13 =	spop (v2sf)  }
0x194: {  	s24 =	simm.s32 @!p2 $0x0;
	s12 =	sshrl.u32 s12, $0x4;
	s13 =	sshll.u32 s13, $0x4  }
0x195: {  	s7 =	sadd.s32 $0x80, s7;
	s12 =	ssub.s32 s12, s24;
	s24 =	sand.u32 $0x1FFFFFF0, s13  }
.Ltmp11:
0x196: {  	(pc) =	sbr.rel .LBB2_9-.Ltmp11, $2  }
0x197: {  	_ =	sdelay $0x2  }
0x198: {  	s8 =	smov.u32 s11;
	s10 =	smov.u32 s9;
	s11 =	smov.u32 s7  }
.LBB2_6:
.Ltmp12:
0x199: {  	(pc) =	sbr.rel .LBB2_9-.Ltmp12, $2  }
0x19a: {  	_ =	sdelay $0x2  }
0x19b: {  	s8 =	smov.u32 s11;
	s10 =	smov.u32 s9;
	s11 =	smov.u32 s7  }
.LBB2_16:
0x19c: {  	_ = 	snop  }
.LBB2_21:
0x19d: {  	s9 =	sshll.u32 s12, $0x4;
	s11 =	sadd.s32 @p0 s6, s24  }
0x19e: {  	[hbm4b:s11+s4] =	stream.linear.scatter @p0 [tilespmem:s8], [sflag:$0x2], $0x80, $0x38;
	[tilespmem:$0x1C900] =	vst v63  }
0x19f: {  	v9 =	vld [tilespmem:s9+$0x0];
	_ =	sdelay $0x1  }
0x1a0: {  	s13 =	ssub.s32 s10, s9  }
0x1a1: {  	v10 =	vmov s13  }
0x1a2: {  	vm6 =	veq.s32 v10, v0  }
0x1a3: {  	v9 =	vnsel vm6, $0x0, v9  }
0x1a4: {  	(xrf0) =	vadd.scan.msk.s32 $0xffff, v9;
	_ =	sdelay $0x5  }
0x1a5: {  	v9, _, _ =	vpop (xrf0)  }
0x1a6: {  	v9 =	vbroadcast v9, $0xF;
	_ =	sdelay $0x1  }
0x1a7: {  	v63 =	vand.u32 $0xFFFFFF80, v9  }
0x1a8: {  	v9 =	vand.u32 $0x7F, v9;
	v7 =	vadd.s32 v63, v7  }
0x1a9: {  	v7 =	vor.u32 v9, v7;
	_ =	sdelay $0x4  }
0x1aa: {  	v8 =	vadd.s32 v63, v8;
	v7 =	vld.idx.msk [tilespmem:v7+s23+$0x0], $0xffff  }
0x1ab: {  	v8 =	vor.u32 v9, v8;
	_ =	sdelay $0x3  }
0x1ac: {  	[tilespmem:s7+$0x0] =	vst v7  }
0x1ad: {  	v6 =	vadd.s32 v63, v6;
	v7 =	vld.idx.msk [tilespmem:v8+s23+$0x0], $0xffff  }
0x1ae: {  	v6 =	vor.u32 v9, v6;
	_ =	sdelay $0x3  }
0x1af: {  	[tilespmem:s7+$0x10] =	vst v7  }
0x1b0: {  	v5 =	vadd.s32 v63, v5;
	v6 =	vld.idx.msk [tilespmem:v6+s23+$0x0], $0xffff  }
0x1b1: {  	v5 =	vor.u32 v9, v5;
	_ =	sdelay $0x3  }
0x1b2: {  	[tilespmem:s7+$0x20] =	vst v6  }
0x1b3: {  	v5 =	vld.idx.msk [tilespmem:v5+s23+$0x0], $0xffff;
	_ =	sdelay $0x4  }
0x1b4: {  	[tilespmem:s7+$0x30] =	vst v5  }
0x1b5: {  	v5 =	vld [tilespmem:s9+$0x700];
	_ =	sdelay $0x4  }
0x1b6: {  	v5 =	vnsel vm6, $0x0, v5  }
0x1b7: {  	(xrf0) =	vadd.scan.msk.s32 $0xffff, v5;
	_ =	sdelay $0x5  }
0x1b8: {  	v5, _, _ =	vpop (xrf0)  }
0x1b9: {  	(v2sf) =	vpush v5, $0xF;
	_ =	sdelay $0xe  }
0x1ba: {  	s24 =	spop (v2sf)  }
0x1bb: {  	s8 =	sshll.u32 s24, $0x4  }
0x1bc: {  	s8 =	sand.u32 $0x1FFFFFF0, s8  }
0x1bd: {  	s8 =	sadd.s32 s6, s8  }
0x1be: {  	[hbm4b:s8+s4] =	stream.linear.scatter [tilespmem:s7], [sflag:$0x2], $0x80, $0x38;
	[tilespmem:$0x1C900] =	vst v63  }
.LBB2_22:
0x1bf: {  	s7 =	sadd.s32 $0x6, s19  }
0x1c0: {  	s8 =	sand.u32 $0xF, s7  }
0x1c1: {  	s9 =	sshra.s32 s7, $0x1F;
	p0 =	slt.s32 s7, $0x1;
	p1 =	sne.s32 s8, $0x0  }
0x1c2: {  	s13 =	sshrl.u32 s9, $0x1C;
	p0 =	por !p0, !p1  }
0x1c3: {  	s9 =	simm.s32 $0x1;
	s8 =	sadd.s32 s13, s7;
	p0 =	por !p0, !p0  }
0x1c4: {  	s8 =	sshrl.u32 s8, $0x4;
	s9 =	simm.s32 @!p0 $0x0  }
0x1c5: {  	s8 =	ssub.s32 s8, s9  }
0x1c6: {  	s8 =	sshll.u32 s8, $0x4  }
0x1c7: {  	v5 =	vld [tilespmem:s8+$0x200];
	_ =	sdelay $0x1  }
0x1c8: {  	s7 =	ssub.s32 s7, s8  }
0x1c9: {  	v6 =	vmov s7  }
0x1ca: {  	vm6 =	veq.s32 v6, v0  }
0x1cb: {  	v5 =	vnsel vm6, $0x0, v5  }
0x1cc: {  	(xrf0) =	vadd.scan.msk.s32 $0xffff, v5;
	_ =	sdelay $0x5  }
0x1cd: {  	v5, _, _ =	vpop (xrf0)  }
0x1ce: {  	(v2sf) =	vpush v5, $0xF;
	_ =	sdelay $0xd  }
0x1cf: {  	p0 =	sne.s32 s20, s3  }
.Ltmp13:
0x1d0: {  	s19 =	spop (v2sf);
	(pc) =	sbr.rel @!p0 .LBB2_23-.Ltmp13, $4  }
0x1d1: {  	s7 =	sshll.u32 s19, $0x7  }
0x1d2: {  	s24 =	sand.u32 $0x3FFFE000, s21;
	s7 =	sand.u32 $0x1FFFFF80, s7  }
0x1d3: {  	s8 =	sor.u32 $0x900, s24;
	s19 =	smov.u32 s20;
	s7 =	sadd.s32 s2, s7  }
0x1d4: {  	[tilespmem:s8], [sflag:$0x1] =	stream.strided.gather [hbm4b:s7+s17], $0x2000, s22, s17, $0x38;
	[tilespmem:$0x1C900] =	vst v63  }
.LBB2_14:
0x1d5: {  	_ =	swait.ge [sflag:s30], $0x2000  }
0x1d6: {  	[sflag:s30] =	ssyncset.done $0x0  }
0x1d7: {  	s7 =	sand.u32 $0x7FFFFFF0, s19;
	s20 =	sadd.s32 $0x1, s19;
	[sflag:s30] =	ssyncadd.s32 $0xFFFFE000  }
0x1d8: {  	s12 =	sand.u32 $0x7FFFFFF0, s20;
	v5 =	vld [tilespmem:s7+$0x480]  }
0x1d9: {  	v6 =	vld [tilespmem:s12+$0x480]  }
0x1da: {  	s13 =	sand.u32 $0xF, s19  }
0x1db: {  	v7 =	vmov s13;
	s21 =	sand.u32 $0xF, s20  }
0x1dc: {  	vm6 =	veq.s32 v7, v0;
	v7 =	vmov s21  }
0x1dd: {  	v5 =	vnsel vm6, $0x0, v5;
	vm6 =	veq.s32 v7, v0  }
0x1de: {  	(xrf0) =	vadd.scan.msk.s32 $0xffff, v5;
	v5 =	vnsel vm6, $0x0, v6  }
0x1df: {  	(xrf0) =	vadd.scan.msk.s32 $0xffff, v5;
	_ =	sdelay $0x4  }
0x1e0: {  	v5, _, _ =	vpop (xrf0)  }
0x1e1: {  	(v2sf) =	vpush v5, $0xF;
	v5, _, _ =	vpop (xrf0)  }
0x1e2: {  	(v2sf) =	vpush v5, $0xF;
	_ =	sdelay $0xd  }
0x1e3: {  	s10 =	spop (v2sf)  }
0x1e4: {  	s24 =	smulhi.u32 $0xAAAAAAAB, s19;
	s8 =	spop (v2sf)  }
0x1e5: {  	p0 =	sge.s32 s10, s8  }
.Ltmp14:
0x1e6: {  	s7 =	sshrl.u32 s24, $0x2;
	(pc) =	sbr.rel @p0 .LBB2_22-.Ltmp14, $3  }
0x1e7: {  	s7 =	smul.u32 $0x6, s7;
	_ =	sdelay $0x1  }
0x1e8: {  	s7 =	ssub.s32 s19, s7  }
0x1e9: {  	s21 =	sshll.u32 s7, $0xD  }
0x1ea: {  	s9 =	sand.u32 $0xF, s10  }
0x1eb: {  	p0 =	slt.s32 s10, $0x1;
	p1 =	sne.s32 s9, $0x0;
	s9 =	sadd.s32 $0x1, s10  }
0x1ec: {  	p0 =	por !p0, !p1;
	p1 =	sne.s32 s8, s9  }
.Ltmp15:
0x1ed: {  	s11 =	sshra.s32 s10, $0x1F;
	(pc) =	sbr.rel @!p1 .LBB2_16-.Ltmp15, $4  }
0x1ee: {  	s7 =	sshll.u32 s10, $0x9;
	s11 =	sshrl.u32 s11, $0x1C  }
0x1ef: {  	s12 =	simm.s32 $0x1;
	s11 =	sadd.s32 s11, s10;
	p0 =	por !p0, !p0  }
0x1f0: {  	v7 =	vor.u32 s21, v1;
	s7 =	sshra.s32 s7, $0x2;
	s11 =	sshrl.u32 s11, $0x4;
	s12 =	simm.s32 @!p0 $0x0  }
0x1f1: {  	v8 =	vor.u32 s21, v2;
	v6 =	vor.u32 s21, v3;
	v5 =	vor.u32 s21, v4;
	s7 =	sadd.s32 $0xC900, s7;
	p0 =	por $0x0, $0x0;
	s12 =	ssub.s32 s11, s12  }
0x1f2: {  	s11 =	sshll.u32 s12, $0x4  }
0x1f3: {  	v9 =	vld [tilespmem:s11+$0x0];
	_ =	sdelay $0x1  }
0x1f4: {  	s10 =	ssub.s32 s10, s11  }
0x1f5: {  	v10 =	vmov s10  }
0x1f6: {  	vm6 =	veq.s32 v10, v0  }
0x1f7: {  	v9 =	vnsel vm6, $0x0, v9  }
0x1f8: {  	(xrf0) =	vadd.scan.msk.s32 $0xffff, v9;
	_ =	sdelay $0x5  }
0x1f9: {  	v9, _, _ =	vpop (xrf0)  }
0x1fa: {  	v9 =	vbroadcast v9, $0xF;
	_ =	sdelay $0x1  }
0x1fb: {  	v10 =	vand.u32 $0xFFFFFF80, v9  }
0x1fc: {  	v9 =	vand.u32 $0x7F, v9;
	v11 =	vadd.s32 v10, v7  }
0x1fd: {  	v11 =	vor.u32 v9, v11;
	_ =	sdelay $0x4  }
0x1fe: {  	v12 =	vadd.s32 v10, v8;
	v11 =	vld.idx.msk [tilespmem:v11+s23+$0x0], $0xffff  }
0x1ff: {  	v12 =	vor.u32 v9, v12;
	_ =	sdelay $0x3  }
0x200: {  	[tilespmem:s7+$0x0] =	vst v11  }
0x201: {  	v11 =	vadd.s32 v10, v6;
	v12 =	vld.idx.msk [tilespmem:v12+s23+$0x0], $0xffff  }
0x202: {  	v11 =	vor.u32 v9, v11;
	_ =	sdelay $0x3  }
0x203: {  	[tilespmem:s7+$0x10] =	vst v12  }
0x204: {  	v10 =	vadd.s32 v10, v5;
	v11 =	vld.idx.msk [tilespmem:v11+s23+$0x0], $0xffff  }
0x205: {  	v9 =	vor.u32 v9, v10;
	_ =	sdelay $0x3  }
0x206: {  	[tilespmem:s7+$0x20] =	vst v11  }
0x207: {  	v9 =	vld.idx.msk [tilespmem:v9+s23+$0x0], $0xffff;
	_ =	sdelay $0x4  }
0x208: {  	[tilespmem:s7+$0x30] =	vst v9  }
0x209: {  	v9 =	vld [tilespmem:s11+$0x700];
	_ =	sdelay $0x4  }
0x20a: {  	v9 =	vnsel vm6, $0x0, v9  }
0x20b: {  	(xrf0) =	vadd.scan.msk.s32 $0xffff, v9;
	_ =	sdelay $0x5  }
0x20c: {  	v9, _, _ =	vpop (xrf0)  }
0x20d: {  	(v2sf) =	vpush v9, $0xF;
	_ =	sdelay $0x9  }
0x20e: {  	s13 =	sand.u32 $0xF, s9  }
0x20f: {  	p0 =	slt.s32 s9, $0x1;
	p1 =	sne.s32 s13, $0x0;
	s10 =	sadd.s32 $0x1, s9  }
0x210: {  	p0 =	por !p0, !p1;
	p1 =	sne.s32 s8, s10  }
.Ltmp16:
0x211: {  	s24 =	sshra.s32 s9, $0x1F;
	(pc) =	sbr.rel @!p1 .LBB2_18-.Ltmp16, $4  }
0x212: {  	s12 =	simm.s32 $0x1;
	p0 =	por !p0, !p0;
	s11 =	sshrl.u32 s24, $0x1C  }
0x213: {  	s12 =	simm.s32 @!p0 $0x0;
	s11 =	sadd.s32 s11, s9;
	s13 =	spop (v2sf)  }
0x214: {  	p0 =	por $0x1, $0x1;
	s11 =	sshrl.u32 s11, $0x4;
	s13 =	sshll.u32 s13, $0x4  }
0x215: {  	s12 =	ssub.s32 s11, s12;
	s11 =	sadd.s32 $0x80, s7;
	s24 =	sand.u32 $0x1FFFFFF0, s13  }
.LBB2_19:
0x216: {  	s12 =	sshll.u32 s12, $0x4  }
0x217: {  	s13 =	sadd.s32 s6, s24;
	s24 =	smov.u32 s10;
	s10 =	sadd.s32 $0x1, s10  }
0x218: {  	[hbm4b:s13+s4] =	stream.linear.scatter [tilespmem:s7], [sflag:$0x2], $0x80, $0x38;
	[tilespmem:$0x1C900] =	vst v63  }
0x219: {  	p1 =	sne.s32 s8, s10;
	s7 =	ssub.s32 s9, s12;
	s9 =	smov.u32 s24;
	v9 =	vld [tilespmem:s12+$0x0]  }
0x21a: {  	v10 =	vmov s7;
	s7 =	smov.u32 s11;
	_ =	sdelay $0x2  }
0x21b: {  	vm6 =	veq.s32 v10, v0  }
0x21c: {  	v9 =	vnsel vm6, $0x0, v9  }
0x21d: {  	(xrf0) =	vadd.scan.msk.s32 $0xffff, v9;
	_ =	sdelay $0x5  }
0x21e: {  	v9, _, _ =	vpop (xrf0)  }
0x21f: {  	v9 =	vbroadcast v9, $0xF;
	_ =	sdelay $0x1  }
0x220: {  	v10 =	vand.u32 $0xFFFFFF80, v9  }
0x221: {  	v9 =	vand.u32 $0x7F, v9;
	v11 =	vadd.s32 v10, v7;
	v12 =	vadd.s32 v10, v8  }
0x222: {  	v13 =	vadd.s32 v10, v6;
	v11 =	vor.u32 v9, v11;
	v12 =	vor.u32 v9, v12  }
0x223: {  	v10 =	vadd.s32 v10, v5;
	v13 =	vor.u32 v9, v13  }
0x224: {  	v9 =	vor.u32 v9, v10;
	_ =	sdelay $0x2  }
0x225: {  	v10 =	vld.idx.msk [tilespmem:v11+s23+$0x0], $0xffff;
	_ =	sdelay $0x5  }
0x226: {  	[tilespmem:s11+$0x0] =	vst v10  }
0x227: {  	v10 =	vld.idx.msk [tilespmem:v12+s23+$0x0], $0xffff;
	_ =	sdelay $0x5  }
0x228: {  	[tilespmem:s11+$0x10] =	vst v10  }
0x229: {  	v10 =	vld.idx.msk [tilespmem:v13+s23+$0x0], $0xffff;
	_ =	sdelay $0x5  }
0x22a: {  	[tilespmem:s11+$0x20] =	vst v10  }
0x22b: {  	v9 =	vld.idx.msk [tilespmem:v9+s23+$0x0], $0xffff;
	_ =	sdelay $0x5  }
0x22c: {  	[tilespmem:s11+$0x30] =	vst v9  }
0x22d: {  	v9 =	vld [tilespmem:s12+$0x700];
	_ =	sdelay $0x4  }
0x22e: {  	v9 =	vnsel vm6, $0x0, v9  }
0x22f: {  	(xrf0) =	vadd.scan.msk.s32 $0xffff, v9;
	_ =	sdelay $0x5  }
0x230: {  	v9, _, _ =	vpop (xrf0)  }
0x231: {  	(v2sf) =	vpush v9, $0xF;
	_ =	sdelay $0xb  }
0x232: {  	s13 =	sand.u32 $0xF, s9;
	s12 =	sshra.s32 s9, $0x1F  }
.Ltmp17:
0x233: {  	p2 =	slt.s32 s9, $0x1;
	p3 =	sne.s32 s13, $0x0;
	(pc) =	sbr.rel @p1 .LBB2_19-.Ltmp17, $4  }
0x234: {  	s24 =	simm.s32 $0x1;
	p2 =	por !p2, !p3;
	s12 =	sshrl.u32 s12, $0x1C  }
0x235: {  	p2 =	por !p2, !p2;
	s12 =	sadd.s32 s12, s9;
	s13 =	spop (v2sf)  }
0x236: {  	s24 =	simm.s32 @!p2 $0x0;
	s12 =	sshrl.u32 s12, $0x4;
	s13 =	sshll.u32 s13, $0x4  }
0x237: {  	s11 =	sadd.s32 $0x80, s11;
	s12 =	ssub.s32 s12, s24;
	s24 =	sand.u32 $0x1FFFFFF0, s13  }
.Ltmp18:
0x238: {  	(pc) =	sbr.rel .LBB2_21-.Ltmp18, $2  }
0x239: {  	_ =	sdelay $0x2  }
0x23a: {  	s8 =	smov.u32 s7;
	s10 =	smov.u32 s9;
	s7 =	smov.u32 s11  }
.LBB2_18:
.Ltmp19:
0x23b: {  	(pc) =	sbr.rel .LBB2_21-.Ltmp19, $2  }
0x23c: {  	_ =	sdelay $0x2  }
0x23d: {  	s8 =	smov.u32 s7;
	s10 =	smov.u32 s9;
	s7 =	smov.u32 s11  }
.LBB2_26:
0x23e: {  	_ =	sfence.sel $0x180000  }
0x23f: {  	[bflag:$0x0] =	sbarrier.arrive $0xFFFF  }
0x240: {  	_ =	strace $0x90000047  }
0x241: {  	s0 =	stileid.u32;
	[bflag:$0x2] =	sbarrier.arrive $0xFFFF  }
0x242: {  	p0 =	sne.s32 s0, $0x0;
	s0 =	rddreg [dreg:$0xb]  }
0x243: {  	s0 =	sadd.s32 @!p0 $0x100000, s0  }
0x244: {  	[sflag:s0] =	ssyncadd.tile.s32 @!p0 $0x1;
	_ =	shalt  }
.Lfunc_end2:
_tile_overlayer_lowered:
.L_overlay_start_2:
0x245: {  	(tag) =	ssettag $0x2  }
0x246: {  	s0 =	rddreg [dreg:$0x0];
	s2 =	stileid.u32  }
0x247: {  	s1 =	rddreg [dreg:$0x1];
	p0 =	sne.s32 s2, $0x0  }
0x248: {  	s3 =	rddreg [dreg:$0x2];
	[bflag:$0x3] =	sbarrier.arrive $0xFFFF;
	s2 =	simm.s32 @!p0 $0x1C03  }
0x249: {  	[timem:s3], [sflag:s2] =	dma.local @!p0 [hbm:s0], s1  }
0x24a: {  	s0 =	simm.s32 @!p0 $0x3  }
0x24b: {  	_ =	swait.ge @!p0 [sflag:s0], s1  }
0x24c: {  	s1 =	ssub.s32 @!p0 $0x0, s1;
	[sflag:s0] =	ssyncset.done @!p0 $0x0  }
0x24d: {  	[sflag:s0] =	ssyncadd.s32 @!p0 s1  }
0x24e: {  	[bflag:$0x3] =	sbarrier.arrive $0xFFFF  }
0x24f: {  	_ =	shalt  }

// kernel: _run.7.cloned.1.call-start
scs
__scs_entry_jumppad:
0x0: {  	(pc) =	sbr.rel $0x88, $3  }
0x1: {  	(tag) =	ssettag $0x0;
	lr =	simm.s32 $0x1  }
0x2: {  	[smem:$0x3F97] =	sst lr;
	_ =	strace $0xD0000000  }
0x3: {  	_ = 	snop  }
0x4: {  	_ = 	snop  }
0x5: {  	_ = 	snop  }
0x6: {  	_ = 	snop  }
0x7: {  	_ = 	snop  }
__scs_overlays_trampoline_lowered:
0x8: {  	[smem:$0x3FA6] =	sst s0  }
0x9: {  	[smem:$0x3FA7] =	sst s1  }
0xa: {  	[smem:$0x3FA8] =	sst s2  }
0xb: {  	[smem:$0x3FA9] =	sst s3  }
0xc: {  	[smem:$0x3FAA] =	sst s4  }
0xd: {  	[smem:$0x3FAB] =	sst s5  }
0xe: {  	[smem:$0x3FAC] =	sst s6  }
0xf: {  	[smem:$0x3FAD] =	sst s7  }
0x10: {  	[smem:$0x3FAE] =	sst s8  }
0x11: {  	[smem:$0x3FAF] =	sst s9;
	s0 =	simm.s32 @!p0 $0x0  }
0x12: {  	s1 =	sld [smem:$0x3F95];
	s0 =	simm.s32 @p0 $0x1  }
0x13: {  	[smem:$0x3FB0] =	sst s0;
	s0 =	simm.s32 @!p1 $0x0  }
0x14: {  	s2 =	sld [smem:$0x3F94];
	s0 =	simm.s32 @p1 $0x1  }
0x15: {  	[smem:$0x3FB1] =	sst s0;
	s0 =	simm.s32 @!p2 $0x0  }
0x16: {  	s3 =	sld [smem:$0x3FDB];
	s0 =	simm.s32 @p2 $0x1  }
0x17: {  	s4 =	simm.s32 $0x1BF5;
	[smem:$0x3FB3] =	sst s0  }
0x18: {  	s0 =	sld [smem:$0x3F96];
	_ =	swait.ge [sflag:s4], $0x0  }
0x19: {  	s7 =	sld [smem:$0x3F97]  }
0x1a: {  	s8 =	sadd.s32 $0xFFFFE003, lr  }
0x1b: {  	s9 =	sadd.s32 $0xFFFFFEF7, lr;
	s5 =	simm.s32 $0xFFFFFFFF;
	p2 =	slt.u32 s8, $0xFFFFF086  }
0x1c: {  	p1 =	slt.u32 s9, $0xF7A;
	s5 =	simm.s32 @!p2 $0x0  }
0x1d: {  	s5 =	simm.s32 @p1 $0x1;
	p0 =	seq.s32 s7, s2  }
0x1e: {  	s7 =	smul.u32 @!p0 $0xF7A, s2;
	p2 =	seq.s32 @!p0 s5, $0x0  }
0x1f: {  	s9 =	smul.u32 $0xF7A, s1;
	s8 =	simm.s32 @!p0 $0x1BF5;
	p2 =	por !p2, p0  }
0x20: {  	[sflag:s8] =	ssyncset.s32 @!p0 $0xFFFFF086;
	s6 =	sadd.s32 @!p0 s3, s7;
	s7 =	simm.s32 @!p0 $0x108  }
0x21: {  	s3 =	sadd.s32 s3, s9;
	s6 =	sadd.s32 @!p0 $0x88, s6;
	s7 =	simm.s32 @p2 $0x1082  }
0x22: {  	[simem:s7], [sflag:s8] =	dma.local @!p0 [hbm:s6], $0xF7A  }
0x23: {  	s9 =	sor.u32 $0xD0000000, s2;
	s6 =	simm.s32 $0x108;
	_ =	swait.ge @!p0 [sflag:s8], $0x0  }
0x24: {  	s3 =	sadd.s32 $0x88, s3;
	s6 =	simm.s32 @!p1 $0x1082;
	[sflag:s4] =	ssyncset.s32 $0xFFFFF086  }
0x25: {  	[simem:s6], [sflag:s4] =	dma.local [hbm:s3], $0xF7A  }
0x26: {  	[smem:$0x3F97] =	sst s1;
	(tag) =	ssettag s2;
	_ =	strace s9  }
0x27: {  	s1 =	sld [smem:$0x3FA7]  }
0x28: {  	s2 =	sld [smem:$0x3FA8]  }
0x29: {  	s4 =	sld [smem:$0x3FAA]  }
0x2a: {  	p0 =	seq.s32 s5, $0x0;
	s5 =	sld [smem:$0x3FAB]  }
0x2b: {  	s6 =	sld [smem:$0x3FAC]  }
0x2c: {  	s7 =	sld [smem:$0x3FAD]  }
0x2d: {  	s3 =	simm.s32 $0x108;
	s8 =	sld [smem:$0x3FAE]  }
0x2e: {  	s3 =	simm.s32 @!p0 $0x1082;
	s9 =	sld [smem:$0x3FAF]  }
0x2f: {  	lr =	sadd.s32 s0, s3;
	s0 =	sld [smem:$0x3FA6]  }
0x30: {  	s3 =	sld [smem:$0x3FA9]  }
0x31: {  	[smem:$0x3FB2] =	sst s10  }
0x32: {  	s10 =	sld [smem:$0x3FB0];
	_ =	sdelay $0x3  }
0x33: {  	p0 =	seq.s32 s10, $0x1;
	s10 =	sld [smem:$0x3FB2];
	_ =	sdelay $0x3  }
0x34: {  	[smem:$0x3FB2] =	sst s10  }
0x35: {  	s10 =	sld [smem:$0x3FB1];
	_ =	sdelay $0x3  }
0x36: {  	p1 =	seq.s32 s10, $0x1;
	s10 =	sld [smem:$0x3FB2];
	_ =	sdelay $0x3  }
0x37: {  	[smem:$0x3FB2] =	sst s10  }
0x38: {  	s10 =	sld [smem:$0x3FB3]  }
0x39: {  	_ = 	snop;
	(pc) =	sbr.ind lr, $3  }
0x3a: {  	_ = 	snop  }
0x3b: {  	_ = 	snop  }
0x3c: {  	p2 =	seq.s32 s10, $0x1;
	s10 =	sld [smem:$0x3FB2]  }
0x3d: {  	_ =	shalt  }
0x3e: {  	_ =	shalt  }
0x3f: {  	_ =	shalt  }
0x40: {  	_ =	shalt  }
0x41: {  	_ =	shalt  }
0x42: {  	_ =	shalt  }
0x43: {  	_ =	shalt  }
0x44: {  	_ =	shalt  }
0x45: {  	_ =	shalt  }
0x46: {  	_ =	shalt  }
0x47: {  	_ =	shalt  }
0x48: {  	_ =	shalt  }
0x49: {  	_ =	shalt  }
0x4a: {  	_ =	shalt  }
0x4b: {  	_ =	shalt  }
0x4c: {  	_ =	shalt  }
0x4d: {  	_ =	shalt  }
0x4e: {  	_ =	shalt  }
0x4f: {  	_ =	shalt  }
0x50: {  	_ =	shalt  }
0x51: {  	_ =	shalt  }
0x52: {  	_ =	shalt  }
0x53: {  	_ =	shalt  }
0x54: {  	_ =	shalt  }
0x55: {  	_ =	shalt  }
0x56: {  	_ =	shalt  }
0x57: {  	_ =	shalt  }
0x58: {  	_ =	shalt  }
0x59: {  	_ =	shalt  }
0x5a: {  	_ =	shalt  }
0x5b: {  	_ =	shalt  }
0x5c: {  	_ =	shalt  }
0x5d: {  	_ =	shalt  }
0x5e: {  	_ =	shalt  }
0x5f: {  	_ =	shalt  }
0x60: {  	_ =	shalt  }
0x61: {  	_ =	shalt  }
0x62: {  	_ =	shalt  }
0x63: {  	_ =	shalt  }
0x64: {  	_ =	shalt  }
0x65: {  	_ =	shalt  }
0x66: {  	_ =	shalt  }
0x67: {  	_ =	shalt  }
0x68: {  	_ =	shalt  }
0x69: {  	_ =	shalt  }
0x6a: {  	_ =	shalt  }
0x6b: {  	_ =	shalt  }
0x6c: {  	_ =	shalt  }
0x6d: {  	_ =	shalt  }
0x6e: {  	_ =	shalt  }
0x6f: {  	_ =	shalt  }
0x70: {  	_ =	shalt  }
0x71: {  	_ =	shalt  }
0x72: {  	_ =	shalt  }
0x73: {  	_ =	shalt  }
0x74: {  	_ =	shalt  }
0x75: {  	_ =	shalt  }
0x76: {  	_ =	shalt  }
0x77: {  	_ =	shalt  }
0x78: {  	_ =	shalt  }
0x79: {  	_ =	shalt  }
0x7a: {  	_ =	shalt  }
0x7b: {  	_ =	shalt  }
0x7c: {  	_ =	shalt  }
0x7d: {  	_ =	shalt  }
0x7e: {  	_ =	shalt  }
0x7f: {  	_ =	shalt  }
0x80: {  	_ =	shalt  }
0x81: {  	_ =	shalt  }
0x82: {  	_ =	shalt  }
0x83: {  	_ =	shalt  }
0x84: {  	_ =	shalt  }
0x85: {  	_ =	shalt  }
0x86: {  	_ =	shalt  }
0x87: {  	_ =	shalt  }
.Lfunc_end0:
.L_simem_size_0:
called_computation.1_lowered:
.L_overlay_start_0:
0x88: {  	s2 =	sld [smem:$0x3FD9]  }
0x89: {  	s3 =	sld [smem:$0x3FFE];
	_ =	sdelay $0x1  }
0x8a: {  	s1 =	srdreg.scid  }
0x8b: {  	s0 =	sand.u32 $0x1, s1  }
0x8c: {  	s17 =	sshll.u32 s0, $0xA;
	s2 =	sadd.s32 s3, s2  }
0x8d: {  	s2 =	sadd.s32 s2, s17  }
0x8e: {  	[smem:$0x3FBE] =	sst s2  }
0x8f: {  	_ = 	snop  }
0x90: {  	s2 =	sld [smem:$0x3FD0];
	(tm) =	ssettm $0x1  }
0x91: {  	s18 =	sld [smem:$0x3FFB];
	_ =	sdelay $0x3  }
0x92: {  	_ =	strace s18  }
0x93: {  	s3 =	sld [smem:$0x3FFC];
	_ =	sdelay $0x3  }
0x94: {  	_ =	strace s3  }
0x95: {  	s3 =	sld [smem:$0x3FFD];
	_ =	sdelay $0x3  }
0x96: {  	_ =	strace s3  }
0x97: {  	_ =	strace $0x8FFFFFFF  }
0x98: {  	s19 =	sld [smem:$0x3FDB];
	_ =	sdelay $0x1  }
0x99: {  	s4 =	simm.s32 $_scs_section_size  }
0x9a: {  	s5 =	simm.s32 $_size__tile_overlayer_lowered;
	s6 =	simm.s32 $_tile_overlayer_lowered  }
0x9b: {  	s22 =	simm.s32 $0x1BFF;
	s21 =	sshll.u32 s6, $0x1;
	s3 =	sadd.s32 s4, s19  }
0x9c: {  	s7 =	simm.s32 $0x0;
	s20 =	sshll.u32 s5, $0x1;
	s5 =	sadd.s32 s21, s3  }
0x9d: {  	[timem:s7], [sflag:s22] =	dma.local [hbm:s5], s20  }
0x9e: {  	_ =	swait.ge [sflag:s22], s20  }
0x9f: {  	s4 =	ssub.s32 $0x0, s20;
	[sflag:s22] =	ssyncset.done $0x0  }
0xa0: {  	[sflag:s22] =	ssyncadd.s32 s4;
	_ =	sdelay $0x1  }
0xa1: {  	s23 =	simm.s32 $0x1B8B  }
0xa2: {  	_ =	swait.ge [sflag:s23], $0x1  }
0xa3: {  	[sflag:s23] =	ssyncset.done $0x0  }
0xa4: {  	s25 =	simm.s32 $0x1B8E;
	s24 =	sld [smem:$0x3FFE];
	[sflag:s23] =	ssyncadd.s32 $0xFFFFFFFF  }
0xa5: {  	s26 =	simm.s32 $execute0_lowered;
	[smem:$0x3FD2] =	sst s25  }
0xa6: {  	s5 =	sshll.u32 s26, $0x1;
	_ =	strace $0x80000049;
	[dreg:$0x1] =	wrdreg $0xFFFFFFFF  }
0xa7: {  	s28 =	simm.s32 $_size_execute0_lowered;
	s3 =	sadd.s32 s3, s5;
	[dreg:$0x0] =	wrdreg $0x0  }
0xa8: {  	s5 =	sshll.u32 s28, $0x1;
	[dreg:$0x2] =	wrdreg s3  }
0xa9: {  	[dreg:$0x3] =	wrdreg s5  }
0xaa: {  	[dreg:$0x4] =	wrdreg $0xC0  }
0xab: {  	_ =	task [dreg:s7], $0x5FFFF  }
0xac: {  	[dreg:$0x1] =	wrdreg $0xFFFFFFFF  }
0xad: {  	[dreg:$0x0] =	wrdreg $0x60  }
0xae: {  	[dreg:$0x2] =	wrdreg s24  }
0xaf: {  	[dreg:$0x3] =	wrdreg s2  }
0xb0: {  	[dreg:$0x4] =	wrdreg $0x9  }
0xb1: {  	_ =	task.clear_ibuf [dreg:s7], $0x5FFFF;
	_ =	strace $0x90000049  }
0xb2: {  	s29 =	simm.s32 $0x9;
	_ =	strace $0x8000004B  }
0xb3: {  	_ =	swait.ge [sflag:s29], $0x1  }
0xb4: {  	[sflag:s29] =	ssyncadd.s32 $0xFFFFFFFF  }
0xb5: {  	_ =	strace $0x9000004B  }
0xb6: {  	_ =	sfence  }
0xb7: {  	s30 =	sld [smem:$0x0];
	_ =	sdelay $0x2  }
0xb8: {  	s31 =	sshll.u32 s1, $0xD;
	s1 =	sshrl.u32 s1, $0x2  }
0xb9: {  	s3 =	sand.u32 $0x4000, s31;
	s1 =	sadd.s32 s1, s30  }
0xba: {  	s0 =	sor.u32 s3, s0;
	s1 =	sshll.u32 s1, $0x11  }
0xbb: {  	s0 =	sor.u32 s1, s0  }
0xbc: {  	s0 =	sadd.s32 $0x8F2B, s0  }
0xbd: {  	[sflag:s0] =	ssyncadd.remote.s32 $0x1  }
0xbe: {  	_ =	sfence.sel $0xFFFF  }
0xbf: {  	[dreg:$0x0] =	wrdreg $0xFFFFFFFF;
	(pc) =	sbr.abs _section_cstart, $3  }
0xc0: {  	[dreg:$0x1] =	wrdreg $0xFFFFFFFF  }
0xc1: {  	_ =	task.clear_ibuf [dreg:s7], $0x2FFFF;
	_ =	strace $0x9FFFFFFF  }
0xc2: {  	(tm) =	ssettm $0x7FFFFFFF  }
0xc3: {  	_ =	shalt  }
tec
execute0_lowered:
.L_overlay_start_1:
0x0: {  	(tag) =	ssettag $0x1  }
0x1: {  	v0 =	vimm.s32 $0xEFCDAB89;
	v1 =	vimm.s32 $0x67452301  }
0x2: {  	v2 =	vimm.s32 $0xDCFE98BA;
	v3 =	vimm.s32 $0x54761032;
	v4 =	vimm.s32 $0xBA98FEDC  }
0x3: {  	v5 =	vimm.s32 $0x32107654;
	v6 =	vimm.s32 $0xFEDCBA98;
	v7 =	vimm.s32 $0x76543210  }
0x4: {  	vm0 =	vmmov $0x1;
	vm1 =	vmmov $0x3;
	vm2 =	vmmov $0x7  }
0x5: {  	vm3 =	vmmov $0xf;
	vm4 =	vmmov $0x1f;
	vm5 =	vmmov $0x3f  }
0x6: {  	s4 =	rddreg [dreg:$0x0];
	vm6 =	vmmov $0x7f;
	vm7 =	vmmov $0xff;
	vm8 =	vmmov $0x1ff  }
0x7: {  	s5 =	rddreg [dreg:$0x1];
	vm9 =	vmmov $0x3ff;
	vm10 =	vmmov $0x7ff;
	vm11 =	vmmov $0xfff  }
0x8: {  	s0 =	rddreg [dreg:$0x2];
	s1 =	simm.s32 $0x0;
	s2 =	srdreg.scid;
	vm12 =	vmmov $0x1fff;
	v0 =	vunpack.c.l.s4.s8 v0;
	v1 =	vunpack.c.l.s4.s8 v1  }
0x9: {  	s11 =	simm.s32 $0x10000;
	s12 =	simm.s32 $0x2;
	s13 =	simm.s32 $0x0;
	v2 =	vunpack.c.l.s4.s8 v2;
	v3 =	vunpack.c.l.s4.s8 v3;
	v4 =	vunpack.c.l.s4.s8 v4  }
0xa: {  	v5 =	vunpack.c.l.s4.s8 v5;
	v6 =	vunpack.c.l.s4.s8 v6;
	v7 =	vunpack.c.l.s4.s8 v7;
	[smem:$0x7FF] =	sst s1;
	s6 =	sand.u32 $0x1, s2;
	s3 =	sadd.s32 $0xC00, s4  }
0xb: {  	s2 =	stileid.u32;
	s4 =	sadd.s32 $0x40C00, s4;
	_ =	strace $0x8000004A;
	v0 =	vunpack.c.0.s8.s32 v0;
	v1 =	vunpack.c.0.s8.s32 v1;
	v2 =	vunpack.c.0.s8.s32 v2  }
0xc: {  	s7 =	ssub.s32 $0x2, s6;
	s9 =	sshll.u32 s2, $0xA;
	s10 =	sshll.u32 s6, $0x9;
	v3 =	vunpack.c.0.s8.s32 v3;
	v4 =	vunpack.c.0.s8.s32 v4;
	v5 =	vunpack.c.0.s8.s32 v5  }
0xd: {  	vm13 =	vmmov $0x3fff;
	s30 =	sshll.u32 s2, $0xE;
	s8 =	sshrl.u32 s7, $0x1;
	s29 =	sor.u32 s10, s9;
	v0 =	vcombine.low v1, v0;
	v1 =	vunpack.c.0.s8.s32 v6  }
0xe: {  	s31 =	sshll.u32 s6, $0xD;
	s7 =	ssub.s32 s7, s8;
	s8 =	sshrl.u32 s29, $0x3;
	v2 =	vcombine.low v3, v2;
	v3 =	vcombine.low v5, v4;
	v4 =	vunpack.c.0.s8.s32 v7  }
0xf: {  	vm14 =	vmmov $0x7fff;
	s9 =	simm.s32 $0x400;
	s10 =	simm.s32 $0x1;
	s5 =	sadd.s32 s5, s8;
	v0 =	vand.u32 $0xF, v0;
	v5 =	vand.u32 $0xF, v1  }
0x10: {  	s6 =	smax.u32 s7, $0x1;
	s7 =	sor.u32 s31, s30;
	s8 =	simm.s32 $0x80;
	v1 =	vand.u32 $0xF, v2;
	v2 =	vand.u32 $0xF, v3;
	v3 =	vcombine.low v5, v4  }
.LBB2_1:
0x11: {  	s14 =	sadd.s32 $0x0, s7  }
0x12: {  	s15 =	sand.u32 $0x70, s1;
	s14 =	sand.u32 $0x3FF80, s14  }
0x13: {  	s14 =	sor.u32 s15, s14  }
0x14: {  	s15 =	sadd.s32 s3, s14  }
0x15: {  	[tilespmem:s1], [sflag:$0x1] =	stream.strided.gather [hbm4b:s15+s8], $0x0, s9, s8, $0x38;
	[tilespmem:$0x10200] =	vst v63  }
0x16: {  	s29 =	simm.s32 $0x40  }
0x17: {  	[tilespmem:s1], [sflag:$0x1] =	stream.linear.gather [hbm4b:s15+s1], $0x40, $0x38;
	[tilespmem:$0x10200] =	vst v63  }
0x18: {  	s16 =	simm.s32 $0x10;
	s17 =	sadd.s32 $0x10, s7;
	s14 =	sadd.s32 s4, s14  }
0x19: {  	[tilespmem:s29], [sflag:$0x1] =	stream.strided.gather [hbm4b:s14+s8], $0x0, s9, s8, $0x38;
	[tilespmem:$0x10200] =	vst v63  }
0x1a: {  	s30 =	sand.u32 $0x3FF80, s17;
	s31 =	sand.u32 $0x70, s16  }
0x1b: {  	[tilespmem:s29], [sflag:$0x1] =	stream.linear.gather [hbm4b:s14+s1], $0x40, $0x38;
	[tilespmem:$0x10200] =	vst v63  }
0x1c: {  	s16 =	sor.u32 s31, s30;
	s15 =	simm.s32 $0x20;
	s14 =	simm.s32 $0x0  }
.LBB2_2:
0x1d: {  	p0 =	sne.s32 s15, $0x1FF0;
	s17 =	sadd.s32 s3, s16;
	s14 =	sadd.s32 $0x80, s14  }
0x1e: {  	[tilespmem:s14], [sflag:$0x1] =	stream.strided.gather [hbm4b:s17+s8], $0x0, s9, s8, $0x38;
	[tilespmem:$0x10200] =	vst v63  }
0x1f: {  	s16 =	sadd.s32 s4, s16  }
0x20: {  	[tilespmem:s14], [sflag:$0x1] =	stream.linear.gather [hbm4b:s17+s1], $0x40, $0x38;
	[tilespmem:$0x10200] =	vst v63  }
.Ltmp0:
0x21: {  	s18 =	sadd.s32 $0x40, s14;
	s17 =	sadd.s32 s15, s7;
	(pc) =	sbr.rel @p0 .LBB2_2-.Ltmp0, $4  }
0x22: {  	[tilespmem:s18], [sflag:$0x1] =	stream.strided.gather [hbm4b:s16+s8], $0x0, s9, s8, $0x38;
	[tilespmem:$0x10200] =	vst v63  }
0x23: {  	s19 =	sand.u32 $0x70, s15;
	s17 =	sand.u32 $0x3FF80, s17  }
0x24: {  	[tilespmem:s18], [sflag:$0x1] =	stream.linear.gather [hbm4b:s16+s1], $0x40, $0x38;
	[tilespmem:$0x10200] =	vst v63  }
0x25: {  	s15 =	sadd.s32 $0x10, s15;
	s16 =	sor.u32 s19, s17  }
0x26: {  	s15 =	sadd.s32 s3, s16;
	s14 =	sadd.s32 $0x80, s14  }
0x27: {  	[tilespmem:s14], [sflag:$0x1] =	stream.strided.gather [hbm4b:s15+s8], $0x0, s9, s8, $0x38;
	[tilespmem:$0x10200] =	vst v63  }
0x28: {  	_ = 	snop  }
0x29: {  	[tilespmem:s14], [sflag:$0x1] =	stream.linear.gather [hbm4b:s15+s1], $0x40, $0x38;
	[tilespmem:$0x10200] =	vst v63  }
0x2a: {  	s31 =	sadd.s32 s4, s16;
	s14 =	sadd.s32 $0x40, s14  }
0x2b: {  	[tilespmem:s14], [sflag:$0x1] =	stream.strided.gather [hbm4b:s31+s8], $0x0, s9, s8, $0x38;
	[tilespmem:$0x10200] =	vst v63  }
0x2c: {  	_ = 	snop  }
0x2d: {  	[tilespmem:s14], [sflag:$0x1] =	stream.linear.gather [hbm4b:s31+s1], $0x40, $0x38;
	[tilespmem:$0x10200] =	vst v63  }
0x2e: {  	_ =	swait.ge [sflag:s10], $0x40  }
0x2f: {  	[sflag:s10] =	ssyncset.done $0x0  }
0x30: {  	[sflag:s10] =	ssyncadd.s32 $0xFFFFFFC0  }
0x31: {  	_ =	swait.ge [sflag:s10], $0x40  }
0x32: {  	s14 =	simm.s32 $0x1FF;
	[sflag:s10] =	ssyncset.done $0x0  }
.LBB2_4:
0x33: {  	p0 =	sne.s32 s14, $0x1;
	s14 =	sadd.s32 $0xFFFFFFFF, s14;
	[sflag:s10] =	ssyncadd.s32 $0xFFFFFFC0  }
.Ltmp1:
0x34: {  	_ =	swait.ge [sflag:s10], $0x40;
	(pc) =	sbr.rel @p0 .LBB2_4-.Ltmp1, $4  }
0x35: {  	[sflag:s10] =	ssyncset.done $0x0  }
0x36: {  	[sflag:s10] =	ssyncadd.s32 $0xFFFFFFC0  }
0x37: {  	_ =	swait.ge [sflag:s10], $0x40  }
0x38: {  	[sflag:s10] =	ssyncset.done $0x0  }
0x39: {  	[sflag:s10] =	ssyncadd.s32 $0xFFFFFFC0;
	s14 =	simm.s32 $0x400  }
0x3a: {  	v8 =	vld [tilespmem:s14+$0x370]  }
0x3b: {  	v25 =	vld [tilespmem:s14+$0x330]  }
0x3c: {  	v10 =	vld [tilespmem:s14+$0x350]  }
0x3d: {  	v18 =	vld [tilespmem:s14+$0x270]  }
0x3e: {  	v20 =	vld [tilespmem:s14+$0x230]  }
0x3f: {  	v17 =	vld [tilespmem:s14+$0x310]  }
0x40: {  	v11 =	vld [tilespmem:s14+$0x260]  }
0x41: {  	v9 =	vld [tilespmem:s14+$0x220]  }
0x42: {  	v12 =	vld [tilespmem:s14+$0x2F0]  }
0x43: {  	v16 =	vld [tilespmem:s14+$0x2B0]  }
0x44: {  	v19 =	vld [tilespmem:s14+$0x2E0]  }
0x45: {  	v36 =	vld [tilespmem:s14+$0x2A0]  }
0x46: {  	v37 =	vld [tilespmem:s14+$0x2D0]  }
0x47: {  	v38 =	vld [tilespmem:s14+$0x290]  }
0x48: {  	v4 =	vld [tilespmem:s14+$0x1E0]  }
0x49: {  	v28 =	vld [tilespmem:s14+$0x1D0]  }
0x4a: {  	v29 =	vld [tilespmem:s14+$0x190]  }
0x4b: {  	v23 =	vld [tilespmem:s14+$0xFFFFFFF0]  }
0x4c: {  	v26 =	vld [tilespmem:s14+$0xFFFFFFB0]  }
0x4d: {  	v21 =	vld [tilespmem:s14+$0x150]  }
0x4e: {  	v24 =	vld [tilespmem:s14+$0xFFFFFCC0]  }
0x4f: {  	v27 =	vld [tilespmem:s14+$0xFFFFFC80]  }
0x50: {  	v39 =	vld [tilespmem:s14+$0xF0]  }
0x51: {  	v40 =	vld [tilespmem:s14+$0xB0]  }
0x52: {  	v41 =	vld [tilespmem:s14+$0xE0]  }
0x53: {  	v42 =	vld [tilespmem:s14+$0xA0]  }
0x54: {  	v30 =	vld [tilespmem:s14+$0x110]  }
0x55: {  	v43 =	vld [tilespmem:s14+$0x90]  }
0x56: {  	v44 =	vld [tilespmem:s14+$0xD0]  }
0x57: {  	v45 =	vld [tilespmem:s14+$0xC0]  }
0x58: {  	v46 =	vld [tilespmem:s14+$0x80]  }
0x59: {  	v13 =	vld [tilespmem:s14+$0x60]  }
0x5a: {  	v33 =	vld [tilespmem:s14+$0xFFFFFC50]  }
0x5b: {  	v34 =	vld [tilespmem:s14+$0xFFFFFC10]  }
0x5c: {  	v31 =	vld [tilespmem:s14+$0x50]  }
0x5d: {  	v32 =	vld [tilespmem:s14+$0x10]  }
0x5e: {  	v14 =	vld [tilespmem:s14+$0x40]  }
0x5f: {  	v47 =	vld [tilespmem:s14+$0xFFFFFFD0]  }
0x60: {  	v48 =	vld [tilespmem:s14+$0xFFFFFF90]  }
0x61: {  	v15 =	vld [tilespmem:s14+$0xFFFFFFC0]  }
0x62: {  	v49 =	vld [tilespmem:s14+$0xFFFFFDB0]  }
0x63: {  	v50 =	vld [tilespmem:s14+$0xFFFFFF70]  }
0x64: {  	v51 =	vld [tilespmem:s14+$0xFFFFFF30]  }
0x65: {  	v52 =	vld [tilespmem:s14+$0xFFFFFF60]  }
0x66: {  	v53 =	vld [tilespmem:s14+$0xFFFFFF20]  }
0x67: {  	v54 =	vld [tilespmem:s14+$0xFFFFFF50]  }
0x68: {  	v55 =	vld [tilespmem:s14+$0xFFFFFF10]  }
0x69: {  	v56 =	vld [tilespmem:s14+$0xFFFFFF40]  }
0x6a: {  	v57 =	vld [tilespmem:s14+$0xFFFFFF00]  }
0x6b: {  	v22 =	vld [tilespmem:s14+$0xFFFFFD70]  }
0x6c: {  	v58 =	vld [tilespmem:s14+$0xFFFFFEF0]  }
0x6d: {  	v59 =	vld [tilespmem:s14+$0xFFFFFEB0]  }
0x6e: {  	[tilespmem:$0x1FFF0] =	vst v4;
	v4 =	vld [tilespmem:s14+$0x120]  }
0x6f: {  	v60 =	vld [tilespmem:s14+$0xFFFFFEE0]  }
0x70: {  	v61 =	vld [tilespmem:s14+$0xFFFFFEA0]  }
0x71: {  	v62 =	vld [tilespmem:s14+$0xFFFFFED0]  }
0x72: {  	v63 =	vld [tilespmem:s14+$0xFFFFFE90]  }
0x73: {  	[tilespmem:$0x1FFE0] =	vst v4;
	v4 =	vld [tilespmem:s14+$0x1C0]  }
0x74: {  	v5 =	vld [tilespmem:s14+$0xFFFFFEC0]  }
0x75: {  	v7 =	vld [tilespmem:s14+$0xFFFFFE30]  }
0x76: {  	v6 =	vld [tilespmem:s14+$0xFFFFFE60]  }
0x77: {  	v35 =	vld [tilespmem:s14+$0xFFFFFC70]  }
0x78: {  	[tilespmem:$0x1FFD0] =	vst v4;
	v4 =	vld [tilespmem:s14+$0x140]  }
0x79: {  	v43 =	vmul.f32 v44, v43;
	v44 =	vmul.f32 v45, v46;
	v45 =	vld [tilespmem:s14+$0xFFFFFE70]  }
0x7a: {  	v46 =	vmul.f32 v54, v55;
	v55 =	vld [tilespmem:s14+$0xFFFFFE20]  }
0x7b: {  	v54 =	vmul.f32 v56, v57;
	v57 =	vmul.f32 v52, v53;
	v52 =	vld [tilespmem:s14+$0xFFFFFCF0]  }
0x7c: {  	v17 =	vmul.f32 v10, v17;
	v10 =	vld [tilespmem:s14+$0xFFFFFC40]  }
0x7d: {  	[tilespmem:$0x1FFC0] =	vst v4;
	v4 =	vld [tilespmem:s14+$0xFFFFFE80]  }
0x7e: {  	v18 =	vmul.f32 v18, v20;
	v20 =	vmul.f32 v11, v9;
	v9 =	vld [tilespmem:s14+$0xFFFFFD00]  }
0x7f: {  	v23 =	vmul.f32 v23, v26;
	v26 =	vld [tilespmem:s14+$0xFFFFFC20]  }
0x80: {  	v41 =	vmul.f32 v41, v42;
	v56 =	vadd.f32 v43, v44;
	v44 =	vld [tilespmem:s14+$0xFFFFFE50]  }
0x81: {  	v46 =	vadd.f32 v46, v54;
	v54 =	vmul.f32 v50, v51;
	v51 =	vld [tilespmem:s14+$0xFFFFFDF0]  }
0x82: {  	v63 =	vmul.f32 v62, v63;
	v41 =	vadd.f32 v41, v56;
	v56 =	vld [tilespmem:s14+$0xFFFFFE40];
	v4 =	vmul.f32 v5, v4  }
0x83: {  	v39 =	vmul.f32 v39, v40;
	v43 =	vadd.f32 v57, v46;
	v57 =	vmul.f32 v60, v61;
	v60 =	vld [tilespmem:s14+$0xFFFFFE00]  }
0x84: {  	v12 =	vmul.f32 v12, v16;
	v5 =	vld [tilespmem:s14+$0xFFFFFE10];
	v4 =	vadd.f32 v63, v4  }
0x85: {  	v16 =	vmul.f32 v19, v36;
	v61 =	vmul.f32 v58, v59;
	v58 =	vld [tilespmem:s14+$0xFFFFFDD0];
	v39 =	vadd.f32 v39, v41  }
0x86: {  	v19 =	vmul.f32 v37, v38;
	v6 =	vmul.f32 v6, v55;
	v55 =	vld [tilespmem:s14+$0xFFFFFD10];
	v4 =	vadd.f32 v57, v4  }
0x87: {  	v28 =	vmul.f32 v28, v29;
	v41 =	vld [tilespmem:s14+$0xFFFFFD60];
	v40 =	vadd.f32 v54, v43;
	v62 =	vperm.xlane v39, v0  }
0x88: {  	v24 =	vmul.f32 v24, v27;
	v43 =	vld [tilespmem:s14+$0xFFFFFD20];
	v42 =	vmul.f32 v56, v60;
	v4 =	vadd.f32 v61, v4  }
0x89: {  	v56 =	vld [tilespmem:s14+$0xFFFFFDA0];
	v39 =	vadd.f32 v39, v62;
	v63 =	vperm.xlane v40, v0;
	v5 =	vmul.f32 v44, v5  }
0x8a: {  	v21 =	vmul.f32 v21, v30;
	v60 =	vld [tilespmem:s14+$0xFFFFFD90];
	v54 =	vperm.xlane v4, v0  }
0x8b: {  	v62 =	vld [tilespmem:s14+$0xFFFFFD80];
	v53 =	vadd.f32 v40, v63;
	v57 =	vperm.xlane v39, v1;
	v5 =	vadd.f32 v5, v42  }
0x8c: {  	v27 =	vmul.f32 v33, v34;
	v40 =	vmul.f32 v47, v48;
	v47 =	vld [tilespmem:s14+$0xFFFFFC60];
	v4 =	vadd.f32 v4, v54  }
0x8d: {  	v59 =	vperm.xlane v53, v1;
	v39 =	vadd.f32 v39, v57;
	v5 =	vadd.f32 v6, v5;
	v6 =	vld [tilespmem:s14+$0xFFFFFDC0]  }
0x8e: {  	v31 =	vmul.f32 v31, v32;
	v44 =	vld [tilespmem:s14+$0xFFFFFDE0];
	v61 =	vperm.xlane v4, v1  }
0x8f: {  	v7 =	vmul.f32 v45, v7;
	v42 =	vld [tilespmem:s14+$0xFFFFFCA0];
	v36 =	vadd.f32 v53, v59;
	v63 =	vperm.xlane v39, v2  }
0x90: {  	v41 =	vmul.f32 v41, v43;
	v38 =	vmul.f32 v58, v60;
	v59 =	vld [tilespmem:s14+$0xFFFFFD40];
	v4 =	vadd.f32 v4, v61  }
0x91: {  	v53 =	vperm.xlane v36, v2;
	v39 =	vadd.f32 v39, v63;
	v63 =	vld [tilespmem:s14+$0xFFFFFC90];
	v5 =	vadd.f32 v7, v5  }
0x92: {  	v7 =	vld [tilespmem:s14+$0xFFFFFD50];
	v45 =	vmul.f32 v6, v62;
	v57 =	vperm.xlane v4, v2  }
0x93: {  	v44 =	vmul.f32 v44, v56;
	v36 =	vadd.f32 v36, v53;
	v53 =	vld [tilespmem:s14+$0xFFFFFCB0];
	v56 =	vperm.xlane v5, v0  }
0x94: {  	v26 =	vmul.f32 v47, v26;
	v62 =	vld [tilespmem:s14+$0xFFFFFCD0];
	v43 =	vadd.f32 v4, v57;
	v4 =	vadd.f32 v38, v45  }
0x95: {  	v54 =	vmul.f32 v51, v49;
	v6 =	vmul.f32 v8, v25;
	v8 =	vld [tilespmem:s14+$0xFFFFFC00];
	v5 =	vadd.f32 v5, v56  }
0x96: {  	v58 =	vperm.xlane v39, v3;
	v9 =	vmul.f32 v59, v9;
	v61 =	vld [tilespmem:s14+$0xFFFFFCE0];
	v44 =	vadd.f32 v44, v4  }
0x97: {  	v59 =	vld [tilespmem:s14+$0xFFFFFF80];
	v37 =	vmul.f32 v7, v55;
	v25 =	vperm.xlane v5, v1  }
0x98: {  	v50 =	vld [tilespmem:s14+$0x200];
	v60 =	vperm.xlane v36, v3;
	v30 =	vmul.f32 v52, v53;
	v11 =	vadd.f32 v54, v44  }
0x99: {  	v55 =	vld [tilespmem:s14+$0xFFFFFC30];
	v9 =	vadd.f32 v37, v9;
	v25 =	vadd.f32 v5, v25;
	v56 =	vmul.f32 v62, v63  }
0x9a: {  	v5 =	vadd.f32 v36, v60;
	v8 =	vmul.f32 v10, v8;
	v10 =	vld [tilespmem:s14+$0xFFFFFD30];
	v54 =	vperm.xlane v11, v0  }
0x9b: {  	v46 =	vld [tilespmem:s14+$0x280];
	v4 =	vadd.f32 v39, v58;
	v58 =	vmul.f32 v61, v42;
	v24 =	vadd.f32 v56, v24  }
0x9c: {  	v15 =	vmul.f32 v15, v59;
	v60 =	vld [tilespmem:s14+$0x0];
	v8 =	vadd.f32 v27, v8;
	v11 =	vadd.f32 v11, v54  }
0x9d: {  	v48 =	vld [tilespmem:s14+$0x170];
	v9 =	vadd.f32 v41, v9;
	v49 =	vperm.xlane v25, v2;
	v24 =	vadd.f32 v58, v24  }
0x9e: {  	v47 =	vld [tilespmem:$0x1FFD0];
	v8 =	vadd.f32 v26, v8;
	v26 =	vmul.f32 v35, v55;
	v27 =	vperm.xlane v11, v1  }
0x9f: {  	v61 =	vld [tilespmem:s14+$0xFFFFFFA0];
	v25 =	vadd.f32 v25, v49;
	v10 =	vmul.f32 v22, v10;
	v24 =	vadd.f32 v30, v24  }
0xa0: {  	v7 =	vperm.xlane v43, v3;
	v8 =	vadd.f32 v26, v8;
	v11 =	vadd.f32 v11, v27;
	v27 =	vld [tilespmem:s14+$0x20]  }
0xa1: {  	v22 =	vld [tilespmem:s14+$0xFFFFFFE0];
	v9 =	vadd.f32 v10, v9;
	v10 =	vmul.f32 v14, v60;
	v30 =	vperm.xlane v24, v0  }
0xa2: {  	v63 =	vld [tilespmem:s14+$0x70];
	v7 =	vadd.f32 v43, v7;
	v57 =	vperm.xlane v25, v3;
	v26 =	vperm.xlane v11, v2  }
0xa3: {  	v41 =	vld [tilespmem:s14+$0x30];
	v14 =	vperm.xlane v8, v0;
	v10 =	vadd.f32 v31, v10;
	v24 =	vadd.f32 v24, v30  }
0xa4: {  	v44 =	vld [tilespmem:s14+$0x1A0];
	v11 =	vadd.f32 v11, v26;
	v26 =	vadd.f32 v40, v15;
	v15 =	vperm.xlane v9, v0  }
0xa5: {  	v49 =	vld [tilespmem:$0x1FFF0];
	v8 =	vadd.f32 v8, v14;
	v43 =	vperm.xlane v24, v1;
	v13 =	vmul.f32 v13, v27  }
0xa6: {  	v62 =	vld [tilespmem:s14+$0x100];
	v22 =	vmul.f32 v22, v61;
	v14 =	vperm.xlane v11, v3;
	v9 =	vadd.f32 v9, v15  }
0xa7: {  	v45 =	vperm.xlane v8, v1;
	v24 =	vadd.f32 v24, v43;
	v27 =	vld [tilespmem:s14+$0x180];
	v10 =	vadd.f32 v13, v10  }
0xa8: {  	v13 =	vld [tilespmem:$0x1FFC0];
	v15 =	vadd.f32 v11, v14;
	v11 =	vadd.f32 v22, v26;
	v26 =	vperm.xlane v9, v1  }
0xa9: {  	v8 =	vadd.f32 v8, v45;
	v22 =	vld [tilespmem:s14+$0x2C0];
	v14 =	vadd.f32 v25, v57;
	v25 =	vmul.f32 v63, v41  }
0xaa: {  	v59 =	vld [tilespmem:s14+$0x340];
	v30 =	vmul.f32 v49, v44;
	v52 =	vperm.xlane v24, v2;
	v9 =	vadd.f32 v9, v26  }
0xab: {  	v42 =	vld [tilespmem:s14+$0x160];
	v11 =	vadd.f32 v23, v11;
	v10 =	vadd.f32 v25, v10;
	v25 =	vperm.xlane v8, v2  }
0xac: {  	v27 =	vmul.f32 v47, v27;
	v26 =	vld [tilespmem:s14+$0x240];
	v51 =	vperm.xlane v9, v2  }
0xad: {  	v56 =	vld [tilespmem:s14+$0x1B0];
	v13 =	vmul.f32 v13, v62;
	v53 =	vperm.xlane v11, v0;
	v8 =	vadd.f32 v8, v25  }
0xae: {  	v55 =	vld [tilespmem:s14+$0x210];
	v25 =	vperm.xlane v10, v0;
	v22 =	vmul.f32 v22, v46;
	v9 =	vadd.f32 v9, v51  }
0xaf: {  	v13 =	vadd.f32 v21, v13;
	v21 =	vld [tilespmem:$0x1FFE0];
	v11 =	vadd.f32 v11, v53;
	v57 =	vperm.xlane v8, v3  }
0xb0: {  	v23 =	vld [tilespmem:s14+$0x250];
	v19 =	vadd.f32 v19, v22;
	v22 =	vadd.f32 v24, v52;
	v24 =	vperm.xlane v9, v3  }
0xb1: {  	v58 =	vld [tilespmem:s14+$0x1F0];
	v26 =	vmul.f32 v26, v50;
	v29 =	vadd.f32 v8, v57;
	v8 =	vadd.f32 v10, v25  }
0xb2: {  	v54 =	vld [tilespmem:s14+$0x130];
	v16 =	vadd.f32 v16, v19;
	v9 =	vadd.f32 v9, v24;
	v24 =	vperm.xlane v11, v1  }
0xb3: {  	v27 =	vadd.f32 v28, v27;
	v19 =	vld [tilespmem:s14+$0x300];
	v25 =	vperm.xlane v22, v3;
	v60 =	vperm.xlane v8, v1  }
0xb4: {  	v21 =	vmul.f32 v42, v21;
	v12 =	vadd.f32 v12, v16;
	v16 =	vld [tilespmem:s14+$0x390];
	v11 =	vadd.f32 v11, v24  }
0xb5: {  	v23 =	vmul.f32 v23, v55;
	v22 =	vadd.f32 v22, v25;
	v24 =	vld [tilespmem:s14+$0x3D0];
	v25 =	vadd.f32 v8, v60  }
0xb6: {  	v13 =	vadd.f32 v21, v13;
	v8 =	vperm.xlane v12, v0;
	v21 =	vperm.xlane v11, v2  }
0xb7: {  	v61 =	vld [tilespmem:s14+$0x380];
	v27 =	vadd.f32 v30, v27;
	v10 =	vmul.f32 v48, v54;
	v23 =	vadd.f32 v23, v26  }
0xb8: {  	v28 =	vmul.f32 v58, v56;
	v26 =	vld [tilespmem:s14+$0x3C0];
	v12 =	vadd.f32 v12, v8;
	v11 =	vadd.f32 v11, v21  }
0xb9: {  	v21 =	vadd.f32 v10, v13;
	v13 =	vadd.f32 v20, v23  }
0xba: {  	v10 =	vmul.f32 v59, v19;
	v19 =	vadd.f32 v28, v27;
	v20 =	vmul.f32 v24, v16  }
0xbb: {  	v63 =	vld [tilespmem:s14+$0x3A0];
	v8 =	vperm.xlane v11, v3;
	v16 =	vadd.f32 v18, v13;
	v13 =	vperm.xlane v12, v1  }
0xbc: {  	v27 =	vld [tilespmem:s14+$0x3E0];
	v10 =	vadd.f32 v17, v10;
	v17 =	vperm.xlane v19, v0  }
0xbd: {  	v24 =	vmul.f32 v26, v61;
	v8 =	vadd.f32 v11, v8;
	v12 =	vadd.f32 v12, v13;
	v13 =	vld [tilespmem:s14+$0x3F0]  }
0xbe: {  	v11 =	vperm.xlane v21, v0;
	v23 =	vperm.xlane v16, v0;
	v18 =	vadd.f32 v19, v17;
	v17 =	vld [tilespmem:s14+$0x320]  }
0xbf: {  	v22 =	vsel vm0, v29, v22;
	v62 =	vperm.xlane v25, v2;
	v19 =	vadd.f32 v20, v24;
	v20 =	vld [tilespmem:s14+$0x360]  }
0xc0: {  	v11 =	vadd.f32 v21, v11;
	v16 =	vadd.f32 v16, v23;
	v26 =	vperm.xlane v12, v2;
	v21 =	vld [tilespmem:s14+$0x3B0]  }
0xc1: {  	v23 =	vsel vm1, v22, v9;
	v9 =	vadd.f32 v25, v62;
	v24 =	vperm.xlane v18, v1  }
0xc2: {  	s15 =	simm.s32 $0x0;
	s16 =	simm.s32 $0x40;
	v25 =	vmul.f32 v27, v63;
	v22 =	vperm.xlane v16, v1;
	v12 =	vadd.f32 v12, v26  }
.LBB2_6:
0xc3: {  	p0 =	sne.s32 s16, $0x7C0  }
0xc4: {  	v15 =	vsel vm2, v23, v15;
	v18 =	vadd.f32 v18, v24;
	v17 =	vmul.f32 v20, v17;
	s14 =	sadd.s32 $0x800, s14;
	s17 =	smov.u32 s16;
	s16 =	sadd.s32 $0x40, s16  }
0xc5: {  	v16 =	vadd.f32 v16, v22;
	v20 =	vperm.xlane v12, v3;
	v13 =	vmul.f32 v13, v21  }
0xc6: {  	v14 =	vsel vm3, v15, v14;
	v19 =	vadd.f32 v25, v19;
	v15 =	vperm.xlane v18, v2  }
0xc7: {  	v21 =	vperm.xlane v9, v3;
	v10 =	vadd.f32 v17, v10;
	v22 =	vperm.xlane v16, v2  }
0xc8: {  	v7 =	vsel vm4, v14, v7;
	v14 =	vperm.xlane v11, v1;
	v12 =	vadd.f32 v12, v20  }
0xc9: {  	v5 =	vsel vm5, v7, v5;
	v6 =	vadd.f32 v6, v10;
	v7 =	vadd.f32 v16, v22  }
0xca: {  	v5 =	vsel vm6, v5, v8;
	v8 =	vadd.f32 v11, v14;
	v10 =	vadd.f32 v18, v15  }
0xcb: {  	v9 =	vadd.f32 v9, v21;
	v13 =	vadd.f32 v13, v19;
	v11 =	vperm.xlane v7, v3  }
0xcc: {  	v14 =	vperm.xlane v8, v2;
	v15 =	vperm.xlane v10, v3  }
0xcd: {  	v5 =	vsel vm7, v5, v9;
	v9 =	vperm.xlane v6, v0;
	v7 =	vadd.f32 v7, v11  }
0xce: {  	v4 =	vsel vm8, v5, v4;
	v5 =	vadd.f32 v10, v15;
	v10 =	vperm.xlane v13, v0  }
0xcf: {  	v8 =	vadd.f32 v8, v14;
	v6 =	vadd.f32 v6, v9  }
0xd0: {  	v9 =	vadd.f32 v13, v10  }
0xd1: {  	v10 =	vperm.xlane v8, v3;
	v11 =	vperm.xlane v6, v1  }
0xd2: {  	v13 =	vperm.xlane v9, v1  }
0xd3: {  	v8 =	vadd.f32 v8, v10;
	v6 =	vadd.f32 v6, v11  }
0xd4: {  	v9 =	vadd.f32 v9, v13  }
0xd5: {  	v4 =	vsel vm9, v4, v8;
	v8 =	vperm.xlane v6, v2  }
0xd6: {  	v4 =	vsel vm10, v4, v5;
	v5 =	vperm.xlane v9, v2  }
0xd7: {  	v4 =	vsel vm11, v4, v7;
	v6 =	vadd.f32 v6, v8  }
0xd8: {  	v4 =	vsel vm12, v4, v12;
	v5 =	vadd.f32 v9, v5  }
0xd9: {  	v7 =	vperm.xlane v6, v3  }
0xda: {  	v8 =	vperm.xlane v5, v3  }
0xdb: {  	v6 =	vadd.f32 v6, v7  }
0xdc: {  	v5 =	vadd.f32 v5, v8  }
0xdd: {  	v4 =	vsel vm13, v4, v6  }
0xde: {  	s18 =	sshra.s32 s15, $0x2;
	s15 =	smov.u32 s17;
	v4 =	vsel vm14, v4, v5  }
0xdf: {  	[tilespmem:s18+$0x10000] =	vst v4  }
0xe0: {  	v6 =	vld [tilespmem:s14+$0x370]  }
0xe1: {  	v7 =	vld [tilespmem:s14+$0x330]  }
0xe2: {  	v16 =	vld [tilespmem:s14+$0x350]  }
0xe3: {  	v20 =	vld [tilespmem:s14+$0x270]  }
0xe4: {  	v21 =	vld [tilespmem:s14+$0x230]  }
0xe5: {  	v19 =	vld [tilespmem:s14+$0x310]  }
0xe6: {  	v17 =	vld [tilespmem:s14+$0x260]  }
0xe7: {  	v18 =	vld [tilespmem:s14+$0x220]  }
0xe8: {  	v4 =	vld [tilespmem:s14+$0x2F0]  }
0xe9: {  	v5 =	vld [tilespmem:s14+$0x2B0]  }
0xea: {  	v9 =	vld [tilespmem:s14+$0x2E0]  }
0xeb: {  	v10 =	vld [tilespmem:s14+$0x2A0]  }
0xec: {  	v14 =	vld [tilespmem:s14+$0x2D0]  }
0xed: {  	v15 =	vld [tilespmem:s14+$0x290]  }
0xee: {  	v11 =	vld [tilespmem:s14+$0x1E0];
	v8 =	vmul.f32 v4, v5  }
0xef: {  	v12 =	vld [tilespmem:s14+$0x120]  }
0xf0: {  	v23 =	vld [tilespmem:s14+$0x1D0];
	v9 =	vmul.f32 v9, v10  }
0xf1: {  	v26 =	vld [tilespmem:s14+$0x190]  }
0xf2: {  	v13 =	vld [tilespmem:s14+$0x1C0];
	v10 =	vmul.f32 v14, v15  }
0xf3: {  	v24 =	vld [tilespmem:s14+$0xFFFFFFF0]  }
0xf4: {  	v27 =	vld [tilespmem:s14+$0xFFFFFFB0]  }
0xf5: {  	v25 =	vld [tilespmem:s14+$0x150]  }
0xf6: {  	v28 =	vld [tilespmem:s14+$0xFFFFFCC0]  }
0xf7: {  	v30 =	vld [tilespmem:s14+$0xFFFFFC80]  }
0xf8: {  	v4 =	vld [tilespmem:s14+$0xF0]  }
0xf9: {  	v5 =	vld [tilespmem:s14+$0xB0]  }
0xfa: {  	v15 =	vld [tilespmem:s14+$0xE0]  }
0xfb: {  	v22 =	vld [tilespmem:s14+$0xA0]  }
0xfc: {  	v32 =	vld [tilespmem:s14+$0x110]  }
0xfd: {  	v14 =	vld [tilespmem:s14+$0x140]  }
0xfe: {  	v29 =	vld [tilespmem:s14+$0x90]  }
0xff: {  	v31 =	vld [tilespmem:s14+$0xD0]  }
0x100: {  	v37 =	vld [tilespmem:s14+$0xC0];
	v38 =	vmul.f32 v15, v22  }
0x101: {  	v22 =	vld [tilespmem:s14+$0x80]  }
0x102: {  	v15 =	vld [tilespmem:s14+$0x60]  }
0x103: {  	v34 =	vld [tilespmem:s14+$0xFFFFFC50]  }
0x104: {  	v36 =	vld [tilespmem:s14+$0xFFFFFC10];
	v29 =	vmul.f32 v31, v29  }
0x105: {  	v33 =	vld [tilespmem:s14+$0x50]  }
0x106: {  	v35 =	vld [tilespmem:s14+$0x10];
	v31 =	vmul.f32 v37, v22  }
0x107: {  	v22 =	vld [tilespmem:s14+$0x40]  }
0x108: {  	v37 =	vld [tilespmem:s14+$0xFFFFFFD0];
	v31 =	vadd.f32 v29, v31  }
0x109: {  	v39 =	vld [tilespmem:s14+$0xFFFFFF90]  }
0x10a: {  	v4 =	vmul.f32 v4, v5;
	v29 =	vld [tilespmem:s14+$0xFFFFFFC0];
	v31 =	vadd.f32 v38, v31  }
0x10b: {  	v40 =	vld [tilespmem:s14+$0xFFFFFDB0]  }
0x10c: {  	v5 =	vld [tilespmem:s14+$0xFFFFFF70];
	v4 =	vadd.f32 v4, v31  }
0x10d: {  	v38 =	vld [tilespmem:s14+$0xFFFFFF30]  }
0x10e: {  	v41 =	vld [tilespmem:s14+$0xFFFFFF60];
	v31 =	vmul.f32 v37, v39;
	v37 =	vperm.xlane v4, v0  }
0x10f: {  	v39 =	vld [tilespmem:s14+$0xFFFFFF20]  }
0x110: {  	v42 =	vld [tilespmem:s14+$0xFFFFFF50];
	v4 =	vadd.f32 v4, v37  }
0x111: {  	v43 =	vld [tilespmem:s14+$0xFFFFFF10]  }
0x112: {  	v44 =	vld [tilespmem:s14+$0xFFFFFF40];
	v5 =	vmul.f32 v5, v38;
	v38 =	vperm.xlane v4, v1  }
0x113: {  	v45 =	vld [tilespmem:s14+$0xFFFFFF00]  }
0x114: {  	v37 =	vld [tilespmem:s14+$0xFFFFFD70];
	v39 =	vmul.f32 v41, v39;
	v4 =	vadd.f32 v4, v38  }
0x115: {  	v38 =	vld [tilespmem:s14+$0xFFFFFEF0]  }
0x116: {  	v41 =	vld [tilespmem:s14+$0xFFFFFEB0];
	v42 =	vmul.f32 v42, v43;
	v43 =	vperm.xlane v4, v2  }
0x117: {  	v46 =	vld [tilespmem:s14+$0xFFFFFEE0]  }
0x118: {  	v47 =	vld [tilespmem:s14+$0xFFFFFEA0];
	v44 =	vmul.f32 v44, v45;
	v4 =	vadd.f32 v4, v43  }
0x119: {  	v43 =	vld [tilespmem:s14+$0xFFFFFED0]  }
0x11a: {  	v45 =	vld [tilespmem:s14+$0xFFFFFE90];
	v42 =	vadd.f32 v42, v44;
	v44 =	vperm.xlane v4, v3  }
0x11b: {  	v48 =	vld [tilespmem:s14+$0xFFFFFEC0];
	v41 =	vmul.f32 v38, v41  }
0x11c: {  	v49 =	vld [tilespmem:s14+$0xFFFFFE80];
	v38 =	vadd.f32 v39, v42;
	v4 =	vadd.f32 v4, v44  }
0x11d: {  	v39 =	vld [tilespmem:s14+$0xFFFFFE30];
	v42 =	vmul.f32 v46, v47  }
0x11e: {  	v44 =	vld [tilespmem:s14+$0xFFFFFE60];
	v5 =	vadd.f32 v5, v38  }
0x11f: {  	v38 =	vld [tilespmem:s14+$0xFFFFFC70];
	v43 =	vmul.f32 v43, v45  }
0x120: {  	v45 =	vld [tilespmem:s14+$0xFFFFFE70];
	v46 =	vperm.xlane v5, v0  }
0x121: {  	v47 =	vld [tilespmem:s14+$0xFFFFFE20];
	v48 =	vmul.f32 v48, v49  }
0x122: {  	v49 =	vld [tilespmem:s14+$0xFFFFFE50];
	v5 =	vadd.f32 v5, v46  }
0x123: {  	v46 =	vld [tilespmem:s14+$0xFFFFFE10];
	v43 =	vadd.f32 v43, v48  }
0x124: {  	v48 =	vld [tilespmem:s14+$0xFFFFFE40];
	v50 =	vperm.xlane v5, v1  }
0x125: {  	v51 =	vld [tilespmem:s14+$0xFFFFFE00];
	v42 =	vadd.f32 v42, v43  }
0x126: {  	v43 =	vld [tilespmem:s14+$0xFFFFFD60];
	v44 =	vmul.f32 v44, v47;
	v5 =	vadd.f32 v5, v50  }
0x127: {  	v47 =	vld [tilespmem:s14+$0xFFFFFD20];
	v41 =	vadd.f32 v41, v42  }
0x128: {  	v42 =	vld [tilespmem:s14+$0xFFFFFCF0];
	v46 =	vmul.f32 v49, v46;
	v49 =	vperm.xlane v5, v2  }
0x129: {  	v50 =	vld [tilespmem:s14+$0xFFFFFDF0];
	v52 =	vperm.xlane v41, v0  }
0x12a: {  	v53 =	vld [tilespmem:s14+$0xFFFFFDE0];
	v48 =	vmul.f32 v48, v51;
	v5 =	vadd.f32 v5, v49  }
0x12b: {  	v49 =	vld [tilespmem:s14+$0xFFFFFDA0];
	v41 =	vadd.f32 v41, v52  }
0x12c: {  	v43 =	vmul.f32 v43, v47;
	v47 =	vld [tilespmem:s14+$0xFFFFFDD0];
	v46 =	vadd.f32 v46, v48;
	v48 =	vperm.xlane v5, v3  }
0x12d: {  	v51 =	vld [tilespmem:s14+$0xFFFFFD90];
	v52 =	vperm.xlane v41, v1  }
0x12e: {  	v39 =	vmul.f32 v45, v39;
	v54 =	vld [tilespmem:s14+$0xFFFFFDC0];
	v44 =	vadd.f32 v44, v46;
	v5 =	vadd.f32 v5, v48  }
0x12f: {  	v40 =	vmul.f32 v50, v40;
	v45 =	vld [tilespmem:s14+$0xFFFFFD80];
	v41 =	vadd.f32 v41, v52  }
0x130: {  	v46 =	vld [tilespmem:s14+$0xFFFFFC60];
	v48 =	vmul.f32 v53, v49;
	v39 =	vadd.f32 v39, v44  }
0x131: {  	v44 =	vld [tilespmem:s14+$0xFFFFFD50];
	v49 =	vperm.xlane v41, v2  }
0x132: {  	v50 =	vld [tilespmem:s14+$0xFFFFFD10];
	v47 =	vmul.f32 v47, v51;
	v51 =	vperm.xlane v39, v0  }
0x133: {  	v52 =	vld [tilespmem:s14+$0xFFFFFCA0];
	v41 =	vadd.f32 v41, v49  }
0x134: {  	v49 =	vld [tilespmem:s14+$0xFFFFFD40];
	v45 =	vmul.f32 v54, v45;
	v39 =	vadd.f32 v39, v51  }
0x135: {  	v51 =	vld [tilespmem:s14+$0xFFFFFCE0];
	v53 =	vperm.xlane v41, v3  }
0x136: {  	v6 =	vmul.f32 v6, v7;
	v54 =	vld [tilespmem:s14+$0xFFFFFC00];
	v45 =	vadd.f32 v47, v45;
	v47 =	vperm.xlane v39, v1  }
0x137: {  	v20 =	vmul.f32 v20, v21;
	v55 =	vld [tilespmem:s14+$0xFFFFFCD0];
	v44 =	vmul.f32 v44, v50;
	v7 =	vadd.f32 v41, v53  }
0x138: {  	v16 =	vmul.f32 v16, v19;
	v21 =	vld [tilespmem:s14+$0xFFFFFC90];
	v41 =	vadd.f32 v48, v45;
	v39 =	vadd.f32 v39, v47  }
0x139: {  	v17 =	vmul.f32 v17, v18;
	v23 =	vmul.f32 v23, v26;
	v19 =	vld [tilespmem:s14+$0xFFFFFC40]  }
0x13a: {  	v24 =	vmul.f32 v24, v27;
	v18 =	vld [tilespmem:s14+$0xFFFFFD00];
	v26 =	vadd.f32 v40, v41;
	v40 =	vperm.xlane v39, v2  }
0x13b: {  	v28 =	vmul.f32 v28, v30;
	v25 =	vmul.f32 v25, v32;
	v27 =	vld [tilespmem:s14+$0xFFFFFC20]  }
0x13c: {  	v30 =	vmul.f32 v34, v36;
	v32 =	vld [tilespmem:s14+$0xFFFFFCB0];
	v34 =	vperm.xlane v26, v0;
	v36 =	vadd.f32 v39, v40  }
0x13d: {  	v33 =	vmul.f32 v33, v35;
	v39 =	vld [tilespmem:s14+$0xFFFFFC30];
	v21 =	vmul.f32 v55, v21  }
0x13e: {  	v19 =	vmul.f32 v19, v54;
	v35 =	vld [tilespmem:s14+$0xFFFFFD30];
	v26 =	vadd.f32 v26, v34;
	v34 =	vperm.xlane v36, v3  }
0x13f: {  	v21 =	vadd.f32 v21, v28;
	v28 =	vmul.f32 v51, v52;
	v18 =	vmul.f32 v49, v18;
	v40 =	vld [tilespmem:s14+$0xFFFFFF80]  }
0x140: {  	v19 =	vadd.f32 v30, v19;
	v27 =	vmul.f32 v46, v27;
	v30 =	vperm.xlane v26, v1;
	v41 =	vld [tilespmem:s14+$0x0]  }
0x141: {  	v21 =	vadd.f32 v28, v21;
	v28 =	vmul.f32 v42, v32;
	v18 =	vadd.f32 v44, v18;
	v32 =	vld [tilespmem:s14+$0xFFFFFFA0]  }
0x142: {  	v19 =	vadd.f32 v27, v19;
	v27 =	vmul.f32 v38, v39;
	v26 =	vadd.f32 v26, v30;
	v30 =	vld [tilespmem:s14+$0x20]  }
0x143: {  	v21 =	vadd.f32 v28, v21;
	v18 =	vadd.f32 v43, v18;
	v28 =	vmul.f32 v37, v35;
	v35 =	vld [tilespmem:s14+$0xFFFFFFE0]  }
0x144: {  	v19 =	vadd.f32 v27, v19;
	v27 =	vperm.xlane v26, v2;
	v29 =	vmul.f32 v29, v40;
	v37 =	vld [tilespmem:s14+$0x100]  }
0x145: {  	v38 =	vperm.xlane v21, v0;
	v18 =	vadd.f32 v28, v18;
	v22 =	vmul.f32 v22, v41;
	v28 =	vld [tilespmem:s14+$0x70]  }
0x146: {  	v39 =	vperm.xlane v19, v0;
	v26 =	vadd.f32 v26, v27;
	v27 =	vadd.f32 v31, v29;
	v29 =	vld [tilespmem:s14+$0x30]  }
0x147: {  	v21 =	vadd.f32 v21, v38;
	v31 =	vperm.xlane v18, v0;
	v30 =	vmul.f32 v15, v30;
	v38 =	vld [tilespmem:s14+$0x180]  }
0x148: {  	v19 =	vadd.f32 v19, v39;
	v15 =	vperm.xlane v26, v3;
	v32 =	vmul.f32 v35, v32;
	v35 =	vld [tilespmem:s14+$0x160]  }
0x149: {  	v22 =	vadd.f32 v33, v22;
	v39 =	vperm.xlane v21, v1;
	v18 =	vadd.f32 v18, v31;
	v31 =	vld [tilespmem:s14+$0x1A0]  }
0x14a: {  	v33 =	vperm.xlane v19, v1;
	v15 =	vadd.f32 v26, v15;
	v26 =	vadd.f32 v32, v27;
	v27 =	vld [tilespmem:s14+$0x2C0]  }
0x14b: {  	v22 =	vadd.f32 v30, v22;
	v30 =	vmul.f32 v14, v37;
	v32 =	vperm.xlane v18, v1;
	v37 =	vld [tilespmem:s14+$0x280]  }
0x14c: {  	v14 =	vadd.f32 v36, v34;
	v28 =	vmul.f32 v28, v29;
	v29 =	vld [tilespmem:s14+$0x170];
	v13 =	vmul.f32 v13, v38  }
0x14d: {  	v25 =	vadd.f32 v25, v30;
	v18 =	vadd.f32 v18, v32;
	v12 =	vmul.f32 v35, v12;
	v30 =	vld [tilespmem:s14+$0x240]  }
0x14e: {  	v21 =	vadd.f32 v21, v39;
	v19 =	vadd.f32 v19, v33;
	v11 =	vmul.f32 v11, v31;
	v31 =	vld [tilespmem:s14+$0x200]  }
0x14f: {  	v24 =	vadd.f32 v24, v26;
	v22 =	vadd.f32 v28, v22;
	v32 =	vperm.xlane v18, v2;
	v26 =	vld [tilespmem:s14+$0x250]  }
0x150: {  	v28 =	vperm.xlane v19, v2;
	v13 =	vadd.f32 v23, v13;
	v23 =	vld [tilespmem:s14+$0x210];
	v27 =	vmul.f32 v27, v37  }
0x151: {  	v33 =	vperm.xlane v21, v2;
	v18 =	vadd.f32 v18, v32;
	v32 =	vperm.xlane v24, v0;
	v34 =	vld [tilespmem:s14+$0x130]  }
0x152: {  	v19 =	vadd.f32 v19, v28;
	v28 =	vperm.xlane v22, v0;
	v10 =	vadd.f32 v10, v27;
	v27 =	vld [tilespmem:s14+$0x340]  }
0x153: {  	v21 =	vadd.f32 v21, v33;
	v33 =	vperm.xlane v18, v3;
	v24 =	vadd.f32 v24, v32;
	v32 =	vld [tilespmem:s14+$0x1B0]  }
0x154: {  	v11 =	vadd.f32 v11, v13;
	v35 =	vperm.xlane v19, v3;
	v30 =	vmul.f32 v30, v31;
	v13 =	vld [tilespmem:s14+$0x1F0]  }
0x155: {  	v9 =	vadd.f32 v9, v10;
	v31 =	vadd.f32 v18, v33;
	v18 =	vperm.xlane v24, v1;
	v10 =	vld [tilespmem:s14+$0x300]  }
0x156: {  	v22 =	vadd.f32 v22, v28;
	v19 =	vadd.f32 v19, v35;
	v28 =	vmul.f32 v29, v34  }
0x157: {  	v23 =	vmul.f32 v26, v23;
	v29 =	vperm.xlane v21, v3;
	v18 =	vadd.f32 v24, v18;
	v24 =	vld [tilespmem:s14+$0x3D0]  }
0x158: {  	v12 =	vadd.f32 v12, v25;
	v26 =	vperm.xlane v22, v1;
	v8 =	vadd.f32 v8, v9;
	v9 =	vld [tilespmem:s14+$0x390]  }
0x159: {  	v25 =	vperm.xlane v18, v2;
	v32 =	vmul.f32 v13, v32;
	v13 =	vadd.f32 v23, v30;
	v23 =	vld [tilespmem:s14+$0x3C0]  }
0x15a: {  	v22 =	vadd.f32 v22, v26;
	v21 =	vadd.f32 v21, v29;
	v26 =	vperm.xlane v8, v0;
	v29 =	vld [tilespmem:s14+$0x380]  }
0x15b: {  	v12 =	vadd.f32 v28, v12;
	v10 =	vmul.f32 v27, v10;
	v18 =	vadd.f32 v18, v25  }
0x15c: {  	v26 =	vadd.f32 v8, v26;
	v25 =	vperm.xlane v22, v2;
	v17 =	vadd.f32 v17, v13;
	v13 =	vld [tilespmem:s14+$0x3F0]  }
0x15d: {  	v27 =	vadd.f32 v32, v11;
	v8 =	vperm.xlane v18, v3;
	v9 =	vmul.f32 v24, v9;
	v28 =	vld [tilespmem:s14+$0x3E0]  }
0x15e: {  	v11 =	vperm.xlane v26, v1;
	v10 =	vadd.f32 v16, v10;
	v24 =	vadd.f32 v20, v17;
	v30 =	vld [tilespmem:s14+$0x3A0]  }
0x15f: {  	v16 =	vperm.xlane v12, v0;
	v8 =	vadd.f32 v18, v8;
	v18 =	vperm.xlane v27, v0;
	v17 =	vld [tilespmem:s14+$0x320]  }
.Ltmp2:
0x160: {  	v26 =	vadd.f32 v26, v11;
	v32 =	vperm.xlane v24, v0;
	v23 =	vmul.f32 v23, v29;
	v20 =	vld [tilespmem:s14+$0x360];
	(pc) =	sbr.rel @p0 .LBB2_6-.Ltmp2, $4  }
0x161: {  	v11 =	vadd.f32 v12, v16;
	v29 =	vsel vm0, v19, v21;
	v18 =	vadd.f32 v27, v18;
	v21 =	vld [tilespmem:s14+$0x3B0]  }
0x162: {  	v12 =	vperm.xlane v26, v2;
	v16 =	vadd.f32 v24, v32;
	v19 =	vadd.f32 v9, v23  }
0x163: {  	v23 =	vsel vm1, v29, v31;
	v9 =	vadd.f32 v22, v25;
	v24 =	vperm.xlane v18, v1  }
0x164: {  	v12 =	vadd.f32 v26, v12;
	v22 =	vperm.xlane v16, v1;
	v25 =	vmul.f32 v28, v30  }
0x165: {  	v17 =	vmul.f32 v20, v17;
	_ =	sdelay $0x1  }
0x166: {  	v10 =	vadd.f32 v17, v10  }
0x167: {  	v13 =	vmul.f32 v13, v21;
	v39 =	vadd.f32 v25, v19  }
0x168: {  	v6 =	vadd.f32 v6, v10  }
0x169: {  	v40 =	vsel vm2, v23, v15;
	v13 =	vadd.f32 v13, v39  }
0x16a: {  	v41 =	vadd.f32 v18, v24;
	v42 =	vperm.xlane v11, v1;
	v43 =	vperm.xlane v6, v0  }
0x16b: {  	v47 =	vperm.xlane v9, v3;
	v16 =	vadd.f32 v16, v22;
	v45 =	vperm.xlane v13, v0  }
0x16c: {  	v44 =	vperm.xlane v12, v3;
	v11 =	vadd.f32 v11, v42;
	v6 =	vadd.f32 v6, v43  }
0x16d: {  	v46 =	vperm.xlane v41, v2;
	v48 =	vperm.xlane v16, v2;
	v13 =	vadd.f32 v13, v45  }
0x16e: {  	v9 =	vadd.f32 v9, v47;
	v49 =	vperm.xlane v11, v2;
	v50 =	vperm.xlane v6, v1  }
0x16f: {  	v10 =	vsel vm3, v40, v14;
	v54 =	vadd.f32 v41, v46;
	v52 =	vperm.xlane v13, v1  }
0x170: {  	v7 =	vsel vm4, v10, v7;
	v53 =	vadd.f32 v11, v49;
	v6 =	vadd.f32 v6, v50  }
0x171: {  	v51 =	vadd.f32 v16, v48;
	v58 =	vperm.xlane v54, v3;
	v13 =	vadd.f32 v13, v52  }
0x172: {  	v5 =	vsel vm5, v7, v5;
	v56 =	vperm.xlane v53, v3;
	v57 =	vperm.xlane v6, v2  }
0x173: {  	v55 =	vperm.xlane v51, v3;
	v5 =	vsel vm6, v5, v8;
	v59 =	vperm.xlane v13, v2  }
0x174: {  	v5 =	vsel vm7, v5, v9;
	v7 =	vadd.f32 v53, v56;
	v6 =	vadd.f32 v6, v57  }
0x175: {  	v4 =	vsel vm8, v5, v4;
	v5 =	vadd.f32 v54, v58;
	v60 =	vadd.f32 v13, v59  }
0x176: {  	v61 =	vadd.f32 v51, v55;
	v4 =	vsel vm9, v4, v7;
	v62 =	vperm.xlane v6, v3  }
0x177: {  	v63 =	vadd.f32 v12, v44;
	v4 =	vsel vm10, v4, v5;
	v5 =	vperm.xlane v60, v3  }
0x178: {  	v4 =	vsel vm11, v4, v61;
	v6 =	vadd.f32 v6, v62  }
0x179: {  	v4 =	vsel vm12, v4, v63;
	v5 =	vadd.f32 v60, v5  }
0x17a: {  	s13 =	sadd.s32 $0x1, s13;
	v4 =	vsel vm13, v4, v6  }
0x17b: {  	s14 =	sshra.s32 s15, $0x2;
	p0 =	sne.s32 s13, s6;
	v4 =	vsel vm14, v4, v5  }
.Ltmp3:
0x17c: {  	[tilespmem:s14+$0x10000] =	vst v4;
	(pc) =	sbr.rel @p0 .LBB2_1-.Ltmp3, $4  }
0x17d: {  	[hbm4b:s5+s1] =	stream.linear.scatter [tilespmem:s11], [sflag:$0x2], $0x200, $0x38;
	[tilespmem:$0x10200] =	vst v63  }
0x17e: {  	_ =	swait.ge [sflag:s12], $0x200  }
0x17f: {  	[sflag:s12] =	ssyncset.done $0x0  }
0x180: {  	[sflag:s12] =	ssyncadd.s32 $0xFFFFFE00  }
0x181: {  	_ =	sfence.sel $0x180000  }
0x182: {  	[bflag:$0x0] =	sbarrier.arrive $0xFFFF  }
0x183: {  	p0 =	sne.s32 s2, $0x0;
	_ =	strace $0x9000004A  }
0x184: {  	s0 =	sadd.s32 @!p0 $0x100000, s0;
	[bflag:$0x2] =	sbarrier.arrive $0xFFFF  }
0x185: {  	[sflag:s0] =	ssyncadd.tile.s32 @!p0 $0x1;
	_ =	shalt  }
.Lfunc_end2:
_tile_overlayer_lowered:
.L_overlay_start_2:
0x186: {  	(tag) =	ssettag $0x2  }
0x187: {  	s0 =	rddreg [dreg:$0x0];
	s2 =	stileid.u32  }
0x188: {  	s1 =	rddreg [dreg:$0x1];
	p0 =	sne.s32 s2, $0x0  }
0x189: {  	s3 =	rddreg [dreg:$0x2];
	[bflag:$0x3] =	sbarrier.arrive $0xFFFF;
	s2 =	simm.s32 @!p0 $0x1C02  }
0x18a: {  	[timem:s3], [sflag:s2] =	dma.local @!p0 [hbm:s0], s1  }
0x18b: {  	s0 =	simm.s32 @!p0 $0x2  }
0x18c: {  	_ =	swait.ge @!p0 [sflag:s0], s1  }
0x18d: {  	s1 =	ssub.s32 @!p0 $0x0, s1;
	[sflag:s0] =	ssyncset.done @!p0 $0x0  }
0x18e: {  	[sflag:s0] =	ssyncadd.s32 @!p0 s1  }
0x18f: {  	[bflag:$0x3] =	sbarrier.arrive $0xFFFF  }
0x190: {  	_ =	shalt  }

</sc_bundles>
